<compile_context>
chip_gen: v7x
topology: tpu7x:2x2x1
jax: 0.10.2.dev20260603
libtpu: 0.0.44.dev20260713+nightly
codegen_flags: <defaults>
</compile_context>

<pallas_src>
import jax
import jax.numpy as jnp
import numpy as np
from jax import lax
from jax.experimental import pallas as pl
from jax.experimental.pallas import tpu as pltpu
from jax.experimental.pallas import tpu_sc as plsc

M = 16384
S = 5
NUM_SUBCORES = 16
CHUNK = M // NUM_SUBCORES
VPC = CHUNK // 16
BITS_PER_TILE = 2 * S * CHUNK
NSAMP = S * VPC
MARGIN = 1.0

_mesh = plsc.VectorSubcoreMesh(core_axis_name="c", subcore_axis_name="s",
                               num_cores=1)


def _tf_hash(k1, k2, c1, c2):
    k1 = np.uint32(k1)
    k2 = np.uint32(k2)
    ks = [k1, k2, np.uint32(k1 ^ k2 ^ np.uint32(0x1BD11BDA))]
    rot = [(13, 15, 26, 6), (17, 29, 16, 24)]
    x0 = (np.asarray(c1, np.uint32) + k1).astype(np.uint32)
    x1 = (np.asarray(c2, np.uint32) + k2).astype(np.uint32)
    for g in range(5):
        for r in rot[g % 2]:
            x0 = (x0 + x1).astype(np.uint32)
            x1 = ((x1 << np.uint32(r)) | (x1 >> np.uint32(32 - r))).astype(np.uint32)
            x1 = (x1 ^ x0).astype(np.uint32)
        x0 = (x0 + ks[(g + 1) % 3]).astype(np.uint32)
        x1 = (x1 + ks[(g + 2) % 3] + np.uint32(g + 1)).astype(np.uint32)
    return x0, x1


def _randint_bits_np():
    base = np.array([0, 42], dtype=np.uint32)
    s0, s1 = _tf_hash(base[0], base[1],
                      np.zeros(2, np.uint32), np.arange(2, dtype=np.uint32))
    n = M * S
    zeros = np.zeros(n, np.uint32)
    iota = np.arange(n, dtype=np.uint32)
    hx0, hx1 = _tf_hash(s0[0], s1[0], zeros, iota)
    lx0, lx1 = _tf_hash(s0[1], s1[1], zeros, iota)
    hb = (hx0 ^ hx1).reshape(M, S).T.reshape(S, NUM_SUBCORES, CHUNK)
    lb = (lx0 ^ lx1).reshape(M, S).T.reshape(S, NUM_SUBCORES, CHUNK)
    bits = np.stack([hb, lb], 0)
    return np.ascontiguousarray(bits.transpose(2, 1, 0, 3)).reshape(-1)


_BITS = _randint_bits_np()


def _body(scores_hbm, target_hbm, bits_hbm, loss_hbm,
          tgt_v, sc_v, idx_v, cshared, cnt_sh, red_sh, negv, posv, bitv,
          sampv, pmv, redv, cntall_v, pv, accv, cw_v, sem0, sem1, sem2):
    sid = lax.axis_index("s")
    base = sid * CHUNK
    iot = lax.iota(jnp.int32, 16)

    bits_d = pltpu.async_copy(
        bits_hbm.at[pl.ds(sid * BITS_PER_TILE, BITS_PER_TILE)], bitv, sem1)
    tgt_d = pltpu.async_copy(target_hbm.at[pl.ds(base, CHUNK)], tgt_v, sem0)
    sc_d = [pltpu.async_copy(scores_hbm.at[pl.ds(base + q * 128, 128)],
                             sc_v.at[q], sem2)
            for q in range(8)]
    tgt_d.wait()

    zero = jnp.zeros((16,), jnp.int32)
    cnt = zero
    for k in range(VPC):
        cnt = cnt + tgt_v[pl.ds(k * 16, 16)]
    my_count = jnp.sum(cnt)
    cw_v[...] = jnp.where(iot == sid, my_count, 0)
    pltpu.sync_copy(cw_v, cnt_sh.at[pl.ds(sid * 16, 16)])

    plsc.subcore_barrier()

    pltpu.sync_copy(cnt_sh, cntall_v)
    counts = zero
    for j in range(NUM_SUBCORES):
        counts = counts + cntall_v[pl.ds(j * 16, 16)]
    pos_before = jnp.sum(counts * (iot < sid).astype(jnp.int32))
    p_total = jnp.sum(counts)

    P = jnp.broadcast_to(p_total, (16,))
    s_i = jnp.maximum(M - P, 1)
    s_u = plsc.bitcast(s_i, jnp.uint32)
    s_f = s_i.astype(jnp.float32)
    rcp = 1.0 / s_f
    m1 = lax.rem(jnp.full((16,), 65536, jnp.uint32), s_u)
    m2 = lax.rem(m1 * m1, s_u)
    a3 = lax.rem(m2 * m1, s_u)
    off = s_i * (2 + lax.div(1024 + s_i - 1, s_i))
    lim = jnp.full((16,), 2.0e9, jnp.float32)
    big = jnp.full((16,), 4294967296.0, jnp.float32)
    mask16 = jnp.full((16,), 0xFFFF, jnp.uint32)
    is_one = s_i == 1

    carry = jnp.int32(0)
    for k in range(VPC):
        t = tgt_v[pl.ds(k * 16, 16)]
        csum = plsc.cumsum(t)
        excl = csum - t
        prank = pos_before + carry + excl
        gidx = base + k * 16 + iot
        dest = jnp.where(t == 1, prank, M + gidx - prank)
        idx_v[k // 8, pl.ds((k % 8) * 16, 16)] = dest
        carry = carry + csum[15]

    for d in sc_d:
        d.wait()
    scat_d = [pltpu.async_copy(sc_v.at[q], cshared.at[idx_v.at[q]], sem2)
              for q in range(8)]
    for d in scat_d:
        d.wait()

    plsc.subcore_barrier()

    neg_copy = pltpu.async_copy(cshared.at[pl.ds(M, M)], negv, sem0)
    pos_copy = pltpu.async_copy(cshared.at[pl.ds(base, CHUNK)], posv, sem2)

    bits_d.wait()

    def samp_body(i, _):
        sc = i // VPC
        k = i - sc * VPC
        hb = bitv[pl.ds(sc * 2 * CHUNK + k * 16, 16)]
        lb = bitv[pl.ds(sc * 2 * CHUNK + CHUNK + k * 16, 16)]
        h1 = lax.shift_right_logical(hb, jnp.uint32(16))
        h0 = hb & mask16
        l1 = lax.shift_right_logical(lb, jnp.uint32(16))
        l0 = lb & mask16
        v = h1 * a3 + h0 * m2 + l1 * m1 + l0
        vi = plsc.bitcast(v, jnp.int32)
        vf = vi.astype(jnp.float32)
        vf = jnp.where(vi < 0, vf + big, vf)
        q1 = jnp.minimum(vf * rcp, lim).astype(jnp.int32)
        r1u = v - plsc.bitcast(q1, jnp.uint32) * s_u
        r1 = plsc.bitcast(r1u, jnp.int32) + off
        q2 = (r1.astype(jnp.float32) * rcp).astype(jnp.int32)
        r2 = r1 - q2 * s_i
        r2 = jnp.where(r2 < 0, r2 + s_i, r2)
        r2 = jnp.where(r2 >= s_i, r2 - s_i, r2)
        sampv[pl.ds(i * 16, 16)] = jnp.where(is_one, 0, r2)
        return 0

    lax.fori_loop(0, NSAMP, samp_body, 0)

    pos_copy.wait()
    neg_inf = jnp.full((16,), -3.0e38, jnp.float32)
    for k in range(VPC):
        rowid = base + k * 16 + iot
        pmv[pl.ds(k * 16, 16)] = jnp.where(
            rowid < P, MARGIN - posv[pl.ds(k * 16, 16)], neg_inf)

    neg_copy.wait()

    def gather_body(i, acc):
        sc = i // VPC
        k = i - sc * VPC
        samp = sampv[pl.ds(i * 16, 16)]
        neg = plsc.load_gather(negv, [samp])
        pm = pmv[pl.ds(k * 16, 16)]
        return acc + jnp.maximum(pm + neg, 0.0)

    acc = lax.fori_loop(0, NSAMP, gather_body, jnp.zeros((16,), jnp.float32))
    accv[...] = acc
    pltpu.sync_copy(accv, red_sh.at[pl.ds(sid * 16, 16)])

    plsc.subcore_barrier()

    @pl.when(sid == 0)
    def _():
        pltpu.sync_copy(red_sh, redv)
        tot = jnp.zeros((16,), jnp.float32)
        for i in range(NUM_SUBCORES):
            tot = tot + redv[pl.ds(i * 16, 16)]
        total_v = jnp.broadcast_to(jnp.sum(tot), (16,))
        denom_v = (P * S).astype(jnp.float32)
        pv[...] = total_v / denom_v
        pltpu.sync_copy(pv, loss_hbm)


_fused = pl.kernel(
    _body,
    out_type=jax.ShapeDtypeStruct((16,), jnp.float32),
    mesh=_mesh,
    compiler_params=pltpu.CompilerParams(needs_layout_passes=False),
    scratch_types=[
        pltpu.VMEM((CHUNK,), jnp.int32),
        pltpu.VMEM((8, 128), jnp.float32),
        pltpu.VMEM((8, 128), jnp.int32),
        pltpu.VMEM_SHARED((2 * M,), jnp.float32),
        pltpu.VMEM_SHARED((NUM_SUBCORES * 16,), jnp.int32),
        pltpu.VMEM_SHARED((NUM_SUBCORES * 16,), jnp.float32),
        pltpu.VMEM((M,), jnp.float32),
        pltpu.VMEM((CHUNK,), jnp.float32),
        pltpu.VMEM((BITS_PER_TILE,), jnp.uint32),
        pltpu.VMEM((NSAMP * 16,), jnp.int32),
        pltpu.VMEM((CHUNK,), jnp.float32),
        pltpu.VMEM((NUM_SUBCORES * 16,), jnp.float32),
        pltpu.VMEM((NUM_SUBCORES * 16,), jnp.int32),
        pltpu.VMEM((16,), jnp.float32),
        pltpu.VMEM((16,), jnp.float32),
        pltpu.VMEM((16,), jnp.int32),
        pltpu.SemaphoreType.DMA,
        pltpu.SemaphoreType.DMA,
        pltpu.SemaphoreType.DMA,
    ],
)


def kernel(scores, target):
    bits = jnp.asarray(_BITS)
    loss = _fused(scores, target, bits)
    return loss[0]

# --- scband reference (transcript-rebuilt; emitter-appended) ---
"""Pipeline reference for scband-sampled-pairwise-margin-ranking-loss-54872502173949 (READ-ONLY COPY).

The authoritative reference and input builder live on the scoring server;
editing this copy changes nothing except your own understanding.
"""

import jax, jax.numpy as jnp
import numpy as np

MARGIN = 1.0
SAMPLES_PER_POSITIVE = 5


def setup_inputs(seed: int = 0) -> dict:
    key = jax.random.key(seed)
    k1, k2 = jax.random.split(key)
    scores = jax.random.normal(k1, (16384,), dtype=jnp.float32)
    target = jax.random.randint(k2, (16384,), 0, 2).astype(jnp.int32)
    return {"scores": scores, "target": target}


def reference(scores, target):
    # Partition scores into positives / negatives (fixed-shape masked form)
    M = scores.shape[0]
    pos_idx = jnp.nonzero(target == 1, size=M, fill_value=0)[0]
    neg_idx = jnp.nonzero(target == 0, size=M, fill_value=0)[0]
    P = jnp.sum(target == 1)
    N = M - P

    positive_scores = jnp.take(scores, pos_idx, axis=0)          # [M], first P valid
    negative_scores = jnp.take(scores, neg_idx, axis=0)          # [M], first N valid

    # torch.randint(len(negative_scores), (samples_per_positive,)) per positive,
    # emulated with a fixed jax PRNG key for determinism.
    samp_key = jax.random.key(42)
    samp = jax.random.randint(samp_key, (M, SAMPLES_PER_POSITIVE), 0, N)  # [M, S]
    neg_samples = jnp.take(negative_scores, samp, axis=0)        # [M, S]

    # loss += relu(margin - pos + neg) over all (pos, sampled neg) pairs
    pair_losses = jax.nn.relu(MARGIN - positive_scores[:, None] + neg_samples)
    row_mask = (jnp.arange(M) < P)[:, None].astype(pair_losses.dtype)
    loss = (pair_losses * row_mask).sum() / (P * SAMPLES_PER_POSITIVE)
    return loss

if __name__ == "__main__":
    import jax
    _d = setup_inputs()
    print(jax.jit(kernel)(*tuple(_d.values())))

</pallas_src>

<mosaic_0001>
#map = affine_map<(d0, d1) -> (0)>
module attributes {stable_mosaic.version = 14 : i64} {
  func.func @_body(%arg0: i32, %arg1: i32, %arg2: memref<16384xf32, #tpu.memory_space<hbm>>, %arg3: memref<16384xi32, #tpu.memory_space<hbm>>, %arg4: memref<163840xi32, #tpu.memory_space<hbm>>, %arg5: memref<16xf32, #tpu.memory_space<hbm>>, %arg6: memref<1024xi32, #tpu.memory_space<vmem>>, %arg7: memref<8x128xf32, #tpu.memory_space<vmem>>, %arg8: memref<8x128xi32, #tpu.memory_space<vmem>>, %arg9: memref<32768xf32, #tpu.memory_space<vmem_shared>>, %arg10: memref<256xi32, #tpu.memory_space<vmem_shared>>, %arg11: memref<256xf32, #tpu.memory_space<vmem_shared>>, %arg12: memref<16384xf32, #tpu.memory_space<vmem>>, %arg13: memref<1024xf32, #tpu.memory_space<vmem>>, %arg14: memref<10240xi32, #tpu.memory_space<vmem>>, %arg15: memref<5120xi32, #tpu.memory_space<vmem>>, %arg16: memref<1024xf32, #tpu.memory_space<vmem>>, %arg17: memref<256xf32, #tpu.memory_space<vmem>>, %arg18: memref<256xi32, #tpu.memory_space<vmem>>, %arg19: memref<16xf32, #tpu.memory_space<vmem>>, %arg20: memref<16xf32, #tpu.memory_space<vmem>>, %arg21: memref<16xi32, #tpu.memory_space<vmem>>, %arg22: memref<!tpu.dma_semaphore, #tpu.memory_space<semaphore_mem>>, %arg23: memref<!tpu.dma_semaphore, #tpu.memory_space<semaphore_mem>>, %arg24: memref<!tpu.dma_semaphore, #tpu.memory_space<semaphore_mem>>) attributes {dimension_semantics = [#tpu.dimension_semantics<core_parallel>, #tpu.dimension_semantics<subcore_parallel>], iteration_bounds = array<i64: 1, 16>, scalar_prefetch = 0 : i64, scratch_operands = 19 : i64, tpu.core_type = #tpu.core_type<sc_vector_subcore>, window_params = [{transform_indices = #map}, {transform_indices = #map}, {transform_indices = #map}, {transform_indices = #map}]} {
    %mul3A = arith.constant 1024 : i32
    %mul3A_0 = arith.muli %arg1, %mul3A : i32
    %iota3A = tpu.iota {dimensions = array<i32: 0>} : vector<16xi32>
    %mul3A_1 = arith.constant 10240 : i32
    %mul3A_2 = arith.muli %arg1, %mul3A_1 : i32
    %dma_start3A = tpu.memref_slice %arg4[%mul3A_2] : memref<163840xi32, #tpu.memory_space<hbm>> -> memref<10240xi32, #tpu.memory_space<hbm>>
    %dma_start3A_3 = tpu.memref_slice %arg4[%mul3A_2] : memref<163840xi32, #tpu.memory_space<hbm>> -> memref<10240xi32, #tpu.memory_space<hbm>>
    tpu.enqueue_dma source(%dma_start3A_3 : memref<10240xi32, #tpu.memory_space<hbm>>) target(%arg14 : memref<10240xi32, #tpu.memory_space<vmem>>) target_semaphore(%arg23 : memref<!tpu.dma_semaphore, #tpu.memory_space<semaphore_mem>>)
    %dma_start3A_4 = tpu.memref_slice %arg3[%mul3A_0] : memref<16384xi32, #tpu.memory_space<hbm>> -> memref<1024xi32, #tpu.memory_space<hbm>>
    %dma_start3A_5 = tpu.memref_slice %arg3[%mul3A_0] : memref<16384xi32, #tpu.memory_space<hbm>> -> memref<1024xi32, #tpu.memory_space<hbm>>
    tpu.enqueue_dma source(%dma_start3A_5 : memref<1024xi32, #tpu.memory_space<hbm>>) target(%arg6 : memref<1024xi32, #tpu.memory_space<vmem>>) target_semaphore(%arg22 : memref<!tpu.dma_semaphore, #tpu.memory_space<semaphore_mem>>)
    %add3A = arith.constant 0 : i32
    %add3A_6 = arith.addi %mul3A_0, %add3A : i32
    %dma_start3A_7 = arith.constant 0 : i32
    %dma_start3A_8 = arith.constant 0 : i32
    %dma_start3A_9 = tpu.memref_slice %arg7[%dma_start3A_7, %dma_start3A_8] : memref<8x128xf32, #tpu.memory_space<vmem>> -> memref<1x128xf32, #tpu.memory_space<vmem>>
    %dma_start3A_10 = tpu.memref_squeeze %dma_start3A_9 : memref<1x128xf32, #tpu.memory_space<vmem>> -> memref<128xf32, #tpu.memory_space<vmem>>
    %dma_start3A_11 = tpu.memref_slice %arg2[%add3A_6] : memref<16384xf32, #tpu.memory_space<hbm>> -> memref<128xf32, #tpu.memory_space<hbm>>
    %dma_start3A_12 = arith.constant 0 : i32
    %dma_start3A_13 = tpu.memref_slice %arg7[%dma_start3A_7, %dma_start3A_12] : memref<8x128xf32, #tpu.memory_space<vmem>> -> memref<1x128xf32, #tpu.memory_space<vmem>>
    %dma_start3A_14 = tpu.memref_squeeze %dma_start3A_13 : memref<1x128xf32, #tpu.memory_space<vmem>> -> memref<128xf32, #tpu.memory_space<vmem>>
    %dma_start3A_15 = tpu.memref_slice %arg2[%add3A_6] : memref<16384xf32, #tpu.memory_space<hbm>> -> memref<128xf32, #tpu.memory_space<hbm>>
    tpu.enqueue_dma source(%dma_start3A_15 : memref<128xf32, #tpu.memory_space<hbm>>) target(%dma_start3A_14 : memref<128xf32, #tpu.memory_space<vmem>>) target_semaphore(%arg24 : memref<!tpu.dma_semaphore, #tpu.memory_space<semaphore_mem>>)
    %add3A_16 = arith.constant 128 : i32
    %add3A_17 = arith.addi %mul3A_0, %add3A_16 : i32
    %dma_start3A_18 = arith.constant 1 : i32
    %dma_start3A_19 = arith.constant 0 : i32
    %dma_start3A_20 = tpu.memref_slice %arg7[%dma_start3A_18, %dma_start3A_19] : memref<8x128xf32, #tpu.memory_space<vmem>> -> memref<1x128xf32, #tpu.memory_space<vmem>>
    %dma_start3A_21 = tpu.memref_squeeze %dma_start3A_20 : memref<1x128xf32, #tpu.memory_space<vmem>> -> memref<128xf32, #tpu.memory_space<vmem>>
    %dma_start3A_22 = tpu.memref_slice %arg2[%add3A_17] : memref<16384xf32, #tpu.memory_space<hbm>> -> memref<128xf32, #tpu.memory_space<hbm>>
    %dma_start3A_23 = arith.constant 0 : i32
    %dma_start3A_24 = tpu.memref_slice %arg7[%dma_start3A_18, %dma_start3A_23] : memref<8x128xf32, #tpu.memory_space<vmem>> -> memref<1x128xf32, #tpu.memory_space<vmem>>
    %dma_start3A_25 = tpu.memref_squeeze %dma_start3A_24 : memref<1x128xf32, #tpu.memory_space<vmem>> -> memref<128xf32, #tpu.memory_space<vmem>>
    %dma_start3A_26 = tpu.memref_slice %arg2[%add3A_17] : memref<16384xf32, #tpu.memory_space<hbm>> -> memref<128xf32, #tpu.memory_space<hbm>>
    tpu.enqueue_dma source(%dma_start3A_26 : memref<128xf32, #tpu.memory_space<hbm>>) target(%dma_start3A_25 : memref<128xf32, #tpu.memory_space<vmem>>) target_semaphore(%arg24 : memref<!tpu.dma_semaphore, #tpu.memory_space<semaphore_mem>>)
    %add3A_27 = arith.constant 256 : i32
    %add3A_28 = arith.addi %mul3A_0, %add3A_27 : i32
    %dma_start3A_29 = arith.constant 2 : i32
    %dma_start3A_30 = arith.constant 0 : i32
    %dma_start3A_31 = tpu.memref_slice %arg7[%dma_start3A_29, %dma_start3A_30] : memref<8x128xf32, #tpu.memory_space<vmem>> -> memref<1x128xf32, #tpu.memory_space<vmem>>
    %dma_start3A_32 = tpu.memref_squeeze %dma_start3A_31 : memref<1x128xf32, #tpu.memory_space<vmem>> -> memref<128xf32, #tpu.memory_space<vmem>>
    %dma_start3A_33 = tpu.memref_slice %arg2[%add3A_28] : memref<16384xf32, #tpu.memory_space<hbm>> -> memref<128xf32, #tpu.memory_space<hbm>>
    %dma_start3A_34 = arith.constant 0 : i32
    %dma_start3A_35 = tpu.memref_slice %arg7[%dma_start3A_29, %dma_start3A_34] : memref<8x128xf32, #tpu.memory_space<vmem>> -> memref<1x128xf32, #tpu.memory_space<vmem>>
    %dma_start3A_36 = tpu.memref_squeeze %dma_start3A_35 : memref<1x128xf32, #tpu.memory_space<vmem>> -> memref<128xf32, #tpu.memory_space<vmem>>
    %dma_start3A_37 = tpu.memref_slice %arg2[%add3A_28] : memref<16384xf32, #tpu.memory_space<hbm>> -> memref<128xf32, #tpu.memory_space<hbm>>
    tpu.enqueue_dma source(%dma_start3A_37 : memref<128xf32, #tpu.memory_space<hbm>>) target(%dma_start3A_36 : memref<128xf32, #tpu.memory_space<vmem>>) target_semaphore(%arg24 : memref<!tpu.dma_semaphore, #tpu.memory_space<semaphore_mem>>)
    %add3A_38 = arith.constant 384 : i32
    %add3A_39 = arith.addi %mul3A_0, %add3A_38 : i32
    %dma_start3A_40 = arith.constant 3 : i32
    %dma_start3A_41 = arith.constant 0 : i32
    %dma_start3A_42 = tpu.memref_slice %arg7[%dma_start3A_40, %dma_start3A_41] : memref<8x128xf32, #tpu.memory_space<vmem>> -> memref<1x128xf32, #tpu.memory_space<vmem>>
    %dma_start3A_43 = tpu.memref_squeeze %dma_start3A_42 : memref<1x128xf32, #tpu.memory_space<vmem>> -> memref<128xf32, #tpu.memory_space<vmem>>
    %dma_start3A_44 = tpu.memref_slice %arg2[%add3A_39] : memref<16384xf32, #tpu.memory_space<hbm>> -> memref<128xf32, #tpu.memory_space<hbm>>
    %dma_start3A_45 = arith.constant 0 : i32
    %dma_start3A_46 = tpu.memref_slice %arg7[%dma_start3A_40, %dma_start3A_45] : memref<8x128xf32, #tpu.memory_space<vmem>> -> memref<1x128xf32, #tpu.memory_space<vmem>>
    %dma_start3A_47 = tpu.memref_squeeze %dma_start3A_46 : memref<1x128xf32, #tpu.memory_space<vmem>> -> memref<128xf32, #tpu.memory_space<vmem>>
    %dma_start3A_48 = tpu.memref_slice %arg2[%add3A_39] : memref<16384xf32, #tpu.memory_space<hbm>> -> memref<128xf32, #tpu.memory_space<hbm>>
    tpu.enqueue_dma source(%dma_start3A_48 : memref<128xf32, #tpu.memory_space<hbm>>) target(%dma_start3A_47 : memref<128xf32, #tpu.memory_space<vmem>>) target_semaphore(%arg24 : memref<!tpu.dma_semaphore, #tpu.memory_space<semaphore_mem>>)
    %add3A_49 = arith.constant 512 : i32
    %add3A_50 = arith.addi %mul3A_0, %add3A_49 : i32
    %dma_start3A_51 = arith.constant 4 : i32
    %dma_start3A_52 = arith.constant 0 : i32
    %dma_start3A_53 = tpu.memref_slice %arg7[%dma_start3A_51, %dma_start3A_52] : memref<8x128xf32, #tpu.memory_space<vmem>> -> memref<1x128xf32, #tpu.memory_space<vmem>>
    %dma_start3A_54 = tpu.memref_squeeze %dma_start3A_53 : memref<1x128xf32, #tpu.memory_space<vmem>> -> memref<128xf32, #tpu.memory_space<vmem>>
    %dma_start3A_55 = tpu.memref_slice %arg2[%add3A_50] : memref<16384xf32, #tpu.memory_space<hbm>> -> memref<128xf32, #tpu.memory_space<hbm>>
    %dma_start3A_56 = arith.constant 0 : i32
    %dma_start3A_57 = tpu.memref_slice %arg7[%dma_start3A_51, %dma_start3A_56] : memref<8x128xf32, #tpu.memory_space<vmem>> -> memref<1x128xf32, #tpu.memory_space<vmem>>
    %dma_start3A_58 = tpu.memref_squeeze %dma_start3A_57 : memref<1x128xf32, #tpu.memory_space<vmem>> -> memref<128xf32, #tpu.memory_space<vmem>>
    %dma_start3A_59 = tpu.memref_slice %arg2[%add3A_50] : memref<16384xf32, #tpu.memory_space<hbm>> -> memref<128xf32, #tpu.memory_space<hbm>>
    tpu.enqueue_dma source(%dma_start3A_59 : memref<128xf32, #tpu.memory_space<hbm>>) target(%dma_start3A_58 : memref<128xf32, #tpu.memory_space<vmem>>) target_semaphore(%arg24 : memref<!tpu.dma_semaphore, #tpu.memory_space<semaphore_mem>>)
    %add3A_60 = arith.constant 640 : i32
    %add3A_61 = arith.addi %mul3A_0, %add3A_60 : i32
    %dma_start3A_62 = arith.constant 5 : i32
    %dma_start3A_63 = arith.constant 0 : i32
    %dma_start3A_64 = tpu.memref_slice %arg7[%dma_start3A_62, %dma_start3A_63] : memref<8x128xf32, #tpu.memory_space<vmem>> -> memref<1x128xf32, #tpu.memory_space<vmem>>
    %dma_start3A_65 = tpu.memref_squeeze %dma_start3A_64 : memref<1x128xf32, #tpu.memory_space<vmem>> -> memref<128xf32, #tpu.memory_space<vmem>>
    %dma_start3A_66 = tpu.memref_slice %arg2[%add3A_61] : memref<16384xf32, #tpu.memory_space<hbm>> -> memref<128xf32, #tpu.memory_space<hbm>>
    %dma_start3A_67 = arith.constant 0 : i32
    %dma_start3A_68 = tpu.memref_slice %arg7[%dma_start3A_62, %dma_start3A_67] : memref<8x128xf32, #tpu.memory_space<vmem>> -> memref<1x128xf32, #tpu.memory_space<vmem>>
    %dma_start3A_69 = tpu.memref_squeeze %dma_start3A_68 : memref<1x128xf32, #tpu.memory_space<vmem>> -> memref<128xf32, #tpu.memory_space<vmem>>
    %dma_start3A_70 = tpu.memref_slice %arg2[%add3A_61] : memref<16384xf32, #tpu.memory_space<hbm>> -> memref<128xf32, #tpu.memory_space<hbm>>
    tpu.enqueue_dma source(%dma_start3A_70 : memref<128xf32, #tpu.memory_space<hbm>>) target(%dma_start3A_69 : memref<128xf32, #tpu.memory_space<vmem>>) target_semaphore(%arg24 : memref<!tpu.dma_semaphore, #tpu.memory_space<semaphore_mem>>)
    %add3A_71 = arith.constant 768 : i32
    %add3A_72 = arith.addi %mul3A_0, %add3A_71 : i32
    %dma_start3A_73 = arith.constant 6 : i32
    %dma_start3A_74 = arith.constant 0 : i32
    %dma_start3A_75 = tpu.memref_slice %arg7[%dma_start3A_73, %dma_start3A_74] : memref<8x128xf32, #tpu.memory_space<vmem>> -> memref<1x128xf32, #tpu.memory_space<vmem>>
    %dma_start3A_76 = tpu.memref_squeeze %dma_start3A_75 : memref<1x128xf32, #tpu.memory_space<vmem>> -> memref<128xf32, #tpu.memory_space<vmem>>
    %dma_start3A_77 = tpu.memref_slice %arg2[%add3A_72] : memref<16384xf32, #tpu.memory_space<hbm>> -> memref<128xf32, #tpu.memory_space<hbm>>
    %dma_start3A_78 = arith.constant 0 : i32
    %dma_start3A_79 = tpu.memref_slice %arg7[%dma_start3A_73, %dma_start3A_78] : memref<8x128xf32, #tpu.memory_space<vmem>> -> memref<1x128xf32, #tpu.memory_space<vmem>>
    %dma_start3A_80 = tpu.memref_squeeze %dma_start3A_79 : memref<1x128xf32, #tpu.memory_space<vmem>> -> memref<128xf32, #tpu.memory_space<vmem>>
    %dma_start3A_81 = tpu.memref_slice %arg2[%add3A_72] : memref<16384xf32, #tpu.memory_space<hbm>> -> memref<128xf32, #tpu.memory_space<hbm>>
    tpu.enqueue_dma source(%dma_start3A_81 : memref<128xf32, #tpu.memory_space<hbm>>) target(%dma_start3A_80 : memref<128xf32, #tpu.memory_space<vmem>>) target_semaphore(%arg24 : memref<!tpu.dma_semaphore, #tpu.memory_space<semaphore_mem>>)
    %add3A_82 = arith.constant 896 : i32
    %add3A_83 = arith.addi %mul3A_0, %add3A_82 : i32
    %dma_start3A_84 = arith.constant 7 : i32
    %dma_start3A_85 = arith.constant 0 : i32
    %dma_start3A_86 = tpu.memref_slice %arg7[%dma_start3A_84, %dma_start3A_85] : memref<8x128xf32, #tpu.memory_space<vmem>> -> memref<1x128xf32, #tpu.memory_space<vmem>>
    %dma_start3A_87 = tpu.memref_squeeze %dma_start3A_86 : memref<1x128xf32, #tpu.memory_space<vmem>> -> memref<128xf32, #tpu.memory_space<vmem>>
    %dma_start3A_88 = tpu.memref_slice %arg2[%add3A_83] : memref<16384xf32, #tpu.memory_space<hbm>> -> memref<128xf32, #tpu.memory_space<hbm>>
    %dma_start3A_89 = arith.constant 0 : i32
    %dma_start3A_90 = tpu.memref_slice %arg7[%dma_start3A_84, %dma_start3A_89] : memref<8x128xf32, #tpu.memory_space<vmem>> -> memref<1x128xf32, #tpu.memory_space<vmem>>
    %dma_start3A_91 = tpu.memref_squeeze %dma_start3A_90 : memref<1x128xf32, #tpu.memory_space<vmem>> -> memref<128xf32, #tpu.memory_space<vmem>>
    %dma_start3A_92 = tpu.memref_slice %arg2[%add3A_83] : memref<16384xf32, #tpu.memory_space<hbm>> -> memref<128xf32, #tpu.memory_space<hbm>>
    tpu.enqueue_dma source(%dma_start3A_92 : memref<128xf32, #tpu.memory_space<hbm>>) target(%dma_start3A_91 : memref<128xf32, #tpu.memory_space<vmem>>) target_semaphore(%arg24 : memref<!tpu.dma_semaphore, #tpu.memory_space<semaphore_mem>>)
    %dma_wait3A = tpu.memref_slice %arg3[%mul3A_0] : memref<16384xi32, #tpu.memory_space<hbm>> -> memref<1024xi32, #tpu.memory_space<hbm>>
    %dma_wait3A_93 = tpu.memref_slice %arg3[%mul3A_0] : memref<16384xi32, #tpu.memory_space<hbm>> -> memref<1024xi32, #tpu.memory_space<hbm>>
    tpu.wait_dma2 semaphore(%arg22 : memref<!tpu.dma_semaphore, #tpu.memory_space<semaphore_mem>>) src(%dma_wait3A_93 : memref<1024xi32, #tpu.memory_space<hbm>>) dst(%arg6 : memref<1024xi32, #tpu.memory_space<vmem>>)
    %broadcast_in_dim3A = arith.constant 0 : i32
    %broadcast_in_dim3A_94 = vector.broadcast %broadcast_in_dim3A : i32 to vector<16xi32>
    %get3A = arith.constant 0 : index
    %get3A_95 = tpu.vector_load %arg6[%get3A] {strides = array<i32>} : memref<1024xi32, #tpu.memory_space<vmem>>, vector<16xi32>,
    %add3A_96 = arith.addi %broadcast_in_dim3A_94, %get3A_95 : vector<16xi32>
    %get3A_97 = arith.constant 16 : index
    %get3A_98 = tpu.vector_load %arg6[%get3A_97] {strides = array<i32>} : memref<1024xi32, #tpu.memory_space<vmem>>, vector<16xi32>,
    %add3A_99 = arith.addi %add3A_96, %get3A_98 : vector<16xi32>
    %get3A_100 = arith.constant 32 : index
    %get3A_101 = tpu.vector_load %arg6[%get3A_100] {strides = array<i32>} : memref<1024xi32, #tpu.memory_space<vmem>>, vector<16xi32>,
    %add3A_102 = arith.addi %add3A_99, %get3A_101 : vector<16xi32>
    %get3A_103 = arith.constant 48 : index
    %get3A_104 = tpu.vector_load %arg6[%get3A_103] {strides = array<i32>} : memref<1024xi32, #tpu.memory_space<vmem>>, vector<16xi32>,
    %add3A_105 = arith.addi %add3A_102, %get3A_104 : vector<16xi32>
    %get3A_106 = arith.constant 64 : index
    %get3A_107 = tpu.vector_load %arg6[%get3A_106] {strides = array<i32>} : memref<1024xi32, #tpu.memory_space<vmem>>, vector<16xi32>,
    %add3A_108 = arith.addi %add3A_105, %get3A_107 : vector<16xi32>
    %get3A_109 = arith.constant 80 : index
    %get3A_110 = tpu.vector_load %arg6[%get3A_109] {strides = array<i32>} : memref<1024xi32, #tpu.memory_space<vmem>>, vector<16xi32>,
    %add3A_111 = arith.addi %add3A_108, %get3A_110 : vector<16xi32>
    %get3A_112 = arith.constant 96 : index
    %get3A_113 = tpu.vector_load %arg6[%get3A_112] {strides = array<i32>} : memref<1024xi32, #tpu.memory_space<vmem>>, vector<16xi32>,
    %add3A_114 = arith.addi %add3A_111, %get3A_113 : vector<16xi32>
    %get3A_115 = arith.constant 112 : index
    %get3A_116 = tpu.vector_load %arg6[%get3A_115] {strides = array<i32>} : memref<1024xi32, #tpu.memory_space<vmem>>, vector<16xi32>,
    %add3A_117 = arith.addi %add3A_114, %get3A_116 : vector<16xi32>
    %get3A_118 = arith.constant 128 : index
    %get3A_119 = tpu.vector_load %arg6[%get3A_118] {strides = array<i32>} : memref<1024xi32, #tpu.memory_space<vmem>>, vector<16xi32>,
    %add3A_120 = arith.addi %add3A_117, %get3A_119 : vector<16xi32>
    %get3A_121 = arith.constant 144 : index
    %get3A_122 = tpu.vector_load %arg6[%get3A_121] {strides = array<i32>} : memref<1024xi32, #tpu.memory_space<vmem>>, vector<16xi32>,
    %add3A_123 = arith.addi %add3A_120, %get3A_122 : vector<16xi32>
    %get3A_124 = arith.constant 160 : index
    %get3A_125 = tpu.vector_load %arg6[%get3A_124] {strides = array<i32>} : memref<1024xi32, #tpu.memory_space<vmem>>, vector<16xi32>,
    %add3A_126 = arith.addi %add3A_123, %get3A_125 : vector<16xi32>
    %get3A_127 = arith.constant 176 : index
    %get3A_128 = tpu.vector_load %arg6[%get3A_127] {strides = array<i32>} : memref<1024xi32, #tpu.memory_space<vmem>>, vector<16xi32>,
    %add3A_129 = arith.addi %add3A_126, %get3A_128 : vector<16xi32>
    %get3A_130 = arith.constant 192 : index
    %get3A_131 = tpu.vector_load %arg6[%get3A_130] {strides = array<i32>} : memref<1024xi32, #tpu.memory_space<vmem>>, vector<16xi32>,
    %add3A_132 = arith.addi %add3A_129, %get3A_131 : vector<16xi32>
    %get3A_133 = arith.constant 208 : index
    %get3A_134 = tpu.vector_load %arg6[%get3A_133] {strides = array<i32>} : memref<1024xi32, #tpu.memory_space<vmem>>, vector<16xi32>,
    %add3A_135 = arith.addi %add3A_132, %get3A_134 : vector<16xi32>
    %get3A_136 = arith.constant 224 : index
    %get3A_137 = tpu.vector_load %arg6[%get3A_136] {strides = array<i32>} : memref<1024xi32, #tpu.memory_space<vmem>>, vector<16xi32>,
    %add3A_138 = arith.addi %add3A_135, %get3A_137 : vector<16xi32>
    %get3A_139 = arith.constant 240 : index
    %get3A_140 = tpu.vector_load %arg6[%get3A_139] {strides = array<i32>} : memref<1024xi32, #tpu.memory_space<vmem>>, vector<16xi32>,
    %add3A_141 = arith.addi %add3A_138, %get3A_140 : vector<16xi32>
    %get3A_142 = arith.constant 256 : index
    %get3A_143 = tpu.vector_load %arg6[%get3A_142] {strides = array<i32>} : memref<1024xi32, #tpu.memory_space<vmem>>, vector<16xi32>,
    %add3A_144 = arith.addi %add3A_141, %get3A_143 : vector<16xi32>
    %get3A_145 = arith.constant 272 : index
    %get3A_146 = tpu.vector_load %arg6[%get3A_145] {strides = array<i32>} : memref<1024xi32, #tpu.memory_space<vmem>>, vector<16xi32>,
    %add3A_147 = arith.addi %add3A_144, %get3A_146 : vector<16xi32>
    %get3A_148 = arith.constant 288 : index
    %get3A_149 = tpu.vector_load %arg6[%get3A_148] {strides = array<i32>} : memref<1024xi32, #tpu.memory_space<vmem>>, vector<16xi32>,
    %add3A_150 = arith.addi %add3A_147, %get3A_149 : vector<16xi32>
    %get3A_151 = arith.constant 304 : index
    %get3A_152 = tpu.vector_load %arg6[%get3A_151] {strides = array<i32>} : memref<1024xi32, #tpu.memory_space<vmem>>, vector<16xi32>,
    %add3A_153 = arith.addi %add3A_150, %get3A_152 : vector<16xi32>
    %get3A_154 = arith.constant 320 : index
    %get3A_155 = tpu.vector_load %arg6[%get3A_154] {strides = array<i32>} : memref<1024xi32, #tpu.memory_space<vmem>>, vector<16xi32>,
    %add3A_156 = arith.addi %add3A_153, %get3A_155 : vector<16xi32>
    %get3A_157 = arith.constant 336 : index
    %get3A_158 = tpu.vector_load %arg6[%get3A_157] {strides = array<i32>} : memref<1024xi32, #tpu.memory_space<vmem>>, vector<16xi32>,
    %add3A_159 = arith.addi %add3A_156, %get3A_158 : vector<16xi32>
    %get3A_160 = arith.constant 352 : index
    %get3A_161 = tpu.vector_load %arg6[%get3A_160] {strides = array<i32>} : memref<1024xi32, #tpu.memory_space<vmem>>, vector<16xi32>,
    %add3A_162 = arith.addi %add3A_159, %get3A_161 : vector<16xi32>
    %get3A_163 = arith.constant 368 : index
    %get3A_164 = tpu.vector_load %arg6[%get3A_163] {strides = array<i32>} : memref<1024xi32, #tpu.memory_space<vmem>>, vector<16xi32>,
    %add3A_165 = arith.addi %add3A_162, %get3A_164 : vector<16xi32>
    %get3A_166 = arith.constant 384 : index
    %get3A_167 = tpu.vector_load %arg6[%get3A_166] {strides = array<i32>} : memref<1024xi32, #tpu.memory_space<vmem>>, vector<16xi32>,
    %add3A_168 = arith.addi %add3A_165, %get3A_167 : vector<16xi32>
    %get3A_169 = arith.constant 400 : index
    %get3A_170 = tpu.vector_load %arg6[%get3A_169] {strides = array<i32>} : memref<1024xi32, #tpu.memory_space<vmem>>, vector<16xi32>,
    %add3A_171 = arith.addi %add3A_168, %get3A_170 : vector<16xi32>
    %get3A_172 = arith.constant 416 : index
    %get3A_173 = tpu.vector_load %arg6[%get3A_172] {strides = array<i32>} : memref<1024xi32, #tpu.memory_space<vmem>>, vector<16xi32>,
    %add3A_174 = arith.addi %add3A_171, %get3A_173 : vector<16xi32>
    %get3A_175 = arith.constant 432 : index
    %get3A_176 = tpu.vector_load %arg6[%get3A_175] {strides = array<i32>} : memref<1024xi32, #tpu.memory_space<vmem>>, vector<16xi32>,
    %add3A_177 = arith.addi %add3A_174, %get3A_176 : vector<16xi32>
    %get3A_178 = arith.constant 448 : index
    %get3A_179 = tpu.vector_load %arg6[%get3A_178] {strides = array<i32>} : memref<1024xi32, #tpu.memory_space<vmem>>, vector<16xi32>,
    %add3A_180 = arith.addi %add3A_177, %get3A_179 : vector<16xi32>
    %get3A_181 = arith.constant 464 : index
    %get3A_182 = tpu.vector_load %arg6[%get3A_181] {strides = array<i32>} : memref<1024xi32, #tpu.memory_space<vmem>>, vector<16xi32>,
    %add3A_183 = arith.addi %add3A_180, %get3A_182 : vector<16xi32>
    %get3A_184 = arith.constant 480 : index
    %get3A_185 = tpu.vector_load %arg6[%get3A_184] {strides = array<i32>} : memref<1024xi32, #tpu.memory_space<vmem>>, vector<16xi32>,
    %add3A_186 = arith.addi %add3A_183, %get3A_185 : vector<16xi32>
    %get3A_187 = arith.constant 496 : index
    %get3A_188 = tpu.vector_load %arg6[%get3A_187] {strides = array<i32>} : memref<1024xi32, #tpu.memory_space<vmem>>, vector<16xi32>,
    %add3A_189 = arith.addi %add3A_186, %get3A_188 : vector<16xi32>
    %get3A_190 = arith.constant 512 : index
    %get3A_191 = tpu.vector_load %arg6[%get3A_190] {strides = array<i32>} : memref<1024xi32, #tpu.memory_space<vmem>>, vector<16xi32>,
    %add3A_192 = arith.addi %add3A_189, %get3A_191 : vector<16xi32>
    %get3A_193 = arith.constant 528 : index
    %get3A_194 = tpu.vector_load %arg6[%get3A_193] {strides = array<i32>} : memref<1024xi32, #tpu.memory_space<vmem>>, vector<16xi32>,
    %add3A_195 = arith.addi %add3A_192, %get3A_194 : vector<16xi32>
    %get3A_196 = arith.constant 544 : index
    %get3A_197 = tpu.vector_load %arg6[%get3A_196] {strides = array<i32>} : memref<1024xi32, #tpu.memory_space<vmem>>, vector<16xi32>,
    %add3A_198 = arith.addi %add3A_195, %get3A_197 : vector<16xi32>
    %get3A_199 = arith.constant 560 : index
    %get3A_200 = tpu.vector_load %arg6[%get3A_199] {strides = array<i32>} : memref<1024xi32, #tpu.memory_space<vmem>>, vector<16xi32>,
    %add3A_201 = arith.addi %add3A_198, %get3A_200 : vector<16xi32>
    %get3A_202 = arith.constant 576 : index
    %get3A_203 = tpu.vector_load %arg6[%get3A_202] {strides = array<i32>} : memref<1024xi32, #tpu.memory_space<vmem>>, vector<16xi32>,
    %add3A_204 = arith.addi %add3A_201, %get3A_203 : vector<16xi32>
    %get3A_205 = arith.constant 592 : index
    %get3A_206 = tpu.vector_load %arg6[%get3A_205] {strides = array<i32>} : memref<1024xi32, #tpu.memory_space<vmem>>, vector<16xi32>,
    %add3A_207 = arith.addi %add3A_204, %get3A_206 : vector<16xi32>
    %get3A_208 = arith.constant 608 : index
    %get3A_209 = tpu.vector_load %arg6[%get3A_208] {strides = array<i32>} : memref<1024xi32, #tpu.memory_space<vmem>>, vector<16xi32>,
    %add3A_210 = arith.addi %add3A_207, %get3A_209 : vector<16xi32>
    %get3A_211 = arith.constant 624 : index
    %get3A_212 = tpu.vector_load %arg6[%get3A_211] {strides = array<i32>} : memref<1024xi32, #tpu.memory_space<vmem>>, vector<16xi32>,
    %add3A_213 = arith.addi %add3A_210, %get3A_212 : vector<16xi32>
    %get3A_214 = arith.constant 640 : index
    %get3A_215 = tpu.vector_load %arg6[%get3A_214] {strides = array<i32>} : memref<1024xi32, #tpu.memory_space<vmem>>, vector<16xi32>,
    %add3A_216 = arith.addi %add3A_213, %get3A_215 : vector<16xi32>
    %get3A_217 = arith.constant 656 : index
    %get3A_218 = tpu.vector_load %arg6[%get3A_217] {strides = array<i32>} : memref<1024xi32, #tpu.memory_space<vmem>>, vector<16xi32>,
    %add3A_219 = arith.addi %add3A_216, %get3A_218 : vector<16xi32>
    %get3A_220 = arith.constant 672 : index
    %get3A_221 = tpu.vector_load %arg6[%get3A_220] {strides = array<i32>} : memref<1024xi32, #tpu.memory_space<vmem>>, vector<16xi32>,
    %add3A_222 = arith.addi %add3A_219, %get3A_221 : vector<16xi32>
    %get3A_223 = arith.constant 688 : index
    %get3A_224 = tpu.vector_load %arg6[%get3A_223] {strides = array<i32>} : memref<1024xi32, #tpu.memory_space<vmem>>, vector<16xi32>,
    %add3A_225 = arith.addi %add3A_222, %get3A_224 : vector<16xi32>
    %get3A_226 = arith.constant 704 : index
    %get3A_227 = tpu.vector_load %arg6[%get3A_226] {strides = array<i32>} : memref<1024xi32, #tpu.memory_space<vmem>>, vector<16xi32>,
    %add3A_228 = arith.addi %add3A_225, %get3A_227 : vector<16xi32>
    %get3A_229 = arith.constant 720 : index
    %get3A_230 = tpu.vector_load %arg6[%get3A_229] {strides = array<i32>} : memref<1024xi32, #tpu.memory_space<vmem>>, vector<16xi32>,
    %add3A_231 = arith.addi %add3A_228, %get3A_230 : vector<16xi32>
    %get3A_232 = arith.constant 736 : index
    %get3A_233 = tpu.vector_load %arg6[%get3A_232] {strides = array<i32>} : memref<1024xi32, #tpu.memory_space<vmem>>, vector<16xi32>,
    %add3A_234 = arith.addi %add3A_231, %get3A_233 : vector<16xi32>
    %get3A_235 = arith.constant 752 : index
    %get3A_236 = tpu.vector_load %arg6[%get3A_235] {strides = array<i32>} : memref<1024xi32, #tpu.memory_space<vmem>>, vector<16xi32>,
    %add3A_237 = arith.addi %add3A_234, %get3A_236 : vector<16xi32>
    %get3A_238 = arith.constant 768 : index
    %get3A_239 = tpu.vector_load %arg6[%get3A_238] {strides = array<i32>} : memref<1024xi32, #tpu.memory_space<vmem>>, vector<16xi32>,
    %add3A_240 = arith.addi %add3A_237, %get3A_239 : vector<16xi32>
    %get3A_241 = arith.constant 784 : index
    %get3A_242 = tpu.vector_load %arg6[%get3A_241] {strides = array<i32>} : memref<1024xi32, #tpu.memory_space<vmem>>, vector<16xi32>,
    %add3A_243 = arith.addi %add3A_240, %get3A_242 : vector<16xi32>
    %get3A_244 = arith.constant 800 : index
    %get3A_245 = tpu.vector_load %arg6[%get3A_244] {strides = array<i32>} : memref<1024xi32, #tpu.memory_space<vmem>>, vector<16xi32>,
    %add3A_246 = arith.addi %add3A_243, %get3A_245 : vector<16xi32>
    %get3A_247 = arith.constant 816 : index
    %get3A_248 = tpu.vector_load %arg6[%get3A_247] {strides = array<i32>} : memref<1024xi32, #tpu.memory_space<vmem>>, vector<16xi32>,
    %add3A_249 = arith.addi %add3A_246, %get3A_248 : vector<16xi32>
    %get3A_250 = arith.constant 832 : index
    %get3A_251 = tpu.vector_load %arg6[%get3A_250] {strides = array<i32>} : memref<1024xi32, #tpu.memory_space<vmem>>, vector<16xi32>,
    %add3A_252 = arith.addi %add3A_249, %get3A_251 : vector<16xi32>
    %get3A_253 = arith.constant 848 : index
    %get3A_254 = tpu.vector_load %arg6[%get3A_253] {strides = array<i32>} : memref<1024xi32, #tpu.memory_space<vmem>>, vector<16xi32>,
    %add3A_255 = arith.addi %add3A_252, %get3A_254 : vector<16xi32>
    %get3A_256 = arith.constant 864 : index
    %get3A_257 = tpu.vector_load %arg6[%get3A_256] {strides = array<i32>} : memref<1024xi32, #tpu.memory_space<vmem>>, vector<16xi32>,
    %add3A_258 = arith.addi %add3A_255, %get3A_257 : vector<16xi32>
    %get3A_259 = arith.constant 880 : index
    %get3A_260 = tpu.vector_load %arg6[%get3A_259] {strides = array<i32>} : memref<1024xi32, #tpu.memory_space<vmem>>, vector<16xi32>,
    %add3A_261 = arith.addi %add3A_258, %get3A_260 : vector<16xi32>
    %get3A_262 = arith.constant 896 : index
    %get3A_263 = tpu.vector_load %arg6[%get3A_262] {strides = array<i32>} : memref<1024xi32, #tpu.memory_space<vmem>>, vector<16xi32>,
    %add3A_264 = arith.addi %add3A_261, %get3A_263 : vector<16xi32>
    %get3A_265 = arith.constant 912 : index
    %get3A_266 = tpu.vector_load %arg6[%get3A_265] {strides = array<i32>} : memref<1024xi32, #tpu.memory_space<vmem>>, vector<16xi32>,
    %add3A_267 = arith.addi %add3A_264, %get3A_266 : vector<16xi32>
    %get3A_268 = arith.constant 928 : index
    %get3A_269 = tpu.vector_load %arg6[%get3A_268] {strides = array<i32>} : memref<1024xi32, #tpu.memory_space<vmem>>, vector<16xi32>,
    %add3A_270 = arith.addi %add3A_267, %get3A_269 : vector<16xi32>
    %get3A_271 = arith.constant 944 : index
    %get3A_272 = tpu.vector_load %arg6[%get3A_271] {strides = array<i32>} : memref<1024xi32, #tpu.memory_space<vmem>>, vector<16xi32>,
    %add3A_273 = arith.addi %add3A_270, %get3A_272 : vector<16xi32>
    %get3A_274 = arith.constant 960 : index
    %get3A_275 = tpu.vector_load %arg6[%get3A_274] {strides = array<i32>} : memref<1024xi32, #tpu.memory_space<vmem>>, vector<16xi32>,
    %add3A_276 = arith.addi %add3A_273, %get3A_275 : vector<16xi32>
    %get3A_277 = arith.constant 976 : index
    %get3A_278 = tpu.vector_load %arg6[%get3A_277] {strides = array<i32>} : memref<1024xi32, #tpu.memory_space<vmem>>, vector<16xi32>,
    %add3A_279 = arith.addi %add3A_276, %get3A_278 : vector<16xi32>
    %get3A_280 = arith.constant 992 : index
    %get3A_281 = tpu.vector_load %arg6[%get3A_280] {strides = array<i32>} : memref<1024xi32, #tpu.memory_space<vmem>>, vector<16xi32>,
    %add3A_282 = arith.addi %add3A_279, %get3A_281 : vector<16xi32>
    %get3A_283 = arith.constant 1008 : index
    %get3A_284 = tpu.vector_load %arg6[%get3A_283] {strides = array<i32>} : memref<1024xi32, #tpu.memory_space<vmem>>, vector<16xi32>,
    %add3A_285 = arith.addi %add3A_282, %get3A_284 : vector<16xi32>
    %reduce_sum3A = arith.constant true
    %reduce_sum3A_286 = vector.broadcast %reduce_sum3A : i1 to vector<16xi1>
    %reduce_sum3A_287 = tpu.scan <sum>, %add3A_285 masked %reduce_sum3A_286 : vector<16xi32>, vector<16xi1> -> vector<16xi32>
    %reduce_sum3A_288 = vector.extract %reduce_sum3A_287[15] : i32 from vector<16xi32>
    %eq3A = vector.broadcast %arg1 : i32 to vector<16xi32>
    %eq3A_289 = arith.cmpi eq, %iota3A, %eq3A : vector<16xi32>
    %jit3A = arith.constant 0 : i32
    %broadcast_in_dim3A_290 = vector.broadcast %reduce_sum3A_288 : i32 to vector<16xi32>
    %broadcast_in_dim3A_291 = vector.broadcast %jit3A : i32 to vector<16xi32>
    %select_n3A = arith.select %eq3A_289, %broadcast_in_dim3A_290, %broadcast_in_dim3A_291 : vector<16xi1>, vector<16xi32>
    %swap3A = arith.constant 0 : index
    %swap3A_292 = tpu.vector_load %arg21[%swap3A] {strides = array<i32>} : memref<16xi32, #tpu.memory_space<vmem>>, vector<16xi32>,
    tpu.vector_store %arg21[%swap3A], %select_n3A {strides = array<i32>} : memref<16xi32, #tpu.memory_space<vmem>>, vector<16xi32>,
    %mul3A_293 = arith.constant 16 : i32
    %mul3A_294 = arith.muli %arg1, %mul3A_293 : i32
    "tpu.region"() ({
      %run_scoped3A = tpu.sem_alloc : memref<!tpu.dma_semaphore, #tpu.memory_space<semaphore_mem>>
      %dma_start3A_3282 = tpu.memref_slice %arg10[%mul3A_294] : memref<256xi32, #tpu.memory_space<vmem_shared>> -> memref<16xi32, #tpu.memory_space<vmem_shared>>
      %dma_start3A_3283 = tpu.memref_slice %arg10[%mul3A_294] : memref<256xi32, #tpu.memory_space<vmem_shared>> -> memref<16xi32, #tpu.memory_space<vmem_shared>>
      tpu.enqueue_dma source(%arg21 : memref<16xi32, #tpu.memory_space<vmem>>) target(%dma_start3A_3283 : memref<16xi32, #tpu.memory_space<vmem_shared>>) target_semaphore(%run_scoped3A : memref<!tpu.dma_semaphore, #tpu.memory_space<semaphore_mem>>)
      %dma_wait3A_3284 = tpu.memref_slice %arg10[%mul3A_294] : memref<256xi32, #tpu.memory_space<vmem_shared>> -> memref<16xi32, #tpu.memory_space<vmem_shared>>
      %dma_wait3A_3285 = tpu.memref_slice %arg10[%mul3A_294] : memref<256xi32, #tpu.memory_space<vmem_shared>> -> memref<16xi32, #tpu.memory_space<vmem_shared>>
      tpu.wait_dma2 semaphore(%run_scoped3A : memref<!tpu.dma_semaphore, #tpu.memory_space<semaphore_mem>>) src(%arg21 : memref<16xi32, #tpu.memory_space<vmem>>) dst(%dma_wait3A_3285 : memref<16xi32, #tpu.memory_space<vmem_shared>>)
      tpu.yield
    }) : () -> ()
    %barrier3A = arith.constant 0 : index
    tpu.barrier barrier_id(%barrier3A)
    "tpu.region"() ({
      %run_scoped3A = tpu.sem_alloc : memref<!tpu.dma_semaphore, #tpu.memory_space<semaphore_mem>>
      tpu.enqueue_dma source(%arg10 : memref<256xi32, #tpu.memory_space<vmem_shared>>) target(%arg18 : memref<256xi32, #tpu.memory_space<vmem>>) target_semaphore(%run_scoped3A : memref<!tpu.dma_semaphore, #tpu.memory_space<semaphore_mem>>)
      tpu.wait_dma2 semaphore(%run_scoped3A : memref<!tpu.dma_semaphore, #tpu.memory_space<semaphore_mem>>) src(%arg10 : memref<256xi32, #tpu.memory_space<vmem_shared>>) dst(%arg18 : memref<256xi32, #tpu.memory_space<vmem>>)
      tpu.yield
    }) : () -> ()
    %get3A_295 = arith.constant 0 : index
    %get3A_296 = tpu.vector_load %arg18[%get3A_295] {strides = array<i32>} : memref<256xi32, #tpu.memory_space<vmem>>, vector<16xi32>,
    %add3A_297 = arith.addi %broadcast_in_dim3A_94, %get3A_296 : vector<16xi32>
    %get3A_298 = arith.constant 16 : index
    %get3A_299 = tpu.vector_load %arg18[%get3A_298] {strides = array<i32>} : memref<256xi32, #tpu.memory_space<vmem>>, vector<16xi32>,
    %add3A_300 = arith.addi %add3A_297, %get3A_299 : vector<16xi32>
    %get3A_301 = arith.constant 32 : index
    %get3A_302 = tpu.vector_load %arg18[%get3A_301] {strides = array<i32>} : memref<256xi32, #tpu.memory_space<vmem>>, vector<16xi32>,
    %add3A_303 = arith.addi %add3A_300, %get3A_302 : vector<16xi32>
    %get3A_304 = arith.constant 48 : index
    %get3A_305 = tpu.vector_load %arg18[%get3A_304] {strides = array<i32>} : memref<256xi32, #tpu.memory_space<vmem>>, vector<16xi32>,
    %add3A_306 = arith.addi %add3A_303, %get3A_305 : vector<16xi32>
    %get3A_307 = arith.constant 64 : index
    %get3A_308 = tpu.vector_load %arg18[%get3A_307] {strides = array<i32>} : memref<256xi32, #tpu.memory_space<vmem>>, vector<16xi32>,
    %add3A_309 = arith.addi %add3A_306, %get3A_308 : vector<16xi32>
    %get3A_310 = arith.constant 80 : index
    %get3A_311 = tpu.vector_load %arg18[%get3A_310] {strides = array<i32>} : memref<256xi32, #tpu.memory_space<vmem>>, vector<16xi32>,
    %add3A_312 = arith.addi %add3A_309, %get3A_311 : vector<16xi32>
    %get3A_313 = arith.constant 96 : index
    %get3A_314 = tpu.vector_load %arg18[%get3A_313] {strides = array<i32>} : memref<256xi32, #tpu.memory_space<vmem>>, vector<16xi32>,
    %add3A_315 = arith.addi %add3A_312, %get3A_314 : vector<16xi32>
    %get3A_316 = arith.constant 112 : index
    %get3A_317 = tpu.vector_load %arg18[%get3A_316] {strides = array<i32>} : memref<256xi32, #tpu.memory_space<vmem>>, vector<16xi32>,
    %add3A_318 = arith.addi %add3A_315, %get3A_317 : vector<16xi32>
    %get3A_319 = arith.constant 128 : index
    %get3A_320 = tpu.vector_load %arg18[%get3A_319] {strides = array<i32>} : memref<256xi32, #tpu.memory_space<vmem>>, vector<16xi32>,
    %add3A_321 = arith.addi %add3A_318, %get3A_320 : vector<16xi32>
    %get3A_322 = arith.constant 144 : index
    %get3A_323 = tpu.vector_load %arg18[%get3A_322] {strides = array<i32>} : memref<256xi32, #tpu.memory_space<vmem>>, vector<16xi32>,
    %add3A_324 = arith.addi %add3A_321, %get3A_323 : vector<16xi32>
    %get3A_325 = arith.constant 160 : index
    %get3A_326 = tpu.vector_load %arg18[%get3A_325] {strides = array<i32>} : memref<256xi32, #tpu.memory_space<vmem>>, vector<16xi32>,
    %add3A_327 = arith.addi %add3A_324, %get3A_326 : vector<16xi32>
    %get3A_328 = arith.constant 176 : index
    %get3A_329 = tpu.vector_load %arg18[%get3A_328] {strides = array<i32>} : memref<256xi32, #tpu.memory_space<vmem>>, vector<16xi32>,
    %add3A_330 = arith.addi %add3A_327, %get3A_329 : vector<16xi32>
    %get3A_331 = arith.constant 192 : index
    %get3A_332 = tpu.vector_load %arg18[%get3A_331] {strides = array<i32>} : memref<256xi32, #tpu.memory_space<vmem>>, vector<16xi32>,
    %add3A_333 = arith.addi %add3A_330, %get3A_332 : vector<16xi32>
    %get3A_334 = arith.constant 208 : index
    %get3A_335 = tpu.vector_load %arg18[%get3A_334] {strides = array<i32>} : memref<256xi32, #tpu.memory_space<vmem>>, vector<16xi32>,
    %add3A_336 = arith.addi %add3A_333, %get3A_335 : vector<16xi32>
    %get3A_337 = arith.constant 224 : index
    %get3A_338 = tpu.vector_load %arg18[%get3A_337] {strides = array<i32>} : memref<256xi32, #tpu.memory_space<vmem>>, vector<16xi32>,
    %add3A_339 = arith.addi %add3A_336, %get3A_338 : vector<16xi32>
    %get3A_340 = arith.constant 240 : index
    %get3A_341 = tpu.vector_load %arg18[%get3A_340] {strides = array<i32>} : memref<256xi32, #tpu.memory_space<vmem>>, vector<16xi32>,
    %add3A_342 = arith.addi %add3A_339, %get3A_341 : vector<16xi32>
    %lt3A = vector.broadcast %arg1 : i32 to vector<16xi32>
    %lt3A_343 = arith.cmpi slt, %iota3A, %lt3A : vector<16xi32>
    %convert_element_type3A = arith.extui %lt3A_343 : vector<16xi1> to vector<16xi32>
    %mul3A_344 = arith.muli %add3A_342, %convert_element_type3A : vector<16xi32>
    %reduce_sum3A_345 = arith.constant true
    %reduce_sum3A_346 = vector.broadcast %reduce_sum3A_345 : i1 to vector<16xi1>
    %reduce_sum3A_347 = tpu.scan <sum>, %mul3A_344 masked %reduce_sum3A_346 : vector<16xi32>, vector<16xi1> -> vector<16xi32>
    %reduce_sum3A_348 = vector.extract %reduce_sum3A_347[15] : i32 from vector<16xi32>
    %reduce_sum3A_349 = arith.constant true
    %reduce_sum3A_350 = vector.broadcast %reduce_sum3A_349 : i1 to vector<16xi1>
    %reduce_sum3A_351 = tpu.scan <sum>, %add3A_342 masked %reduce_sum3A_350 : vector<16xi32>, vector<16xi1> -> vector<16xi32>
    %reduce_sum3A_352 = vector.extract %reduce_sum3A_351[15] : i32 from vector<16xi32>
    %broadcast_in_dim3A_353 = vector.broadcast %reduce_sum3A_352 : i32 to vector<16xi32>
    %sub3A = arith.constant 16384 : i32
    %sub3A_354 = vector.broadcast %sub3A : i32 to vector<16xi32>
    %sub3A_355 = arith.subi %sub3A_354, %broadcast_in_dim3A_353 : vector<16xi32>
    %max3A = arith.constant 1 : i32
    %max3A_356 = vector.broadcast %max3A : i32 to vector<16xi32>
    %max3A_357 = arith.maxsi %sub3A_355, %max3A_356 : vector<16xi32>
    %bitcast3A = vector.bitcast %max3A_357 : vector<16xi32> to vector<16xi32>
    %convert_element_type3A_358 = arith.sitofp %max3A_357 : vector<16xi32> to vector<16xf32>
    %div3A = arith.constant 1.000000e+00 : f32
    %div3A_359 = vector.broadcast %div3A : f32 to vector<16xf32>
    %div3A_360 = arith.divf %div3A_359, %convert_element_type3A_358 : vector<16xf32>
    %broadcast_in_dim3A_361 = arith.constant 65536 : i32
    %broadcast_in_dim3A_362 = vector.broadcast %broadcast_in_dim3A_361 : i32 to vector<16xi32>
    %rem3A = arith.remui %broadcast_in_dim3A_362, %bitcast3A : vector<16xi32>
    %mul3A_363 = arith.muli %rem3A, %rem3A : vector<16xi32>
    %rem3A_364 = arith.remui %mul3A_363, %bitcast3A : vector<16xi32>
    %mul3A_365 = arith.muli %rem3A_364, %rem3A : vector<16xi32>
    %rem3A_366 = arith.remui %mul3A_365, %bitcast3A : vector<16xi32>
    %add3A_367 = arith.constant 1024 : i32
    %add3A_368 = vector.broadcast %add3A_367 : i32 to vector<16xi32>
    %add3A_369 = arith.addi %add3A_368, %max3A_357 : vector<16xi32>
    %sub3A_370 = arith.constant 1 : i32
    %sub3A_371 = vector.broadcast %sub3A_370 : i32 to vector<16xi32>
    %sub3A_372 = arith.subi %add3A_369, %sub3A_371 : vector<16xi32>
    %div3A_373 = arith.divsi %sub3A_372, %max3A_357 : vector<16xi32>
    %add3A_374 = arith.constant 2 : i32
    %add3A_375 = vector.broadcast %add3A_374 : i32 to vector<16xi32>
    %add3A_376 = arith.addi %add3A_375, %div3A_373 : vector<16xi32>
    %mul3A_377 = arith.muli %max3A_357, %add3A_376 : vector<16xi32>
    %broadcast_in_dim3A_378 = arith.constant 2.000000e+09 : f32
    %broadcast_in_dim3A_379 = vector.broadcast %broadcast_in_dim3A_378 : f32 to vector<16xf32>
    %broadcast_in_dim3A_380 = arith.constant 4.2949673E+9 : f32
    %broadcast_in_dim3A_381 = vector.broadcast %broadcast_in_dim3A_380 : f32 to vector<16xf32>
    %broadcast_in_dim3A_382 = arith.constant 65535 : i32
    %broadcast_in_dim3A_383 = vector.broadcast %broadcast_in_dim3A_382 : i32 to vector<16xi32>
    %eq3A_384 = arith.constant 1 : i32
    %eq3A_385 = vector.broadcast %eq3A_384 : i32 to vector<16xi32>
    %eq3A_386 = arith.cmpi eq, %max3A_357, %eq3A_385 : vector<16xi32>
    %get3A_387 = arith.constant 0 : index
    %get3A_388 = tpu.vector_load %arg6[%get3A_387] {strides = array<i32>} : memref<1024xi32, #tpu.memory_space<vmem>>, vector<16xi32>,
    %broadcast_in_dim3A_389 = arith.constant true
    %broadcast_in_dim3A_390 = vector.broadcast %broadcast_in_dim3A_389 : i1 to vector<16xi1>
    %masked_cumsum3A = tpu.scan <sum>, %get3A_388 masked %broadcast_in_dim3A_390 : vector<16xi32>, vector<16xi1> -> vector<16xi32>
    %sub3A_391 = arith.subi %masked_cumsum3A, %get3A_388 : vector<16xi32>
    %add3A_392 = arith.constant 0 : i32
    %add3A_393 = arith.addi %reduce_sum3A_348, %add3A_392 : i32
    %add3A_394 = vector.broadcast %add3A_393 : i32 to vector<16xi32>
    %add3A_395 = arith.addi %add3A_394, %sub3A_391 : vector<16xi32>
    %add3A_396 = arith.constant 0 : i32
    %add3A_397 = arith.addi %mul3A_0, %add3A_396 : i32
    %add3A_398 = vector.broadcast %add3A_397 : i32 to vector<16xi32>
    %add3A_399 = arith.addi %add3A_398, %iota3A : vector<16xi32>
    %eq3A_400 = arith.constant 1 : i32
    %eq3A_401 = vector.broadcast %eq3A_400 : i32 to vector<16xi32>
    %eq3A_402 = arith.cmpi eq, %get3A_388, %eq3A_401 : vector<16xi32>
    %add3A_403 = arith.constant 16384 : i32
    %add3A_404 = vector.broadcast %add3A_403 : i32 to vector<16xi32>
    %add3A_405 = arith.addi %add3A_404, %add3A_399 : vector<16xi32>
    %sub3A_406 = arith.subi %add3A_405, %add3A_395 : vector<16xi32>
    %select_n3A_407 = arith.select %eq3A_402, %add3A_395, %sub3A_406 : vector<16xi1>, vector<16xi32>
    %swap3A_408 = arith.constant 0 : i32
    %swap3A_409 = arith.index_cast %swap3A_408 : i32 to index
    %swap3A_410 = arith.constant 0 : index
    %swap3A_411 = tpu.vector_load %arg8[%swap3A_409, %swap3A_410] {strides = array<i32>} : memref<8x128xi32, #tpu.memory_space<vmem>>, vector<16xi32>,
    tpu.vector_store %arg8[%swap3A_409, %swap3A_410], %select_n3A_407 {strides = array<i32>} : memref<8x128xi32, #tpu.memory_space<vmem>>, vector<16xi32>,
    %slice3A = vector.extract_strided_slice %masked_cumsum3A {offsets = [15], sizes = [1], strides = [1]} : vector<16xi32> to vector<1xi32>
    %squeeze3A = vector.extract %slice3A[0] : i32 from vector<1xi32>
    %add3A_412 = arith.constant 0 : i32
    %add3A_413 = arith.addi %add3A_412, %squeeze3A : i32
    %get3A_414 = arith.constant 16 : index
    %get3A_415 = tpu.vector_load %arg6[%get3A_414] {strides = array<i32>} : memref<1024xi32, #tpu.memory_space<vmem>>, vector<16xi32>,
    %broadcast_in_dim3A_416 = arith.constant true
    %broadcast_in_dim3A_417 = vector.broadcast %broadcast_in_dim3A_416 : i1 to vector<16xi1>
    %masked_cumsum3A_418 = tpu.scan <sum>, %get3A_415 masked %broadcast_in_dim3A_417 : vector<16xi32>, vector<16xi1> -> vector<16xi32>
    %sub3A_419 = arith.subi %masked_cumsum3A_418, %get3A_415 : vector<16xi32>
    %add3A_420 = arith.addi %reduce_sum3A_348, %add3A_413 : i32
    %add3A_421 = vector.broadcast %add3A_420 : i32 to vector<16xi32>
    %add3A_422 = arith.addi %add3A_421, %sub3A_419 : vector<16xi32>
    %add3A_423 = arith.constant 16 : i32
    %add3A_424 = arith.addi %mul3A_0, %add3A_423 : i32
    %add3A_425 = vector.broadcast %add3A_424 : i32 to vector<16xi32>
    %add3A_426 = arith.addi %add3A_425, %iota3A : vector<16xi32>
    %eq3A_427 = arith.constant 1 : i32
    %eq3A_428 = vector.broadcast %eq3A_427 : i32 to vector<16xi32>
    %eq3A_429 = arith.cmpi eq, %get3A_415, %eq3A_428 : vector<16xi32>
    %add3A_430 = arith.constant 16384 : i32
    %add3A_431 = vector.broadcast %add3A_430 : i32 to vector<16xi32>
    %add3A_432 = arith.addi %add3A_431, %add3A_426 : vector<16xi32>
    %sub3A_433 = arith.subi %add3A_432, %add3A_422 : vector<16xi32>
    %select_n3A_434 = arith.select %eq3A_429, %add3A_422, %sub3A_433 : vector<16xi1>, vector<16xi32>
    %swap3A_435 = arith.constant 0 : i32
    %swap3A_436 = arith.index_cast %swap3A_435 : i32 to index
    %swap3A_437 = arith.constant 16 : index
    %swap3A_438 = tpu.vector_load %arg8[%swap3A_436, %swap3A_437] {strides = array<i32>} : memref<8x128xi32, #tpu.memory_space<vmem>>, vector<16xi32>,
    tpu.vector_store %arg8[%swap3A_436, %swap3A_437], %select_n3A_434 {strides = array<i32>} : memref<8x128xi32, #tpu.memory_space<vmem>>, vector<16xi32>,
    %slice3A_439 = vector.extract_strided_slice %masked_cumsum3A_418 {offsets = [15], sizes = [1], strides = [1]} : vector<16xi32> to vector<1xi32>
    %squeeze3A_440 = vector.extract %slice3A_439[0] : i32 from vector<1xi32>
    %add3A_441 = arith.addi %add3A_413, %squeeze3A_440 : i32
    %get3A_442 = arith.constant 32 : index
    %get3A_443 = tpu.vector_load %arg6[%get3A_442] {strides = array<i32>} : memref<1024xi32, #tpu.memory_space<vmem>>, vector<16xi32>,
    %broadcast_in_dim3A_444 = arith.constant true
    %broadcast_in_dim3A_445 = vector.broadcast %broadcast_in_dim3A_444 : i1 to vector<16xi1>
    %masked_cumsum3A_446 = tpu.scan <sum>, %get3A_443 masked %broadcast_in_dim3A_445 : vector<16xi32>, vector<16xi1> -> vector<16xi32>
    %sub3A_447 = arith.subi %masked_cumsum3A_446, %get3A_443 : vector<16xi32>
    %add3A_448 = arith.addi %reduce_sum3A_348, %add3A_441 : i32
    %add3A_449 = vector.broadcast %add3A_448 : i32 to vector<16xi32>
    %add3A_450 = arith.addi %add3A_449, %sub3A_447 : vector<16xi32>
    %add3A_451 = arith.constant 32 : i32
    %add3A_452 = arith.addi %mul3A_0, %add3A_451 : i32
    %add3A_453 = vector.broadcast %add3A_452 : i32 to vector<16xi32>
    %add3A_454 = arith.addi %add3A_453, %iota3A : vector<16xi32>
    %eq3A_455 = arith.constant 1 : i32
    %eq3A_456 = vector.broadcast %eq3A_455 : i32 to vector<16xi32>
    %eq3A_457 = arith.cmpi eq, %get3A_443, %eq3A_456 : vector<16xi32>
    %add3A_458 = arith.constant 16384 : i32
    %add3A_459 = vector.broadcast %add3A_458 : i32 to vector<16xi32>
    %add3A_460 = arith.addi %add3A_459, %add3A_454 : vector<16xi32>
    %sub3A_461 = arith.subi %add3A_460, %add3A_450 : vector<16xi32>
    %select_n3A_462 = arith.select %eq3A_457, %add3A_450, %sub3A_461 : vector<16xi1>, vector<16xi32>
    %swap3A_463 = arith.constant 0 : i32
    %swap3A_464 = arith.index_cast %swap3A_463 : i32 to index
    %swap3A_465 = arith.constant 32 : index
    %swap3A_466 = tpu.vector_load %arg8[%swap3A_464, %swap3A_465] {strides = array<i32>} : memref<8x128xi32, #tpu.memory_space<vmem>>, vector<16xi32>,
    tpu.vector_store %arg8[%swap3A_464, %swap3A_465], %select_n3A_462 {strides = array<i32>} : memref<8x128xi32, #tpu.memory_space<vmem>>, vector<16xi32>,
    %slice3A_467 = vector.extract_strided_slice %masked_cumsum3A_446 {offsets = [15], sizes = [1], strides = [1]} : vector<16xi32> to vector<1xi32>
    %squeeze3A_468 = vector.extract %slice3A_467[0] : i32 from vector<1xi32>
    %add3A_469 = arith.addi %add3A_441, %squeeze3A_468 : i32
    %get3A_470 = arith.constant 48 : index
    %get3A_471 = tpu.vector_load %arg6[%get3A_470] {strides = array<i32>} : memref<1024xi32, #tpu.memory_space<vmem>>, vector<16xi32>,
    %broadcast_in_dim3A_472 = arith.constant true
    %broadcast_in_dim3A_473 = vector.broadcast %broadcast_in_dim3A_472 : i1 to vector<16xi1>
    %masked_cumsum3A_474 = tpu.scan <sum>, %get3A_471 masked %broadcast_in_dim3A_473 : vector<16xi32>, vector<16xi1> -> vector<16xi32>
    %sub3A_475 = arith.subi %masked_cumsum3A_474, %get3A_471 : vector<16xi32>
    %add3A_476 = arith.addi %reduce_sum3A_348, %add3A_469 : i32
    %add3A_477 = vector.broadcast %add3A_476 : i32 to vector<16xi32>
    %add3A_478 = arith.addi %add3A_477, %sub3A_475 : vector<16xi32>
    %add3A_479 = arith.constant 48 : i32
    %add3A_480 = arith.addi %mul3A_0, %add3A_479 : i32
    %add3A_481 = vector.broadcast %add3A_480 : i32 to vector<16xi32>
    %add3A_482 = arith.addi %add3A_481, %iota3A : vector<16xi32>
    %eq3A_483 = arith.constant 1 : i32
    %eq3A_484 = vector.broadcast %eq3A_483 : i32 to vector<16xi32>
    %eq3A_485 = arith.cmpi eq, %get3A_471, %eq3A_484 : vector<16xi32>
    %add3A_486 = arith.constant 16384 : i32
    %add3A_487 = vector.broadcast %add3A_486 : i32 to vector<16xi32>
    %add3A_488 = arith.addi %add3A_487, %add3A_482 : vector<16xi32>
    %sub3A_489 = arith.subi %add3A_488, %add3A_478 : vector<16xi32>
    %select_n3A_490 = arith.select %eq3A_485, %add3A_478, %sub3A_489 : vector<16xi1>, vector<16xi32>
    %swap3A_491 = arith.constant 0 : i32
    %swap3A_492 = arith.index_cast %swap3A_491 : i32 to index
    %swap3A_493 = arith.constant 48 : index
    %swap3A_494 = tpu.vector_load %arg8[%swap3A_492, %swap3A_493] {strides = array<i32>} : memref<8x128xi32, #tpu.memory_space<vmem>>, vector<16xi32>,
    tpu.vector_store %arg8[%swap3A_492, %swap3A_493], %select_n3A_490 {strides = array<i32>} : memref<8x128xi32, #tpu.memory_space<vmem>>, vector<16xi32>,
    %slice3A_495 = vector.extract_strided_slice %masked_cumsum3A_474 {offsets = [15], sizes = [1], strides = [1]} : vector<16xi32> to vector<1xi32>
    %squeeze3A_496 = vector.extract %slice3A_495[0] : i32 from vector<1xi32>
    %add3A_497 = arith.addi %add3A_469, %squeeze3A_496 : i32
    %get3A_498 = arith.constant 64 : index
    %get3A_499 = tpu.vector_load %arg6[%get3A_498] {strides = array<i32>} : memref<1024xi32, #tpu.memory_space<vmem>>, vector<16xi32>,
    %broadcast_in_dim3A_500 = arith.constant true
    %broadcast_in_dim3A_501 = vector.broadcast %broadcast_in_dim3A_500 : i1 to vector<16xi1>
    %masked_cumsum3A_502 = tpu.scan <sum>, %get3A_499 masked %broadcast_in_dim3A_501 : vector<16xi32>, vector<16xi1> -> vector<16xi32>
    %sub3A_503 = arith.subi %masked_cumsum3A_502, %get3A_499 : vector<16xi32>
    %add3A_504 = arith.addi %reduce_sum3A_348, %add3A_497 : i32
    %add3A_505 = vector.broadcast %add3A_504 : i32 to vector<16xi32>
    %add3A_506 = arith.addi %add3A_505, %sub3A_503 : vector<16xi32>
    %add3A_507 = arith.constant 64 : i32
    %add3A_508 = arith.addi %mul3A_0, %add3A_507 : i32
    %add3A_509 = vector.broadcast %add3A_508 : i32 to vector<16xi32>
    %add3A_510 = arith.addi %add3A_509, %iota3A : vector<16xi32>
    %eq3A_511 = arith.constant 1 : i32
    %eq3A_512 = vector.broadcast %eq3A_511 : i32 to vector<16xi32>
    %eq3A_513 = arith.cmpi eq, %get3A_499, %eq3A_512 : vector<16xi32>
    %add3A_514 = arith.constant 16384 : i32
    %add3A_515 = vector.broadcast %add3A_514 : i32 to vector<16xi32>
    %add3A_516 = arith.addi %add3A_515, %add3A_510 : vector<16xi32>
    %sub3A_517 = arith.subi %add3A_516, %add3A_506 : vector<16xi32>
    %select_n3A_518 = arith.select %eq3A_513, %add3A_506, %sub3A_517 : vector<16xi1>, vector<16xi32>
    %swap3A_519 = arith.constant 0 : i32
    %swap3A_520 = arith.index_cast %swap3A_519 : i32 to index
    %swap3A_521 = arith.constant 64 : index
    %swap3A_522 = tpu.vector_load %arg8[%swap3A_520, %swap3A_521] {strides = array<i32>} : memref<8x128xi32, #tpu.memory_space<vmem>>, vector<16xi32>,
    tpu.vector_store %arg8[%swap3A_520, %swap3A_521], %select_n3A_518 {strides = array<i32>} : memref<8x128xi32, #tpu.memory_space<vmem>>, vector<16xi32>,
    %slice3A_523 = vector.extract_strided_slice %masked_cumsum3A_502 {offsets = [15], sizes = [1], strides = [1]} : vector<16xi32> to vector<1xi32>
    %squeeze3A_524 = vector.extract %slice3A_523[0] : i32 from vector<1xi32>
    %add3A_525 = arith.addi %add3A_497, %squeeze3A_524 : i32
    %get3A_526 = arith.constant 80 : index
    %get3A_527 = tpu.vector_load %arg6[%get3A_526] {strides = array<i32>} : memref<1024xi32, #tpu.memory_space<vmem>>, vector<16xi32>,
    %broadcast_in_dim3A_528 = arith.constant true
    %broadcast_in_dim3A_529 = vector.broadcast %broadcast_in_dim3A_528 : i1 to vector<16xi1>
    %masked_cumsum3A_530 = tpu.scan <sum>, %get3A_527 masked %broadcast_in_dim3A_529 : vector<16xi32>, vector<16xi1> -> vector<16xi32>
    %sub3A_531 = arith.subi %masked_cumsum3A_530, %get3A_527 : vector<16xi32>
    %add3A_532 = arith.addi %reduce_sum3A_348, %add3A_525 : i32
    %add3A_533 = vector.broadcast %add3A_532 : i32 to vector<16xi32>
    %add3A_534 = arith.addi %add3A_533, %sub3A_531 : vector<16xi32>
    %add3A_535 = arith.constant 80 : i32
    %add3A_536 = arith.addi %mul3A_0, %add3A_535 : i32
    %add3A_537 = vector.broadcast %add3A_536 : i32 to vector<16xi32>
    %add3A_538 = arith.addi %add3A_537, %iota3A : vector<16xi32>
    %eq3A_539 = arith.constant 1 : i32
    %eq3A_540 = vector.broadcast %eq3A_539 : i32 to vector<16xi32>
    %eq3A_541 = arith.cmpi eq, %get3A_527, %eq3A_540 : vector<16xi32>
    %add3A_542 = arith.constant 16384 : i32
    %add3A_543 = vector.broadcast %add3A_542 : i32 to vector<16xi32>
    %add3A_544 = arith.addi %add3A_543, %add3A_538 : vector<16xi32>
    %sub3A_545 = arith.subi %add3A_544, %add3A_534 : vector<16xi32>
    %select_n3A_546 = arith.select %eq3A_541, %add3A_534, %sub3A_545 : vector<16xi1>, vector<16xi32>
    %swap3A_547 = arith.constant 0 : i32
    %swap3A_548 = arith.index_cast %swap3A_547 : i32 to index
    %swap3A_549 = arith.constant 80 : index
    %swap3A_550 = tpu.vector_load %arg8[%swap3A_548, %swap3A_549] {strides = array<i32>} : memref<8x128xi32, #tpu.memory_space<vmem>>, vector<16xi32>,
    tpu.vector_store %arg8[%swap3A_548, %swap3A_549], %select_n3A_546 {strides = array<i32>} : memref<8x128xi32, #tpu.memory_space<vmem>>, vector<16xi32>,
    %slice3A_551 = vector.extract_strided_slice %masked_cumsum3A_530 {offsets = [15], sizes = [1], strides = [1]} : vector<16xi32> to vector<1xi32>
    %squeeze3A_552 = vector.extract %slice3A_551[0] : i32 from vector<1xi32>
    %add3A_553 = arith.addi %add3A_525, %squeeze3A_552 : i32
    %get3A_554 = arith.constant 96 : index
    %get3A_555 = tpu.vector_load %arg6[%get3A_554] {strides = array<i32>} : memref<1024xi32, #tpu.memory_space<vmem>>, vector<16xi32>,
    %broadcast_in_dim3A_556 = arith.constant true
    %broadcast_in_dim3A_557 = vector.broadcast %broadcast_in_dim3A_556 : i1 to vector<16xi1>
    %masked_cumsum3A_558 = tpu.scan <sum>, %get3A_555 masked %broadcast_in_dim3A_557 : vector<16xi32>, vector<16xi1> -> vector<16xi32>
    %sub3A_559 = arith.subi %masked_cumsum3A_558, %get3A_555 : vector<16xi32>
    %add3A_560 = arith.addi %reduce_sum3A_348, %add3A_553 : i32
    %add3A_561 = vector.broadcast %add3A_560 : i32 to vector<16xi32>
    %add3A_562 = arith.addi %add3A_561, %sub3A_559 : vector<16xi32>
    %add3A_563 = arith.constant 96 : i32
    %add3A_564 = arith.addi %mul3A_0, %add3A_563 : i32
    %add3A_565 = vector.broadcast %add3A_564 : i32 to vector<16xi32>
    %add3A_566 = arith.addi %add3A_565, %iota3A : vector<16xi32>
    %eq3A_567 = arith.constant 1 : i32
    %eq3A_568 = vector.broadcast %eq3A_567 : i32 to vector<16xi32>
    %eq3A_569 = arith.cmpi eq, %get3A_555, %eq3A_568 : vector<16xi32>
    %add3A_570 = arith.constant 16384 : i32
    %add3A_571 = vector.broadcast %add3A_570 : i32 to vector<16xi32>
    %add3A_572 = arith.addi %add3A_571, %add3A_566 : vector<16xi32>
    %sub3A_573 = arith.subi %add3A_572, %add3A_562 : vector<16xi32>
    %select_n3A_574 = arith.select %eq3A_569, %add3A_562, %sub3A_573 : vector<16xi1>, vector<16xi32>
    %swap3A_575 = arith.constant 0 : i32
    %swap3A_576 = arith.index_cast %swap3A_575 : i32 to index
    %swap3A_577 = arith.constant 96 : index
    %swap3A_578 = tpu.vector_load %arg8[%swap3A_576, %swap3A_577] {strides = array<i32>} : memref<8x128xi32, #tpu.memory_space<vmem>>, vector<16xi32>,
    tpu.vector_store %arg8[%swap3A_576, %swap3A_577], %select_n3A_574 {strides = array<i32>} : memref<8x128xi32, #tpu.memory_space<vmem>>, vector<16xi32>,
    %slice3A_579 = vector.extract_strided_slice %masked_cumsum3A_558 {offsets = [15], sizes = [1], strides = [1]} : vector<16xi32> to vector<1xi32>
    %squeeze3A_580 = vector.extract %slice3A_579[0] : i32 from vector<1xi32>
    %add3A_581 = arith.addi %add3A_553, %squeeze3A_580 : i32
    %get3A_582 = arith.constant 112 : index
    %get3A_583 = tpu.vector_load %arg6[%get3A_582] {strides = array<i32>} : memref<1024xi32, #tpu.memory_space<vmem>>, vector<16xi32>,
    %broadcast_in_dim3A_584 = arith.constant true
    %broadcast_in_dim3A_585 = vector.broadcast %broadcast_in_dim3A_584 : i1 to vector<16xi1>
    %masked_cumsum3A_586 = tpu.scan <sum>, %get3A_583 masked %broadcast_in_dim3A_585 : vector<16xi32>, vector<16xi1> -> vector<16xi32>
    %sub3A_587 = arith.subi %masked_cumsum3A_586, %get3A_583 : vector<16xi32>
    %add3A_588 = arith.addi %reduce_sum3A_348, %add3A_581 : i32
    %add3A_589 = vector.broadcast %add3A_588 : i32 to vector<16xi32>
    %add3A_590 = arith.addi %add3A_589, %sub3A_587 : vector<16xi32>
    %add3A_591 = arith.constant 112 : i32
    %add3A_592 = arith.addi %mul3A_0, %add3A_591 : i32
    %add3A_593 = vector.broadcast %add3A_592 : i32 to vector<16xi32>
    %add3A_594 = arith.addi %add3A_593, %iota3A : vector<16xi32>
    %eq3A_595 = arith.constant 1 : i32
    %eq3A_596 = vector.broadcast %eq3A_595 : i32 to vector<16xi32>
    %eq3A_597 = arith.cmpi eq, %get3A_583, %eq3A_596 : vector<16xi32>
    %add3A_598 = arith.constant 16384 : i32
    %add3A_599 = vector.broadcast %add3A_598 : i32 to vector<16xi32>
    %add3A_600 = arith.addi %add3A_599, %add3A_594 : vector<16xi32>
    %sub3A_601 = arith.subi %add3A_600, %add3A_590 : vector<16xi32>
    %select_n3A_602 = arith.select %eq3A_597, %add3A_590, %sub3A_601 : vector<16xi1>, vector<16xi32>
    %swap3A_603 = arith.constant 0 : i32
    %swap3A_604 = arith.index_cast %swap3A_603 : i32 to index
    %swap3A_605 = arith.constant 112 : index
    %swap3A_606 = tpu.vector_load %arg8[%swap3A_604, %swap3A_605] {strides = array<i32>} : memref<8x128xi32, #tpu.memory_space<vmem>>, vector<16xi32>,
    tpu.vector_store %arg8[%swap3A_604, %swap3A_605], %select_n3A_602 {strides = array<i32>} : memref<8x128xi32, #tpu.memory_space<vmem>>, vector<16xi32>,
    %slice3A_607 = vector.extract_strided_slice %masked_cumsum3A_586 {offsets = [15], sizes = [1], strides = [1]} : vector<16xi32> to vector<1xi32>
    %squeeze3A_608 = vector.extract %slice3A_607[0] : i32 from vector<1xi32>
    %add3A_609 = arith.addi %add3A_581, %squeeze3A_608 : i32
    %get3A_610 = arith.constant 128 : index
    %get3A_611 = tpu.vector_load %arg6[%get3A_610] {strides = array<i32>} : memref<1024xi32, #tpu.memory_space<vmem>>, vector<16xi32>,
    %broadcast_in_dim3A_612 = arith.constant true
    %broadcast_in_dim3A_613 = vector.broadcast %broadcast_in_dim3A_612 : i1 to vector<16xi1>
    %masked_cumsum3A_614 = tpu.scan <sum>, %get3A_611 masked %broadcast_in_dim3A_613 : vector<16xi32>, vector<16xi1> -> vector<16xi32>
    %sub3A_615 = arith.subi %masked_cumsum3A_614, %get3A_611 : vector<16xi32>
    %add3A_616 = arith.addi %reduce_sum3A_348, %add3A_609 : i32
    %add3A_617 = vector.broadcast %add3A_616 : i32 to vector<16xi32>
    %add3A_618 = arith.addi %add3A_617, %sub3A_615 : vector<16xi32>
    %add3A_619 = arith.constant 128 : i32
    %add3A_620 = arith.addi %mul3A_0, %add3A_619 : i32
    %add3A_621 = vector.broadcast %add3A_620 : i32 to vector<16xi32>
    %add3A_622 = arith.addi %add3A_621, %iota3A : vector<16xi32>
    %eq3A_623 = arith.constant 1 : i32
    %eq3A_624 = vector.broadcast %eq3A_623 : i32 to vector<16xi32>
    %eq3A_625 = arith.cmpi eq, %get3A_611, %eq3A_624 : vector<16xi32>
    %add3A_626 = arith.constant 16384 : i32
    %add3A_627 = vector.broadcast %add3A_626 : i32 to vector<16xi32>
    %add3A_628 = arith.addi %add3A_627, %add3A_622 : vector<16xi32>
    %sub3A_629 = arith.subi %add3A_628, %add3A_618 : vector<16xi32>
    %select_n3A_630 = arith.select %eq3A_625, %add3A_618, %sub3A_629 : vector<16xi1>, vector<16xi32>
    %swap3A_631 = arith.constant 1 : i32
    %swap3A_632 = arith.index_cast %swap3A_631 : i32 to index
    %swap3A_633 = arith.constant 0 : index
    %swap3A_634 = tpu.vector_load %arg8[%swap3A_632, %swap3A_633] {strides = array<i32>} : memref<8x128xi32, #tpu.memory_space<vmem>>, vector<16xi32>,
    tpu.vector_store %arg8[%swap3A_632, %swap3A_633], %select_n3A_630 {strides = array<i32>} : memref<8x128xi32, #tpu.memory_space<vmem>>, vector<16xi32>,
    %slice3A_635 = vector.extract_strided_slice %masked_cumsum3A_614 {offsets = [15], sizes = [1], strides = [1]} : vector<16xi32> to vector<1xi32>
    %squeeze3A_636 = vector.extract %slice3A_635[0] : i32 from vector<1xi32>
    %add3A_637 = arith.addi %add3A_609, %squeeze3A_636 : i32
    %get3A_638 = arith.constant 144 : index
    %get3A_639 = tpu.vector_load %arg6[%get3A_638] {strides = array<i32>} : memref<1024xi32, #tpu.memory_space<vmem>>, vector<16xi32>,
    %broadcast_in_dim3A_640 = arith.constant true
    %broadcast_in_dim3A_641 = vector.broadcast %broadcast_in_dim3A_640 : i1 to vector<16xi1>
    %masked_cumsum3A_642 = tpu.scan <sum>, %get3A_639 masked %broadcast_in_dim3A_641 : vector<16xi32>, vector<16xi1> -> vector<16xi32>
    %sub3A_643 = arith.subi %masked_cumsum3A_642, %get3A_639 : vector<16xi32>
    %add3A_644 = arith.addi %reduce_sum3A_348, %add3A_637 : i32
    %add3A_645 = vector.broadcast %add3A_644 : i32 to vector<16xi32>
    %add3A_646 = arith.addi %add3A_645, %sub3A_643 : vector<16xi32>
    %add3A_647 = arith.constant 144 : i32
    %add3A_648 = arith.addi %mul3A_0, %add3A_647 : i32
    %add3A_649 = vector.broadcast %add3A_648 : i32 to vector<16xi32>
    %add3A_650 = arith.addi %add3A_649, %iota3A : vector<16xi32>
    %eq3A_651 = arith.constant 1 : i32
    %eq3A_652 = vector.broadcast %eq3A_651 : i32 to vector<16xi32>
    %eq3A_653 = arith.cmpi eq, %get3A_639, %eq3A_652 : vector<16xi32>
    %add3A_654 = arith.constant 16384 : i32
    %add3A_655 = vector.broadcast %add3A_654 : i32 to vector<16xi32>
    %add3A_656 = arith.addi %add3A_655, %add3A_650 : vector<16xi32>
    %sub3A_657 = arith.subi %add3A_656, %add3A_646 : vector<16xi32>
    %select_n3A_658 = arith.select %eq3A_653, %add3A_646, %sub3A_657 : vector<16xi1>, vector<16xi32>
    %swap3A_659 = arith.constant 1 : i32
    %swap3A_660 = arith.index_cast %swap3A_659 : i32 to index
    %swap3A_661 = arith.constant 16 : index
    %swap3A_662 = tpu.vector_load %arg8[%swap3A_660, %swap3A_661] {strides = array<i32>} : memref<8x128xi32, #tpu.memory_space<vmem>>, vector<16xi32>,
    tpu.vector_store %arg8[%swap3A_660, %swap3A_661], %select_n3A_658 {strides = array<i32>} : memref<8x128xi32, #tpu.memory_space<vmem>>, vector<16xi32>,
    %slice3A_663 = vector.extract_strided_slice %masked_cumsum3A_642 {offsets = [15], sizes = [1], strides = [1]} : vector<16xi32> to vector<1xi32>
    %squeeze3A_664 = vector.extract %slice3A_663[0] : i32 from vector<1xi32>
    %add3A_665 = arith.addi %add3A_637, %squeeze3A_664 : i32
    %get3A_666 = arith.constant 160 : index
    %get3A_667 = tpu.vector_load %arg6[%get3A_666] {strides = array<i32>} : memref<1024xi32, #tpu.memory_space<vmem>>, vector<16xi32>,
    %broadcast_in_dim3A_668 = arith.constant true
    %broadcast_in_dim3A_669 = vector.broadcast %broadcast_in_dim3A_668 : i1 to vector<16xi1>
    %masked_cumsum3A_670 = tpu.scan <sum>, %get3A_667 masked %broadcast_in_dim3A_669 : vector<16xi32>, vector<16xi1> -> vector<16xi32>
    %sub3A_671 = arith.subi %masked_cumsum3A_670, %get3A_667 : vector<16xi32>
    %add3A_672 = arith.addi %reduce_sum3A_348, %add3A_665 : i32
    %add3A_673 = vector.broadcast %add3A_672 : i32 to vector<16xi32>
    %add3A_674 = arith.addi %add3A_673, %sub3A_671 : vector<16xi32>
    %add3A_675 = arith.constant 160 : i32
    %add3A_676 = arith.addi %mul3A_0, %add3A_675 : i32
    %add3A_677 = vector.broadcast %add3A_676 : i32 to vector<16xi32>
    %add3A_678 = arith.addi %add3A_677, %iota3A : vector<16xi32>
    %eq3A_679 = arith.constant 1 : i32
    %eq3A_680 = vector.broadcast %eq3A_679 : i32 to vector<16xi32>
    %eq3A_681 = arith.cmpi eq, %get3A_667, %eq3A_680 : vector<16xi32>
    %add3A_682 = arith.constant 16384 : i32
    %add3A_683 = vector.broadcast %add3A_682 : i32 to vector<16xi32>
    %add3A_684 = arith.addi %add3A_683, %add3A_678 : vector<16xi32>
    %sub3A_685 = arith.subi %add3A_684, %add3A_674 : vector<16xi32>
    %select_n3A_686 = arith.select %eq3A_681, %add3A_674, %sub3A_685 : vector<16xi1>, vector<16xi32>
    %swap3A_687 = arith.constant 1 : i32
    %swap3A_688 = arith.index_cast %swap3A_687 : i32 to index
    %swap3A_689 = arith.constant 32 : index
    %swap3A_690 = tpu.vector_load %arg8[%swap3A_688, %swap3A_689] {strides = array<i32>} : memref<8x128xi32, #tpu.memory_space<vmem>>, vector<16xi32>,
    tpu.vector_store %arg8[%swap3A_688, %swap3A_689], %select_n3A_686 {strides = array<i32>} : memref<8x128xi32, #tpu.memory_space<vmem>>, vector<16xi32>,
    %slice3A_691 = vector.extract_strided_slice %masked_cumsum3A_670 {offsets = [15], sizes = [1], strides = [1]} : vector<16xi32> to vector<1xi32>
    %squeeze3A_692 = vector.extract %slice3A_691[0] : i32 from vector<1xi32>
    %add3A_693 = arith.addi %add3A_665, %squeeze3A_692 : i32
    %get3A_694 = arith.constant 176 : index
    %get3A_695 = tpu.vector_load %arg6[%get3A_694] {strides = array<i32>} : memref<1024xi32, #tpu.memory_space<vmem>>, vector<16xi32>,
    %broadcast_in_dim3A_696 = arith.constant true
    %broadcast_in_dim3A_697 = vector.broadcast %broadcast_in_dim3A_696 : i1 to vector<16xi1>
    %masked_cumsum3A_698 = tpu.scan <sum>, %get3A_695 masked %broadcast_in_dim3A_697 : vector<16xi32>, vector<16xi1> -> vector<16xi32>
    %sub3A_699 = arith.subi %masked_cumsum3A_698, %get3A_695 : vector<16xi32>
    %add3A_700 = arith.addi %reduce_sum3A_348, %add3A_693 : i32
    %add3A_701 = vector.broadcast %add3A_700 : i32 to vector<16xi32>
    %add3A_702 = arith.addi %add3A_701, %sub3A_699 : vector<16xi32>
    %add3A_703 = arith.constant 176 : i32
    %add3A_704 = arith.addi %mul3A_0, %add3A_703 : i32
    %add3A_705 = vector.broadcast %add3A_704 : i32 to vector<16xi32>
    %add3A_706 = arith.addi %add3A_705, %iota3A : vector<16xi32>
    %eq3A_707 = arith.constant 1 : i32
    %eq3A_708 = vector.broadcast %eq3A_707 : i32 to vector<16xi32>
    %eq3A_709 = arith.cmpi eq, %get3A_695, %eq3A_708 : vector<16xi32>
    %add3A_710 = arith.constant 16384 : i32
    %add3A_711 = vector.broadcast %add3A_710 : i32 to vector<16xi32>
    %add3A_712 = arith.addi %add3A_711, %add3A_706 : vector<16xi32>
    %sub3A_713 = arith.subi %add3A_712, %add3A_702 : vector<16xi32>
    %select_n3A_714 = arith.select %eq3A_709, %add3A_702, %sub3A_713 : vector<16xi1>, vector<16xi32>
    %swap3A_715 = arith.constant 1 : i32
    %swap3A_716 = arith.index_cast %swap3A_715 : i32 to index
    %swap3A_717 = arith.constant 48 : index
    %swap3A_718 = tpu.vector_load %arg8[%swap3A_716, %swap3A_717] {strides = array<i32>} : memref<8x128xi32, #tpu.memory_space<vmem>>, vector<16xi32>,
    tpu.vector_store %arg8[%swap3A_716, %swap3A_717], %select_n3A_714 {strides = array<i32>} : memref<8x128xi32, #tpu.memory_space<vmem>>, vector<16xi32>,
    %slice3A_719 = vector.extract_strided_slice %masked_cumsum3A_698 {offsets = [15], sizes = [1], strides = [1]} : vector<16xi32> to vector<1xi32>
    %squeeze3A_720 = vector.extract %slice3A_719[0] : i32 from vector<1xi32>
    %add3A_721 = arith.addi %add3A_693, %squeeze3A_720 : i32
    %get3A_722 = arith.constant 192 : index
    %get3A_723 = tpu.vector_load %arg6[%get3A_722] {strides = array<i32>} : memref<1024xi32, #tpu.memory_space<vmem>>, vector<16xi32>,
    %broadcast_in_dim3A_724 = arith.constant true
    %broadcast_in_dim3A_725 = vector.broadcast %broadcast_in_dim3A_724 : i1 to vector<16xi1>
    %masked_cumsum3A_726 = tpu.scan <sum>, %get3A_723 masked %broadcast_in_dim3A_725 : vector<16xi32>, vector<16xi1> -> vector<16xi32>
    %sub3A_727 = arith.subi %masked_cumsum3A_726, %get3A_723 : vector<16xi32>
    %add3A_728 = arith.addi %reduce_sum3A_348, %add3A_721 : i32
    %add3A_729 = vector.broadcast %add3A_728 : i32 to vector<16xi32>
    %add3A_730 = arith.addi %add3A_729, %sub3A_727 : vector<16xi32>
    %add3A_731 = arith.constant 192 : i32
    %add3A_732 = arith.addi %mul3A_0, %add3A_731 : i32
    %add3A_733 = vector.broadcast %add3A_732 : i32 to vector<16xi32>
    %add3A_734 = arith.addi %add3A_733, %iota3A : vector<16xi32>
    %eq3A_735 = arith.constant 1 : i32
    %eq3A_736 = vector.broadcast %eq3A_735 : i32 to vector<16xi32>
    %eq3A_737 = arith.cmpi eq, %get3A_723, %eq3A_736 : vector<16xi32>
    %add3A_738 = arith.constant 16384 : i32
    %add3A_739 = vector.broadcast %add3A_738 : i32 to vector<16xi32>
    %add3A_740 = arith.addi %add3A_739, %add3A_734 : vector<16xi32>
    %sub3A_741 = arith.subi %add3A_740, %add3A_730 : vector<16xi32>
    %select_n3A_742 = arith.select %eq3A_737, %add3A_730, %sub3A_741 : vector<16xi1>, vector<16xi32>
    %swap3A_743 = arith.constant 1 : i32
    %swap3A_744 = arith.index_cast %swap3A_743 : i32 to index
    %swap3A_745 = arith.constant 64 : index
    %swap3A_746 = tpu.vector_load %arg8[%swap3A_744, %swap3A_745] {strides = array<i32>} : memref<8x128xi32, #tpu.memory_space<vmem>>, vector<16xi32>,
    tpu.vector_store %arg8[%swap3A_744, %swap3A_745], %select_n3A_742 {strides = array<i32>} : memref<8x128xi32, #tpu.memory_space<vmem>>, vector<16xi32>,
    %slice3A_747 = vector.extract_strided_slice %masked_cumsum3A_726 {offsets = [15], sizes = [1], strides = [1]} : vector<16xi32> to vector<1xi32>
    %squeeze3A_748 = vector.extract %slice3A_747[0] : i32 from vector<1xi32>
    %add3A_749 = arith.addi %add3A_721, %squeeze3A_748 : i32
    %get3A_750 = arith.constant 208 : index
    %get3A_751 = tpu.vector_load %arg6[%get3A_750] {strides = array<i32>} : memref<1024xi32, #tpu.memory_space<vmem>>, vector<16xi32>,
    %broadcast_in_dim3A_752 = arith.constant true
    %broadcast_in_dim3A_753 = vector.broadcast %broadcast_in_dim3A_752 : i1 to vector<16xi1>
    %masked_cumsum3A_754 = tpu.scan <sum>, %get3A_751 masked %broadcast_in_dim3A_753 : vector<16xi32>, vector<16xi1> -> vector<16xi32>
    %sub3A_755 = arith.subi %masked_cumsum3A_754, %get3A_751 : vector<16xi32>
    %add3A_756 = arith.addi %reduce_sum3A_348, %add3A_749 : i32
    %add3A_757 = vector.broadcast %add3A_756 : i32 to vector<16xi32>
    %add3A_758 = arith.addi %add3A_757, %sub3A_755 : vector<16xi32>
    %add3A_759 = arith.constant 208 : i32
    %add3A_760 = arith.addi %mul3A_0, %add3A_759 : i32
    %add3A_761 = vector.broadcast %add3A_760 : i32 to vector<16xi32>
    %add3A_762 = arith.addi %add3A_761, %iota3A : vector<16xi32>
    %eq3A_763 = arith.constant 1 : i32
    %eq3A_764 = vector.broadcast %eq3A_763 : i32 to vector<16xi32>
    %eq3A_765 = arith.cmpi eq, %get3A_751, %eq3A_764 : vector<16xi32>
    %add3A_766 = arith.constant 16384 : i32
    %add3A_767 = vector.broadcast %add3A_766 : i32 to vector<16xi32>
    %add3A_768 = arith.addi %add3A_767, %add3A_762 : vector<16xi32>
    %sub3A_769 = arith.subi %add3A_768, %add3A_758 : vector<16xi32>
    %select_n3A_770 = arith.select %eq3A_765, %add3A_758, %sub3A_769 : vector<16xi1>, vector<16xi32>
    %swap3A_771 = arith.constant 1 : i32
    %swap3A_772 = arith.index_cast %swap3A_771 : i32 to index
    %swap3A_773 = arith.constant 80 : index
    %swap3A_774 = tpu.vector_load %arg8[%swap3A_772, %swap3A_773] {strides = array<i32>} : memref<8x128xi32, #tpu.memory_space<vmem>>, vector<16xi32>,
    tpu.vector_store %arg8[%swap3A_772, %swap3A_773], %select_n3A_770 {strides = array<i32>} : memref<8x128xi32, #tpu.memory_space<vmem>>, vector<16xi32>,
    %slice3A_775 = vector.extract_strided_slice %masked_cumsum3A_754 {offsets = [15], sizes = [1], strides = [1]} : vector<16xi32> to vector<1xi32>
    %squeeze3A_776 = vector.extract %slice3A_775[0] : i32 from vector<1xi32>
    %add3A_777 = arith.addi %add3A_749, %squeeze3A_776 : i32
    %get3A_778 = arith.constant 224 : index
    %get3A_779 = tpu.vector_load %arg6[%get3A_778] {strides = array<i32>} : memref<1024xi32, #tpu.memory_space<vmem>>, vector<16xi32>,
    %broadcast_in_dim3A_780 = arith.constant true
    %broadcast_in_dim3A_781 = vector.broadcast %broadcast_in_dim3A_780 : i1 to vector<16xi1>
    %masked_cumsum3A_782 = tpu.scan <sum>, %get3A_779 masked %broadcast_in_dim3A_781 : vector<16xi32>, vector<16xi1> -> vector<16xi32>
    %sub3A_783 = arith.subi %masked_cumsum3A_782, %get3A_779 : vector<16xi32>
    %add3A_784 = arith.addi %reduce_sum3A_348, %add3A_777 : i32
    %add3A_785 = vector.broadcast %add3A_784 : i32 to vector<16xi32>
    %add3A_786 = arith.addi %add3A_785, %sub3A_783 : vector<16xi32>
    %add3A_787 = arith.constant 224 : i32
    %add3A_788 = arith.addi %mul3A_0, %add3A_787 : i32
    %add3A_789 = vector.broadcast %add3A_788 : i32 to vector<16xi32>
    %add3A_790 = arith.addi %add3A_789, %iota3A : vector<16xi32>
    %eq3A_791 = arith.constant 1 : i32
    %eq3A_792 = vector.broadcast %eq3A_791 : i32 to vector<16xi32>
    %eq3A_793 = arith.cmpi eq, %get3A_779, %eq3A_792 : vector<16xi32>
    %add3A_794 = arith.constant 16384 : i32
    %add3A_795 = vector.broadcast %add3A_794 : i32 to vector<16xi32>
    %add3A_796 = arith.addi %add3A_795, %add3A_790 : vector<16xi32>
    %sub3A_797 = arith.subi %add3A_796, %add3A_786 : vector<16xi32>
    %select_n3A_798 = arith.select %eq3A_793, %add3A_786, %sub3A_797 : vector<16xi1>, vector<16xi32>
    %swap3A_799 = arith.constant 1 : i32
    %swap3A_800 = arith.index_cast %swap3A_799 : i32 to index
    %swap3A_801 = arith.constant 96 : index
    %swap3A_802 = tpu.vector_load %arg8[%swap3A_800, %swap3A_801] {strides = array<i32>} : memref<8x128xi32, #tpu.memory_space<vmem>>, vector<16xi32>,
    tpu.vector_store %arg8[%swap3A_800, %swap3A_801], %select_n3A_798 {strides = array<i32>} : memref<8x128xi32, #tpu.memory_space<vmem>>, vector<16xi32>,
    %slice3A_803 = vector.extract_strided_slice %masked_cumsum3A_782 {offsets = [15], sizes = [1], strides = [1]} : vector<16xi32> to vector<1xi32>
    %squeeze3A_804 = vector.extract %slice3A_803[0] : i32 from vector<1xi32>
    %add3A_805 = arith.addi %add3A_777, %squeeze3A_804 : i32
    %get3A_806 = arith.constant 240 : index
    %get3A_807 = tpu.vector_load %arg6[%get3A_806] {strides = array<i32>} : memref<1024xi32, #tpu.memory_space<vmem>>, vector<16xi32>,
    %broadcast_in_dim3A_808 = arith.constant true
    %broadcast_in_dim3A_809 = vector.broadcast %broadcast_in_dim3A_808 : i1 to vector<16xi1>
    %masked_cumsum3A_810 = tpu.scan <sum>, %get3A_807 masked %broadcast_in_dim3A_809 : vector<16xi32>, vector<16xi1> -> vector<16xi32>
    %sub3A_811 = arith.subi %masked_cumsum3A_810, %get3A_807 : vector<16xi32>
    %add3A_812 = arith.addi %reduce_sum3A_348, %add3A_805 : i32
    %add3A_813 = vector.broadcast %add3A_812 : i32 to vector<16xi32>
    %add3A_814 = arith.addi %add3A_813, %sub3A_811 : vector<16xi32>
    %add3A_815 = arith.constant 240 : i32
    %add3A_816 = arith.addi %mul3A_0, %add3A_815 : i32
    %add3A_817 = vector.broadcast %add3A_816 : i32 to vector<16xi32>
    %add3A_818 = arith.addi %add3A_817, %iota3A : vector<16xi32>
    %eq3A_819 = arith.constant 1 : i32
    %eq3A_820 = vector.broadcast %eq3A_819 : i32 to vector<16xi32>
    %eq3A_821 = arith.cmpi eq, %get3A_807, %eq3A_820 : vector<16xi32>
    %add3A_822 = arith.constant 16384 : i32
    %add3A_823 = vector.broadcast %add3A_822 : i32 to vector<16xi32>
    %add3A_824 = arith.addi %add3A_823, %add3A_818 : vector<16xi32>
    %sub3A_825 = arith.subi %add3A_824, %add3A_814 : vector<16xi32>
    %select_n3A_826 = arith.select %eq3A_821, %add3A_814, %sub3A_825 : vector<16xi1>, vector<16xi32>
    %swap3A_827 = arith.constant 1 : i32
    %swap3A_828 = arith.index_cast %swap3A_827 : i32 to index
    %swap3A_829 = arith.constant 112 : index
    %swap3A_830 = tpu.vector_load %arg8[%swap3A_828, %swap3A_829] {strides = array<i32>} : memref<8x128xi32, #tpu.memory_space<vmem>>, vector<16xi32>,
    tpu.vector_store %arg8[%swap3A_828, %swap3A_829], %select_n3A_826 {strides = array<i32>} : memref<8x128xi32, #tpu.memory_space<vmem>>, vector<16xi32>,
    %slice3A_831 = vector.extract_strided_slice %masked_cumsum3A_810 {offsets = [15], sizes = [1], strides = [1]} : vector<16xi32> to vector<1xi32>
    %squeeze3A_832 = vector.extract %slice3A_831[0] : i32 from vector<1xi32>
    %add3A_833 = arith.addi %add3A_805, %squeeze3A_832 : i32
    %get3A_834 = arith.constant 256 : index
    %get3A_835 = tpu.vector_load %arg6[%get3A_834] {strides = array<i32>} : memref<1024xi32, #tpu.memory_space<vmem>>, vector<16xi32>,
    %broadcast_in_dim3A_836 = arith.constant true
    %broadcast_in_dim3A_837 = vector.broadcast %broadcast_in_dim3A_836 : i1 to vector<16xi1>
    %masked_cumsum3A_838 = tpu.scan <sum>, %get3A_835 masked %broadcast_in_dim3A_837 : vector<16xi32>, vector<16xi1> -> vector<16xi32>
    %sub3A_839 = arith.subi %masked_cumsum3A_838, %get3A_835 : vector<16xi32>
    %add3A_840 = arith.addi %reduce_sum3A_348, %add3A_833 : i32
    %add3A_841 = vector.broadcast %add3A_840 : i32 to vector<16xi32>
    %add3A_842 = arith.addi %add3A_841, %sub3A_839 : vector<16xi32>
    %add3A_843 = arith.constant 256 : i32
    %add3A_844 = arith.addi %mul3A_0, %add3A_843 : i32
    %add3A_845 = vector.broadcast %add3A_844 : i32 to vector<16xi32>
    %add3A_846 = arith.addi %add3A_845, %iota3A : vector<16xi32>
    %eq3A_847 = arith.constant 1 : i32
    %eq3A_848 = vector.broadcast %eq3A_847 : i32 to vector<16xi32>
    %eq3A_849 = arith.cmpi eq, %get3A_835, %eq3A_848 : vector<16xi32>
    %add3A_850 = arith.constant 16384 : i32
    %add3A_851 = vector.broadcast %add3A_850 : i32 to vector<16xi32>
    %add3A_852 = arith.addi %add3A_851, %add3A_846 : vector<16xi32>
    %sub3A_853 = arith.subi %add3A_852, %add3A_842 : vector<16xi32>
    %select_n3A_854 = arith.select %eq3A_849, %add3A_842, %sub3A_853 : vector<16xi1>, vector<16xi32>
    %swap3A_855 = arith.constant 2 : i32
    %swap3A_856 = arith.index_cast %swap3A_855 : i32 to index
    %swap3A_857 = arith.constant 0 : index
    %swap3A_858 = tpu.vector_load %arg8[%swap3A_856, %swap3A_857] {strides = array<i32>} : memref<8x128xi32, #tpu.memory_space<vmem>>, vector<16xi32>,
    tpu.vector_store %arg8[%swap3A_856, %swap3A_857], %select_n3A_854 {strides = array<i32>} : memref<8x128xi32, #tpu.memory_space<vmem>>, vector<16xi32>,
    %slice3A_859 = vector.extract_strided_slice %masked_cumsum3A_838 {offsets = [15], sizes = [1], strides = [1]} : vector<16xi32> to vector<1xi32>
    %squeeze3A_860 = vector.extract %slice3A_859[0] : i32 from vector<1xi32>
    %add3A_861 = arith.addi %add3A_833, %squeeze3A_860 : i32
    %get3A_862 = arith.constant 272 : index
    %get3A_863 = tpu.vector_load %arg6[%get3A_862] {strides = array<i32>} : memref<1024xi32, #tpu.memory_space<vmem>>, vector<16xi32>,
    %broadcast_in_dim3A_864 = arith.constant true
    %broadcast_in_dim3A_865 = vector.broadcast %broadcast_in_dim3A_864 : i1 to vector<16xi1>
    %masked_cumsum3A_866 = tpu.scan <sum>, %get3A_863 masked %broadcast_in_dim3A_865 : vector<16xi32>, vector<16xi1> -> vector<16xi32>
    %sub3A_867 = arith.subi %masked_cumsum3A_866, %get3A_863 : vector<16xi32>
    %add3A_868 = arith.addi %reduce_sum3A_348, %add3A_861 : i32
    %add3A_869 = vector.broadcast %add3A_868 : i32 to vector<16xi32>
    %add3A_870 = arith.addi %add3A_869, %sub3A_867 : vector<16xi32>
    %add3A_871 = arith.constant 272 : i32
    %add3A_872 = arith.addi %mul3A_0, %add3A_871 : i32
    %add3A_873 = vector.broadcast %add3A_872 : i32 to vector<16xi32>
    %add3A_874 = arith.addi %add3A_873, %iota3A : vector<16xi32>
    %eq3A_875 = arith.constant 1 : i32
    %eq3A_876 = vector.broadcast %eq3A_875 : i32 to vector<16xi32>
    %eq3A_877 = arith.cmpi eq, %get3A_863, %eq3A_876 : vector<16xi32>
    %add3A_878 = arith.constant 16384 : i32
    %add3A_879 = vector.broadcast %add3A_878 : i32 to vector<16xi32>
    %add3A_880 = arith.addi %add3A_879, %add3A_874 : vector<16xi32>
    %sub3A_881 = arith.subi %add3A_880, %add3A_870 : vector<16xi32>
    %select_n3A_882 = arith.select %eq3A_877, %add3A_870, %sub3A_881 : vector<16xi1>, vector<16xi32>
    %swap3A_883 = arith.constant 2 : i32
    %swap3A_884 = arith.index_cast %swap3A_883 : i32 to index
    %swap3A_885 = arith.constant 16 : index
    %swap3A_886 = tpu.vector_load %arg8[%swap3A_884, %swap3A_885] {strides = array<i32>} : memref<8x128xi32, #tpu.memory_space<vmem>>, vector<16xi32>,
    tpu.vector_store %arg8[%swap3A_884, %swap3A_885], %select_n3A_882 {strides = array<i32>} : memref<8x128xi32, #tpu.memory_space<vmem>>, vector<16xi32>,
    %slice3A_887 = vector.extract_strided_slice %masked_cumsum3A_866 {offsets = [15], sizes = [1], strides = [1]} : vector<16xi32> to vector<1xi32>
    %squeeze3A_888 = vector.extract %slice3A_887[0] : i32 from vector<1xi32>
    %add3A_889 = arith.addi %add3A_861, %squeeze3A_888 : i32
    %get3A_890 = arith.constant 288 : index
    %get3A_891 = tpu.vector_load %arg6[%get3A_890] {strides = array<i32>} : memref<1024xi32, #tpu.memory_space<vmem>>, vector<16xi32>,
    %broadcast_in_dim3A_892 = arith.constant true
    %broadcast_in_dim3A_893 = vector.broadcast %broadcast_in_dim3A_892 : i1 to vector<16xi1>
    %masked_cumsum3A_894 = tpu.scan <sum>, %get3A_891 masked %broadcast_in_dim3A_893 : vector<16xi32>, vector<16xi1> -> vector<16xi32>
    %sub3A_895 = arith.subi %masked_cumsum3A_894, %get3A_891 : vector<16xi32>
    %add3A_896 = arith.addi %reduce_sum3A_348, %add3A_889 : i32
    %add3A_897 = vector.broadcast %add3A_896 : i32 to vector<16xi32>
    %add3A_898 = arith.addi %add3A_897, %sub3A_895 : vector<16xi32>
    %add3A_899 = arith.constant 288 : i32
    %add3A_900 = arith.addi %mul3A_0, %add3A_899 : i32
    %add3A_901 = vector.broadcast %add3A_900 : i32 to vector<16xi32>
    %add3A_902 = arith.addi %add3A_901, %iota3A : vector<16xi32>
    %eq3A_903 = arith.constant 1 : i32
    %eq3A_904 = vector.broadcast %eq3A_903 : i32 to vector<16xi32>
    %eq3A_905 = arith.cmpi eq, %get3A_891, %eq3A_904 : vector<16xi32>
    %add3A_906 = arith.constant 16384 : i32
    %add3A_907 = vector.broadcast %add3A_906 : i32 to vector<16xi32>
    %add3A_908 = arith.addi %add3A_907, %add3A_902 : vector<16xi32>
    %sub3A_909 = arith.subi %add3A_908, %add3A_898 : vector<16xi32>
    %select_n3A_910 = arith.select %eq3A_905, %add3A_898, %sub3A_909 : vector<16xi1>, vector<16xi32>
    %swap3A_911 = arith.constant 2 : i32
    %swap3A_912 = arith.index_cast %swap3A_911 : i32 to index
    %swap3A_913 = arith.constant 32 : index
    %swap3A_914 = tpu.vector_load %arg8[%swap3A_912, %swap3A_913] {strides = array<i32>} : memref<8x128xi32, #tpu.memory_space<vmem>>, vector<16xi32>,
    tpu.vector_store %arg8[%swap3A_912, %swap3A_913], %select_n3A_910 {strides = array<i32>} : memref<8x128xi32, #tpu.memory_space<vmem>>, vector<16xi32>,
    %slice3A_915 = vector.extract_strided_slice %masked_cumsum3A_894 {offsets = [15], sizes = [1], strides = [1]} : vector<16xi32> to vector<1xi32>
    %squeeze3A_916 = vector.extract %slice3A_915[0] : i32 from vector<1xi32>
    %add3A_917 = arith.addi %add3A_889, %squeeze3A_916 : i32
    %get3A_918 = arith.constant 304 : index
    %get3A_919 = tpu.vector_load %arg6[%get3A_918] {strides = array<i32>} : memref<1024xi32, #tpu.memory_space<vmem>>, vector<16xi32>,
    %broadcast_in_dim3A_920 = arith.constant true
    %broadcast_in_dim3A_921 = vector.broadcast %broadcast_in_dim3A_920 : i1 to vector<16xi1>
    %masked_cumsum3A_922 = tpu.scan <sum>, %get3A_919 masked %broadcast_in_dim3A_921 : vector<16xi32>, vector<16xi1> -> vector<16xi32>
    %sub3A_923 = arith.subi %masked_cumsum3A_922, %get3A_919 : vector<16xi32>
    %add3A_924 = arith.addi %reduce_sum3A_348, %add3A_917 : i32
    %add3A_925 = vector.broadcast %add3A_924 : i32 to vector<16xi32>
    %add3A_926 = arith.addi %add3A_925, %sub3A_923 : vector<16xi32>
    %add3A_927 = arith.constant 304 : i32
    %add3A_928 = arith.addi %mul3A_0, %add3A_927 : i32
    %add3A_929 = vector.broadcast %add3A_928 : i32 to vector<16xi32>
    %add3A_930 = arith.addi %add3A_929, %iota3A : vector<16xi32>
    %eq3A_931 = arith.constant 1 : i32
    %eq3A_932 = vector.broadcast %eq3A_931 : i32 to vector<16xi32>
    %eq3A_933 = arith.cmpi eq, %get3A_919, %eq3A_932 : vector<16xi32>
    %add3A_934 = arith.constant 16384 : i32
    %add3A_935 = vector.broadcast %add3A_934 : i32 to vector<16xi32>
    %add3A_936 = arith.addi %add3A_935, %add3A_930 : vector<16xi32>
    %sub3A_937 = arith.subi %add3A_936, %add3A_926 : vector<16xi32>
    %select_n3A_938 = arith.select %eq3A_933, %add3A_926, %sub3A_937 : vector<16xi1>, vector<16xi32>
    %swap3A_939 = arith.constant 2 : i32
    %swap3A_940 = arith.index_cast %swap3A_939 : i32 to index
    %swap3A_941 = arith.constant 48 : index
    %swap3A_942 = tpu.vector_load %arg8[%swap3A_940, %swap3A_941] {strides = array<i32>} : memref<8x128xi32, #tpu.memory_space<vmem>>, vector<16xi32>,
    tpu.vector_store %arg8[%swap3A_940, %swap3A_941], %select_n3A_938 {strides = array<i32>} : memref<8x128xi32, #tpu.memory_space<vmem>>, vector<16xi32>,
    %slice3A_943 = vector.extract_strided_slice %masked_cumsum3A_922 {offsets = [15], sizes = [1], strides = [1]} : vector<16xi32> to vector<1xi32>
    %squeeze3A_944 = vector.extract %slice3A_943[0] : i32 from vector<1xi32>
    %add3A_945 = arith.addi %add3A_917, %squeeze3A_944 : i32
    %get3A_946 = arith.constant 320 : index
    %get3A_947 = tpu.vector_load %arg6[%get3A_946] {strides = array<i32>} : memref<1024xi32, #tpu.memory_space<vmem>>, vector<16xi32>,
    %broadcast_in_dim3A_948 = arith.constant true
    %broadcast_in_dim3A_949 = vector.broadcast %broadcast_in_dim3A_948 : i1 to vector<16xi1>
    %masked_cumsum3A_950 = tpu.scan <sum>, %get3A_947 masked %broadcast_in_dim3A_949 : vector<16xi32>, vector<16xi1> -> vector<16xi32>
    %sub3A_951 = arith.subi %masked_cumsum3A_950, %get3A_947 : vector<16xi32>
    %add3A_952 = arith.addi %reduce_sum3A_348, %add3A_945 : i32
    %add3A_953 = vector.broadcast %add3A_952 : i32 to vector<16xi32>
    %add3A_954 = arith.addi %add3A_953, %sub3A_951 : vector<16xi32>
    %add3A_955 = arith.constant 320 : i32
    %add3A_956 = arith.addi %mul3A_0, %add3A_955 : i32
    %add3A_957 = vector.broadcast %add3A_956 : i32 to vector<16xi32>
    %add3A_958 = arith.addi %add3A_957, %iota3A : vector<16xi32>
    %eq3A_959 = arith.constant 1 : i32
    %eq3A_960 = vector.broadcast %eq3A_959 : i32 to vector<16xi32>
    %eq3A_961 = arith.cmpi eq, %get3A_947, %eq3A_960 : vector<16xi32>
    %add3A_962 = arith.constant 16384 : i32
    %add3A_963 = vector.broadcast %add3A_962 : i32 to vector<16xi32>
    %add3A_964 = arith.addi %add3A_963, %add3A_958 : vector<16xi32>
    %sub3A_965 = arith.subi %add3A_964, %add3A_954 : vector<16xi32>
    %select_n3A_966 = arith.select %eq3A_961, %add3A_954, %sub3A_965 : vector<16xi1>, vector<16xi32>
    %swap3A_967 = arith.constant 2 : i32
    %swap3A_968 = arith.index_cast %swap3A_967 : i32 to index
    %swap3A_969 = arith.constant 64 : index
    %swap3A_970 = tpu.vector_load %arg8[%swap3A_968, %swap3A_969] {strides = array<i32>} : memref<8x128xi32, #tpu.memory_space<vmem>>, vector<16xi32>,
    tpu.vector_store %arg8[%swap3A_968, %swap3A_969], %select_n3A_966 {strides = array<i32>} : memref<8x128xi32, #tpu.memory_space<vmem>>, vector<16xi32>,
    %slice3A_971 = vector.extract_strided_slice %masked_cumsum3A_950 {offsets = [15], sizes = [1], strides = [1]} : vector<16xi32> to vector<1xi32>
    %squeeze3A_972 = vector.extract %slice3A_971[0] : i32 from vector<1xi32>
    %add3A_973 = arith.addi %add3A_945, %squeeze3A_972 : i32
    %get3A_974 = arith.constant 336 : index
    %get3A_975 = tpu.vector_load %arg6[%get3A_974] {strides = array<i32>} : memref<1024xi32, #tpu.memory_space<vmem>>, vector<16xi32>,
    %broadcast_in_dim3A_976 = arith.constant true
    %broadcast_in_dim3A_977 = vector.broadcast %broadcast_in_dim3A_976 : i1 to vector<16xi1>
    %masked_cumsum3A_978 = tpu.scan <sum>, %get3A_975 masked %broadcast_in_dim3A_977 : vector<16xi32>, vector<16xi1> -> vector<16xi32>
    %sub3A_979 = arith.subi %masked_cumsum3A_978, %get3A_975 : vector<16xi32>
    %add3A_980 = arith.addi %reduce_sum3A_348, %add3A_973 : i32
    %add3A_981 = vector.broadcast %add3A_980 : i32 to vector<16xi32>
    %add3A_982 = arith.addi %add3A_981, %sub3A_979 : vector<16xi32>
    %add3A_983 = arith.constant 336 : i32
    %add3A_984 = arith.addi %mul3A_0, %add3A_983 : i32
    %add3A_985 = vector.broadcast %add3A_984 : i32 to vector<16xi32>
    %add3A_986 = arith.addi %add3A_985, %iota3A : vector<16xi32>
    %eq3A_987 = arith.constant 1 : i32
    %eq3A_988 = vector.broadcast %eq3A_987 : i32 to vector<16xi32>
    %eq3A_989 = arith.cmpi eq, %get3A_975, %eq3A_988 : vector<16xi32>
    %add3A_990 = arith.constant 16384 : i32
    %add3A_991 = vector.broadcast %add3A_990 : i32 to vector<16xi32>
    %add3A_992 = arith.addi %add3A_991, %add3A_986 : vector<16xi32>
    %sub3A_993 = arith.subi %add3A_992, %add3A_982 : vector<16xi32>
    %select_n3A_994 = arith.select %eq3A_989, %add3A_982, %sub3A_993 : vector<16xi1>, vector<16xi32>
    %swap3A_995 = arith.constant 2 : i32
    %swap3A_996 = arith.index_cast %swap3A_995 : i32 to index
    %swap3A_997 = arith.constant 80 : index
    %swap3A_998 = tpu.vector_load %arg8[%swap3A_996, %swap3A_997] {strides = array<i32>} : memref<8x128xi32, #tpu.memory_space<vmem>>, vector<16xi32>,
    tpu.vector_store %arg8[%swap3A_996, %swap3A_997], %select_n3A_994 {strides = array<i32>} : memref<8x128xi32, #tpu.memory_space<vmem>>, vector<16xi32>,
    %slice3A_999 = vector.extract_strided_slice %masked_cumsum3A_978 {offsets = [15], sizes = [1], strides = [1]} : vector<16xi32> to vector<1xi32>
    %squeeze3A_1000 = vector.extract %slice3A_999[0] : i32 from vector<1xi32>
    %add3A_1001 = arith.addi %add3A_973, %squeeze3A_1000 : i32
    %get3A_1002 = arith.constant 352 : index
    %get3A_1003 = tpu.vector_load %arg6[%get3A_1002] {strides = array<i32>} : memref<1024xi32, #tpu.memory_space<vmem>>, vector<16xi32>,
    %broadcast_in_dim3A_1004 = arith.constant true
    %broadcast_in_dim3A_1005 = vector.broadcast %broadcast_in_dim3A_1004 : i1 to vector<16xi1>
    %masked_cumsum3A_1006 = tpu.scan <sum>, %get3A_1003 masked %broadcast_in_dim3A_1005 : vector<16xi32>, vector<16xi1> -> vector<16xi32>
    %sub3A_1007 = arith.subi %masked_cumsum3A_1006, %get3A_1003 : vector<16xi32>
    %add3A_1008 = arith.addi %reduce_sum3A_348, %add3A_1001 : i32
    %add3A_1009 = vector.broadcast %add3A_1008 : i32 to vector<16xi32>
    %add3A_1010 = arith.addi %add3A_1009, %sub3A_1007 : vector<16xi32>
    %add3A_1011 = arith.constant 352 : i32
    %add3A_1012 = arith.addi %mul3A_0, %add3A_1011 : i32
    %add3A_1013 = vector.broadcast %add3A_1012 : i32 to vector<16xi32>
    %add3A_1014 = arith.addi %add3A_1013, %iota3A : vector<16xi32>
    %eq3A_1015 = arith.constant 1 : i32
    %eq3A_1016 = vector.broadcast %eq3A_1015 : i32 to vector<16xi32>
    %eq3A_1017 = arith.cmpi eq, %get3A_1003, %eq3A_1016 : vector<16xi32>
    %add3A_1018 = arith.constant 16384 : i32
    %add3A_1019 = vector.broadcast %add3A_1018 : i32 to vector<16xi32>
    %add3A_1020 = arith.addi %add3A_1019, %add3A_1014 : vector<16xi32>
    %sub3A_1021 = arith.subi %add3A_1020, %add3A_1010 : vector<16xi32>
    %select_n3A_1022 = arith.select %eq3A_1017, %add3A_1010, %sub3A_1021 : vector<16xi1>, vector<16xi32>
    %swap3A_1023 = arith.constant 2 : i32
    %swap3A_1024 = arith.index_cast %swap3A_1023 : i32 to index
    %swap3A_1025 = arith.constant 96 : index
    %swap3A_1026 = tpu.vector_load %arg8[%swap3A_1024, %swap3A_1025] {strides = array<i32>} : memref<8x128xi32, #tpu.memory_space<vmem>>, vector<16xi32>,
    tpu.vector_store %arg8[%swap3A_1024, %swap3A_1025], %select_n3A_1022 {strides = array<i32>} : memref<8x128xi32, #tpu.memory_space<vmem>>, vector<16xi32>,
    %slice3A_1027 = vector.extract_strided_slice %masked_cumsum3A_1006 {offsets = [15], sizes = [1], strides = [1]} : vector<16xi32> to vector<1xi32>
    %squeeze3A_1028 = vector.extract %slice3A_1027[0] : i32 from vector<1xi32>
    %add3A_1029 = arith.addi %add3A_1001, %squeeze3A_1028 : i32
    %get3A_1030 = arith.constant 368 : index
    %get3A_1031 = tpu.vector_load %arg6[%get3A_1030] {strides = array<i32>} : memref<1024xi32, #tpu.memory_space<vmem>>, vector<16xi32>,
    %broadcast_in_dim3A_1032 = arith.constant true
    %broadcast_in_dim3A_1033 = vector.broadcast %broadcast_in_dim3A_1032 : i1 to vector<16xi1>
    %masked_cumsum3A_1034 = tpu.scan <sum>, %get3A_1031 masked %broadcast_in_dim3A_1033 : vector<16xi32>, vector<16xi1> -> vector<16xi32>
    %sub3A_1035 = arith.subi %masked_cumsum3A_1034, %get3A_1031 : vector<16xi32>
    %add3A_1036 = arith.addi %reduce_sum3A_348, %add3A_1029 : i32
    %add3A_1037 = vector.broadcast %add3A_1036 : i32 to vector<16xi32>
    %add3A_1038 = arith.addi %add3A_1037, %sub3A_1035 : vector<16xi32>
    %add3A_1039 = arith.constant 368 : i32
    %add3A_1040 = arith.addi %mul3A_0, %add3A_1039 : i32
    %add3A_1041 = vector.broadcast %add3A_1040 : i32 to vector<16xi32>
    %add3A_1042 = arith.addi %add3A_1041, %iota3A : vector<16xi32>
    %eq3A_1043 = arith.constant 1 : i32
    %eq3A_1044 = vector.broadcast %eq3A_1043 : i32 to vector<16xi32>
    %eq3A_1045 = arith.cmpi eq, %get3A_1031, %eq3A_1044 : vector<16xi32>
    %add3A_1046 = arith.constant 16384 : i32
    %add3A_1047 = vector.broadcast %add3A_1046 : i32 to vector<16xi32>
    %add3A_1048 = arith.addi %add3A_1047, %add3A_1042 : vector<16xi32>
    %sub3A_1049 = arith.subi %add3A_1048, %add3A_1038 : vector<16xi32>
    %select_n3A_1050 = arith.select %eq3A_1045, %add3A_1038, %sub3A_1049 : vector<16xi1>, vector<16xi32>
    %swap3A_1051 = arith.constant 2 : i32
    %swap3A_1052 = arith.index_cast %swap3A_1051 : i32 to index
    %swap3A_1053 = arith.constant 112 : index
    %swap3A_1054 = tpu.vector_load %arg8[%swap3A_1052, %swap3A_1053] {strides = array<i32>} : memref<8x128xi32, #tpu.memory_space<vmem>>, vector<16xi32>,
    tpu.vector_store %arg8[%swap3A_1052, %swap3A_1053], %select_n3A_1050 {strides = array<i32>} : memref<8x128xi32, #tpu.memory_space<vmem>>, vector<16xi32>,
    %slice3A_1055 = vector.extract_strided_slice %masked_cumsum3A_1034 {offsets = [15], sizes = [1], strides = [1]} : vector<16xi32> to vector<1xi32>
    %squeeze3A_1056 = vector.extract %slice3A_1055[0] : i32 from vector<1xi32>
    %add3A_1057 = arith.addi %add3A_1029, %squeeze3A_1056 : i32
    %get3A_1058 = arith.constant 384 : index
    %get3A_1059 = tpu.vector_load %arg6[%get3A_1058] {strides = array<i32>} : memref<1024xi32, #tpu.memory_space<vmem>>, vector<16xi32>,
    %broadcast_in_dim3A_1060 = arith.constant true
    %broadcast_in_dim3A_1061 = vector.broadcast %broadcast_in_dim3A_1060 : i1 to vector<16xi1>
    %masked_cumsum3A_1062 = tpu.scan <sum>, %get3A_1059 masked %broadcast_in_dim3A_1061 : vector<16xi32>, vector<16xi1> -> vector<16xi32>
    %sub3A_1063 = arith.subi %masked_cumsum3A_1062, %get3A_1059 : vector<16xi32>
    %add3A_1064 = arith.addi %reduce_sum3A_348, %add3A_1057 : i32
    %add3A_1065 = vector.broadcast %add3A_1064 : i32 to vector<16xi32>
    %add3A_1066 = arith.addi %add3A_1065, %sub3A_1063 : vector<16xi32>
    %add3A_1067 = arith.constant 384 : i32
    %add3A_1068 = arith.addi %mul3A_0, %add3A_1067 : i32
    %add3A_1069 = vector.broadcast %add3A_1068 : i32 to vector<16xi32>
    %add3A_1070 = arith.addi %add3A_1069, %iota3A : vector<16xi32>
    %eq3A_1071 = arith.constant 1 : i32
    %eq3A_1072 = vector.broadcast %eq3A_1071 : i32 to vector<16xi32>
    %eq3A_1073 = arith.cmpi eq, %get3A_1059, %eq3A_1072 : vector<16xi32>
    %add3A_1074 = arith.constant 16384 : i32
    %add3A_1075 = vector.broadcast %add3A_1074 : i32 to vector<16xi32>
    %add3A_1076 = arith.addi %add3A_1075, %add3A_1070 : vector<16xi32>
    %sub3A_1077 = arith.subi %add3A_1076, %add3A_1066 : vector<16xi32>
    %select_n3A_1078 = arith.select %eq3A_1073, %add3A_1066, %sub3A_1077 : vector<16xi1>, vector<16xi32>
    %swap3A_1079 = arith.constant 3 : i32
    %swap3A_1080 = arith.index_cast %swap3A_1079 : i32 to index
    %swap3A_1081 = arith.constant 0 : index
    %swap3A_1082 = tpu.vector_load %arg8[%swap3A_1080, %swap3A_1081] {strides = array<i32>} : memref<8x128xi32, #tpu.memory_space<vmem>>, vector<16xi32>,
    tpu.vector_store %arg8[%swap3A_1080, %swap3A_1081], %select_n3A_1078 {strides = array<i32>} : memref<8x128xi32, #tpu.memory_space<vmem>>, vector<16xi32>,
    %slice3A_1083 = vector.extract_strided_slice %masked_cumsum3A_1062 {offsets = [15], sizes = [1], strides = [1]} : vector<16xi32> to vector<1xi32>
    %squeeze3A_1084 = vector.extract %slice3A_1083[0] : i32 from vector<1xi32>
    %add3A_1085 = arith.addi %add3A_1057, %squeeze3A_1084 : i32
    %get3A_1086 = arith.constant 400 : index
    %get3A_1087 = tpu.vector_load %arg6[%get3A_1086] {strides = array<i32>} : memref<1024xi32, #tpu.memory_space<vmem>>, vector<16xi32>,
    %broadcast_in_dim3A_1088 = arith.constant true
    %broadcast_in_dim3A_1089 = vector.broadcast %broadcast_in_dim3A_1088 : i1 to vector<16xi1>
    %masked_cumsum3A_1090 = tpu.scan <sum>, %get3A_1087 masked %broadcast_in_dim3A_1089 : vector<16xi32>, vector<16xi1> -> vector<16xi32>
    %sub3A_1091 = arith.subi %masked_cumsum3A_1090, %get3A_1087 : vector<16xi32>
    %add3A_1092 = arith.addi %reduce_sum3A_348, %add3A_1085 : i32
    %add3A_1093 = vector.broadcast %add3A_1092 : i32 to vector<16xi32>
    %add3A_1094 = arith.addi %add3A_1093, %sub3A_1091 : vector<16xi32>
    %add3A_1095 = arith.constant 400 : i32
    %add3A_1096 = arith.addi %mul3A_0, %add3A_1095 : i32
    %add3A_1097 = vector.broadcast %add3A_1096 : i32 to vector<16xi32>
    %add3A_1098 = arith.addi %add3A_1097, %iota3A : vector<16xi32>
    %eq3A_1099 = arith.constant 1 : i32
    %eq3A_1100 = vector.broadcast %eq3A_1099 : i32 to vector<16xi32>
    %eq3A_1101 = arith.cmpi eq, %get3A_1087, %eq3A_1100 : vector<16xi32>
    %add3A_1102 = arith.constant 16384 : i32
    %add3A_1103 = vector.broadcast %add3A_1102 : i32 to vector<16xi32>
    %add3A_1104 = arith.addi %add3A_1103, %add3A_1098 : vector<16xi32>
    %sub3A_1105 = arith.subi %add3A_1104, %add3A_1094 : vector<16xi32>
    %select_n3A_1106 = arith.select %eq3A_1101, %add3A_1094, %sub3A_1105 : vector<16xi1>, vector<16xi32>
    %swap3A_1107 = arith.constant 3 : i32
    %swap3A_1108 = arith.index_cast %swap3A_1107 : i32 to index
    %swap3A_1109 = arith.constant 16 : index
    %swap3A_1110 = tpu.vector_load %arg8[%swap3A_1108, %swap3A_1109] {strides = array<i32>} : memref<8x128xi32, #tpu.memory_space<vmem>>, vector<16xi32>,
    tpu.vector_store %arg8[%swap3A_1108, %swap3A_1109], %select_n3A_1106 {strides = array<i32>} : memref<8x128xi32, #tpu.memory_space<vmem>>, vector<16xi32>,
    %slice3A_1111 = vector.extract_strided_slice %masked_cumsum3A_1090 {offsets = [15], sizes = [1], strides = [1]} : vector<16xi32> to vector<1xi32>
    %squeeze3A_1112 = vector.extract %slice3A_1111[0] : i32 from vector<1xi32>
    %add3A_1113 = arith.addi %add3A_1085, %squeeze3A_1112 : i32
    %get3A_1114 = arith.constant 416 : index
    %get3A_1115 = tpu.vector_load %arg6[%get3A_1114] {strides = array<i32>} : memref<1024xi32, #tpu.memory_space<vmem>>, vector<16xi32>,
    %broadcast_in_dim3A_1116 = arith.constant true
    %broadcast_in_dim3A_1117 = vector.broadcast %broadcast_in_dim3A_1116 : i1 to vector<16xi1>
    %masked_cumsum3A_1118 = tpu.scan <sum>, %get3A_1115 masked %broadcast_in_dim3A_1117 : vector<16xi32>, vector<16xi1> -> vector<16xi32>
    %sub3A_1119 = arith.subi %masked_cumsum3A_1118, %get3A_1115 : vector<16xi32>
    %add3A_1120 = arith.addi %reduce_sum3A_348, %add3A_1113 : i32
    %add3A_1121 = vector.broadcast %add3A_1120 : i32 to vector<16xi32>
    %add3A_1122 = arith.addi %add3A_1121, %sub3A_1119 : vector<16xi32>
    %add3A_1123 = arith.constant 416 : i32
    %add3A_1124 = arith.addi %mul3A_0, %add3A_1123 : i32
    %add3A_1125 = vector.broadcast %add3A_1124 : i32 to vector<16xi32>
    %add3A_1126 = arith.addi %add3A_1125, %iota3A : vector<16xi32>
    %eq3A_1127 = arith.constant 1 : i32
    %eq3A_1128 = vector.broadcast %eq3A_1127 : i32 to vector<16xi32>
    %eq3A_1129 = arith.cmpi eq, %get3A_1115, %eq3A_1128 : vector<16xi32>
    %add3A_1130 = arith.constant 16384 : i32
    %add3A_1131 = vector.broadcast %add3A_1130 : i32 to vector<16xi32>
    %add3A_1132 = arith.addi %add3A_1131, %add3A_1126 : vector<16xi32>
    %sub3A_1133 = arith.subi %add3A_1132, %add3A_1122 : vector<16xi32>
    %select_n3A_1134 = arith.select %eq3A_1129, %add3A_1122, %sub3A_1133 : vector<16xi1>, vector<16xi32>
    %swap3A_1135 = arith.constant 3 : i32
    %swap3A_1136 = arith.index_cast %swap3A_1135 : i32 to index
    %swap3A_1137 = arith.constant 32 : index
    %swap3A_1138 = tpu.vector_load %arg8[%swap3A_1136, %swap3A_1137] {strides = array<i32>} : memref<8x128xi32, #tpu.memory_space<vmem>>, vector<16xi32>,
    tpu.vector_store %arg8[%swap3A_1136, %swap3A_1137], %select_n3A_1134 {strides = array<i32>} : memref<8x128xi32, #tpu.memory_space<vmem>>, vector<16xi32>,
    %slice3A_1139 = vector.extract_strided_slice %masked_cumsum3A_1118 {offsets = [15], sizes = [1], strides = [1]} : vector<16xi32> to vector<1xi32>
    %squeeze3A_1140 = vector.extract %slice3A_1139[0] : i32 from vector<1xi32>
    %add3A_1141 = arith.addi %add3A_1113, %squeeze3A_1140 : i32
    %get3A_1142 = arith.constant 432 : index
    %get3A_1143 = tpu.vector_load %arg6[%get3A_1142] {strides = array<i32>} : memref<1024xi32, #tpu.memory_space<vmem>>, vector<16xi32>,
    %broadcast_in_dim3A_1144 = arith.constant true
    %broadcast_in_dim3A_1145 = vector.broadcast %broadcast_in_dim3A_1144 : i1 to vector<16xi1>
    %masked_cumsum3A_1146 = tpu.scan <sum>, %get3A_1143 masked %broadcast_in_dim3A_1145 : vector<16xi32>, vector<16xi1> -> vector<16xi32>
    %sub3A_1147 = arith.subi %masked_cumsum3A_1146, %get3A_1143 : vector<16xi32>
    %add3A_1148 = arith.addi %reduce_sum3A_348, %add3A_1141 : i32
    %add3A_1149 = vector.broadcast %add3A_1148 : i32 to vector<16xi32>
    %add3A_1150 = arith.addi %add3A_1149, %sub3A_1147 : vector<16xi32>
    %add3A_1151 = arith.constant 432 : i32
    %add3A_1152 = arith.addi %mul3A_0, %add3A_1151 : i32
    %add3A_1153 = vector.broadcast %add3A_1152 : i32 to vector<16xi32>
    %add3A_1154 = arith.addi %add3A_1153, %iota3A : vector<16xi32>
    %eq3A_1155 = arith.constant 1 : i32
    %eq3A_1156 = vector.broadcast %eq3A_1155 : i32 to vector<16xi32>
    %eq3A_1157 = arith.cmpi eq, %get3A_1143, %eq3A_1156 : vector<16xi32>
    %add3A_1158 = arith.constant 16384 : i32
    %add3A_1159 = vector.broadcast %add3A_1158 : i32 to vector<16xi32>
    %add3A_1160 = arith.addi %add3A_1159, %add3A_1154 : vector<16xi32>
    %sub3A_1161 = arith.subi %add3A_1160, %add3A_1150 : vector<16xi32>
    %select_n3A_1162 = arith.select %eq3A_1157, %add3A_1150, %sub3A_1161 : vector<16xi1>, vector<16xi32>
    %swap3A_1163 = arith.constant 3 : i32
    %swap3A_1164 = arith.index_cast %swap3A_1163 : i32 to index
    %swap3A_1165 = arith.constant 48 : index
    %swap3A_1166 = tpu.vector_load %arg8[%swap3A_1164, %swap3A_1165] {strides = array<i32>} : memref<8x128xi32, #tpu.memory_space<vmem>>, vector<16xi32>,
    tpu.vector_store %arg8[%swap3A_1164, %swap3A_1165], %select_n3A_1162 {strides = array<i32>} : memref<8x128xi32, #tpu.memory_space<vmem>>, vector<16xi32>,
    %slice3A_1167 = vector.extract_strided_slice %masked_cumsum3A_1146 {offsets = [15], sizes = [1], strides = [1]} : vector<16xi32> to vector<1xi32>
    %squeeze3A_1168 = vector.extract %slice3A_1167[0] : i32 from vector<1xi32>
    %add3A_1169 = arith.addi %add3A_1141, %squeeze3A_1168 : i32
    %get3A_1170 = arith.constant 448 : index
    %get3A_1171 = tpu.vector_load %arg6[%get3A_1170] {strides = array<i32>} : memref<1024xi32, #tpu.memory_space<vmem>>, vector<16xi32>,
    %broadcast_in_dim3A_1172 = arith.constant true
    %broadcast_in_dim3A_1173 = vector.broadcast %broadcast_in_dim3A_1172 : i1 to vector<16xi1>
    %masked_cumsum3A_1174 = tpu.scan <sum>, %get3A_1171 masked %broadcast_in_dim3A_1173 : vector<16xi32>, vector<16xi1> -> vector<16xi32>
    %sub3A_1175 = arith.subi %masked_cumsum3A_1174, %get3A_1171 : vector<16xi32>
    %add3A_1176 = arith.addi %reduce_sum3A_348, %add3A_1169 : i32
    %add3A_1177 = vector.broadcast %add3A_1176 : i32 to vector<16xi32>
    %add3A_1178 = arith.addi %add3A_1177, %sub3A_1175 : vector<16xi32>
    %add3A_1179 = arith.constant 448 : i32
    %add3A_1180 = arith.addi %mul3A_0, %add3A_1179 : i32
    %add3A_1181 = vector.broadcast %add3A_1180 : i32 to vector<16xi32>
    %add3A_1182 = arith.addi %add3A_1181, %iota3A : vector<16xi32>
    %eq3A_1183 = arith.constant 1 : i32
    %eq3A_1184 = vector.broadcast %eq3A_1183 : i32 to vector<16xi32>
    %eq3A_1185 = arith.cmpi eq, %get3A_1171, %eq3A_1184 : vector<16xi32>
    %add3A_1186 = arith.constant 16384 : i32
    %add3A_1187 = vector.broadcast %add3A_1186 : i32 to vector<16xi32>
    %add3A_1188 = arith.addi %add3A_1187, %add3A_1182 : vector<16xi32>
    %sub3A_1189 = arith.subi %add3A_1188, %add3A_1178 : vector<16xi32>
    %select_n3A_1190 = arith.select %eq3A_1185, %add3A_1178, %sub3A_1189 : vector<16xi1>, vector<16xi32>
    %swap3A_1191 = arith.constant 3 : i32
    %swap3A_1192 = arith.index_cast %swap3A_1191 : i32 to index
    %swap3A_1193 = arith.constant 64 : index
    %swap3A_1194 = tpu.vector_load %arg8[%swap3A_1192, %swap3A_1193] {strides = array<i32>} : memref<8x128xi32, #tpu.memory_space<vmem>>, vector<16xi32>,
    tpu.vector_store %arg8[%swap3A_1192, %swap3A_1193], %select_n3A_1190 {strides = array<i32>} : memref<8x128xi32, #tpu.memory_space<vmem>>, vector<16xi32>,
    %slice3A_1195 = vector.extract_strided_slice %masked_cumsum3A_1174 {offsets = [15], sizes = [1], strides = [1]} : vector<16xi32> to vector<1xi32>
    %squeeze3A_1196 = vector.extract %slice3A_1195[0] : i32 from vector<1xi32>
    %add3A_1197 = arith.addi %add3A_1169, %squeeze3A_1196 : i32
    %get3A_1198 = arith.constant 464 : index
    %get3A_1199 = tpu.vector_load %arg6[%get3A_1198] {strides = array<i32>} : memref<1024xi32, #tpu.memory_space<vmem>>, vector<16xi32>,
    %broadcast_in_dim3A_1200 = arith.constant true
    %broadcast_in_dim3A_1201 = vector.broadcast %broadcast_in_dim3A_1200 : i1 to vector<16xi1>
    %masked_cumsum3A_1202 = tpu.scan <sum>, %get3A_1199 masked %broadcast_in_dim3A_1201 : vector<16xi32>, vector<16xi1> -> vector<16xi32>
    %sub3A_1203 = arith.subi %masked_cumsum3A_1202, %get3A_1199 : vector<16xi32>
    %add3A_1204 = arith.addi %reduce_sum3A_348, %add3A_1197 : i32
    %add3A_1205 = vector.broadcast %add3A_1204 : i32 to vector<16xi32>
    %add3A_1206 = arith.addi %add3A_1205, %sub3A_1203 : vector<16xi32>
    %add3A_1207 = arith.constant 464 : i32
    %add3A_1208 = arith.addi %mul3A_0, %add3A_1207 : i32
    %add3A_1209 = vector.broadcast %add3A_1208 : i32 to vector<16xi32>
    %add3A_1210 = arith.addi %add3A_1209, %iota3A : vector<16xi32>
    %eq3A_1211 = arith.constant 1 : i32
    %eq3A_1212 = vector.broadcast %eq3A_1211 : i32 to vector<16xi32>
    %eq3A_1213 = arith.cmpi eq, %get3A_1199, %eq3A_1212 : vector<16xi32>
    %add3A_1214 = arith.constant 16384 : i32
    %add3A_1215 = vector.broadcast %add3A_1214 : i32 to vector<16xi32>
    %add3A_1216 = arith.addi %add3A_1215, %add3A_1210 : vector<16xi32>
    %sub3A_1217 = arith.subi %add3A_1216, %add3A_1206 : vector<16xi32>
    %select_n3A_1218 = arith.select %eq3A_1213, %add3A_1206, %sub3A_1217 : vector<16xi1>, vector<16xi32>
    %swap3A_1219 = arith.constant 3 : i32
    %swap3A_1220 = arith.index_cast %swap3A_1219 : i32 to index
    %swap3A_1221 = arith.constant 80 : index
    %swap3A_1222 = tpu.vector_load %arg8[%swap3A_1220, %swap3A_1221] {strides = array<i32>} : memref<8x128xi32, #tpu.memory_space<vmem>>, vector<16xi32>,
    tpu.vector_store %arg8[%swap3A_1220, %swap3A_1221], %select_n3A_1218 {strides = array<i32>} : memref<8x128xi32, #tpu.memory_space<vmem>>, vector<16xi32>,
    %slice3A_1223 = vector.extract_strided_slice %masked_cumsum3A_1202 {offsets = [15], sizes = [1], strides = [1]} : vector<16xi32> to vector<1xi32>
    %squeeze3A_1224 = vector.extract %slice3A_1223[0] : i32 from vector<1xi32>
    %add3A_1225 = arith.addi %add3A_1197, %squeeze3A_1224 : i32
    %get3A_1226 = arith.constant 480 : index
    %get3A_1227 = tpu.vector_load %arg6[%get3A_1226] {strides = array<i32>} : memref<1024xi32, #tpu.memory_space<vmem>>, vector<16xi32>,
    %broadcast_in_dim3A_1228 = arith.constant true
    %broadcast_in_dim3A_1229 = vector.broadcast %broadcast_in_dim3A_1228 : i1 to vector<16xi1>
    %masked_cumsum3A_1230 = tpu.scan <sum>, %get3A_1227 masked %broadcast_in_dim3A_1229 : vector<16xi32>, vector<16xi1> -> vector<16xi32>
    %sub3A_1231 = arith.subi %masked_cumsum3A_1230, %get3A_1227 : vector<16xi32>
    %add3A_1232 = arith.addi %reduce_sum3A_348, %add3A_1225 : i32
    %add3A_1233 = vector.broadcast %add3A_1232 : i32 to vector<16xi32>
    %add3A_1234 = arith.addi %add3A_1233, %sub3A_1231 : vector<16xi32>
    %add3A_1235 = arith.constant 480 : i32
    %add3A_1236 = arith.addi %mul3A_0, %add3A_1235 : i32
    %add3A_1237 = vector.broadcast %add3A_1236 : i32 to vector<16xi32>
    %add3A_1238 = arith.addi %add3A_1237, %iota3A : vector<16xi32>
    %eq3A_1239 = arith.constant 1 : i32
    %eq3A_1240 = vector.broadcast %eq3A_1239 : i32 to vector<16xi32>
    %eq3A_1241 = arith.cmpi eq, %get3A_1227, %eq3A_1240 : vector<16xi32>
    %add3A_1242 = arith.constant 16384 : i32
    %add3A_1243 = vector.broadcast %add3A_1242 : i32 to vector<16xi32>
    %add3A_1244 = arith.addi %add3A_1243, %add3A_1238 : vector<16xi32>
    %sub3A_1245 = arith.subi %add3A_1244, %add3A_1234 : vector<16xi32>
    %select_n3A_1246 = arith.select %eq3A_1241, %add3A_1234, %sub3A_1245 : vector<16xi1>, vector<16xi32>
    %swap3A_1247 = arith.constant 3 : i32
    %swap3A_1248 = arith.index_cast %swap3A_1247 : i32 to index
    %swap3A_1249 = arith.constant 96 : index
    %swap3A_1250 = tpu.vector_load %arg8[%swap3A_1248, %swap3A_1249] {strides = array<i32>} : memref<8x128xi32, #tpu.memory_space<vmem>>, vector<16xi32>,
    tpu.vector_store %arg8[%swap3A_1248, %swap3A_1249], %select_n3A_1246 {strides = array<i32>} : memref<8x128xi32, #tpu.memory_space<vmem>>, vector<16xi32>,
    %slice3A_1251 = vector.extract_strided_slice %masked_cumsum3A_1230 {offsets = [15], sizes = [1], strides = [1]} : vector<16xi32> to vector<1xi32>
    %squeeze3A_1252 = vector.extract %slice3A_1251[0] : i32 from vector<1xi32>
    %add3A_1253 = arith.addi %add3A_1225, %squeeze3A_1252 : i32
    %get3A_1254 = arith.constant 496 : index
    %get3A_1255 = tpu.vector_load %arg6[%get3A_1254] {strides = array<i32>} : memref<1024xi32, #tpu.memory_space<vmem>>, vector<16xi32>,
    %broadcast_in_dim3A_1256 = arith.constant true
    %broadcast_in_dim3A_1257 = vector.broadcast %broadcast_in_dim3A_1256 : i1 to vector<16xi1>
    %masked_cumsum3A_1258 = tpu.scan <sum>, %get3A_1255 masked %broadcast_in_dim3A_1257 : vector<16xi32>, vector<16xi1> -> vector<16xi32>
    %sub3A_1259 = arith.subi %masked_cumsum3A_1258, %get3A_1255 : vector<16xi32>
    %add3A_1260 = arith.addi %reduce_sum3A_348, %add3A_1253 : i32
    %add3A_1261 = vector.broadcast %add3A_1260 : i32 to vector<16xi32>
    %add3A_1262 = arith.addi %add3A_1261, %sub3A_1259 : vector<16xi32>
    %add3A_1263 = arith.constant 496 : i32
    %add3A_1264 = arith.addi %mul3A_0, %add3A_1263 : i32
    %add3A_1265 = vector.broadcast %add3A_1264 : i32 to vector<16xi32>
    %add3A_1266 = arith.addi %add3A_1265, %iota3A : vector<16xi32>
    %eq3A_1267 = arith.constant 1 : i32
    %eq3A_1268 = vector.broadcast %eq3A_1267 : i32 to vector<16xi32>
    %eq3A_1269 = arith.cmpi eq, %get3A_1255, %eq3A_1268 : vector<16xi32>
    %add3A_1270 = arith.constant 16384 : i32
    %add3A_1271 = vector.broadcast %add3A_1270 : i32 to vector<16xi32>
    %add3A_1272 = arith.addi %add3A_1271, %add3A_1266 : vector<16xi32>
    %sub3A_1273 = arith.subi %add3A_1272, %add3A_1262 : vector<16xi32>
    %select_n3A_1274 = arith.select %eq3A_1269, %add3A_1262, %sub3A_1273 : vector<16xi1>, vector<16xi32>
    %swap3A_1275 = arith.constant 3 : i32
    %swap3A_1276 = arith.index_cast %swap3A_1275 : i32 to index
    %swap3A_1277 = arith.constant 112 : index
    %swap3A_1278 = tpu.vector_load %arg8[%swap3A_1276, %swap3A_1277] {strides = array<i32>} : memref<8x128xi32, #tpu.memory_space<vmem>>, vector<16xi32>,
    tpu.vector_store %arg8[%swap3A_1276, %swap3A_1277], %select_n3A_1274 {strides = array<i32>} : memref<8x128xi32, #tpu.memory_space<vmem>>, vector<16xi32>,
    %slice3A_1279 = vector.extract_strided_slice %masked_cumsum3A_1258 {offsets = [15], sizes = [1], strides = [1]} : vector<16xi32> to vector<1xi32>
    %squeeze3A_1280 = vector.extract %slice3A_1279[0] : i32 from vector<1xi32>
    %add3A_1281 = arith.addi %add3A_1253, %squeeze3A_1280 : i32
    %get3A_1282 = arith.constant 512 : index
    %get3A_1283 = tpu.vector_load %arg6[%get3A_1282] {strides = array<i32>} : memref<1024xi32, #tpu.memory_space<vmem>>, vector<16xi32>,
    %broadcast_in_dim3A_1284 = arith.constant true
    %broadcast_in_dim3A_1285 = vector.broadcast %broadcast_in_dim3A_1284 : i1 to vector<16xi1>
    %masked_cumsum3A_1286 = tpu.scan <sum>, %get3A_1283 masked %broadcast_in_dim3A_1285 : vector<16xi32>, vector<16xi1> -> vector<16xi32>
    %sub3A_1287 = arith.subi %masked_cumsum3A_1286, %get3A_1283 : vector<16xi32>
    %add3A_1288 = arith.addi %reduce_sum3A_348, %add3A_1281 : i32
    %add3A_1289 = vector.broadcast %add3A_1288 : i32 to vector<16xi32>
    %add3A_1290 = arith.addi %add3A_1289, %sub3A_1287 : vector<16xi32>
    %add3A_1291 = arith.constant 512 : i32
    %add3A_1292 = arith.addi %mul3A_0, %add3A_1291 : i32
    %add3A_1293 = vector.broadcast %add3A_1292 : i32 to vector<16xi32>
    %add3A_1294 = arith.addi %add3A_1293, %iota3A : vector<16xi32>
    %eq3A_1295 = arith.constant 1 : i32
    %eq3A_1296 = vector.broadcast %eq3A_1295 : i32 to vector<16xi32>
    %eq3A_1297 = arith.cmpi eq, %get3A_1283, %eq3A_1296 : vector<16xi32>
    %add3A_1298 = arith.constant 16384 : i32
    %add3A_1299 = vector.broadcast %add3A_1298 : i32 to vector<16xi32>
    %add3A_1300 = arith.addi %add3A_1299, %add3A_1294 : vector<16xi32>
    %sub3A_1301 = arith.subi %add3A_1300, %add3A_1290 : vector<16xi32>
    %select_n3A_1302 = arith.select %eq3A_1297, %add3A_1290, %sub3A_1301 : vector<16xi1>, vector<16xi32>
    %swap3A_1303 = arith.constant 4 : i32
    %swap3A_1304 = arith.index_cast %swap3A_1303 : i32 to index
    %swap3A_1305 = arith.constant 0 : index
    %swap3A_1306 = tpu.vector_load %arg8[%swap3A_1304, %swap3A_1305] {strides = array<i32>} : memref<8x128xi32, #tpu.memory_space<vmem>>, vector<16xi32>,
    tpu.vector_store %arg8[%swap3A_1304, %swap3A_1305], %select_n3A_1302 {strides = array<i32>} : memref<8x128xi32, #tpu.memory_space<vmem>>, vector<16xi32>,
    %slice3A_1307 = vector.extract_strided_slice %masked_cumsum3A_1286 {offsets = [15], sizes = [1], strides = [1]} : vector<16xi32> to vector<1xi32>
    %squeeze3A_1308 = vector.extract %slice3A_1307[0] : i32 from vector<1xi32>
    %add3A_1309 = arith.addi %add3A_1281, %squeeze3A_1308 : i32
    %get3A_1310 = arith.constant 528 : index
    %get3A_1311 = tpu.vector_load %arg6[%get3A_1310] {strides = array<i32>} : memref<1024xi32, #tpu.memory_space<vmem>>, vector<16xi32>,
    %broadcast_in_dim3A_1312 = arith.constant true
    %broadcast_in_dim3A_1313 = vector.broadcast %broadcast_in_dim3A_1312 : i1 to vector<16xi1>
    %masked_cumsum3A_1314 = tpu.scan <sum>, %get3A_1311 masked %broadcast_in_dim3A_1313 : vector<16xi32>, vector<16xi1> -> vector<16xi32>
    %sub3A_1315 = arith.subi %masked_cumsum3A_1314, %get3A_1311 : vector<16xi32>
    %add3A_1316 = arith.addi %reduce_sum3A_348, %add3A_1309 : i32
    %add3A_1317 = vector.broadcast %add3A_1316 : i32 to vector<16xi32>
    %add3A_1318 = arith.addi %add3A_1317, %sub3A_1315 : vector<16xi32>
    %add3A_1319 = arith.constant 528 : i32
    %add3A_1320 = arith.addi %mul3A_0, %add3A_1319 : i32
    %add3A_1321 = vector.broadcast %add3A_1320 : i32 to vector<16xi32>
    %add3A_1322 = arith.addi %add3A_1321, %iota3A : vector<16xi32>
    %eq3A_1323 = arith.constant 1 : i32
    %eq3A_1324 = vector.broadcast %eq3A_1323 : i32 to vector<16xi32>
    %eq3A_1325 = arith.cmpi eq, %get3A_1311, %eq3A_1324 : vector<16xi32>
    %add3A_1326 = arith.constant 16384 : i32
    %add3A_1327 = vector.broadcast %add3A_1326 : i32 to vector<16xi32>
    %add3A_1328 = arith.addi %add3A_1327, %add3A_1322 : vector<16xi32>
    %sub3A_1329 = arith.subi %add3A_1328, %add3A_1318 : vector<16xi32>
    %select_n3A_1330 = arith.select %eq3A_1325, %add3A_1318, %sub3A_1329 : vector<16xi1>, vector<16xi32>
    %swap3A_1331 = arith.constant 4 : i32
    %swap3A_1332 = arith.index_cast %swap3A_1331 : i32 to index
    %swap3A_1333 = arith.constant 16 : index
    %swap3A_1334 = tpu.vector_load %arg8[%swap3A_1332, %swap3A_1333] {strides = array<i32>} : memref<8x128xi32, #tpu.memory_space<vmem>>, vector<16xi32>,
    tpu.vector_store %arg8[%swap3A_1332, %swap3A_1333], %select_n3A_1330 {strides = array<i32>} : memref<8x128xi32, #tpu.memory_space<vmem>>, vector<16xi32>,
    %slice3A_1335 = vector.extract_strided_slice %masked_cumsum3A_1314 {offsets = [15], sizes = [1], strides = [1]} : vector<16xi32> to vector<1xi32>
    %squeeze3A_1336 = vector.extract %slice3A_1335[0] : i32 from vector<1xi32>
    %add3A_1337 = arith.addi %add3A_1309, %squeeze3A_1336 : i32
    %get3A_1338 = arith.constant 544 : index
    %get3A_1339 = tpu.vector_load %arg6[%get3A_1338] {strides = array<i32>} : memref<1024xi32, #tpu.memory_space<vmem>>, vector<16xi32>,
    %broadcast_in_dim3A_1340 = arith.constant true
    %broadcast_in_dim3A_1341 = vector.broadcast %broadcast_in_dim3A_1340 : i1 to vector<16xi1>
    %masked_cumsum3A_1342 = tpu.scan <sum>, %get3A_1339 masked %broadcast_in_dim3A_1341 : vector<16xi32>, vector<16xi1> -> vector<16xi32>
    %sub3A_1343 = arith.subi %masked_cumsum3A_1342, %get3A_1339 : vector<16xi32>
    %add3A_1344 = arith.addi %reduce_sum3A_348, %add3A_1337 : i32
    %add3A_1345 = vector.broadcast %add3A_1344 : i32 to vector<16xi32>
    %add3A_1346 = arith.addi %add3A_1345, %sub3A_1343 : vector<16xi32>
    %add3A_1347 = arith.constant 544 : i32
    %add3A_1348 = arith.addi %mul3A_0, %add3A_1347 : i32
    %add3A_1349 = vector.broadcast %add3A_1348 : i32 to vector<16xi32>
    %add3A_1350 = arith.addi %add3A_1349, %iota3A : vector<16xi32>
    %eq3A_1351 = arith.constant 1 : i32
    %eq3A_1352 = vector.broadcast %eq3A_1351 : i32 to vector<16xi32>
    %eq3A_1353 = arith.cmpi eq, %get3A_1339, %eq3A_1352 : vector<16xi32>
    %add3A_1354 = arith.constant 16384 : i32
    %add3A_1355 = vector.broadcast %add3A_1354 : i32 to vector<16xi32>
    %add3A_1356 = arith.addi %add3A_1355, %add3A_1350 : vector<16xi32>
    %sub3A_1357 = arith.subi %add3A_1356, %add3A_1346 : vector<16xi32>
    %select_n3A_1358 = arith.select %eq3A_1353, %add3A_1346, %sub3A_1357 : vector<16xi1>, vector<16xi32>
    %swap3A_1359 = arith.constant 4 : i32
    %swap3A_1360 = arith.index_cast %swap3A_1359 : i32 to index
    %swap3A_1361 = arith.constant 32 : index
    %swap3A_1362 = tpu.vector_load %arg8[%swap3A_1360, %swap3A_1361] {strides = array<i32>} : memref<8x128xi32, #tpu.memory_space<vmem>>, vector<16xi32>,
    tpu.vector_store %arg8[%swap3A_1360, %swap3A_1361], %select_n3A_1358 {strides = array<i32>} : memref<8x128xi32, #tpu.memory_space<vmem>>, vector<16xi32>,
    %slice3A_1363 = vector.extract_strided_slice %masked_cumsum3A_1342 {offsets = [15], sizes = [1], strides = [1]} : vector<16xi32> to vector<1xi32>
    %squeeze3A_1364 = vector.extract %slice3A_1363[0] : i32 from vector<1xi32>
    %add3A_1365 = arith.addi %add3A_1337, %squeeze3A_1364 : i32
    %get3A_1366 = arith.constant 560 : index
    %get3A_1367 = tpu.vector_load %arg6[%get3A_1366] {strides = array<i32>} : memref<1024xi32, #tpu.memory_space<vmem>>, vector<16xi32>,
    %broadcast_in_dim3A_1368 = arith.constant true
    %broadcast_in_dim3A_1369 = vector.broadcast %broadcast_in_dim3A_1368 : i1 to vector<16xi1>
    %masked_cumsum3A_1370 = tpu.scan <sum>, %get3A_1367 masked %broadcast_in_dim3A_1369 : vector<16xi32>, vector<16xi1> -> vector<16xi32>
    %sub3A_1371 = arith.subi %masked_cumsum3A_1370, %get3A_1367 : vector<16xi32>
    %add3A_1372 = arith.addi %reduce_sum3A_348, %add3A_1365 : i32
    %add3A_1373 = vector.broadcast %add3A_1372 : i32 to vector<16xi32>
    %add3A_1374 = arith.addi %add3A_1373, %sub3A_1371 : vector<16xi32>
    %add3A_1375 = arith.constant 560 : i32
    %add3A_1376 = arith.addi %mul3A_0, %add3A_1375 : i32
    %add3A_1377 = vector.broadcast %add3A_1376 : i32 to vector<16xi32>
    %add3A_1378 = arith.addi %add3A_1377, %iota3A : vector<16xi32>
    %eq3A_1379 = arith.constant 1 : i32
    %eq3A_1380 = vector.broadcast %eq3A_1379 : i32 to vector<16xi32>
    %eq3A_1381 = arith.cmpi eq, %get3A_1367, %eq3A_1380 : vector<16xi32>
    %add3A_1382 = arith.constant 16384 : i32
    %add3A_1383 = vector.broadcast %add3A_1382 : i32 to vector<16xi32>
    %add3A_1384 = arith.addi %add3A_1383, %add3A_1378 : vector<16xi32>
    %sub3A_1385 = arith.subi %add3A_1384, %add3A_1374 : vector<16xi32>
    %select_n3A_1386 = arith.select %eq3A_1381, %add3A_1374, %sub3A_1385 : vector<16xi1>, vector<16xi32>
    %swap3A_1387 = arith.constant 4 : i32
    %swap3A_1388 = arith.index_cast %swap3A_1387 : i32 to index
    %swap3A_1389 = arith.constant 48 : index
    %swap3A_1390 = tpu.vector_load %arg8[%swap3A_1388, %swap3A_1389] {strides = array<i32>} : memref<8x128xi32, #tpu.memory_space<vmem>>, vector<16xi32>,
    tpu.vector_store %arg8[%swap3A_1388, %swap3A_1389], %select_n3A_1386 {strides = array<i32>} : memref<8x128xi32, #tpu.memory_space<vmem>>, vector<16xi32>,
    %slice3A_1391 = vector.extract_strided_slice %masked_cumsum3A_1370 {offsets = [15], sizes = [1], strides = [1]} : vector<16xi32> to vector<1xi32>
    %squeeze3A_1392 = vector.extract %slice3A_1391[0] : i32 from vector<1xi32>
    %add3A_1393 = arith.addi %add3A_1365, %squeeze3A_1392 : i32
    %get3A_1394 = arith.constant 576 : index
    %get3A_1395 = tpu.vector_load %arg6[%get3A_1394] {strides = array<i32>} : memref<1024xi32, #tpu.memory_space<vmem>>, vector<16xi32>,
    %broadcast_in_dim3A_1396 = arith.constant true
    %broadcast_in_dim3A_1397 = vector.broadcast %broadcast_in_dim3A_1396 : i1 to vector<16xi1>
    %masked_cumsum3A_1398 = tpu.scan <sum>, %get3A_1395 masked %broadcast_in_dim3A_1397 : vector<16xi32>, vector<16xi1> -> vector<16xi32>
    %sub3A_1399 = arith.subi %masked_cumsum3A_1398, %get3A_1395 : vector<16xi32>
    %add3A_1400 = arith.addi %reduce_sum3A_348, %add3A_1393 : i32
    %add3A_1401 = vector.broadcast %add3A_1400 : i32 to vector<16xi32>
    %add3A_1402 = arith.addi %add3A_1401, %sub3A_1399 : vector<16xi32>
    %add3A_1403 = arith.constant 576 : i32
    %add3A_1404 = arith.addi %mul3A_0, %add3A_1403 : i32
    %add3A_1405 = vector.broadcast %add3A_1404 : i32 to vector<16xi32>
    %add3A_1406 = arith.addi %add3A_1405, %iota3A : vector<16xi32>
    %eq3A_1407 = arith.constant 1 : i32
    %eq3A_1408 = vector.broadcast %eq3A_1407 : i32 to vector<16xi32>
    %eq3A_1409 = arith.cmpi eq, %get3A_1395, %eq3A_1408 : vector<16xi32>
    %add3A_1410 = arith.constant 16384 : i32
    %add3A_1411 = vector.broadcast %add3A_1410 : i32 to vector<16xi32>
    %add3A_1412 = arith.addi %add3A_1411, %add3A_1406 : vector<16xi32>
    %sub3A_1413 = arith.subi %add3A_1412, %add3A_1402 : vector<16xi32>
    %select_n3A_1414 = arith.select %eq3A_1409, %add3A_1402, %sub3A_1413 : vector<16xi1>, vector<16xi32>
    %swap3A_1415 = arith.constant 4 : i32
    %swap3A_1416 = arith.index_cast %swap3A_1415 : i32 to index
    %swap3A_1417 = arith.constant 64 : index
    %swap3A_1418 = tpu.vector_load %arg8[%swap3A_1416, %swap3A_1417] {strides = array<i32>} : memref<8x128xi32, #tpu.memory_space<vmem>>, vector<16xi32>,
    tpu.vector_store %arg8[%swap3A_1416, %swap3A_1417], %select_n3A_1414 {strides = array<i32>} : memref<8x128xi32, #tpu.memory_space<vmem>>, vector<16xi32>,
    %slice3A_1419 = vector.extract_strided_slice %masked_cumsum3A_1398 {offsets = [15], sizes = [1], strides = [1]} : vector<16xi32> to vector<1xi32>
    %squeeze3A_1420 = vector.extract %slice3A_1419[0] : i32 from vector<1xi32>
    %add3A_1421 = arith.addi %add3A_1393, %squeeze3A_1420 : i32
    %get3A_1422 = arith.constant 592 : index
    %get3A_1423 = tpu.vector_load %arg6[%get3A_1422] {strides = array<i32>} : memref<1024xi32, #tpu.memory_space<vmem>>, vector<16xi32>,
    %broadcast_in_dim3A_1424 = arith.constant true
    %broadcast_in_dim3A_1425 = vector.broadcast %broadcast_in_dim3A_1424 : i1 to vector<16xi1>
    %masked_cumsum3A_1426 = tpu.scan <sum>, %get3A_1423 masked %broadcast_in_dim3A_1425 : vector<16xi32>, vector<16xi1> -> vector<16xi32>
    %sub3A_1427 = arith.subi %masked_cumsum3A_1426, %get3A_1423 : vector<16xi32>
    %add3A_1428 = arith.addi %reduce_sum3A_348, %add3A_1421 : i32
    %add3A_1429 = vector.broadcast %add3A_1428 : i32 to vector<16xi32>
    %add3A_1430 = arith.addi %add3A_1429, %sub3A_1427 : vector<16xi32>
    %add3A_1431 = arith.constant 592 : i32
    %add3A_1432 = arith.addi %mul3A_0, %add3A_1431 : i32
    %add3A_1433 = vector.broadcast %add3A_1432 : i32 to vector<16xi32>
    %add3A_1434 = arith.addi %add3A_1433, %iota3A : vector<16xi32>
    %eq3A_1435 = arith.constant 1 : i32
    %eq3A_1436 = vector.broadcast %eq3A_1435 : i32 to vector<16xi32>
    %eq3A_1437 = arith.cmpi eq, %get3A_1423, %eq3A_1436 : vector<16xi32>
    %add3A_1438 = arith.constant 16384 : i32
    %add3A_1439 = vector.broadcast %add3A_1438 : i32 to vector<16xi32>
    %add3A_1440 = arith.addi %add3A_1439, %add3A_1434 : vector<16xi32>
    %sub3A_1441 = arith.subi %add3A_1440, %add3A_1430 : vector<16xi32>
    %select_n3A_1442 = arith.select %eq3A_1437, %add3A_1430, %sub3A_1441 : vector<16xi1>, vector<16xi32>
    %swap3A_1443 = arith.constant 4 : i32
    %swap3A_1444 = arith.index_cast %swap3A_1443 : i32 to index
    %swap3A_1445 = arith.constant 80 : index
    %swap3A_1446 = tpu.vector_load %arg8[%swap3A_1444, %swap3A_1445] {strides = array<i32>} : memref<8x128xi32, #tpu.memory_space<vmem>>, vector<16xi32>,
    tpu.vector_store %arg8[%swap3A_1444, %swap3A_1445], %select_n3A_1442 {strides = array<i32>} : memref<8x128xi32, #tpu.memory_space<vmem>>, vector<16xi32>,
    %slice3A_1447 = vector.extract_strided_slice %masked_cumsum3A_1426 {offsets = [15], sizes = [1], strides = [1]} : vector<16xi32> to vector<1xi32>
    %squeeze3A_1448 = vector.extract %slice3A_1447[0] : i32 from vector<1xi32>
    %add3A_1449 = arith.addi %add3A_1421, %squeeze3A_1448 : i32
    %get3A_1450 = arith.constant 608 : index
    %get3A_1451 = tpu.vector_load %arg6[%get3A_1450] {strides = array<i32>} : memref<1024xi32, #tpu.memory_space<vmem>>, vector<16xi32>,
    %broadcast_in_dim3A_1452 = arith.constant true
    %broadcast_in_dim3A_1453 = vector.broadcast %broadcast_in_dim3A_1452 : i1 to vector<16xi1>
    %masked_cumsum3A_1454 = tpu.scan <sum>, %get3A_1451 masked %broadcast_in_dim3A_1453 : vector<16xi32>, vector<16xi1> -> vector<16xi32>
    %sub3A_1455 = arith.subi %masked_cumsum3A_1454, %get3A_1451 : vector<16xi32>
    %add3A_1456 = arith.addi %reduce_sum3A_348, %add3A_1449 : i32
    %add3A_1457 = vector.broadcast %add3A_1456 : i32 to vector<16xi32>
    %add3A_1458 = arith.addi %add3A_1457, %sub3A_1455 : vector<16xi32>
    %add3A_1459 = arith.constant 608 : i32
    %add3A_1460 = arith.addi %mul3A_0, %add3A_1459 : i32
    %add3A_1461 = vector.broadcast %add3A_1460 : i32 to vector<16xi32>
    %add3A_1462 = arith.addi %add3A_1461, %iota3A : vector<16xi32>
    %eq3A_1463 = arith.constant 1 : i32
    %eq3A_1464 = vector.broadcast %eq3A_1463 : i32 to vector<16xi32>
    %eq3A_1465 = arith.cmpi eq, %get3A_1451, %eq3A_1464 : vector<16xi32>
    %add3A_1466 = arith.constant 16384 : i32
    %add3A_1467 = vector.broadcast %add3A_1466 : i32 to vector<16xi32>
    %add3A_1468 = arith.addi %add3A_1467, %add3A_1462 : vector<16xi32>
    %sub3A_1469 = arith.subi %add3A_1468, %add3A_1458 : vector<16xi32>
    %select_n3A_1470 = arith.select %eq3A_1465, %add3A_1458, %sub3A_1469 : vector<16xi1>, vector<16xi32>
    %swap3A_1471 = arith.constant 4 : i32
    %swap3A_1472 = arith.index_cast %swap3A_1471 : i32 to index
    %swap3A_1473 = arith.constant 96 : index
    %swap3A_1474 = tpu.vector_load %arg8[%swap3A_1472, %swap3A_1473] {strides = array<i32>} : memref<8x128xi32, #tpu.memory_space<vmem>>, vector<16xi32>,
    tpu.vector_store %arg8[%swap3A_1472, %swap3A_1473], %select_n3A_1470 {strides = array<i32>} : memref<8x128xi32, #tpu.memory_space<vmem>>, vector<16xi32>,
    %slice3A_1475 = vector.extract_strided_slice %masked_cumsum3A_1454 {offsets = [15], sizes = [1], strides = [1]} : vector<16xi32> to vector<1xi32>
    %squeeze3A_1476 = vector.extract %slice3A_1475[0] : i32 from vector<1xi32>
    %add3A_1477 = arith.addi %add3A_1449, %squeeze3A_1476 : i32
    %get3A_1478 = arith.constant 624 : index
    %get3A_1479 = tpu.vector_load %arg6[%get3A_1478] {strides = array<i32>} : memref<1024xi32, #tpu.memory_space<vmem>>, vector<16xi32>,
    %broadcast_in_dim3A_1480 = arith.constant true
    %broadcast_in_dim3A_1481 = vector.broadcast %broadcast_in_dim3A_1480 : i1 to vector<16xi1>
    %masked_cumsum3A_1482 = tpu.scan <sum>, %get3A_1479 masked %broadcast_in_dim3A_1481 : vector<16xi32>, vector<16xi1> -> vector<16xi32>
    %sub3A_1483 = arith.subi %masked_cumsum3A_1482, %get3A_1479 : vector<16xi32>
    %add3A_1484 = arith.addi %reduce_sum3A_348, %add3A_1477 : i32
    %add3A_1485 = vector.broadcast %add3A_1484 : i32 to vector<16xi32>
    %add3A_1486 = arith.addi %add3A_1485, %sub3A_1483 : vector<16xi32>
    %add3A_1487 = arith.constant 624 : i32
    %add3A_1488 = arith.addi %mul3A_0, %add3A_1487 : i32
    %add3A_1489 = vector.broadcast %add3A_1488 : i32 to vector<16xi32>
    %add3A_1490 = arith.addi %add3A_1489, %iota3A : vector<16xi32>
    %eq3A_1491 = arith.constant 1 : i32
    %eq3A_1492 = vector.broadcast %eq3A_1491 : i32 to vector<16xi32>
    %eq3A_1493 = arith.cmpi eq, %get3A_1479, %eq3A_1492 : vector<16xi32>
    %add3A_1494 = arith.constant 16384 : i32
    %add3A_1495 = vector.broadcast %add3A_1494 : i32 to vector<16xi32>
    %add3A_1496 = arith.addi %add3A_1495, %add3A_1490 : vector<16xi32>
    %sub3A_1497 = arith.subi %add3A_1496, %add3A_1486 : vector<16xi32>
    %select_n3A_1498 = arith.select %eq3A_1493, %add3A_1486, %sub3A_1497 : vector<16xi1>, vector<16xi32>
    %swap3A_1499 = arith.constant 4 : i32
    %swap3A_1500 = arith.index_cast %swap3A_1499 : i32 to index
    %swap3A_1501 = arith.constant 112 : index
    %swap3A_1502 = tpu.vector_load %arg8[%swap3A_1500, %swap3A_1501] {strides = array<i32>} : memref<8x128xi32, #tpu.memory_space<vmem>>, vector<16xi32>,
    tpu.vector_store %arg8[%swap3A_1500, %swap3A_1501], %select_n3A_1498 {strides = array<i32>} : memref<8x128xi32, #tpu.memory_space<vmem>>, vector<16xi32>,
    %slice3A_1503 = vector.extract_strided_slice %masked_cumsum3A_1482 {offsets = [15], sizes = [1], strides = [1]} : vector<16xi32> to vector<1xi32>
    %squeeze3A_1504 = vector.extract %slice3A_1503[0] : i32 from vector<1xi32>
    %add3A_1505 = arith.addi %add3A_1477, %squeeze3A_1504 : i32
    %get3A_1506 = arith.constant 640 : index
    %get3A_1507 = tpu.vector_load %arg6[%get3A_1506] {strides = array<i32>} : memref<1024xi32, #tpu.memory_space<vmem>>, vector<16xi32>,
    %broadcast_in_dim3A_1508 = arith.constant true
    %broadcast_in_dim3A_1509 = vector.broadcast %broadcast_in_dim3A_1508 : i1 to vector<16xi1>
    %masked_cumsum3A_1510 = tpu.scan <sum>, %get3A_1507 masked %broadcast_in_dim3A_1509 : vector<16xi32>, vector<16xi1> -> vector<16xi32>
    %sub3A_1511 = arith.subi %masked_cumsum3A_1510, %get3A_1507 : vector<16xi32>
    %add3A_1512 = arith.addi %reduce_sum3A_348, %add3A_1505 : i32
    %add3A_1513 = vector.broadcast %add3A_1512 : i32 to vector<16xi32>
    %add3A_1514 = arith.addi %add3A_1513, %sub3A_1511 : vector<16xi32>
    %add3A_1515 = arith.constant 640 : i32
    %add3A_1516 = arith.addi %mul3A_0, %add3A_1515 : i32
    %add3A_1517 = vector.broadcast %add3A_1516 : i32 to vector<16xi32>
    %add3A_1518 = arith.addi %add3A_1517, %iota3A : vector<16xi32>
    %eq3A_1519 = arith.constant 1 : i32
    %eq3A_1520 = vector.broadcast %eq3A_1519 : i32 to vector<16xi32>
    %eq3A_1521 = arith.cmpi eq, %get3A_1507, %eq3A_1520 : vector<16xi32>
    %add3A_1522 = arith.constant 16384 : i32
    %add3A_1523 = vector.broadcast %add3A_1522 : i32 to vector<16xi32>
    %add3A_1524 = arith.addi %add3A_1523, %add3A_1518 : vector<16xi32>
    %sub3A_1525 = arith.subi %add3A_1524, %add3A_1514 : vector<16xi32>
    %select_n3A_1526 = arith.select %eq3A_1521, %add3A_1514, %sub3A_1525 : vector<16xi1>, vector<16xi32>
    %swap3A_1527 = arith.constant 5 : i32
    %swap3A_1528 = arith.index_cast %swap3A_1527 : i32 to index
    %swap3A_1529 = arith.constant 0 : index
    %swap3A_1530 = tpu.vector_load %arg8[%swap3A_1528, %swap3A_1529] {strides = array<i32>} : memref<8x128xi32, #tpu.memory_space<vmem>>, vector<16xi32>,
    tpu.vector_store %arg8[%swap3A_1528, %swap3A_1529], %select_n3A_1526 {strides = array<i32>} : memref<8x128xi32, #tpu.memory_space<vmem>>, vector<16xi32>,
    %slice3A_1531 = vector.extract_strided_slice %masked_cumsum3A_1510 {offsets = [15], sizes = [1], strides = [1]} : vector<16xi32> to vector<1xi32>
    %squeeze3A_1532 = vector.extract %slice3A_1531[0] : i32 from vector<1xi32>
    %add3A_1533 = arith.addi %add3A_1505, %squeeze3A_1532 : i32
    %get3A_1534 = arith.constant 656 : index
    %get3A_1535 = tpu.vector_load %arg6[%get3A_1534] {strides = array<i32>} : memref<1024xi32, #tpu.memory_space<vmem>>, vector<16xi32>,
    %broadcast_in_dim3A_1536 = arith.constant true
    %broadcast_in_dim3A_1537 = vector.broadcast %broadcast_in_dim3A_1536 : i1 to vector<16xi1>
    %masked_cumsum3A_1538 = tpu.scan <sum>, %get3A_1535 masked %broadcast_in_dim3A_1537 : vector<16xi32>, vector<16xi1> -> vector<16xi32>
    %sub3A_1539 = arith.subi %masked_cumsum3A_1538, %get3A_1535 : vector<16xi32>
    %add3A_1540 = arith.addi %reduce_sum3A_348, %add3A_1533 : i32
    %add3A_1541 = vector.broadcast %add3A_1540 : i32 to vector<16xi32>
    %add3A_1542 = arith.addi %add3A_1541, %sub3A_1539 : vector<16xi32>
    %add3A_1543 = arith.constant 656 : i32
    %add3A_1544 = arith.addi %mul3A_0, %add3A_1543 : i32
    %add3A_1545 = vector.broadcast %add3A_1544 : i32 to vector<16xi32>
    %add3A_1546 = arith.addi %add3A_1545, %iota3A : vector<16xi32>
    %eq3A_1547 = arith.constant 1 : i32
    %eq3A_1548 = vector.broadcast %eq3A_1547 : i32 to vector<16xi32>
    %eq3A_1549 = arith.cmpi eq, %get3A_1535, %eq3A_1548 : vector<16xi32>
    %add3A_1550 = arith.constant 16384 : i32
    %add3A_1551 = vector.broadcast %add3A_1550 : i32 to vector<16xi32>
    %add3A_1552 = arith.addi %add3A_1551, %add3A_1546 : vector<16xi32>
    %sub3A_1553 = arith.subi %add3A_1552, %add3A_1542 : vector<16xi32>
    %select_n3A_1554 = arith.select %eq3A_1549, %add3A_1542, %sub3A_1553 : vector<16xi1>, vector<16xi32>
    %swap3A_1555 = arith.constant 5 : i32
    %swap3A_1556 = arith.index_cast %swap3A_1555 : i32 to index
    %swap3A_1557 = arith.constant 16 : index
    %swap3A_1558 = tpu.vector_load %arg8[%swap3A_1556, %swap3A_1557] {strides = array<i32>} : memref<8x128xi32, #tpu.memory_space<vmem>>, vector<16xi32>,
    tpu.vector_store %arg8[%swap3A_1556, %swap3A_1557], %select_n3A_1554 {strides = array<i32>} : memref<8x128xi32, #tpu.memory_space<vmem>>, vector<16xi32>,
    %slice3A_1559 = vector.extract_strided_slice %masked_cumsum3A_1538 {offsets = [15], sizes = [1], strides = [1]} : vector<16xi32> to vector<1xi32>
    %squeeze3A_1560 = vector.extract %slice3A_1559[0] : i32 from vector<1xi32>
    %add3A_1561 = arith.addi %add3A_1533, %squeeze3A_1560 : i32
    %get3A_1562 = arith.constant 672 : index
    %get3A_1563 = tpu.vector_load %arg6[%get3A_1562] {strides = array<i32>} : memref<1024xi32, #tpu.memory_space<vmem>>, vector<16xi32>,
    %broadcast_in_dim3A_1564 = arith.constant true
    %broadcast_in_dim3A_1565 = vector.broadcast %broadcast_in_dim3A_1564 : i1 to vector<16xi1>
    %masked_cumsum3A_1566 = tpu.scan <sum>, %get3A_1563 masked %broadcast_in_dim3A_1565 : vector<16xi32>, vector<16xi1> -> vector<16xi32>
    %sub3A_1567 = arith.subi %masked_cumsum3A_1566, %get3A_1563 : vector<16xi32>
    %add3A_1568 = arith.addi %reduce_sum3A_348, %add3A_1561 : i32
    %add3A_1569 = vector.broadcast %add3A_1568 : i32 to vector<16xi32>
    %add3A_1570 = arith.addi %add3A_1569, %sub3A_1567 : vector<16xi32>
    %add3A_1571 = arith.constant 672 : i32
    %add3A_1572 = arith.addi %mul3A_0, %add3A_1571 : i32
    %add3A_1573 = vector.broadcast %add3A_1572 : i32 to vector<16xi32>
    %add3A_1574 = arith.addi %add3A_1573, %iota3A : vector<16xi32>
    %eq3A_1575 = arith.constant 1 : i32
    %eq3A_1576 = vector.broadcast %eq3A_1575 : i32 to vector<16xi32>
    %eq3A_1577 = arith.cmpi eq, %get3A_1563, %eq3A_1576 : vector<16xi32>
    %add3A_1578 = arith.constant 16384 : i32
    %add3A_1579 = vector.broadcast %add3A_1578 : i32 to vector<16xi32>
    %add3A_1580 = arith.addi %add3A_1579, %add3A_1574 : vector<16xi32>
    %sub3A_1581 = arith.subi %add3A_1580, %add3A_1570 : vector<16xi32>
    %select_n3A_1582 = arith.select %eq3A_1577, %add3A_1570, %sub3A_1581 : vector<16xi1>, vector<16xi32>
    %swap3A_1583 = arith.constant 5 : i32
    %swap3A_1584 = arith.index_cast %swap3A_1583 : i32 to index
    %swap3A_1585 = arith.constant 32 : index
    %swap3A_1586 = tpu.vector_load %arg8[%swap3A_1584, %swap3A_1585] {strides = array<i32>} : memref<8x128xi32, #tpu.memory_space<vmem>>, vector<16xi32>,
    tpu.vector_store %arg8[%swap3A_1584, %swap3A_1585], %select_n3A_1582 {strides = array<i32>} : memref<8x128xi32, #tpu.memory_space<vmem>>, vector<16xi32>,
    %slice3A_1587 = vector.extract_strided_slice %masked_cumsum3A_1566 {offsets = [15], sizes = [1], strides = [1]} : vector<16xi32> to vector<1xi32>
    %squeeze3A_1588 = vector.extract %slice3A_1587[0] : i32 from vector<1xi32>
    %add3A_1589 = arith.addi %add3A_1561, %squeeze3A_1588 : i32
    %get3A_1590 = arith.constant 688 : index
    %get3A_1591 = tpu.vector_load %arg6[%get3A_1590] {strides = array<i32>} : memref<1024xi32, #tpu.memory_space<vmem>>, vector<16xi32>,
    %broadcast_in_dim3A_1592 = arith.constant true
    %broadcast_in_dim3A_1593 = vector.broadcast %broadcast_in_dim3A_1592 : i1 to vector<16xi1>
    %masked_cumsum3A_1594 = tpu.scan <sum>, %get3A_1591 masked %broadcast_in_dim3A_1593 : vector<16xi32>, vector<16xi1> -> vector<16xi32>
    %sub3A_1595 = arith.subi %masked_cumsum3A_1594, %get3A_1591 : vector<16xi32>
    %add3A_1596 = arith.addi %reduce_sum3A_348, %add3A_1589 : i32
    %add3A_1597 = vector.broadcast %add3A_1596 : i32 to vector<16xi32>
    %add3A_1598 = arith.addi %add3A_1597, %sub3A_1595 : vector<16xi32>
    %add3A_1599 = arith.constant 688 : i32
    %add3A_1600 = arith.addi %mul3A_0, %add3A_1599 : i32
    %add3A_1601 = vector.broadcast %add3A_1600 : i32 to vector<16xi32>
    %add3A_1602 = arith.addi %add3A_1601, %iota3A : vector<16xi32>
    %eq3A_1603 = arith.constant 1 : i32
    %eq3A_1604 = vector.broadcast %eq3A_1603 : i32 to vector<16xi32>
    %eq3A_1605 = arith.cmpi eq, %get3A_1591, %eq3A_1604 : vector<16xi32>
    %add3A_1606 = arith.constant 16384 : i32
    %add3A_1607 = vector.broadcast %add3A_1606 : i32 to vector<16xi32>
    %add3A_1608 = arith.addi %add3A_1607, %add3A_1602 : vector<16xi32>
    %sub3A_1609 = arith.subi %add3A_1608, %add3A_1598 : vector<16xi32>
    %select_n3A_1610 = arith.select %eq3A_1605, %add3A_1598, %sub3A_1609 : vector<16xi1>, vector<16xi32>
    %swap3A_1611 = arith.constant 5 : i32
    %swap3A_1612 = arith.index_cast %swap3A_1611 : i32 to index
    %swap3A_1613 = arith.constant 48 : index
    %swap3A_1614 = tpu.vector_load %arg8[%swap3A_1612, %swap3A_1613] {strides = array<i32>} : memref<8x128xi32, #tpu.memory_space<vmem>>, vector<16xi32>,
    tpu.vector_store %arg8[%swap3A_1612, %swap3A_1613], %select_n3A_1610 {strides = array<i32>} : memref<8x128xi32, #tpu.memory_space<vmem>>, vector<16xi32>,
    %slice3A_1615 = vector.extract_strided_slice %masked_cumsum3A_1594 {offsets = [15], sizes = [1], strides = [1]} : vector<16xi32> to vector<1xi32>
    %squeeze3A_1616 = vector.extract %slice3A_1615[0] : i32 from vector<1xi32>
    %add3A_1617 = arith.addi %add3A_1589, %squeeze3A_1616 : i32
    %get3A_1618 = arith.constant 704 : index
    %get3A_1619 = tpu.vector_load %arg6[%get3A_1618] {strides = array<i32>} : memref<1024xi32, #tpu.memory_space<vmem>>, vector<16xi32>,
    %broadcast_in_dim3A_1620 = arith.constant true
    %broadcast_in_dim3A_1621 = vector.broadcast %broadcast_in_dim3A_1620 : i1 to vector<16xi1>
    %masked_cumsum3A_1622 = tpu.scan <sum>, %get3A_1619 masked %broadcast_in_dim3A_1621 : vector<16xi32>, vector<16xi1> -> vector<16xi32>
    %sub3A_1623 = arith.subi %masked_cumsum3A_1622, %get3A_1619 : vector<16xi32>
    %add3A_1624 = arith.addi %reduce_sum3A_348, %add3A_1617 : i32
    %add3A_1625 = vector.broadcast %add3A_1624 : i32 to vector<16xi32>
    %add3A_1626 = arith.addi %add3A_1625, %sub3A_1623 : vector<16xi32>
    %add3A_1627 = arith.constant 704 : i32
    %add3A_1628 = arith.addi %mul3A_0, %add3A_1627 : i32
    %add3A_1629 = vector.broadcast %add3A_1628 : i32 to vector<16xi32>
    %add3A_1630 = arith.addi %add3A_1629, %iota3A : vector<16xi32>
    %eq3A_1631 = arith.constant 1 : i32
    %eq3A_1632 = vector.broadcast %eq3A_1631 : i32 to vector<16xi32>
    %eq3A_1633 = arith.cmpi eq, %get3A_1619, %eq3A_1632 : vector<16xi32>
    %add3A_1634 = arith.constant 16384 : i32
    %add3A_1635 = vector.broadcast %add3A_1634 : i32 to vector<16xi32>
    %add3A_1636 = arith.addi %add3A_1635, %add3A_1630 : vector<16xi32>
    %sub3A_1637 = arith.subi %add3A_1636, %add3A_1626 : vector<16xi32>
    %select_n3A_1638 = arith.select %eq3A_1633, %add3A_1626, %sub3A_1637 : vector<16xi1>, vector<16xi32>
    %swap3A_1639 = arith.constant 5 : i32
    %swap3A_1640 = arith.index_cast %swap3A_1639 : i32 to index
    %swap3A_1641 = arith.constant 64 : index
    %swap3A_1642 = tpu.vector_load %arg8[%swap3A_1640, %swap3A_1641] {strides = array<i32>} : memref<8x128xi32, #tpu.memory_space<vmem>>, vector<16xi32>,
    tpu.vector_store %arg8[%swap3A_1640, %swap3A_1641], %select_n3A_1638 {strides = array<i32>} : memref<8x128xi32, #tpu.memory_space<vmem>>, vector<16xi32>,
    %slice3A_1643 = vector.extract_strided_slice %masked_cumsum3A_1622 {offsets = [15], sizes = [1], strides = [1]} : vector<16xi32> to vector<1xi32>
    %squeeze3A_1644 = vector.extract %slice3A_1643[0] : i32 from vector<1xi32>
    %add3A_1645 = arith.addi %add3A_1617, %squeeze3A_1644 : i32
    %get3A_1646 = arith.constant 720 : index
    %get3A_1647 = tpu.vector_load %arg6[%get3A_1646] {strides = array<i32>} : memref<1024xi32, #tpu.memory_space<vmem>>, vector<16xi32>,
    %broadcast_in_dim3A_1648 = arith.constant true
    %broadcast_in_dim3A_1649 = vector.broadcast %broadcast_in_dim3A_1648 : i1 to vector<16xi1>
    %masked_cumsum3A_1650 = tpu.scan <sum>, %get3A_1647 masked %broadcast_in_dim3A_1649 : vector<16xi32>, vector<16xi1> -> vector<16xi32>
    %sub3A_1651 = arith.subi %masked_cumsum3A_1650, %get3A_1647 : vector<16xi32>
    %add3A_1652 = arith.addi %reduce_sum3A_348, %add3A_1645 : i32
    %add3A_1653 = vector.broadcast %add3A_1652 : i32 to vector<16xi32>
    %add3A_1654 = arith.addi %add3A_1653, %sub3A_1651 : vector<16xi32>
    %add3A_1655 = arith.constant 720 : i32
    %add3A_1656 = arith.addi %mul3A_0, %add3A_1655 : i32
    %add3A_1657 = vector.broadcast %add3A_1656 : i32 to vector<16xi32>
    %add3A_1658 = arith.addi %add3A_1657, %iota3A : vector<16xi32>
    %eq3A_1659 = arith.constant 1 : i32
    %eq3A_1660 = vector.broadcast %eq3A_1659 : i32 to vector<16xi32>
    %eq3A_1661 = arith.cmpi eq, %get3A_1647, %eq3A_1660 : vector<16xi32>
    %add3A_1662 = arith.constant 16384 : i32
    %add3A_1663 = vector.broadcast %add3A_1662 : i32 to vector<16xi32>
    %add3A_1664 = arith.addi %add3A_1663, %add3A_1658 : vector<16xi32>
    %sub3A_1665 = arith.subi %add3A_1664, %add3A_1654 : vector<16xi32>
    %select_n3A_1666 = arith.select %eq3A_1661, %add3A_1654, %sub3A_1665 : vector<16xi1>, vector<16xi32>
    %swap3A_1667 = arith.constant 5 : i32
    %swap3A_1668 = arith.index_cast %swap3A_1667 : i32 to index
    %swap3A_1669 = arith.constant 80 : index
    %swap3A_1670 = tpu.vector_load %arg8[%swap3A_1668, %swap3A_1669] {strides = array<i32>} : memref<8x128xi32, #tpu.memory_space<vmem>>, vector<16xi32>,
    tpu.vector_store %arg8[%swap3A_1668, %swap3A_1669], %select_n3A_1666 {strides = array<i32>} : memref<8x128xi32, #tpu.memory_space<vmem>>, vector<16xi32>,
    %slice3A_1671 = vector.extract_strided_slice %masked_cumsum3A_1650 {offsets = [15], sizes = [1], strides = [1]} : vector<16xi32> to vector<1xi32>
    %squeeze3A_1672 = vector.extract %slice3A_1671[0] : i32 from vector<1xi32>
    %add3A_1673 = arith.addi %add3A_1645, %squeeze3A_1672 : i32
    %get3A_1674 = arith.constant 736 : index
    %get3A_1675 = tpu.vector_load %arg6[%get3A_1674] {strides = array<i32>} : memref<1024xi32, #tpu.memory_space<vmem>>, vector<16xi32>,
    %broadcast_in_dim3A_1676 = arith.constant true
    %broadcast_in_dim3A_1677 = vector.broadcast %broadcast_in_dim3A_1676 : i1 to vector<16xi1>
    %masked_cumsum3A_1678 = tpu.scan <sum>, %get3A_1675 masked %broadcast_in_dim3A_1677 : vector<16xi32>, vector<16xi1> -> vector<16xi32>
    %sub3A_1679 = arith.subi %masked_cumsum3A_1678, %get3A_1675 : vector<16xi32>
    %add3A_1680 = arith.addi %reduce_sum3A_348, %add3A_1673 : i32
    %add3A_1681 = vector.broadcast %add3A_1680 : i32 to vector<16xi32>
    %add3A_1682 = arith.addi %add3A_1681, %sub3A_1679 : vector<16xi32>
    %add3A_1683 = arith.constant 736 : i32
    %add3A_1684 = arith.addi %mul3A_0, %add3A_1683 : i32
    %add3A_1685 = vector.broadcast %add3A_1684 : i32 to vector<16xi32>
    %add3A_1686 = arith.addi %add3A_1685, %iota3A : vector<16xi32>
    %eq3A_1687 = arith.constant 1 : i32
    %eq3A_1688 = vector.broadcast %eq3A_1687 : i32 to vector<16xi32>
    %eq3A_1689 = arith.cmpi eq, %get3A_1675, %eq3A_1688 : vector<16xi32>
    %add3A_1690 = arith.constant 16384 : i32
    %add3A_1691 = vector.broadcast %add3A_1690 : i32 to vector<16xi32>
    %add3A_1692 = arith.addi %add3A_1691, %add3A_1686 : vector<16xi32>
    %sub3A_1693 = arith.subi %add3A_1692, %add3A_1682 : vector<16xi32>
    %select_n3A_1694 = arith.select %eq3A_1689, %add3A_1682, %sub3A_1693 : vector<16xi1>, vector<16xi32>
    %swap3A_1695 = arith.constant 5 : i32
    %swap3A_1696 = arith.index_cast %swap3A_1695 : i32 to index
    %swap3A_1697 = arith.constant 96 : index
    %swap3A_1698 = tpu.vector_load %arg8[%swap3A_1696, %swap3A_1697] {strides = array<i32>} : memref<8x128xi32, #tpu.memory_space<vmem>>, vector<16xi32>,
    tpu.vector_store %arg8[%swap3A_1696, %swap3A_1697], %select_n3A_1694 {strides = array<i32>} : memref<8x128xi32, #tpu.memory_space<vmem>>, vector<16xi32>,
    %slice3A_1699 = vector.extract_strided_slice %masked_cumsum3A_1678 {offsets = [15], sizes = [1], strides = [1]} : vector<16xi32> to vector<1xi32>
    %squeeze3A_1700 = vector.extract %slice3A_1699[0] : i32 from vector<1xi32>
    %add3A_1701 = arith.addi %add3A_1673, %squeeze3A_1700 : i32
    %get3A_1702 = arith.constant 752 : index
    %get3A_1703 = tpu.vector_load %arg6[%get3A_1702] {strides = array<i32>} : memref<1024xi32, #tpu.memory_space<vmem>>, vector<16xi32>,
    %broadcast_in_dim3A_1704 = arith.constant true
    %broadcast_in_dim3A_1705 = vector.broadcast %broadcast_in_dim3A_1704 : i1 to vector<16xi1>
    %masked_cumsum3A_1706 = tpu.scan <sum>, %get3A_1703 masked %broadcast_in_dim3A_1705 : vector<16xi32>, vector<16xi1> -> vector<16xi32>
    %sub3A_1707 = arith.subi %masked_cumsum3A_1706, %get3A_1703 : vector<16xi32>
    %add3A_1708 = arith.addi %reduce_sum3A_348, %add3A_1701 : i32
    %add3A_1709 = vector.broadcast %add3A_1708 : i32 to vector<16xi32>
    %add3A_1710 = arith.addi %add3A_1709, %sub3A_1707 : vector<16xi32>
    %add3A_1711 = arith.constant 752 : i32
    %add3A_1712 = arith.addi %mul3A_0, %add3A_1711 : i32
    %add3A_1713 = vector.broadcast %add3A_1712 : i32 to vector<16xi32>
    %add3A_1714 = arith.addi %add3A_1713, %iota3A : vector<16xi32>
    %eq3A_1715 = arith.constant 1 : i32
    %eq3A_1716 = vector.broadcast %eq3A_1715 : i32 to vector<16xi32>
    %eq3A_1717 = arith.cmpi eq, %get3A_1703, %eq3A_1716 : vector<16xi32>
    %add3A_1718 = arith.constant 16384 : i32
    %add3A_1719 = vector.broadcast %add3A_1718 : i32 to vector<16xi32>
    %add3A_1720 = arith.addi %add3A_1719, %add3A_1714 : vector<16xi32>
    %sub3A_1721 = arith.subi %add3A_1720, %add3A_1710 : vector<16xi32>
    %select_n3A_1722 = arith.select %eq3A_1717, %add3A_1710, %sub3A_1721 : vector<16xi1>, vector<16xi32>
    %swap3A_1723 = arith.constant 5 : i32
    %swap3A_1724 = arith.index_cast %swap3A_1723 : i32 to index
    %swap3A_1725 = arith.constant 112 : index
    %swap3A_1726 = tpu.vector_load %arg8[%swap3A_1724, %swap3A_1725] {strides = array<i32>} : memref<8x128xi32, #tpu.memory_space<vmem>>, vector<16xi32>,
    tpu.vector_store %arg8[%swap3A_1724, %swap3A_1725], %select_n3A_1722 {strides = array<i32>} : memref<8x128xi32, #tpu.memory_space<vmem>>, vector<16xi32>,
    %slice3A_1727 = vector.extract_strided_slice %masked_cumsum3A_1706 {offsets = [15], sizes = [1], strides = [1]} : vector<16xi32> to vector<1xi32>
    %squeeze3A_1728 = vector.extract %slice3A_1727[0] : i32 from vector<1xi32>
    %add3A_1729 = arith.addi %add3A_1701, %squeeze3A_1728 : i32
    %get3A_1730 = arith.constant 768 : index
    %get3A_1731 = tpu.vector_load %arg6[%get3A_1730] {strides = array<i32>} : memref<1024xi32, #tpu.memory_space<vmem>>, vector<16xi32>,
    %broadcast_in_dim3A_1732 = arith.constant true
    %broadcast_in_dim3A_1733 = vector.broadcast %broadcast_in_dim3A_1732 : i1 to vector<16xi1>
    %masked_cumsum3A_1734 = tpu.scan <sum>, %get3A_1731 masked %broadcast_in_dim3A_1733 : vector<16xi32>, vector<16xi1> -> vector<16xi32>
    %sub3A_1735 = arith.subi %masked_cumsum3A_1734, %get3A_1731 : vector<16xi32>
    %add3A_1736 = arith.addi %reduce_sum3A_348, %add3A_1729 : i32
    %add3A_1737 = vector.broadcast %add3A_1736 : i32 to vector<16xi32>
    %add3A_1738 = arith.addi %add3A_1737, %sub3A_1735 : vector<16xi32>
    %add3A_1739 = arith.constant 768 : i32
    %add3A_1740 = arith.addi %mul3A_0, %add3A_1739 : i32
    %add3A_1741 = vector.broadcast %add3A_1740 : i32 to vector<16xi32>
    %add3A_1742 = arith.addi %add3A_1741, %iota3A : vector<16xi32>
    %eq3A_1743 = arith.constant 1 : i32
    %eq3A_1744 = vector.broadcast %eq3A_1743 : i32 to vector<16xi32>
    %eq3A_1745 = arith.cmpi eq, %get3A_1731, %eq3A_1744 : vector<16xi32>
    %add3A_1746 = arith.constant 16384 : i32
    %add3A_1747 = vector.broadcast %add3A_1746 : i32 to vector<16xi32>
    %add3A_1748 = arith.addi %add3A_1747, %add3A_1742 : vector<16xi32>
    %sub3A_1749 = arith.subi %add3A_1748, %add3A_1738 : vector<16xi32>
    %select_n3A_1750 = arith.select %eq3A_1745, %add3A_1738, %sub3A_1749 : vector<16xi1>, vector<16xi32>
    %swap3A_1751 = arith.constant 6 : i32
    %swap3A_1752 = arith.index_cast %swap3A_1751 : i32 to index
    %swap3A_1753 = arith.constant 0 : index
    %swap3A_1754 = tpu.vector_load %arg8[%swap3A_1752, %swap3A_1753] {strides = array<i32>} : memref<8x128xi32, #tpu.memory_space<vmem>>, vector<16xi32>,
    tpu.vector_store %arg8[%swap3A_1752, %swap3A_1753], %select_n3A_1750 {strides = array<i32>} : memref<8x128xi32, #tpu.memory_space<vmem>>, vector<16xi32>,
    %slice3A_1755 = vector.extract_strided_slice %masked_cumsum3A_1734 {offsets = [15], sizes = [1], strides = [1]} : vector<16xi32> to vector<1xi32>
    %squeeze3A_1756 = vector.extract %slice3A_1755[0] : i32 from vector<1xi32>
    %add3A_1757 = arith.addi %add3A_1729, %squeeze3A_1756 : i32
    %get3A_1758 = arith.constant 784 : index
    %get3A_1759 = tpu.vector_load %arg6[%get3A_1758] {strides = array<i32>} : memref<1024xi32, #tpu.memory_space<vmem>>, vector<16xi32>,
    %broadcast_in_dim3A_1760 = arith.constant true
    %broadcast_in_dim3A_1761 = vector.broadcast %broadcast_in_dim3A_1760 : i1 to vector<16xi1>
    %masked_cumsum3A_1762 = tpu.scan <sum>, %get3A_1759 masked %broadcast_in_dim3A_1761 : vector<16xi32>, vector<16xi1> -> vector<16xi32>
    %sub3A_1763 = arith.subi %masked_cumsum3A_1762, %get3A_1759 : vector<16xi32>
    %add3A_1764 = arith.addi %reduce_sum3A_348, %add3A_1757 : i32
    %add3A_1765 = vector.broadcast %add3A_1764 : i32 to vector<16xi32>
    %add3A_1766 = arith.addi %add3A_1765, %sub3A_1763 : vector<16xi32>
    %add3A_1767 = arith.constant 784 : i32
    %add3A_1768 = arith.addi %mul3A_0, %add3A_1767 : i32
    %add3A_1769 = vector.broadcast %add3A_1768 : i32 to vector<16xi32>
    %add3A_1770 = arith.addi %add3A_1769, %iota3A : vector<16xi32>
    %eq3A_1771 = arith.constant 1 : i32
    %eq3A_1772 = vector.broadcast %eq3A_1771 : i32 to vector<16xi32>
    %eq3A_1773 = arith.cmpi eq, %get3A_1759, %eq3A_1772 : vector<16xi32>
    %add3A_1774 = arith.constant 16384 : i32
    %add3A_1775 = vector.broadcast %add3A_1774 : i32 to vector<16xi32>
    %add3A_1776 = arith.addi %add3A_1775, %add3A_1770 : vector<16xi32>
    %sub3A_1777 = arith.subi %add3A_1776, %add3A_1766 : vector<16xi32>
    %select_n3A_1778 = arith.select %eq3A_1773, %add3A_1766, %sub3A_1777 : vector<16xi1>, vector<16xi32>
    %swap3A_1779 = arith.constant 6 : i32
    %swap3A_1780 = arith.index_cast %swap3A_1779 : i32 to index
    %swap3A_1781 = arith.constant 16 : index
    %swap3A_1782 = tpu.vector_load %arg8[%swap3A_1780, %swap3A_1781] {strides = array<i32>} : memref<8x128xi32, #tpu.memory_space<vmem>>, vector<16xi32>,
    tpu.vector_store %arg8[%swap3A_1780, %swap3A_1781], %select_n3A_1778 {strides = array<i32>} : memref<8x128xi32, #tpu.memory_space<vmem>>, vector<16xi32>,
    %slice3A_1783 = vector.extract_strided_slice %masked_cumsum3A_1762 {offsets = [15], sizes = [1], strides = [1]} : vector<16xi32> to vector<1xi32>
    %squeeze3A_1784 = vector.extract %slice3A_1783[0] : i32 from vector<1xi32>
    %add3A_1785 = arith.addi %add3A_1757, %squeeze3A_1784 : i32
    %get3A_1786 = arith.constant 800 : index
    %get3A_1787 = tpu.vector_load %arg6[%get3A_1786] {strides = array<i32>} : memref<1024xi32, #tpu.memory_space<vmem>>, vector<16xi32>,
    %broadcast_in_dim3A_1788 = arith.constant true
    %broadcast_in_dim3A_1789 = vector.broadcast %broadcast_in_dim3A_1788 : i1 to vector<16xi1>
    %masked_cumsum3A_1790 = tpu.scan <sum>, %get3A_1787 masked %broadcast_in_dim3A_1789 : vector<16xi32>, vector<16xi1> -> vector<16xi32>
    %sub3A_1791 = arith.subi %masked_cumsum3A_1790, %get3A_1787 : vector<16xi32>
    %add3A_1792 = arith.addi %reduce_sum3A_348, %add3A_1785 : i32
    %add3A_1793 = vector.broadcast %add3A_1792 : i32 to vector<16xi32>
    %add3A_1794 = arith.addi %add3A_1793, %sub3A_1791 : vector<16xi32>
    %add3A_1795 = arith.constant 800 : i32
    %add3A_1796 = arith.addi %mul3A_0, %add3A_1795 : i32
    %add3A_1797 = vector.broadcast %add3A_1796 : i32 to vector<16xi32>
    %add3A_1798 = arith.addi %add3A_1797, %iota3A : vector<16xi32>
    %eq3A_1799 = arith.constant 1 : i32
    %eq3A_1800 = vector.broadcast %eq3A_1799 : i32 to vector<16xi32>
    %eq3A_1801 = arith.cmpi eq, %get3A_1787, %eq3A_1800 : vector<16xi32>
    %add3A_1802 = arith.constant 16384 : i32
    %add3A_1803 = vector.broadcast %add3A_1802 : i32 to vector<16xi32>
    %add3A_1804 = arith.addi %add3A_1803, %add3A_1798 : vector<16xi32>
    %sub3A_1805 = arith.subi %add3A_1804, %add3A_1794 : vector<16xi32>
    %select_n3A_1806 = arith.select %eq3A_1801, %add3A_1794, %sub3A_1805 : vector<16xi1>, vector<16xi32>
    %swap3A_1807 = arith.constant 6 : i32
    %swap3A_1808 = arith.index_cast %swap3A_1807 : i32 to index
    %swap3A_1809 = arith.constant 32 : index
    %swap3A_1810 = tpu.vector_load %arg8[%swap3A_1808, %swap3A_1809] {strides = array<i32>} : memref<8x128xi32, #tpu.memory_space<vmem>>, vector<16xi32>,
    tpu.vector_store %arg8[%swap3A_1808, %swap3A_1809], %select_n3A_1806 {strides = array<i32>} : memref<8x128xi32, #tpu.memory_space<vmem>>, vector<16xi32>,
    %slice3A_1811 = vector.extract_strided_slice %masked_cumsum3A_1790 {offsets = [15], sizes = [1], strides = [1]} : vector<16xi32> to vector<1xi32>
    %squeeze3A_1812 = vector.extract %slice3A_1811[0] : i32 from vector<1xi32>
    %add3A_1813 = arith.addi %add3A_1785, %squeeze3A_1812 : i32
    %get3A_1814 = arith.constant 816 : index
    %get3A_1815 = tpu.vector_load %arg6[%get3A_1814] {strides = array<i32>} : memref<1024xi32, #tpu.memory_space<vmem>>, vector<16xi32>,
    %broadcast_in_dim3A_1816 = arith.constant true
    %broadcast_in_dim3A_1817 = vector.broadcast %broadcast_in_dim3A_1816 : i1 to vector<16xi1>
    %masked_cumsum3A_1818 = tpu.scan <sum>, %get3A_1815 masked %broadcast_in_dim3A_1817 : vector<16xi32>, vector<16xi1> -> vector<16xi32>
    %sub3A_1819 = arith.subi %masked_cumsum3A_1818, %get3A_1815 : vector<16xi32>
    %add3A_1820 = arith.addi %reduce_sum3A_348, %add3A_1813 : i32
    %add3A_1821 = vector.broadcast %add3A_1820 : i32 to vector<16xi32>
    %add3A_1822 = arith.addi %add3A_1821, %sub3A_1819 : vector<16xi32>
    %add3A_1823 = arith.constant 816 : i32
    %add3A_1824 = arith.addi %mul3A_0, %add3A_1823 : i32
    %add3A_1825 = vector.broadcast %add3A_1824 : i32 to vector<16xi32>
    %add3A_1826 = arith.addi %add3A_1825, %iota3A : vector<16xi32>
    %eq3A_1827 = arith.constant 1 : i32
    %eq3A_1828 = vector.broadcast %eq3A_1827 : i32 to vector<16xi32>
    %eq3A_1829 = arith.cmpi eq, %get3A_1815, %eq3A_1828 : vector<16xi32>
    %add3A_1830 = arith.constant 16384 : i32
    %add3A_1831 = vector.broadcast %add3A_1830 : i32 to vector<16xi32>
    %add3A_1832 = arith.addi %add3A_1831, %add3A_1826 : vector<16xi32>
    %sub3A_1833 = arith.subi %add3A_1832, %add3A_1822 : vector<16xi32>
    %select_n3A_1834 = arith.select %eq3A_1829, %add3A_1822, %sub3A_1833 : vector<16xi1>, vector<16xi32>
    %swap3A_1835 = arith.constant 6 : i32
    %swap3A_1836 = arith.index_cast %swap3A_1835 : i32 to index
    %swap3A_1837 = arith.constant 48 : index
    %swap3A_1838 = tpu.vector_load %arg8[%swap3A_1836, %swap3A_1837] {strides = array<i32>} : memref<8x128xi32, #tpu.memory_space<vmem>>, vector<16xi32>,
    tpu.vector_store %arg8[%swap3A_1836, %swap3A_1837], %select_n3A_1834 {strides = array<i32>} : memref<8x128xi32, #tpu.memory_space<vmem>>, vector<16xi32>,
    %slice3A_1839 = vector.extract_strided_slice %masked_cumsum3A_1818 {offsets = [15], sizes = [1], strides = [1]} : vector<16xi32> to vector<1xi32>
    %squeeze3A_1840 = vector.extract %slice3A_1839[0] : i32 from vector<1xi32>
    %add3A_1841 = arith.addi %add3A_1813, %squeeze3A_1840 : i32
    %get3A_1842 = arith.constant 832 : index
    %get3A_1843 = tpu.vector_load %arg6[%get3A_1842] {strides = array<i32>} : memref<1024xi32, #tpu.memory_space<vmem>>, vector<16xi32>,
    %broadcast_in_dim3A_1844 = arith.constant true
    %broadcast_in_dim3A_1845 = vector.broadcast %broadcast_in_dim3A_1844 : i1 to vector<16xi1>
    %masked_cumsum3A_1846 = tpu.scan <sum>, %get3A_1843 masked %broadcast_in_dim3A_1845 : vector<16xi32>, vector<16xi1> -> vector<16xi32>
    %sub3A_1847 = arith.subi %masked_cumsum3A_1846, %get3A_1843 : vector<16xi32>
    %add3A_1848 = arith.addi %reduce_sum3A_348, %add3A_1841 : i32
    %add3A_1849 = vector.broadcast %add3A_1848 : i32 to vector<16xi32>
    %add3A_1850 = arith.addi %add3A_1849, %sub3A_1847 : vector<16xi32>
    %add3A_1851 = arith.constant 832 : i32
    %add3A_1852 = arith.addi %mul3A_0, %add3A_1851 : i32
    %add3A_1853 = vector.broadcast %add3A_1852 : i32 to vector<16xi32>
    %add3A_1854 = arith.addi %add3A_1853, %iota3A : vector<16xi32>
    %eq3A_1855 = arith.constant 1 : i32
    %eq3A_1856 = vector.broadcast %eq3A_1855 : i32 to vector<16xi32>
    %eq3A_1857 = arith.cmpi eq, %get3A_1843, %eq3A_1856 : vector<16xi32>
    %add3A_1858 = arith.constant 16384 : i32
    %add3A_1859 = vector.broadcast %add3A_1858 : i32 to vector<16xi32>
    %add3A_1860 = arith.addi %add3A_1859, %add3A_1854 : vector<16xi32>
    %sub3A_1861 = arith.subi %add3A_1860, %add3A_1850 : vector<16xi32>
    %select_n3A_1862 = arith.select %eq3A_1857, %add3A_1850, %sub3A_1861 : vector<16xi1>, vector<16xi32>
    %swap3A_1863 = arith.constant 6 : i32
    %swap3A_1864 = arith.index_cast %swap3A_1863 : i32 to index
    %swap3A_1865 = arith.constant 64 : index
    %swap3A_1866 = tpu.vector_load %arg8[%swap3A_1864, %swap3A_1865] {strides = array<i32>} : memref<8x128xi32, #tpu.memory_space<vmem>>, vector<16xi32>,
    tpu.vector_store %arg8[%swap3A_1864, %swap3A_1865], %select_n3A_1862 {strides = array<i32>} : memref<8x128xi32, #tpu.memory_space<vmem>>, vector<16xi32>,
    %slice3A_1867 = vector.extract_strided_slice %masked_cumsum3A_1846 {offsets = [15], sizes = [1], strides = [1]} : vector<16xi32> to vector<1xi32>
    %squeeze3A_1868 = vector.extract %slice3A_1867[0] : i32 from vector<1xi32>
    %add3A_1869 = arith.addi %add3A_1841, %squeeze3A_1868 : i32
    %get3A_1870 = arith.constant 848 : index
    %get3A_1871 = tpu.vector_load %arg6[%get3A_1870] {strides = array<i32>} : memref<1024xi32, #tpu.memory_space<vmem>>, vector<16xi32>,
    %broadcast_in_dim3A_1872 = arith.constant true
    %broadcast_in_dim3A_1873 = vector.broadcast %broadcast_in_dim3A_1872 : i1 to vector<16xi1>
    %masked_cumsum3A_1874 = tpu.scan <sum>, %get3A_1871 masked %broadcast_in_dim3A_1873 : vector<16xi32>, vector<16xi1> -> vector<16xi32>
    %sub3A_1875 = arith.subi %masked_cumsum3A_1874, %get3A_1871 : vector<16xi32>
    %add3A_1876 = arith.addi %reduce_sum3A_348, %add3A_1869 : i32
    %add3A_1877 = vector.broadcast %add3A_1876 : i32 to vector<16xi32>
    %add3A_1878 = arith.addi %add3A_1877, %sub3A_1875 : vector<16xi32>
    %add3A_1879 = arith.constant 848 : i32
    %add3A_1880 = arith.addi %mul3A_0, %add3A_1879 : i32
    %add3A_1881 = vector.broadcast %add3A_1880 : i32 to vector<16xi32>
    %add3A_1882 = arith.addi %add3A_1881, %iota3A : vector<16xi32>
    %eq3A_1883 = arith.constant 1 : i32
    %eq3A_1884 = vector.broadcast %eq3A_1883 : i32 to vector<16xi32>
    %eq3A_1885 = arith.cmpi eq, %get3A_1871, %eq3A_1884 : vector<16xi32>
    %add3A_1886 = arith.constant 16384 : i32
    %add3A_1887 = vector.broadcast %add3A_1886 : i32 to vector<16xi32>
    %add3A_1888 = arith.addi %add3A_1887, %add3A_1882 : vector<16xi32>
    %sub3A_1889 = arith.subi %add3A_1888, %add3A_1878 : vector<16xi32>
    %select_n3A_1890 = arith.select %eq3A_1885, %add3A_1878, %sub3A_1889 : vector<16xi1>, vector<16xi32>
    %swap3A_1891 = arith.constant 6 : i32
    %swap3A_1892 = arith.index_cast %swap3A_1891 : i32 to index
    %swap3A_1893 = arith.constant 80 : index
    %swap3A_1894 = tpu.vector_load %arg8[%swap3A_1892, %swap3A_1893] {strides = array<i32>} : memref<8x128xi32, #tpu.memory_space<vmem>>, vector<16xi32>,
    tpu.vector_store %arg8[%swap3A_1892, %swap3A_1893], %select_n3A_1890 {strides = array<i32>} : memref<8x128xi32, #tpu.memory_space<vmem>>, vector<16xi32>,
    %slice3A_1895 = vector.extract_strided_slice %masked_cumsum3A_1874 {offsets = [15], sizes = [1], strides = [1]} : vector<16xi32> to vector<1xi32>
    %squeeze3A_1896 = vector.extract %slice3A_1895[0] : i32 from vector<1xi32>
    %add3A_1897 = arith.addi %add3A_1869, %squeeze3A_1896 : i32
    %get3A_1898 = arith.constant 864 : index
    %get3A_1899 = tpu.vector_load %arg6[%get3A_1898] {strides = array<i32>} : memref<1024xi32, #tpu.memory_space<vmem>>, vector<16xi32>,
    %broadcast_in_dim3A_1900 = arith.constant true
    %broadcast_in_dim3A_1901 = vector.broadcast %broadcast_in_dim3A_1900 : i1 to vector<16xi1>
    %masked_cumsum3A_1902 = tpu.scan <sum>, %get3A_1899 masked %broadcast_in_dim3A_1901 : vector<16xi32>, vector<16xi1> -> vector<16xi32>
    %sub3A_1903 = arith.subi %masked_cumsum3A_1902, %get3A_1899 : vector<16xi32>
    %add3A_1904 = arith.addi %reduce_sum3A_348, %add3A_1897 : i32
    %add3A_1905 = vector.broadcast %add3A_1904 : i32 to vector<16xi32>
    %add3A_1906 = arith.addi %add3A_1905, %sub3A_1903 : vector<16xi32>
    %add3A_1907 = arith.constant 864 : i32
    %add3A_1908 = arith.addi %mul3A_0, %add3A_1907 : i32
    %add3A_1909 = vector.broadcast %add3A_1908 : i32 to vector<16xi32>
    %add3A_1910 = arith.addi %add3A_1909, %iota3A : vector<16xi32>
    %eq3A_1911 = arith.constant 1 : i32
    %eq3A_1912 = vector.broadcast %eq3A_1911 : i32 to vector<16xi32>
    %eq3A_1913 = arith.cmpi eq, %get3A_1899, %eq3A_1912 : vector<16xi32>
    %add3A_1914 = arith.constant 16384 : i32
    %add3A_1915 = vector.broadcast %add3A_1914 : i32 to vector<16xi32>
    %add3A_1916 = arith.addi %add3A_1915, %add3A_1910 : vector<16xi32>
    %sub3A_1917 = arith.subi %add3A_1916, %add3A_1906 : vector<16xi32>
    %select_n3A_1918 = arith.select %eq3A_1913, %add3A_1906, %sub3A_1917 : vector<16xi1>, vector<16xi32>
    %swap3A_1919 = arith.constant 6 : i32
    %swap3A_1920 = arith.index_cast %swap3A_1919 : i32 to index
    %swap3A_1921 = arith.constant 96 : index
    %swap3A_1922 = tpu.vector_load %arg8[%swap3A_1920, %swap3A_1921] {strides = array<i32>} : memref<8x128xi32, #tpu.memory_space<vmem>>, vector<16xi32>,
    tpu.vector_store %arg8[%swap3A_1920, %swap3A_1921], %select_n3A_1918 {strides = array<i32>} : memref<8x128xi32, #tpu.memory_space<vmem>>, vector<16xi32>,
    %slice3A_1923 = vector.extract_strided_slice %masked_cumsum3A_1902 {offsets = [15], sizes = [1], strides = [1]} : vector<16xi32> to vector<1xi32>
    %squeeze3A_1924 = vector.extract %slice3A_1923[0] : i32 from vector<1xi32>
    %add3A_1925 = arith.addi %add3A_1897, %squeeze3A_1924 : i32
    %get3A_1926 = arith.constant 880 : index
    %get3A_1927 = tpu.vector_load %arg6[%get3A_1926] {strides = array<i32>} : memref<1024xi32, #tpu.memory_space<vmem>>, vector<16xi32>,
    %broadcast_in_dim3A_1928 = arith.constant true
    %broadcast_in_dim3A_1929 = vector.broadcast %broadcast_in_dim3A_1928 : i1 to vector<16xi1>
    %masked_cumsum3A_1930 = tpu.scan <sum>, %get3A_1927 masked %broadcast_in_dim3A_1929 : vector<16xi32>, vector<16xi1> -> vector<16xi32>
    %sub3A_1931 = arith.subi %masked_cumsum3A_1930, %get3A_1927 : vector<16xi32>
    %add3A_1932 = arith.addi %reduce_sum3A_348, %add3A_1925 : i32
    %add3A_1933 = vector.broadcast %add3A_1932 : i32 to vector<16xi32>
    %add3A_1934 = arith.addi %add3A_1933, %sub3A_1931 : vector<16xi32>
    %add3A_1935 = arith.constant 880 : i32
    %add3A_1936 = arith.addi %mul3A_0, %add3A_1935 : i32
    %add3A_1937 = vector.broadcast %add3A_1936 : i32 to vector<16xi32>
    %add3A_1938 = arith.addi %add3A_1937, %iota3A : vector<16xi32>
    %eq3A_1939 = arith.constant 1 : i32
    %eq3A_1940 = vector.broadcast %eq3A_1939 : i32 to vector<16xi32>
    %eq3A_1941 = arith.cmpi eq, %get3A_1927, %eq3A_1940 : vector<16xi32>
    %add3A_1942 = arith.constant 16384 : i32
    %add3A_1943 = vector.broadcast %add3A_1942 : i32 to vector<16xi32>
    %add3A_1944 = arith.addi %add3A_1943, %add3A_1938 : vector<16xi32>
    %sub3A_1945 = arith.subi %add3A_1944, %add3A_1934 : vector<16xi32>
    %select_n3A_1946 = arith.select %eq3A_1941, %add3A_1934, %sub3A_1945 : vector<16xi1>, vector<16xi32>
    %swap3A_1947 = arith.constant 6 : i32
    %swap3A_1948 = arith.index_cast %swap3A_1947 : i32 to index
    %swap3A_1949 = arith.constant 112 : index
    %swap3A_1950 = tpu.vector_load %arg8[%swap3A_1948, %swap3A_1949] {strides = array<i32>} : memref<8x128xi32, #tpu.memory_space<vmem>>, vector<16xi32>,
    tpu.vector_store %arg8[%swap3A_1948, %swap3A_1949], %select_n3A_1946 {strides = array<i32>} : memref<8x128xi32, #tpu.memory_space<vmem>>, vector<16xi32>,
    %slice3A_1951 = vector.extract_strided_slice %masked_cumsum3A_1930 {offsets = [15], sizes = [1], strides = [1]} : vector<16xi32> to vector<1xi32>
    %squeeze3A_1952 = vector.extract %slice3A_1951[0] : i32 from vector<1xi32>
    %add3A_1953 = arith.addi %add3A_1925, %squeeze3A_1952 : i32
    %get3A_1954 = arith.constant 896 : index
    %get3A_1955 = tpu.vector_load %arg6[%get3A_1954] {strides = array<i32>} : memref<1024xi32, #tpu.memory_space<vmem>>, vector<16xi32>,
    %broadcast_in_dim3A_1956 = arith.constant true
    %broadcast_in_dim3A_1957 = vector.broadcast %broadcast_in_dim3A_1956 : i1 to vector<16xi1>
    %masked_cumsum3A_1958 = tpu.scan <sum>, %get3A_1955 masked %broadcast_in_dim3A_1957 : vector<16xi32>, vector<16xi1> -> vector<16xi32>
    %sub3A_1959 = arith.subi %masked_cumsum3A_1958, %get3A_1955 : vector<16xi32>
    %add3A_1960 = arith.addi %reduce_sum3A_348, %add3A_1953 : i32
    %add3A_1961 = vector.broadcast %add3A_1960 : i32 to vector<16xi32>
    %add3A_1962 = arith.addi %add3A_1961, %sub3A_1959 : vector<16xi32>
    %add3A_1963 = arith.constant 896 : i32
    %add3A_1964 = arith.addi %mul3A_0, %add3A_1963 : i32
    %add3A_1965 = vector.broadcast %add3A_1964 : i32 to vector<16xi32>
    %add3A_1966 = arith.addi %add3A_1965, %iota3A : vector<16xi32>
    %eq3A_1967 = arith.constant 1 : i32
    %eq3A_1968 = vector.broadcast %eq3A_1967 : i32 to vector<16xi32>
    %eq3A_1969 = arith.cmpi eq, %get3A_1955, %eq3A_1968 : vector<16xi32>
    %add3A_1970 = arith.constant 16384 : i32
    %add3A_1971 = vector.broadcast %add3A_1970 : i32 to vector<16xi32>
    %add3A_1972 = arith.addi %add3A_1971, %add3A_1966 : vector<16xi32>
    %sub3A_1973 = arith.subi %add3A_1972, %add3A_1962 : vector<16xi32>
    %select_n3A_1974 = arith.select %eq3A_1969, %add3A_1962, %sub3A_1973 : vector<16xi1>, vector<16xi32>
    %swap3A_1975 = arith.constant 7 : i32
    %swap3A_1976 = arith.index_cast %swap3A_1975 : i32 to index
    %swap3A_1977 = arith.constant 0 : index
    %swap3A_1978 = tpu.vector_load %arg8[%swap3A_1976, %swap3A_1977] {strides = array<i32>} : memref<8x128xi32, #tpu.memory_space<vmem>>, vector<16xi32>,
    tpu.vector_store %arg8[%swap3A_1976, %swap3A_1977], %select_n3A_1974 {strides = array<i32>} : memref<8x128xi32, #tpu.memory_space<vmem>>, vector<16xi32>,
    %slice3A_1979 = vector.extract_strided_slice %masked_cumsum3A_1958 {offsets = [15], sizes = [1], strides = [1]} : vector<16xi32> to vector<1xi32>
    %squeeze3A_1980 = vector.extract %slice3A_1979[0] : i32 from vector<1xi32>
    %add3A_1981 = arith.addi %add3A_1953, %squeeze3A_1980 : i32
    %get3A_1982 = arith.constant 912 : index
    %get3A_1983 = tpu.vector_load %arg6[%get3A_1982] {strides = array<i32>} : memref<1024xi32, #tpu.memory_space<vmem>>, vector<16xi32>,
    %broadcast_in_dim3A_1984 = arith.constant true
    %broadcast_in_dim3A_1985 = vector.broadcast %broadcast_in_dim3A_1984 : i1 to vector<16xi1>
    %masked_cumsum3A_1986 = tpu.scan <sum>, %get3A_1983 masked %broadcast_in_dim3A_1985 : vector<16xi32>, vector<16xi1> -> vector<16xi32>
    %sub3A_1987 = arith.subi %masked_cumsum3A_1986, %get3A_1983 : vector<16xi32>
    %add3A_1988 = arith.addi %reduce_sum3A_348, %add3A_1981 : i32
    %add3A_1989 = vector.broadcast %add3A_1988 : i32 to vector<16xi32>
    %add3A_1990 = arith.addi %add3A_1989, %sub3A_1987 : vector<16xi32>
    %add3A_1991 = arith.constant 912 : i32
    %add3A_1992 = arith.addi %mul3A_0, %add3A_1991 : i32
    %add3A_1993 = vector.broadcast %add3A_1992 : i32 to vector<16xi32>
    %add3A_1994 = arith.addi %add3A_1993, %iota3A : vector<16xi32>
    %eq3A_1995 = arith.constant 1 : i32
    %eq3A_1996 = vector.broadcast %eq3A_1995 : i32 to vector<16xi32>
    %eq3A_1997 = arith.cmpi eq, %get3A_1983, %eq3A_1996 : vector<16xi32>
    %add3A_1998 = arith.constant 16384 : i32
    %add3A_1999 = vector.broadcast %add3A_1998 : i32 to vector<16xi32>
    %add3A_2000 = arith.addi %add3A_1999, %add3A_1994 : vector<16xi32>
    %sub3A_2001 = arith.subi %add3A_2000, %add3A_1990 : vector<16xi32>
    %select_n3A_2002 = arith.select %eq3A_1997, %add3A_1990, %sub3A_2001 : vector<16xi1>, vector<16xi32>
    %swap3A_2003 = arith.constant 7 : i32
    %swap3A_2004 = arith.index_cast %swap3A_2003 : i32 to index
    %swap3A_2005 = arith.constant 16 : index
    %swap3A_2006 = tpu.vector_load %arg8[%swap3A_2004, %swap3A_2005] {strides = array<i32>} : memref<8x128xi32, #tpu.memory_space<vmem>>, vector<16xi32>,
    tpu.vector_store %arg8[%swap3A_2004, %swap3A_2005], %select_n3A_2002 {strides = array<i32>} : memref<8x128xi32, #tpu.memory_space<vmem>>, vector<16xi32>,
    %slice3A_2007 = vector.extract_strided_slice %masked_cumsum3A_1986 {offsets = [15], sizes = [1], strides = [1]} : vector<16xi32> to vector<1xi32>
    %squeeze3A_2008 = vector.extract %slice3A_2007[0] : i32 from vector<1xi32>
    %add3A_2009 = arith.addi %add3A_1981, %squeeze3A_2008 : i32
    %get3A_2010 = arith.constant 928 : index
    %get3A_2011 = tpu.vector_load %arg6[%get3A_2010] {strides = array<i32>} : memref<1024xi32, #tpu.memory_space<vmem>>, vector<16xi32>,
    %broadcast_in_dim3A_2012 = arith.constant true
    %broadcast_in_dim3A_2013 = vector.broadcast %broadcast_in_dim3A_2012 : i1 to vector<16xi1>
    %masked_cumsum3A_2014 = tpu.scan <sum>, %get3A_2011 masked %broadcast_in_dim3A_2013 : vector<16xi32>, vector<16xi1> -> vector<16xi32>
    %sub3A_2015 = arith.subi %masked_cumsum3A_2014, %get3A_2011 : vector<16xi32>
    %add3A_2016 = arith.addi %reduce_sum3A_348, %add3A_2009 : i32
    %add3A_2017 = vector.broadcast %add3A_2016 : i32 to vector<16xi32>
    %add3A_2018 = arith.addi %add3A_2017, %sub3A_2015 : vector<16xi32>
    %add3A_2019 = arith.constant 928 : i32
    %add3A_2020 = arith.addi %mul3A_0, %add3A_2019 : i32
    %add3A_2021 = vector.broadcast %add3A_2020 : i32 to vector<16xi32>
    %add3A_2022 = arith.addi %add3A_2021, %iota3A : vector<16xi32>
    %eq3A_2023 = arith.constant 1 : i32
    %eq3A_2024 = vector.broadcast %eq3A_2023 : i32 to vector<16xi32>
    %eq3A_2025 = arith.cmpi eq, %get3A_2011, %eq3A_2024 : vector<16xi32>
    %add3A_2026 = arith.constant 16384 : i32
    %add3A_2027 = vector.broadcast %add3A_2026 : i32 to vector<16xi32>
    %add3A_2028 = arith.addi %add3A_2027, %add3A_2022 : vector<16xi32>
    %sub3A_2029 = arith.subi %add3A_2028, %add3A_2018 : vector<16xi32>
    %select_n3A_2030 = arith.select %eq3A_2025, %add3A_2018, %sub3A_2029 : vector<16xi1>, vector<16xi32>
    %swap3A_2031 = arith.constant 7 : i32
    %swap3A_2032 = arith.index_cast %swap3A_2031 : i32 to index
    %swap3A_2033 = arith.constant 32 : index
    %swap3A_2034 = tpu.vector_load %arg8[%swap3A_2032, %swap3A_2033] {strides = array<i32>} : memref<8x128xi32, #tpu.memory_space<vmem>>, vector<16xi32>,
    tpu.vector_store %arg8[%swap3A_2032, %swap3A_2033], %select_n3A_2030 {strides = array<i32>} : memref<8x128xi32, #tpu.memory_space<vmem>>, vector<16xi32>,
    %slice3A_2035 = vector.extract_strided_slice %masked_cumsum3A_2014 {offsets = [15], sizes = [1], strides = [1]} : vector<16xi32> to vector<1xi32>
    %squeeze3A_2036 = vector.extract %slice3A_2035[0] : i32 from vector<1xi32>
    %add3A_2037 = arith.addi %add3A_2009, %squeeze3A_2036 : i32
    %get3A_2038 = arith.constant 944 : index
    %get3A_2039 = tpu.vector_load %arg6[%get3A_2038] {strides = array<i32>} : memref<1024xi32, #tpu.memory_space<vmem>>, vector<16xi32>,
    %broadcast_in_dim3A_2040 = arith.constant true
    %broadcast_in_dim3A_2041 = vector.broadcast %broadcast_in_dim3A_2040 : i1 to vector<16xi1>
    %masked_cumsum3A_2042 = tpu.scan <sum>, %get3A_2039 masked %broadcast_in_dim3A_2041 : vector<16xi32>, vector<16xi1> -> vector<16xi32>
    %sub3A_2043 = arith.subi %masked_cumsum3A_2042, %get3A_2039 : vector<16xi32>
    %add3A_2044 = arith.addi %reduce_sum3A_348, %add3A_2037 : i32
    %add3A_2045 = vector.broadcast %add3A_2044 : i32 to vector<16xi32>
    %add3A_2046 = arith.addi %add3A_2045, %sub3A_2043 : vector<16xi32>
    %add3A_2047 = arith.constant 944 : i32
    %add3A_2048 = arith.addi %mul3A_0, %add3A_2047 : i32
    %add3A_2049 = vector.broadcast %add3A_2048 : i32 to vector<16xi32>
    %add3A_2050 = arith.addi %add3A_2049, %iota3A : vector<16xi32>
    %eq3A_2051 = arith.constant 1 : i32
    %eq3A_2052 = vector.broadcast %eq3A_2051 : i32 to vector<16xi32>
    %eq3A_2053 = arith.cmpi eq, %get3A_2039, %eq3A_2052 : vector<16xi32>
    %add3A_2054 = arith.constant 16384 : i32
    %add3A_2055 = vector.broadcast %add3A_2054 : i32 to vector<16xi32>
    %add3A_2056 = arith.addi %add3A_2055, %add3A_2050 : vector<16xi32>
    %sub3A_2057 = arith.subi %add3A_2056, %add3A_2046 : vector<16xi32>
    %select_n3A_2058 = arith.select %eq3A_2053, %add3A_2046, %sub3A_2057 : vector<16xi1>, vector<16xi32>
    %swap3A_2059 = arith.constant 7 : i32
    %swap3A_2060 = arith.index_cast %swap3A_2059 : i32 to index
    %swap3A_2061 = arith.constant 48 : index
    %swap3A_2062 = tpu.vector_load %arg8[%swap3A_2060, %swap3A_2061] {strides = array<i32>} : memref<8x128xi32, #tpu.memory_space<vmem>>, vector<16xi32>,
    tpu.vector_store %arg8[%swap3A_2060, %swap3A_2061], %select_n3A_2058 {strides = array<i32>} : memref<8x128xi32, #tpu.memory_space<vmem>>, vector<16xi32>,
    %slice3A_2063 = vector.extract_strided_slice %masked_cumsum3A_2042 {offsets = [15], sizes = [1], strides = [1]} : vector<16xi32> to vector<1xi32>
    %squeeze3A_2064 = vector.extract %slice3A_2063[0] : i32 from vector<1xi32>
    %add3A_2065 = arith.addi %add3A_2037, %squeeze3A_2064 : i32
    %get3A_2066 = arith.constant 960 : index
    %get3A_2067 = tpu.vector_load %arg6[%get3A_2066] {strides = array<i32>} : memref<1024xi32, #tpu.memory_space<vmem>>, vector<16xi32>,
    %broadcast_in_dim3A_2068 = arith.constant true
    %broadcast_in_dim3A_2069 = vector.broadcast %broadcast_in_dim3A_2068 : i1 to vector<16xi1>
    %masked_cumsum3A_2070 = tpu.scan <sum>, %get3A_2067 masked %broadcast_in_dim3A_2069 : vector<16xi32>, vector<16xi1> -> vector<16xi32>
    %sub3A_2071 = arith.subi %masked_cumsum3A_2070, %get3A_2067 : vector<16xi32>
    %add3A_2072 = arith.addi %reduce_sum3A_348, %add3A_2065 : i32
    %add3A_2073 = vector.broadcast %add3A_2072 : i32 to vector<16xi32>
    %add3A_2074 = arith.addi %add3A_2073, %sub3A_2071 : vector<16xi32>
    %add3A_2075 = arith.constant 960 : i32
    %add3A_2076 = arith.addi %mul3A_0, %add3A_2075 : i32
    %add3A_2077 = vector.broadcast %add3A_2076 : i32 to vector<16xi32>
    %add3A_2078 = arith.addi %add3A_2077, %iota3A : vector<16xi32>
    %eq3A_2079 = arith.constant 1 : i32
    %eq3A_2080 = vector.broadcast %eq3A_2079 : i32 to vector<16xi32>
    %eq3A_2081 = arith.cmpi eq, %get3A_2067, %eq3A_2080 : vector<16xi32>
    %add3A_2082 = arith.constant 16384 : i32
    %add3A_2083 = vector.broadcast %add3A_2082 : i32 to vector<16xi32>
    %add3A_2084 = arith.addi %add3A_2083, %add3A_2078 : vector<16xi32>
    %sub3A_2085 = arith.subi %add3A_2084, %add3A_2074 : vector<16xi32>
    %select_n3A_2086 = arith.select %eq3A_2081, %add3A_2074, %sub3A_2085 : vector<16xi1>, vector<16xi32>
    %swap3A_2087 = arith.constant 7 : i32
    %swap3A_2088 = arith.index_cast %swap3A_2087 : i32 to index
    %swap3A_2089 = arith.constant 64 : index
    %swap3A_2090 = tpu.vector_load %arg8[%swap3A_2088, %swap3A_2089] {strides = array<i32>} : memref<8x128xi32, #tpu.memory_space<vmem>>, vector<16xi32>,
    tpu.vector_store %arg8[%swap3A_2088, %swap3A_2089], %select_n3A_2086 {strides = array<i32>} : memref<8x128xi32, #tpu.memory_space<vmem>>, vector<16xi32>,
    %slice3A_2091 = vector.extract_strided_slice %masked_cumsum3A_2070 {offsets = [15], sizes = [1], strides = [1]} : vector<16xi32> to vector<1xi32>
    %squeeze3A_2092 = vector.extract %slice3A_2091[0] : i32 from vector<1xi32>
    %add3A_2093 = arith.addi %add3A_2065, %squeeze3A_2092 : i32
    %get3A_2094 = arith.constant 976 : index
    %get3A_2095 = tpu.vector_load %arg6[%get3A_2094] {strides = array<i32>} : memref<1024xi32, #tpu.memory_space<vmem>>, vector<16xi32>,
    %broadcast_in_dim3A_2096 = arith.constant true
    %broadcast_in_dim3A_2097 = vector.broadcast %broadcast_in_dim3A_2096 : i1 to vector<16xi1>
    %masked_cumsum3A_2098 = tpu.scan <sum>, %get3A_2095 masked %broadcast_in_dim3A_2097 : vector<16xi32>, vector<16xi1> -> vector<16xi32>
    %sub3A_2099 = arith.subi %masked_cumsum3A_2098, %get3A_2095 : vector<16xi32>
    %add3A_2100 = arith.addi %reduce_sum3A_348, %add3A_2093 : i32
    %add3A_2101 = vector.broadcast %add3A_2100 : i32 to vector<16xi32>
    %add3A_2102 = arith.addi %add3A_2101, %sub3A_2099 : vector<16xi32>
    %add3A_2103 = arith.constant 976 : i32
    %add3A_2104 = arith.addi %mul3A_0, %add3A_2103 : i32
    %add3A_2105 = vector.broadcast %add3A_2104 : i32 to vector<16xi32>
    %add3A_2106 = arith.addi %add3A_2105, %iota3A : vector<16xi32>
    %eq3A_2107 = arith.constant 1 : i32
    %eq3A_2108 = vector.broadcast %eq3A_2107 : i32 to vector<16xi32>
    %eq3A_2109 = arith.cmpi eq, %get3A_2095, %eq3A_2108 : vector<16xi32>
    %add3A_2110 = arith.constant 16384 : i32
    %add3A_2111 = vector.broadcast %add3A_2110 : i32 to vector<16xi32>
    %add3A_2112 = arith.addi %add3A_2111, %add3A_2106 : vector<16xi32>
    %sub3A_2113 = arith.subi %add3A_2112, %add3A_2102 : vector<16xi32>
    %select_n3A_2114 = arith.select %eq3A_2109, %add3A_2102, %sub3A_2113 : vector<16xi1>, vector<16xi32>
    %swap3A_2115 = arith.constant 7 : i32
    %swap3A_2116 = arith.index_cast %swap3A_2115 : i32 to index
    %swap3A_2117 = arith.constant 80 : index
    %swap3A_2118 = tpu.vector_load %arg8[%swap3A_2116, %swap3A_2117] {strides = array<i32>} : memref<8x128xi32, #tpu.memory_space<vmem>>, vector<16xi32>,
    tpu.vector_store %arg8[%swap3A_2116, %swap3A_2117], %select_n3A_2114 {strides = array<i32>} : memref<8x128xi32, #tpu.memory_space<vmem>>, vector<16xi32>,
    %slice3A_2119 = vector.extract_strided_slice %masked_cumsum3A_2098 {offsets = [15], sizes = [1], strides = [1]} : vector<16xi32> to vector<1xi32>
    %squeeze3A_2120 = vector.extract %slice3A_2119[0] : i32 from vector<1xi32>
    %add3A_2121 = arith.addi %add3A_2093, %squeeze3A_2120 : i32
    %get3A_2122 = arith.constant 992 : index
    %get3A_2123 = tpu.vector_load %arg6[%get3A_2122] {strides = array<i32>} : memref<1024xi32, #tpu.memory_space<vmem>>, vector<16xi32>,
    %broadcast_in_dim3A_2124 = arith.constant true
    %broadcast_in_dim3A_2125 = vector.broadcast %broadcast_in_dim3A_2124 : i1 to vector<16xi1>
    %masked_cumsum3A_2126 = tpu.scan <sum>, %get3A_2123 masked %broadcast_in_dim3A_2125 : vector<16xi32>, vector<16xi1> -> vector<16xi32>
    %sub3A_2127 = arith.subi %masked_cumsum3A_2126, %get3A_2123 : vector<16xi32>
    %add3A_2128 = arith.addi %reduce_sum3A_348, %add3A_2121 : i32
    %add3A_2129 = vector.broadcast %add3A_2128 : i32 to vector<16xi32>
    %add3A_2130 = arith.addi %add3A_2129, %sub3A_2127 : vector<16xi32>
    %add3A_2131 = arith.constant 992 : i32
    %add3A_2132 = arith.addi %mul3A_0, %add3A_2131 : i32
    %add3A_2133 = vector.broadcast %add3A_2132 : i32 to vector<16xi32>
    %add3A_2134 = arith.addi %add3A_2133, %iota3A : vector<16xi32>
    %eq3A_2135 = arith.constant 1 : i32
    %eq3A_2136 = vector.broadcast %eq3A_2135 : i32 to vector<16xi32>
    %eq3A_2137 = arith.cmpi eq, %get3A_2123, %eq3A_2136 : vector<16xi32>
    %add3A_2138 = arith.constant 16384 : i32
    %add3A_2139 = vector.broadcast %add3A_2138 : i32 to vector<16xi32>
    %add3A_2140 = arith.addi %add3A_2139, %add3A_2134 : vector<16xi32>
    %sub3A_2141 = arith.subi %add3A_2140, %add3A_2130 : vector<16xi32>
    %select_n3A_2142 = arith.select %eq3A_2137, %add3A_2130, %sub3A_2141 : vector<16xi1>, vector<16xi32>
    %swap3A_2143 = arith.constant 7 : i32
    %swap3A_2144 = arith.index_cast %swap3A_2143 : i32 to index
    %swap3A_2145 = arith.constant 96 : index
    %swap3A_2146 = tpu.vector_load %arg8[%swap3A_2144, %swap3A_2145] {strides = array<i32>} : memref<8x128xi32, #tpu.memory_space<vmem>>, vector<16xi32>,
    tpu.vector_store %arg8[%swap3A_2144, %swap3A_2145], %select_n3A_2142 {strides = array<i32>} : memref<8x128xi32, #tpu.memory_space<vmem>>, vector<16xi32>,
    %slice3A_2147 = vector.extract_strided_slice %masked_cumsum3A_2126 {offsets = [15], sizes = [1], strides = [1]} : vector<16xi32> to vector<1xi32>
    %squeeze3A_2148 = vector.extract %slice3A_2147[0] : i32 from vector<1xi32>
    %add3A_2149 = arith.addi %add3A_2121, %squeeze3A_2148 : i32
    %get3A_2150 = arith.constant 1008 : index
    %get3A_2151 = tpu.vector_load %arg6[%get3A_2150] {strides = array<i32>} : memref<1024xi32, #tpu.memory_space<vmem>>, vector<16xi32>,
    %broadcast_in_dim3A_2152 = arith.constant true
    %broadcast_in_dim3A_2153 = vector.broadcast %broadcast_in_dim3A_2152 : i1 to vector<16xi1>
    %masked_cumsum3A_2154 = tpu.scan <sum>, %get3A_2151 masked %broadcast_in_dim3A_2153 : vector<16xi32>, vector<16xi1> -> vector<16xi32>
    %sub3A_2155 = arith.subi %masked_cumsum3A_2154, %get3A_2151 : vector<16xi32>
    %add3A_2156 = arith.addi %reduce_sum3A_348, %add3A_2149 : i32
    %add3A_2157 = vector.broadcast %add3A_2156 : i32 to vector<16xi32>
    %add3A_2158 = arith.addi %add3A_2157, %sub3A_2155 : vector<16xi32>
    %add3A_2159 = arith.constant 1008 : i32
    %add3A_2160 = arith.addi %mul3A_0, %add3A_2159 : i32
    %add3A_2161 = vector.broadcast %add3A_2160 : i32 to vector<16xi32>
    %add3A_2162 = arith.addi %add3A_2161, %iota3A : vector<16xi32>
    %eq3A_2163 = arith.constant 1 : i32
    %eq3A_2164 = vector.broadcast %eq3A_2163 : i32 to vector<16xi32>
    %eq3A_2165 = arith.cmpi eq, %get3A_2151, %eq3A_2164 : vector<16xi32>
    %add3A_2166 = arith.constant 16384 : i32
    %add3A_2167 = vector.broadcast %add3A_2166 : i32 to vector<16xi32>
    %add3A_2168 = arith.addi %add3A_2167, %add3A_2162 : vector<16xi32>
    %sub3A_2169 = arith.subi %add3A_2168, %add3A_2158 : vector<16xi32>
    %select_n3A_2170 = arith.select %eq3A_2165, %add3A_2158, %sub3A_2169 : vector<16xi1>, vector<16xi32>
    %swap3A_2171 = arith.constant 7 : i32
    %swap3A_2172 = arith.index_cast %swap3A_2171 : i32 to index
    %swap3A_2173 = arith.constant 112 : index
    %swap3A_2174 = tpu.vector_load %arg8[%swap3A_2172, %swap3A_2173] {strides = array<i32>} : memref<8x128xi32, #tpu.memory_space<vmem>>, vector<16xi32>,
    tpu.vector_store %arg8[%swap3A_2172, %swap3A_2173], %select_n3A_2170 {strides = array<i32>} : memref<8x128xi32, #tpu.memory_space<vmem>>, vector<16xi32>,
    %slice3A_2175 = vector.extract_strided_slice %masked_cumsum3A_2154 {offsets = [15], sizes = [1], strides = [1]} : vector<16xi32> to vector<1xi32>
    %squeeze3A_2176 = vector.extract %slice3A_2175[0] : i32 from vector<1xi32>
    %add3A_2177 = arith.addi %add3A_2149, %squeeze3A_2176 : i32
    %dma_wait3A_2178 = arith.constant 0 : i32
    %dma_wait3A_2179 = arith.constant 0 : i32
    %dma_wait3A_2180 = tpu.memref_slice %arg7[%dma_wait3A_2178, %dma_wait3A_2179] : memref<8x128xf32, #tpu.memory_space<vmem>> -> memref<1x128xf32, #tpu.memory_space<vmem>>
    %dma_wait3A_2181 = tpu.memref_squeeze %dma_wait3A_2180 : memref<1x128xf32, #tpu.memory_space<vmem>> -> memref<128xf32, #tpu.memory_space<vmem>>
    %dma_wait3A_2182 = tpu.memref_slice %arg2[%add3A_6] : memref<16384xf32, #tpu.memory_space<hbm>> -> memref<128xf32, #tpu.memory_space<hbm>>
    %dma_wait3A_2183 = arith.constant 0 : i32
    %dma_wait3A_2184 = tpu.memref_slice %arg7[%dma_wait3A_2178, %dma_wait3A_2183] : memref<8x128xf32, #tpu.memory_space<vmem>> -> memref<1x128xf32, #tpu.memory_space<vmem>>
    %dma_wait3A_2185 = tpu.memref_squeeze %dma_wait3A_2184 : memref<1x128xf32, #tpu.memory_space<vmem>> -> memref<128xf32, #tpu.memory_space<vmem>>
    %dma_wait3A_2186 = tpu.memref_slice %arg2[%add3A_6] : memref<16384xf32, #tpu.memory_space<hbm>> -> memref<128xf32, #tpu.memory_space<hbm>>
    tpu.wait_dma2 semaphore(%arg24 : memref<!tpu.dma_semaphore, #tpu.memory_space<semaphore_mem>>) src(%dma_wait3A_2186 : memref<128xf32, #tpu.memory_space<hbm>>) dst(%dma_wait3A_2185 : memref<128xf32, #tpu.memory_space<vmem>>)
    %dma_wait3A_2187 = arith.constant 1 : i32
    %dma_wait3A_2188 = arith.constant 0 : i32
    %dma_wait3A_2189 = tpu.memref_slice %arg7[%dma_wait3A_2187, %dma_wait3A_2188] : memref<8x128xf32, #tpu.memory_space<vmem>> -> memref<1x128xf32, #tpu.memory_space<vmem>>
    %dma_wait3A_2190 = tpu.memref_squeeze %dma_wait3A_2189 : memref<1x128xf32, #tpu.memory_space<vmem>> -> memref<128xf32, #tpu.memory_space<vmem>>
    %dma_wait3A_2191 = tpu.memref_slice %arg2[%add3A_17] : memref<16384xf32, #tpu.memory_space<hbm>> -> memref<128xf32, #tpu.memory_space<hbm>>
    %dma_wait3A_2192 = arith.constant 0 : i32
    %dma_wait3A_2193 = tpu.memref_slice %arg7[%dma_wait3A_2187, %dma_wait3A_2192] : memref<8x128xf32, #tpu.memory_space<vmem>> -> memref<1x128xf32, #tpu.memory_space<vmem>>
    %dma_wait3A_2194 = tpu.memref_squeeze %dma_wait3A_2193 : memref<1x128xf32, #tpu.memory_space<vmem>> -> memref<128xf32, #tpu.memory_space<vmem>>
    %dma_wait3A_2195 = tpu.memref_slice %arg2[%add3A_17] : memref<16384xf32, #tpu.memory_space<hbm>> -> memref<128xf32, #tpu.memory_space<hbm>>
    tpu.wait_dma2 semaphore(%arg24 : memref<!tpu.dma_semaphore, #tpu.memory_space<semaphore_mem>>) src(%dma_wait3A_2195 : memref<128xf32, #tpu.memory_space<hbm>>) dst(%dma_wait3A_2194 : memref<128xf32, #tpu.memory_space<vmem>>)
    %dma_wait3A_2196 = arith.constant 2 : i32
    %dma_wait3A_2197 = arith.constant 0 : i32
    %dma_wait3A_2198 = tpu.memref_slice %arg7[%dma_wait3A_2196, %dma_wait3A_2197] : memref<8x128xf32, #tpu.memory_space<vmem>> -> memref<1x128xf32, #tpu.memory_space<vmem>>
    %dma_wait3A_2199 = tpu.memref_squeeze %dma_wait3A_2198 : memref<1x128xf32, #tpu.memory_space<vmem>> -> memref<128xf32, #tpu.memory_space<vmem>>
    %dma_wait3A_2200 = tpu.memref_slice %arg2[%add3A_28] : memref<16384xf32, #tpu.memory_space<hbm>> -> memref<128xf32, #tpu.memory_space<hbm>>
    %dma_wait3A_2201 = arith.constant 0 : i32
    %dma_wait3A_2202 = tpu.memref_slice %arg7[%dma_wait3A_2196, %dma_wait3A_2201] : memref<8x128xf32, #tpu.memory_space<vmem>> -> memref<1x128xf32, #tpu.memory_space<vmem>>
    %dma_wait3A_2203 = tpu.memref_squeeze %dma_wait3A_2202 : memref<1x128xf32, #tpu.memory_space<vmem>> -> memref<128xf32, #tpu.memory_space<vmem>>
    %dma_wait3A_2204 = tpu.memref_slice %arg2[%add3A_28] : memref<16384xf32, #tpu.memory_space<hbm>> -> memref<128xf32, #tpu.memory_space<hbm>>
    tpu.wait_dma2 semaphore(%arg24 : memref<!tpu.dma_semaphore, #tpu.memory_space<semaphore_mem>>) src(%dma_wait3A_2204 : memref<128xf32, #tpu.memory_space<hbm>>) dst(%dma_wait3A_2203 : memref<128xf32, #tpu.memory_space<vmem>>)
    %dma_wait3A_2205 = arith.constant 3 : i32
    %dma_wait3A_2206 = arith.constant 0 : i32
    %dma_wait3A_2207 = tpu.memref_slice %arg7[%dma_wait3A_2205, %dma_wait3A_2206] : memref<8x128xf32, #tpu.memory_space<vmem>> -> memref<1x128xf32, #tpu.memory_space<vmem>>
    %dma_wait3A_2208 = tpu.memref_squeeze %dma_wait3A_2207 : memref<1x128xf32, #tpu.memory_space<vmem>> -> memref<128xf32, #tpu.memory_space<vmem>>
    %dma_wait3A_2209 = tpu.memref_slice %arg2[%add3A_39] : memref<16384xf32, #tpu.memory_space<hbm>> -> memref<128xf32, #tpu.memory_space<hbm>>
    %dma_wait3A_2210 = arith.constant 0 : i32
    %dma_wait3A_2211 = tpu.memref_slice %arg7[%dma_wait3A_2205, %dma_wait3A_2210] : memref<8x128xf32, #tpu.memory_space<vmem>> -> memref<1x128xf32, #tpu.memory_space<vmem>>
    %dma_wait3A_2212 = tpu.memref_squeeze %dma_wait3A_2211 : memref<1x128xf32, #tpu.memory_space<vmem>> -> memref<128xf32, #tpu.memory_space<vmem>>
    %dma_wait3A_2213 = tpu.memref_slice %arg2[%add3A_39] : memref<16384xf32, #tpu.memory_space<hbm>> -> memref<128xf32, #tpu.memory_space<hbm>>
    tpu.wait_dma2 semaphore(%arg24 : memref<!tpu.dma_semaphore, #tpu.memory_space<semaphore_mem>>) src(%dma_wait3A_2213 : memref<128xf32, #tpu.memory_space<hbm>>) dst(%dma_wait3A_2212 : memref<128xf32, #tpu.memory_space<vmem>>)
    %dma_wait3A_2214 = arith.constant 4 : i32
    %dma_wait3A_2215 = arith.constant 0 : i32
    %dma_wait3A_2216 = tpu.memref_slice %arg7[%dma_wait3A_2214, %dma_wait3A_2215] : memref<8x128xf32, #tpu.memory_space<vmem>> -> memref<1x128xf32, #tpu.memory_space<vmem>>
    %dma_wait3A_2217 = tpu.memref_squeeze %dma_wait3A_2216 : memref<1x128xf32, #tpu.memory_space<vmem>> -> memref<128xf32, #tpu.memory_space<vmem>>
    %dma_wait3A_2218 = tpu.memref_slice %arg2[%add3A_50] : memref<16384xf32, #tpu.memory_space<hbm>> -> memref<128xf32, #tpu.memory_space<hbm>>
    %dma_wait3A_2219 = arith.constant 0 : i32
    %dma_wait3A_2220 = tpu.memref_slice %arg7[%dma_wait3A_2214, %dma_wait3A_2219] : memref<8x128xf32, #tpu.memory_space<vmem>> -> memref<1x128xf32, #tpu.memory_space<vmem>>
    %dma_wait3A_2221 = tpu.memref_squeeze %dma_wait3A_2220 : memref<1x128xf32, #tpu.memory_space<vmem>> -> memref<128xf32, #tpu.memory_space<vmem>>
    %dma_wait3A_2222 = tpu.memref_slice %arg2[%add3A_50] : memref<16384xf32, #tpu.memory_space<hbm>> -> memref<128xf32, #tpu.memory_space<hbm>>
    tpu.wait_dma2 semaphore(%arg24 : memref<!tpu.dma_semaphore, #tpu.memory_space<semaphore_mem>>) src(%dma_wait3A_2222 : memref<128xf32, #tpu.memory_space<hbm>>) dst(%dma_wait3A_2221 : memref<128xf32, #tpu.memory_space<vmem>>)
    %dma_wait3A_2223 = arith.constant 5 : i32
    %dma_wait3A_2224 = arith.constant 0 : i32
    %dma_wait3A_2225 = tpu.memref_slice %arg7[%dma_wait3A_2223, %dma_wait3A_2224] : memref<8x128xf32, #tpu.memory_space<vmem>> -> memref<1x128xf32, #tpu.memory_space<vmem>>
    %dma_wait3A_2226 = tpu.memref_squeeze %dma_wait3A_2225 : memref<1x128xf32, #tpu.memory_space<vmem>> -> memref<128xf32, #tpu.memory_space<vmem>>
    %dma_wait3A_2227 = tpu.memref_slice %arg2[%add3A_61] : memref<16384xf32, #tpu.memory_space<hbm>> -> memref<128xf32, #tpu.memory_space<hbm>>
    %dma_wait3A_2228 = arith.constant 0 : i32
    %dma_wait3A_2229 = tpu.memref_slice %arg7[%dma_wait3A_2223, %dma_wait3A_2228] : memref<8x128xf32, #tpu.memory_space<vmem>> -> memref<1x128xf32, #tpu.memory_space<vmem>>
    %dma_wait3A_2230 = tpu.memref_squeeze %dma_wait3A_2229 : memref<1x128xf32, #tpu.memory_space<vmem>> -> memref<128xf32, #tpu.memory_space<vmem>>
    %dma_wait3A_2231 = tpu.memref_slice %arg2[%add3A_61] : memref<16384xf32, #tpu.memory_space<hbm>> -> memref<128xf32, #tpu.memory_space<hbm>>
    tpu.wait_dma2 semaphore(%arg24 : memref<!tpu.dma_semaphore, #tpu.memory_space<semaphore_mem>>) src(%dma_wait3A_2231 : memref<128xf32, #tpu.memory_space<hbm>>) dst(%dma_wait3A_2230 : memref<128xf32, #tpu.memory_space<vmem>>)
    %dma_wait3A_2232 = arith.constant 6 : i32
    %dma_wait3A_2233 = arith.constant 0 : i32
    %dma_wait3A_2234 = tpu.memref_slice %arg7[%dma_wait3A_2232, %dma_wait3A_2233] : memref<8x128xf32, #tpu.memory_space<vmem>> -> memref<1x128xf32, #tpu.memory_space<vmem>>
    %dma_wait3A_2235 = tpu.memref_squeeze %dma_wait3A_2234 : memref<1x128xf32, #tpu.memory_space<vmem>> -> memref<128xf32, #tpu.memory_space<vmem>>
    %dma_wait3A_2236 = tpu.memref_slice %arg2[%add3A_72] : memref<16384xf32, #tpu.memory_space<hbm>> -> memref<128xf32, #tpu.memory_space<hbm>>
    %dma_wait3A_2237 = arith.constant 0 : i32
    %dma_wait3A_2238 = tpu.memref_slice %arg7[%dma_wait3A_2232, %dma_wait3A_2237] : memref<8x128xf32, #tpu.memory_space<vmem>> -> memref<1x128xf32, #tpu.memory_space<vmem>>
    %dma_wait3A_2239 = tpu.memref_squeeze %dma_wait3A_2238 : memref<1x128xf32, #tpu.memory_space<vmem>> -> memref<128xf32, #tpu.memory_space<vmem>>
    %dma_wait3A_2240 = tpu.memref_slice %arg2[%add3A_72] : memref<16384xf32, #tpu.memory_space<hbm>> -> memref<128xf32, #tpu.memory_space<hbm>>
    tpu.wait_dma2 semaphore(%arg24 : memref<!tpu.dma_semaphore, #tpu.memory_space<semaphore_mem>>) src(%dma_wait3A_2240 : memref<128xf32, #tpu.memory_space<hbm>>) dst(%dma_wait3A_2239 : memref<128xf32, #tpu.memory_space<vmem>>)
    %dma_wait3A_2241 = arith.constant 7 : i32
    %dma_wait3A_2242 = arith.constant 0 : i32
    %dma_wait3A_2243 = tpu.memref_slice %arg7[%dma_wait3A_2241, %dma_wait3A_2242] : memref<8x128xf32, #tpu.memory_space<vmem>> -> memref<1x128xf32, #tpu.memory_space<vmem>>
    %dma_wait3A_2244 = tpu.memref_squeeze %dma_wait3A_2243 : memref<1x128xf32, #tpu.memory_space<vmem>> -> memref<128xf32, #tpu.memory_space<vmem>>
    %dma_wait3A_2245 = tpu.memref_slice %arg2[%add3A_83] : memref<16384xf32, #tpu.memory_space<hbm>> -> memref<128xf32, #tpu.memory_space<hbm>>
    %dma_wait3A_2246 = arith.constant 0 : i32
    %dma_wait3A_2247 = tpu.memref_slice %arg7[%dma_wait3A_2241, %dma_wait3A_2246] : memref<8x128xf32, #tpu.memory_space<vmem>> -> memref<1x128xf32, #tpu.memory_space<vmem>>
    %dma_wait3A_2248 = tpu.memref_squeeze %dma_wait3A_2247 : memref<1x128xf32, #tpu.memory_space<vmem>> -> memref<128xf32, #tpu.memory_space<vmem>>
    %dma_wait3A_2249 = tpu.memref_slice %arg2[%add3A_83] : memref<16384xf32, #tpu.memory_space<hbm>> -> memref<128xf32, #tpu.memory_space<hbm>>
    tpu.wait_dma2 semaphore(%arg24 : memref<!tpu.dma_semaphore, #tpu.memory_space<semaphore_mem>>) src(%dma_wait3A_2249 : memref<128xf32, #tpu.memory_space<hbm>>) dst(%dma_wait3A_2248 : memref<128xf32, #tpu.memory_space<vmem>>)
    %dma_start3A_2250 = arith.constant 0 : i32
    %dma_start3A_2251 = arith.constant 0 : i32
    %dma_start3A_2252 = arith.constant 0 : i32
    %dma_start3A_2253 = tpu.memref_slice %arg7[%dma_start3A_2250, %dma_start3A_2252] : memref<8x128xf32, #tpu.memory_space<vmem>> -> memref<1x128xf32, #tpu.memory_space<vmem>>
    %dma_start3A_2254 = tpu.memref_squeeze %dma_start3A_2253 : memref<1x128xf32, #tpu.memory_space<vmem>> -> memref<128xf32, #tpu.memory_space<vmem>>
    %dma_start3A_2255 = arith.constant 0 : i32
    %dma_start3A_2256 = tpu.memref_slice %arg8[%dma_start3A_2251, %dma_start3A_2255] : memref<8x128xi32, #tpu.memory_space<vmem>> -> memref<1x128xi32, #tpu.memory_space<vmem>>
    %dma_start3A_2257 = tpu.memref_squeeze %dma_start3A_2256 : memref<1x128xi32, #tpu.memory_space<vmem>> -> memref<128xi32, #tpu.memory_space<vmem>>
    %dma_start3A_2258 = arith.constant 0 : i32
    %dma_start3A_2259 = tpu.memref_slice %arg9[%dma_start3A_2258] : memref<32768xf32, #tpu.memory_space<vmem_shared>> -> memref<32768xf32, #tpu.memory_space<vmem_shared>>
    tpu.enqueue_indirect_dma source(%dma_start3A_2254 : memref<128xf32, #tpu.memory_space<vmem>>) target(%dma_start3A_2259 : memref<32768xf32, #tpu.memory_space<vmem_shared>>) offsets(%dma_start3A_2257 : memref<128xi32, #tpu.memory_space<vmem>>) semaphore(%arg24 : memref<!tpu.dma_semaphore, #tpu.memory_space<semaphore_mem>>)
    %dma_start3A_2260 = arith.constant 1 : i32
    %dma_start3A_2261 = arith.constant 1 : i32
    %dma_start3A_2262 = arith.constant 0 : i32
    %dma_start3A_2263 = tpu.memref_slice %arg7[%dma_start3A_2260, %dma_start3A_2262] : memref<8x128xf32, #tpu.memory_space<vmem>> -> memref<1x128xf32, #tpu.memory_space<vmem>>
    %dma_start3A_2264 = tpu.memref_squeeze %dma_start3A_2263 : memref<1x128xf32, #tpu.memory_space<vmem>> -> memref<128xf32, #tpu.memory_space<vmem>>
    %dma_start3A_2265 = arith.constant 0 : i32
    %dma_start3A_2266 = tpu.memref_slice %arg8[%dma_start3A_2261, %dma_start3A_2265] : memref<8x128xi32, #tpu.memory_space<vmem>> -> memref<1x128xi32, #tpu.memory_space<vmem>>
    %dma_start3A_2267 = tpu.memref_squeeze %dma_start3A_2266 : memref<1x128xi32, #tpu.memory_space<vmem>> -> memref<128xi32, #tpu.memory_space<vmem>>
    %dma_start3A_2268 = arith.constant 0 : i32
    %dma_start3A_2269 = tpu.memref_slice %arg9[%dma_start3A_2268] : memref<32768xf32, #tpu.memory_space<vmem_shared>> -> memref<32768xf32, #tpu.memory_space<vmem_shared>>
    tpu.enqueue_indirect_dma source(%dma_start3A_2264 : memref<128xf32, #tpu.memory_space<vmem>>) target(%dma_start3A_2269 : memref<32768xf32, #tpu.memory_space<vmem_shared>>) offsets(%dma_start3A_2267 : memref<128xi32, #tpu.memory_space<vmem>>) semaphore(%arg24 : memref<!tpu.dma_semaphore, #tpu.memory_space<semaphore_mem>>)
    %dma_start3A_2270 = arith.constant 2 : i32
    %dma_start3A_2271 = arith.constant 2 : i32
    %dma_start3A_2272 = arith.constant 0 : i32
    %dma_start3A_2273 = tpu.memref_slice %arg7[%dma_start3A_2270, %dma_start3A_2272] : memref<8x128xf32, #tpu.memory_space<vmem>> -> memref<1x128xf32, #tpu.memory_space<vmem>>
    %dma_start3A_2274 = tpu.memref_squeeze %dma_start3A_2273 : memref<1x128xf32, #tpu.memory_space<vmem>> -> memref<128xf32, #tpu.memory_space<vmem>>
    %dma_start3A_2275 = arith.constant 0 : i32
    %dma_start3A_2276 = tpu.memref_slice %arg8[%dma_start3A_2271, %dma_start3A_2275] : memref<8x128xi32, #tpu.memory_space<vmem>> -> memref<1x128xi32, #tpu.memory_space<vmem>>
    %dma_start3A_2277 = tpu.memref_squeeze %dma_start3A_2276 : memref<1x128xi32, #tpu.memory_space<vmem>> -> memref<128xi32, #tpu.memory_space<vmem>>
    %dma_start3A_2278 = arith.constant 0 : i32
    %dma_start3A_2279 = tpu.memref_slice %arg9[%dma_start3A_2278] : memref<32768xf32, #tpu.memory_space<vmem_shared>> -> memref<32768xf32, #tpu.memory_space<vmem_shared>>
    tpu.enqueue_indirect_dma source(%dma_start3A_2274 : memref<128xf32, #tpu.memory_space<vmem>>) target(%dma_start3A_2279 : memref<32768xf32, #tpu.memory_space<vmem_shared>>) offsets(%dma_start3A_2277 : memref<128xi32, #tpu.memory_space<vmem>>) semaphore(%arg24 : memref<!tpu.dma_semaphore, #tpu.memory_space<semaphore_mem>>)
    %dma_start3A_2280 = arith.constant 3 : i32
    %dma_start3A_2281 = arith.constant 3 : i32
    %dma_start3A_2282 = arith.constant 0 : i32
    %dma_start3A_2283 = tpu.memref_slice %arg7[%dma_start3A_2280, %dma_start3A_2282] : memref<8x128xf32, #tpu.memory_space<vmem>> -> memref<1x128xf32, #tpu.memory_space<vmem>>
    %dma_start3A_2284 = tpu.memref_squeeze %dma_start3A_2283 : memref<1x128xf32, #tpu.memory_space<vmem>> -> memref<128xf32, #tpu.memory_space<vmem>>
    %dma_start3A_2285 = arith.constant 0 : i32
    %dma_start3A_2286 = tpu.memref_slice %arg8[%dma_start3A_2281, %dma_start3A_2285] : memref<8x128xi32, #tpu.memory_space<vmem>> -> memref<1x128xi32, #tpu.memory_space<vmem>>
    %dma_start3A_2287 = tpu.memref_squeeze %dma_start3A_2286 : memref<1x128xi32, #tpu.memory_space<vmem>> -> memref<128xi32, #tpu.memory_space<vmem>>
    %dma_start3A_2288 = arith.constant 0 : i32
    %dma_start3A_2289 = tpu.memref_slice %arg9[%dma_start3A_2288] : memref<32768xf32, #tpu.memory_space<vmem_shared>> -> memref<32768xf32, #tpu.memory_space<vmem_shared>>
    tpu.enqueue_indirect_dma source(%dma_start3A_2284 : memref<128xf32, #tpu.memory_space<vmem>>) target(%dma_start3A_2289 : memref<32768xf32, #tpu.memory_space<vmem_shared>>) offsets(%dma_start3A_2287 : memref<128xi32, #tpu.memory_space<vmem>>) semaphore(%arg24 : memref<!tpu.dma_semaphore, #tpu.memory_space<semaphore_mem>>)
    %dma_start3A_2290 = arith.constant 4 : i32
    %dma_start3A_2291 = arith.constant 4 : i32
    %dma_start3A_2292 = arith.constant 0 : i32
    %dma_start3A_2293 = tpu.memref_slice %arg7[%dma_start3A_2290, %dma_start3A_2292] : memref<8x128xf32, #tpu.memory_space<vmem>> -> memref<1x128xf32, #tpu.memory_space<vmem>>
    %dma_start3A_2294 = tpu.memref_squeeze %dma_start3A_2293 : memref<1x128xf32, #tpu.memory_space<vmem>> -> memref<128xf32, #tpu.memory_space<vmem>>
    %dma_start3A_2295 = arith.constant 0 : i32
    %dma_start3A_2296 = tpu.memref_slice %arg8[%dma_start3A_2291, %dma_start3A_2295] : memref<8x128xi32, #tpu.memory_space<vmem>> -> memref<1x128xi32, #tpu.memory_space<vmem>>
    %dma_start3A_2297 = tpu.memref_squeeze %dma_start3A_2296 : memref<1x128xi32, #tpu.memory_space<vmem>> -> memref<128xi32, #tpu.memory_space<vmem>>
    %dma_start3A_2298 = arith.constant 0 : i32
    %dma_start3A_2299 = tpu.memref_slice %arg9[%dma_start3A_2298] : memref<32768xf32, #tpu.memory_space<vmem_shared>> -> memref<32768xf32, #tpu.memory_space<vmem_shared>>
    tpu.enqueue_indirect_dma source(%dma_start3A_2294 : memref<128xf32, #tpu.memory_space<vmem>>) target(%dma_start3A_2299 : memref<32768xf32, #tpu.memory_space<vmem_shared>>) offsets(%dma_start3A_2297 : memref<128xi32, #tpu.memory_space<vmem>>) semaphore(%arg24 : memref<!tpu.dma_semaphore, #tpu.memory_space<semaphore_mem>>)
    %dma_start3A_2300 = arith.constant 5 : i32
    %dma_start3A_2301 = arith.constant 5 : i32
    %dma_start3A_2302 = arith.constant 0 : i32
    %dma_start3A_2303 = tpu.memref_slice %arg7[%dma_start3A_2300, %dma_start3A_2302] : memref<8x128xf32, #tpu.memory_space<vmem>> -> memref<1x128xf32, #tpu.memory_space<vmem>>
    %dma_start3A_2304 = tpu.memref_squeeze %dma_start3A_2303 : memref<1x128xf32, #tpu.memory_space<vmem>> -> memref<128xf32, #tpu.memory_space<vmem>>
    %dma_start3A_2305 = arith.constant 0 : i32
    %dma_start3A_2306 = tpu.memref_slice %arg8[%dma_start3A_2301, %dma_start3A_2305] : memref<8x128xi32, #tpu.memory_space<vmem>> -> memref<1x128xi32, #tpu.memory_space<vmem>>
    %dma_start3A_2307 = tpu.memref_squeeze %dma_start3A_2306 : memref<1x128xi32, #tpu.memory_space<vmem>> -> memref<128xi32, #tpu.memory_space<vmem>>
    %dma_start3A_2308 = arith.constant 0 : i32
    %dma_start3A_2309 = tpu.memref_slice %arg9[%dma_start3A_2308] : memref<32768xf32, #tpu.memory_space<vmem_shared>> -> memref<32768xf32, #tpu.memory_space<vmem_shared>>
    tpu.enqueue_indirect_dma source(%dma_start3A_2304 : memref<128xf32, #tpu.memory_space<vmem>>) target(%dma_start3A_2309 : memref<32768xf32, #tpu.memory_space<vmem_shared>>) offsets(%dma_start3A_2307 : memref<128xi32, #tpu.memory_space<vmem>>) semaphore(%arg24 : memref<!tpu.dma_semaphore, #tpu.memory_space<semaphore_mem>>)
    %dma_start3A_2310 = arith.constant 6 : i32
    %dma_start3A_2311 = arith.constant 6 : i32
    %dma_start3A_2312 = arith.constant 0 : i32
    %dma_start3A_2313 = tpu.memref_slice %arg7[%dma_start3A_2310, %dma_start3A_2312] : memref<8x128xf32, #tpu.memory_space<vmem>> -> memref<1x128xf32, #tpu.memory_space<vmem>>
    %dma_start3A_2314 = tpu.memref_squeeze %dma_start3A_2313 : memref<1x128xf32, #tpu.memory_space<vmem>> -> memref<128xf32, #tpu.memory_space<vmem>>
    %dma_start3A_2315 = arith.constant 0 : i32
    %dma_start3A_2316 = tpu.memref_slice %arg8[%dma_start3A_2311, %dma_start3A_2315] : memref<8x128xi32, #tpu.memory_space<vmem>> -> memref<1x128xi32, #tpu.memory_space<vmem>>
    %dma_start3A_2317 = tpu.memref_squeeze %dma_start3A_2316 : memref<1x128xi32, #tpu.memory_space<vmem>> -> memref<128xi32, #tpu.memory_space<vmem>>
    %dma_start3A_2318 = arith.constant 0 : i32
    %dma_start3A_2319 = tpu.memref_slice %arg9[%dma_start3A_2318] : memref<32768xf32, #tpu.memory_space<vmem_shared>> -> memref<32768xf32, #tpu.memory_space<vmem_shared>>
    tpu.enqueue_indirect_dma source(%dma_start3A_2314 : memref<128xf32, #tpu.memory_space<vmem>>) target(%dma_start3A_2319 : memref<32768xf32, #tpu.memory_space<vmem_shared>>) offsets(%dma_start3A_2317 : memref<128xi32, #tpu.memory_space<vmem>>) semaphore(%arg24 : memref<!tpu.dma_semaphore, #tpu.memory_space<semaphore_mem>>)
    %dma_start3A_2320 = arith.constant 7 : i32
    %dma_start3A_2321 = arith.constant 7 : i32
    %dma_start3A_2322 = arith.constant 0 : i32
    %dma_start3A_2323 = tpu.memref_slice %arg7[%dma_start3A_2320, %dma_start3A_2322] : memref<8x128xf32, #tpu.memory_space<vmem>> -> memref<1x128xf32, #tpu.memory_space<vmem>>
    %dma_start3A_2324 = tpu.memref_squeeze %dma_start3A_2323 : memref<1x128xf32, #tpu.memory_space<vmem>> -> memref<128xf32, #tpu.memory_space<vmem>>
    %dma_start3A_2325 = arith.constant 0 : i32
    %dma_start3A_2326 = tpu.memref_slice %arg8[%dma_start3A_2321, %dma_start3A_2325] : memref<8x128xi32, #tpu.memory_space<vmem>> -> memref<1x128xi32, #tpu.memory_space<vmem>>
    %dma_start3A_2327 = tpu.memref_squeeze %dma_start3A_2326 : memref<1x128xi32, #tpu.memory_space<vmem>> -> memref<128xi32, #tpu.memory_space<vmem>>
    %dma_start3A_2328 = arith.constant 0 : i32
    %dma_start3A_2329 = tpu.memref_slice %arg9[%dma_start3A_2328] : memref<32768xf32, #tpu.memory_space<vmem_shared>> -> memref<32768xf32, #tpu.memory_space<vmem_shared>>
    tpu.enqueue_indirect_dma source(%dma_start3A_2324 : memref<128xf32, #tpu.memory_space<vmem>>) target(%dma_start3A_2329 : memref<32768xf32, #tpu.memory_space<vmem_shared>>) offsets(%dma_start3A_2327 : memref<128xi32, #tpu.memory_space<vmem>>) semaphore(%arg24 : memref<!tpu.dma_semaphore, #tpu.memory_space<semaphore_mem>>)
    %dma_wait3A_2330 = arith.constant 0 : i32
    %dma_wait3A_2331 = arith.constant 0 : i32
    %dma_wait3A_2332 = arith.constant 0 : i32
    %dma_wait3A_2333 = tpu.memref_slice %arg7[%dma_wait3A_2330, %dma_wait3A_2332] : memref<8x128xf32, #tpu.memory_space<vmem>> -> memref<1x128xf32, #tpu.memory_space<vmem>>
    %dma_wait3A_2334 = tpu.memref_squeeze %dma_wait3A_2333 : memref<1x128xf32, #tpu.memory_space<vmem>> -> memref<128xf32, #tpu.memory_space<vmem>>
    %dma_wait3A_2335 = arith.constant 0 : i32
    %dma_wait3A_2336 = tpu.memref_slice %arg8[%dma_wait3A_2331, %dma_wait3A_2335] : memref<8x128xi32, #tpu.memory_space<vmem>> -> memref<1x128xi32, #tpu.memory_space<vmem>>
    %dma_wait3A_2337 = tpu.memref_squeeze %dma_wait3A_2336 : memref<1x128xi32, #tpu.memory_space<vmem>> -> memref<128xi32, #tpu.memory_space<vmem>>
    %dma_wait3A_2338 = arith.constant 0 : i32
    %dma_wait3A_2339 = tpu.memref_slice %arg9[%dma_wait3A_2338] : memref<32768xf32, #tpu.memory_space<vmem_shared>> -> memref<32768xf32, #tpu.memory_space<vmem_shared>>
    tpu.wait_indirect_dma semaphore(%arg24 : memref<!tpu.dma_semaphore, #tpu.memory_space<semaphore_mem>>) src(%dma_wait3A_2334 : memref<128xf32, #tpu.memory_space<vmem>>) dst(%dma_wait3A_2339 : memref<32768xf32, #tpu.memory_space<vmem_shared>>)
    %dma_wait3A_2340 = arith.constant 1 : i32
    %dma_wait3A_2341 = arith.constant 1 : i32
    %dma_wait3A_2342 = arith.constant 0 : i32
    %dma_wait3A_2343 = tpu.memref_slice %arg7[%dma_wait3A_2340, %dma_wait3A_2342] : memref<8x128xf32, #tpu.memory_space<vmem>> -> memref<1x128xf32, #tpu.memory_space<vmem>>
    %dma_wait3A_2344 = tpu.memref_squeeze %dma_wait3A_2343 : memref<1x128xf32, #tpu.memory_space<vmem>> -> memref<128xf32, #tpu.memory_space<vmem>>
    %dma_wait3A_2345 = arith.constant 0 : i32
    %dma_wait3A_2346 = tpu.memref_slice %arg8[%dma_wait3A_2341, %dma_wait3A_2345] : memref<8x128xi32, #tpu.memory_space<vmem>> -> memref<1x128xi32, #tpu.memory_space<vmem>>
    %dma_wait3A_2347 = tpu.memref_squeeze %dma_wait3A_2346 : memref<1x128xi32, #tpu.memory_space<vmem>> -> memref<128xi32, #tpu.memory_space<vmem>>
    %dma_wait3A_2348 = arith.constant 0 : i32
    %dma_wait3A_2349 = tpu.memref_slice %arg9[%dma_wait3A_2348] : memref<32768xf32, #tpu.memory_space<vmem_shared>> -> memref<32768xf32, #tpu.memory_space<vmem_shared>>
    tpu.wait_indirect_dma semaphore(%arg24 : memref<!tpu.dma_semaphore, #tpu.memory_space<semaphore_mem>>) src(%dma_wait3A_2344 : memref<128xf32, #tpu.memory_space<vmem>>) dst(%dma_wait3A_2349 : memref<32768xf32, #tpu.memory_space<vmem_shared>>)
    %dma_wait3A_2350 = arith.constant 2 : i32
    %dma_wait3A_2351 = arith.constant 2 : i32
    %dma_wait3A_2352 = arith.constant 0 : i32
    %dma_wait3A_2353 = tpu.memref_slice %arg7[%dma_wait3A_2350, %dma_wait3A_2352] : memref<8x128xf32, #tpu.memory_space<vmem>> -> memref<1x128xf32, #tpu.memory_space<vmem>>
    %dma_wait3A_2354 = tpu.memref_squeeze %dma_wait3A_2353 : memref<1x128xf32, #tpu.memory_space<vmem>> -> memref<128xf32, #tpu.memory_space<vmem>>
    %dma_wait3A_2355 = arith.constant 0 : i32
    %dma_wait3A_2356 = tpu.memref_slice %arg8[%dma_wait3A_2351, %dma_wait3A_2355] : memref<8x128xi32, #tpu.memory_space<vmem>> -> memref<1x128xi32, #tpu.memory_space<vmem>>
    %dma_wait3A_2357 = tpu.memref_squeeze %dma_wait3A_2356 : memref<1x128xi32, #tpu.memory_space<vmem>> -> memref<128xi32, #tpu.memory_space<vmem>>
    %dma_wait3A_2358 = arith.constant 0 : i32
    %dma_wait3A_2359 = tpu.memref_slice %arg9[%dma_wait3A_2358] : memref<32768xf32, #tpu.memory_space<vmem_shared>> -> memref<32768xf32, #tpu.memory_space<vmem_shared>>
    tpu.wait_indirect_dma semaphore(%arg24 : memref<!tpu.dma_semaphore, #tpu.memory_space<semaphore_mem>>) src(%dma_wait3A_2354 : memref<128xf32, #tpu.memory_space<vmem>>) dst(%dma_wait3A_2359 : memref<32768xf32, #tpu.memory_space<vmem_shared>>)
    %dma_wait3A_2360 = arith.constant 3 : i32
    %dma_wait3A_2361 = arith.constant 3 : i32
    %dma_wait3A_2362 = arith.constant 0 : i32
    %dma_wait3A_2363 = tpu.memref_slice %arg7[%dma_wait3A_2360, %dma_wait3A_2362] : memref<8x128xf32, #tpu.memory_space<vmem>> -> memref<1x128xf32, #tpu.memory_space<vmem>>
    %dma_wait3A_2364 = tpu.memref_squeeze %dma_wait3A_2363 : memref<1x128xf32, #tpu.memory_space<vmem>> -> memref<128xf32, #tpu.memory_space<vmem>>
    %dma_wait3A_2365 = arith.constant 0 : i32
    %dma_wait3A_2366 = tpu.memref_slice %arg8[%dma_wait3A_2361, %dma_wait3A_2365] : memref<8x128xi32, #tpu.memory_space<vmem>> -> memref<1x128xi32, #tpu.memory_space<vmem>>
    %dma_wait3A_2367 = tpu.memref_squeeze %dma_wait3A_2366 : memref<1x128xi32, #tpu.memory_space<vmem>> -> memref<128xi32, #tpu.memory_space<vmem>>
    %dma_wait3A_2368 = arith.constant 0 : i32
    %dma_wait3A_2369 = tpu.memref_slice %arg9[%dma_wait3A_2368] : memref<32768xf32, #tpu.memory_space<vmem_shared>> -> memref<32768xf32, #tpu.memory_space<vmem_shared>>
    tpu.wait_indirect_dma semaphore(%arg24 : memref<!tpu.dma_semaphore, #tpu.memory_space<semaphore_mem>>) src(%dma_wait3A_2364 : memref<128xf32, #tpu.memory_space<vmem>>) dst(%dma_wait3A_2369 : memref<32768xf32, #tpu.memory_space<vmem_shared>>)
    %dma_wait3A_2370 = arith.constant 4 : i32
    %dma_wait3A_2371 = arith.constant 4 : i32
    %dma_wait3A_2372 = arith.constant 0 : i32
    %dma_wait3A_2373 = tpu.memref_slice %arg7[%dma_wait3A_2370, %dma_wait3A_2372] : memref<8x128xf32, #tpu.memory_space<vmem>> -> memref<1x128xf32, #tpu.memory_space<vmem>>
    %dma_wait3A_2374 = tpu.memref_squeeze %dma_wait3A_2373 : memref<1x128xf32, #tpu.memory_space<vmem>> -> memref<128xf32, #tpu.memory_space<vmem>>
    %dma_wait3A_2375 = arith.constant 0 : i32
    %dma_wait3A_2376 = tpu.memref_slice %arg8[%dma_wait3A_2371, %dma_wait3A_2375] : memref<8x128xi32, #tpu.memory_space<vmem>> -> memref<1x128xi32, #tpu.memory_space<vmem>>
    %dma_wait3A_2377 = tpu.memref_squeeze %dma_wait3A_2376 : memref<1x128xi32, #tpu.memory_space<vmem>> -> memref<128xi32, #tpu.memory_space<vmem>>
    %dma_wait3A_2378 = arith.constant 0 : i32
    %dma_wait3A_2379 = tpu.memref_slice %arg9[%dma_wait3A_2378] : memref<32768xf32, #tpu.memory_space<vmem_shared>> -> memref<32768xf32, #tpu.memory_space<vmem_shared>>
    tpu.wait_indirect_dma semaphore(%arg24 : memref<!tpu.dma_semaphore, #tpu.memory_space<semaphore_mem>>) src(%dma_wait3A_2374 : memref<128xf32, #tpu.memory_space<vmem>>) dst(%dma_wait3A_2379 : memref<32768xf32, #tpu.memory_space<vmem_shared>>)
    %dma_wait3A_2380 = arith.constant 5 : i32
    %dma_wait3A_2381 = arith.constant 5 : i32
    %dma_wait3A_2382 = arith.constant 0 : i32
    %dma_wait3A_2383 = tpu.memref_slice %arg7[%dma_wait3A_2380, %dma_wait3A_2382] : memref<8x128xf32, #tpu.memory_space<vmem>> -> memref<1x128xf32, #tpu.memory_space<vmem>>
    %dma_wait3A_2384 = tpu.memref_squeeze %dma_wait3A_2383 : memref<1x128xf32, #tpu.memory_space<vmem>> -> memref<128xf32, #tpu.memory_space<vmem>>
    %dma_wait3A_2385 = arith.constant 0 : i32
    %dma_wait3A_2386 = tpu.memref_slice %arg8[%dma_wait3A_2381, %dma_wait3A_2385] : memref<8x128xi32, #tpu.memory_space<vmem>> -> memref<1x128xi32, #tpu.memory_space<vmem>>
    %dma_wait3A_2387 = tpu.memref_squeeze %dma_wait3A_2386 : memref<1x128xi32, #tpu.memory_space<vmem>> -> memref<128xi32, #tpu.memory_space<vmem>>
    %dma_wait3A_2388 = arith.constant 0 : i32
    %dma_wait3A_2389 = tpu.memref_slice %arg9[%dma_wait3A_2388] : memref<32768xf32, #tpu.memory_space<vmem_shared>> -> memref<32768xf32, #tpu.memory_space<vmem_shared>>
    tpu.wait_indirect_dma semaphore(%arg24 : memref<!tpu.dma_semaphore, #tpu.memory_space<semaphore_mem>>) src(%dma_wait3A_2384 : memref<128xf32, #tpu.memory_space<vmem>>) dst(%dma_wait3A_2389 : memref<32768xf32, #tpu.memory_space<vmem_shared>>)
    %dma_wait3A_2390 = arith.constant 6 : i32
    %dma_wait3A_2391 = arith.constant 6 : i32
    %dma_wait3A_2392 = arith.constant 0 : i32
    %dma_wait3A_2393 = tpu.memref_slice %arg7[%dma_wait3A_2390, %dma_wait3A_2392] : memref<8x128xf32, #tpu.memory_space<vmem>> -> memref<1x128xf32, #tpu.memory_space<vmem>>
    %dma_wait3A_2394 = tpu.memref_squeeze %dma_wait3A_2393 : memref<1x128xf32, #tpu.memory_space<vmem>> -> memref<128xf32, #tpu.memory_space<vmem>>
    %dma_wait3A_2395 = arith.constant 0 : i32
    %dma_wait3A_2396 = tpu.memref_slice %arg8[%dma_wait3A_2391, %dma_wait3A_2395] : memref<8x128xi32, #tpu.memory_space<vmem>> -> memref<1x128xi32, #tpu.memory_space<vmem>>
    %dma_wait3A_2397 = tpu.memref_squeeze %dma_wait3A_2396 : memref<1x128xi32, #tpu.memory_space<vmem>> -> memref<128xi32, #tpu.memory_space<vmem>>
    %dma_wait3A_2398 = arith.constant 0 : i32
    %dma_wait3A_2399 = tpu.memref_slice %arg9[%dma_wait3A_2398] : memref<32768xf32, #tpu.memory_space<vmem_shared>> -> memref<32768xf32, #tpu.memory_space<vmem_shared>>
    tpu.wait_indirect_dma semaphore(%arg24 : memref<!tpu.dma_semaphore, #tpu.memory_space<semaphore_mem>>) src(%dma_wait3A_2394 : memref<128xf32, #tpu.memory_space<vmem>>) dst(%dma_wait3A_2399 : memref<32768xf32, #tpu.memory_space<vmem_shared>>)
    %dma_wait3A_2400 = arith.constant 7 : i32
    %dma_wait3A_2401 = arith.constant 7 : i32
    %dma_wait3A_2402 = arith.constant 0 : i32
    %dma_wait3A_2403 = tpu.memref_slice %arg7[%dma_wait3A_2400, %dma_wait3A_2402] : memref<8x128xf32, #tpu.memory_space<vmem>> -> memref<1x128xf32, #tpu.memory_space<vmem>>
    %dma_wait3A_2404 = tpu.memref_squeeze %dma_wait3A_2403 : memref<1x128xf32, #tpu.memory_space<vmem>> -> memref<128xf32, #tpu.memory_space<vmem>>
    %dma_wait3A_2405 = arith.constant 0 : i32
    %dma_wait3A_2406 = tpu.memref_slice %arg8[%dma_wait3A_2401, %dma_wait3A_2405] : memref<8x128xi32, #tpu.memory_space<vmem>> -> memref<1x128xi32, #tpu.memory_space<vmem>>
    %dma_wait3A_2407 = tpu.memref_squeeze %dma_wait3A_2406 : memref<1x128xi32, #tpu.memory_space<vmem>> -> memref<128xi32, #tpu.memory_space<vmem>>
    %dma_wait3A_2408 = arith.constant 0 : i32
    %dma_wait3A_2409 = tpu.memref_slice %arg9[%dma_wait3A_2408] : memref<32768xf32, #tpu.memory_space<vmem_shared>> -> memref<32768xf32, #tpu.memory_space<vmem_shared>>
    tpu.wait_indirect_dma semaphore(%arg24 : memref<!tpu.dma_semaphore, #tpu.memory_space<semaphore_mem>>) src(%dma_wait3A_2404 : memref<128xf32, #tpu.memory_space<vmem>>) dst(%dma_wait3A_2409 : memref<32768xf32, #tpu.memory_space<vmem_shared>>)
    %barrier3A_2410 = arith.constant 0 : index
    tpu.barrier barrier_id(%barrier3A_2410)
    %dma_start3A_2411 = arith.constant 16384 : i32
    %dma_start3A_2412 = tpu.memref_slice %arg9[%dma_start3A_2411] : memref<32768xf32, #tpu.memory_space<vmem_shared>> -> memref<16384xf32, #tpu.memory_space<vmem_shared>>
    %dma_start3A_2413 = arith.constant 16384 : i32
    %dma_start3A_2414 = tpu.memref_slice %arg9[%dma_start3A_2413] : memref<32768xf32, #tpu.memory_space<vmem_shared>> -> memref<16384xf32, #tpu.memory_space<vmem_shared>>
    tpu.enqueue_dma source(%dma_start3A_2414 : memref<16384xf32, #tpu.memory_space<vmem_shared>>) target(%arg12 : memref<16384xf32, #tpu.memory_space<vmem>>) target_semaphore(%arg22 : memref<!tpu.dma_semaphore, #tpu.memory_space<semaphore_mem>>)
    %dma_start3A_2415 = tpu.memref_slice %arg9[%mul3A_0] : memref<32768xf32, #tpu.memory_space<vmem_shared>> -> memref<1024xf32, #tpu.memory_space<vmem_shared>>
    %dma_start3A_2416 = tpu.memref_slice %arg9[%mul3A_0] : memref<32768xf32, #tpu.memory_space<vmem_shared>> -> memref<1024xf32, #tpu.memory_space<vmem_shared>>
    tpu.enqueue_dma source(%dma_start3A_2416 : memref<1024xf32, #tpu.memory_space<vmem_shared>>) target(%arg13 : memref<1024xf32, #tpu.memory_space<vmem>>) target_semaphore(%arg24 : memref<!tpu.dma_semaphore, #tpu.memory_space<semaphore_mem>>)
    %dma_wait3A_2417 = tpu.memref_slice %arg4[%mul3A_2] : memref<163840xi32, #tpu.memory_space<hbm>> -> memref<10240xi32, #tpu.memory_space<hbm>>
    %dma_wait3A_2418 = tpu.memref_slice %arg4[%mul3A_2] : memref<163840xi32, #tpu.memory_space<hbm>> -> memref<10240xi32, #tpu.memory_space<hbm>>
    tpu.wait_dma2 semaphore(%arg23 : memref<!tpu.dma_semaphore, #tpu.memory_space<semaphore_mem>>) src(%dma_wait3A_2418 : memref<10240xi32, #tpu.memory_space<hbm>>) dst(%arg14 : memref<10240xi32, #tpu.memory_space<vmem>>)
    %scan3A = arith.constant 0 : i32
    %scan3A_2419 = arith.constant 0 : i32
    %scan3A_2420 = arith.constant 320 : i32
    %scan3A_2421 = arith.addi %scan3A_2419, %scan3A_2420 : i32
    %scan3A_2422 = arith.constant 1 : i32
    %scan3A_2423 = scf.for %scan3A_3282 = %scan3A_2419 to %scan3A_2421 step %scan3A_2422 iter_args(%scan3A_3283 = %scan3A) -> (i32)  : i32 {
      %jit3A_3284 = arith.constant 64 : i32
      %div3A_3285 = arith.divsi %scan3A_3282, %jit3A_3284 : i32
      %sign3A = arith.constant 0 : i32
      %sign3A_3286 = arith.cmpi sgt, %scan3A_3282, %sign3A : i32
      %sign3A_3287 = arith.extui %sign3A_3286 : i1 to i32
      %sign3A_3288 = arith.constant 0 : i32
      %sign3A_3289 = arith.cmpi slt, %scan3A_3282, %sign3A_3288 : i32
      %sign3A_3290 = arith.extui %sign3A_3289 : i1 to i32
      %sign3A_3291 = arith.subi %sign3A_3287, %sign3A_3290 : i32
      %sign3A_3292 = arith.constant 0 : i32
      %sign3A_3293 = arith.cmpi sgt, %jit3A_3284, %sign3A_3292 : i32
      %sign3A_3294 = arith.extui %sign3A_3293 : i1 to i32
      %sign3A_3295 = arith.constant 0 : i32
      %sign3A_3296 = arith.cmpi slt, %jit3A_3284, %sign3A_3295 : i32
      %sign3A_3297 = arith.extui %sign3A_3296 : i1 to i32
      %sign3A_3298 = arith.subi %sign3A_3294, %sign3A_3297 : i32
      %ne3A = arith.cmpi ne, %sign3A_3291, %sign3A_3298 : i32
      %rem3A_3299 = arith.remsi %scan3A_3282, %jit3A_3284 : i32
      %ne3A_3300 = arith.constant 0 : i32
      %ne3A_3301 = arith.cmpi ne, %rem3A_3299, %ne3A_3300 : i32
      %and3A = arith.andi %ne3A, %ne3A_3301 : i1
      %sub3A_3302 = arith.constant 1 : i32
      %sub3A_3303 = arith.subi %div3A_3285, %sub3A_3302 : i32
      %select_n3A_3304 = arith.select %and3A, %sub3A_3303, %div3A_3285 : i32
      %mul3A_3305 = arith.constant 64 : i32
      %mul3A_3306 = arith.muli %select_n3A_3304, %mul3A_3305 : i32
      %sub3A_3307 = arith.subi %scan3A_3282, %mul3A_3306 : i32
      %mul3A_3308 = arith.constant 2 : i32
      %mul3A_3309 = arith.muli %select_n3A_3304, %mul3A_3308 : i32
      %mul3A_3310 = arith.constant 1024 : i32
      %mul3A_3311 = arith.muli %mul3A_3309, %mul3A_3310 : i32
      %mul3A_3312 = arith.constant 16 : i32
      %mul3A_3313 = arith.muli %sub3A_3307, %mul3A_3312 : i32
      %add3A_3314 = arith.addi %mul3A_3311, %mul3A_3313 : i32
      %get3A_3315 = arith.index_cast %add3A_3314 : i32 to index
      %get3A_3316 = tpu.vector_load %arg14[%get3A_3315] {strides = array<i32>} : memref<10240xi32, #tpu.memory_space<vmem>>, vector<16xi32>,
      %mul3A_3317 = arith.constant 2 : i32
      %mul3A_3318 = arith.muli %select_n3A_3304, %mul3A_3317 : i32
      %mul3A_3319 = arith.constant 1024 : i32
      %mul3A_3320 = arith.muli %mul3A_3318, %mul3A_3319 : i32
      %add3A_3321 = arith.constant 1024 : i32
      %add3A_3322 = arith.addi %mul3A_3320, %add3A_3321 : i32
      %mul3A_3323 = arith.constant 16 : i32
      %mul3A_3324 = arith.muli %sub3A_3307, %mul3A_3323 : i32
      %add3A_3325 = arith.addi %add3A_3322, %mul3A_3324 : i32
      %get3A_3326 = arith.index_cast %add3A_3325 : i32 to index
      %get3A_3327 = tpu.vector_load %arg14[%get3A_3326] {strides = array<i32>} : memref<10240xi32, #tpu.memory_space<vmem>>, vector<16xi32>,
      %shift_right_logical3A = arith.constant 16 : i32
      %shift_right_logical3A_3328 = vector.broadcast %shift_right_logical3A : i32 to vector<16xi32>
      %shift_right_logical3A_3329 = arith.shrui %get3A_3316, %shift_right_logical3A_3328 : vector<16xi32>
      %and3A_3330 = arith.andi %get3A_3316, %broadcast_in_dim3A_383 : vector<16xi32>
      %shift_right_logical3A_3331 = arith.constant 16 : i32
      %shift_right_logical3A_3332 = vector.broadcast %shift_right_logical3A_3331 : i32 to vector<16xi32>
      %shift_right_logical3A_3333 = arith.shrui %get3A_3327, %shift_right_logical3A_3332 : vector<16xi32>
      %and3A_3334 = arith.andi %get3A_3327, %broadcast_in_dim3A_383 : vector<16xi32>
      %mul3A_3335 = arith.muli %shift_right_logical3A_3329, %rem3A_366 : vector<16xi32>
      %mul3A_3336 = arith.muli %and3A_3330, %rem3A_364 : vector<16xi32>
      %add3A_3337 = arith.addi %mul3A_3335, %mul3A_3336 : vector<16xi32>
      %mul3A_3338 = arith.muli %shift_right_logical3A_3333, %rem3A : vector<16xi32>
      %add3A_3339 = arith.addi %add3A_3337, %mul3A_3338 : vector<16xi32>
      %add3A_3340 = arith.addi %add3A_3339, %and3A_3334 : vector<16xi32>
      %bitcast3A_3341 = vector.bitcast %add3A_3340 : vector<16xi32> to vector<16xi32>
      %convert_element_type3A_3342 = arith.sitofp %bitcast3A_3341 : vector<16xi32> to vector<16xf32>
      %lt3A_3343 = arith.constant 0 : i32
      %lt3A_3344 = vector.broadcast %lt3A_3343 : i32 to vector<16xi32>
      %lt3A_3345 = arith.cmpi slt, %bitcast3A_3341, %lt3A_3344 : vector<16xi32>
      %add3A_3346 = arith.addf %convert_element_type3A_3342, %broadcast_in_dim3A_381 : vector<16xf32>
      %select_n3A_3347 = arith.select %lt3A_3345, %add3A_3346, %convert_element_type3A_3342 : vector<16xi1>, vector<16xf32>
      %mul3A_3348 = arith.mulf %select_n3A_3347, %div3A_360 : vector<16xf32>
      %min3A = arith.minimumf %mul3A_3348, %broadcast_in_dim3A_379 : vector<16xf32>
      %convert_element_type3A_3349 = arith.fptosi %min3A : vector<16xf32> to vector<16xi32>
      %bitcast3A_3350 = vector.bitcast %convert_element_type3A_3349 : vector<16xi32> to vector<16xi32>
      %mul3A_3351 = arith.muli %bitcast3A_3350, %bitcast3A : vector<16xi32>
      %sub3A_3352 = arith.subi %add3A_3340, %mul3A_3351 : vector<16xi32>
      %bitcast3A_3353 = vector.bitcast %sub3A_3352 : vector<16xi32> to vector<16xi32>
      %add3A_3354 = arith.addi %bitcast3A_3353, %mul3A_377 : vector<16xi32>
      %convert_element_type3A_3355 = arith.sitofp %add3A_3354 : vector<16xi32> to vector<16xf32>
      %mul3A_3356 = arith.mulf %convert_element_type3A_3355, %div3A_360 : vector<16xf32>
      %convert_element_type3A_3357 = arith.fptosi %mul3A_3356 : vector<16xf32> to vector<16xi32>
      %mul3A_3358 = arith.muli %convert_element_type3A_3357, %max3A_357 : vector<16xi32>
      %sub3A_3359 = arith.subi %add3A_3354, %mul3A_3358 : vector<16xi32>
      %lt3A_3360 = arith.constant 0 : i32
      %lt3A_3361 = vector.broadcast %lt3A_3360 : i32 to vector<16xi32>
      %lt3A_3362 = arith.cmpi slt, %sub3A_3359, %lt3A_3361 : vector<16xi32>
      %add3A_3363 = arith.addi %sub3A_3359, %max3A_357 : vector<16xi32>
      %select_n3A_3364 = arith.select %lt3A_3362, %add3A_3363, %sub3A_3359 : vector<16xi1>, vector<16xi32>
      %ge3A = arith.cmpi sge, %select_n3A_3364, %max3A_357 : vector<16xi32>
      %sub3A_3365 = arith.subi %select_n3A_3364, %max3A_357 : vector<16xi32>
      %select_n3A_3366 = arith.select %ge3A, %sub3A_3365, %select_n3A_3364 : vector<16xi1>, vector<16xi32>
      %jit3A_3367 = arith.constant 0 : i32
      %broadcast_in_dim3A_3368 = vector.broadcast %jit3A_3367 : i32 to vector<16xi32>
      %select_n3A_3369 = arith.select %eq3A_386, %broadcast_in_dim3A_3368, %select_n3A_3366 : vector<16xi1>, vector<16xi32>
      %mul3A_3370 = arith.constant 16 : i32
      %mul3A_3371 = arith.muli %scan3A_3282, %mul3A_3370 : i32
      %swap3A_3372 = arith.index_cast %mul3A_3371 : i32 to index
      %swap3A_3373 = tpu.vector_load %arg15[%swap3A_3372] {strides = array<i32>} : memref<5120xi32, #tpu.memory_space<vmem>>, vector<16xi32>,
      tpu.vector_store %arg15[%swap3A_3372], %select_n3A_3369 {strides = array<i32>} : memref<5120xi32, #tpu.memory_space<vmem>>, vector<16xi32>,
      %scan3A_3374 = arith.constant 0 : i32
      scf.yield %scan3A_3374 : i32
    }
    %scan3A_2424 = arith.constant 320 : i32
    %dma_wait3A_2425 = tpu.memref_slice %arg9[%mul3A_0] : memref<32768xf32, #tpu.memory_space<vmem_shared>> -> memref<1024xf32, #tpu.memory_space<vmem_shared>>
    %dma_wait3A_2426 = tpu.memref_slice %arg9[%mul3A_0] : memref<32768xf32, #tpu.memory_space<vmem_shared>> -> memref<1024xf32, #tpu.memory_space<vmem_shared>>
    tpu.wait_dma2 semaphore(%arg24 : memref<!tpu.dma_semaphore, #tpu.memory_space<semaphore_mem>>) src(%dma_wait3A_2426 : memref<1024xf32, #tpu.memory_space<vmem_shared>>) dst(%arg13 : memref<1024xf32, #tpu.memory_space<vmem>>)
    %broadcast_in_dim3A_2427 = arith.constant -3.000000e+38 : f32
    %broadcast_in_dim3A_2428 = vector.broadcast %broadcast_in_dim3A_2427 : f32 to vector<16xf32>
    %add3A_2429 = arith.constant 0 : i32
    %add3A_2430 = arith.addi %mul3A_0, %add3A_2429 : i32
    %add3A_2431 = vector.broadcast %add3A_2430 : i32 to vector<16xi32>
    %add3A_2432 = arith.addi %add3A_2431, %iota3A : vector<16xi32>
    %lt3A_2433 = arith.cmpi slt, %add3A_2432, %broadcast_in_dim3A_353 : vector<16xi32>
    %get3A_2434 = arith.constant 0 : index
    %get3A_2435 = tpu.vector_load %arg13[%get3A_2434] {strides = array<i32>} : memref<1024xf32, #tpu.memory_space<vmem>>, vector<16xf32>,
    %sub3A_2436 = arith.constant 1.000000e+00 : f32
    %sub3A_2437 = vector.broadcast %sub3A_2436 : f32 to vector<16xf32>
    %sub3A_2438 = arith.subf %sub3A_2437, %get3A_2435 : vector<16xf32>
    %select_n3A_2439 = arith.select %lt3A_2433, %sub3A_2438, %broadcast_in_dim3A_2428 : vector<16xi1>, vector<16xf32>
    %swap3A_2440 = arith.constant 0 : index
    %swap3A_2441 = tpu.vector_load %arg16[%swap3A_2440] {strides = array<i32>} : memref<1024xf32, #tpu.memory_space<vmem>>, vector<16xf32>,
    tpu.vector_store %arg16[%swap3A_2440], %select_n3A_2439 {strides = array<i32>} : memref<1024xf32, #tpu.memory_space<vmem>>, vector<16xf32>,
    %add3A_2442 = arith.constant 16 : i32
    %add3A_2443 = arith.addi %mul3A_0, %add3A_2442 : i32
    %add3A_2444 = vector.broadcast %add3A_2443 : i32 to vector<16xi32>
    %add3A_2445 = arith.addi %add3A_2444, %iota3A : vector<16xi32>
    %lt3A_2446 = arith.cmpi slt, %add3A_2445, %broadcast_in_dim3A_353 : vector<16xi32>
    %get3A_2447 = arith.constant 16 : index
    %get3A_2448 = tpu.vector_load %arg13[%get3A_2447] {strides = array<i32>} : memref<1024xf32, #tpu.memory_space<vmem>>, vector<16xf32>,
    %sub3A_2449 = arith.constant 1.000000e+00 : f32
    %sub3A_2450 = vector.broadcast %sub3A_2449 : f32 to vector<16xf32>
    %sub3A_2451 = arith.subf %sub3A_2450, %get3A_2448 : vector<16xf32>
    %select_n3A_2452 = arith.select %lt3A_2446, %sub3A_2451, %broadcast_in_dim3A_2428 : vector<16xi1>, vector<16xf32>
    %swap3A_2453 = arith.constant 16 : index
    %swap3A_2454 = tpu.vector_load %arg16[%swap3A_2453] {strides = array<i32>} : memref<1024xf32, #tpu.memory_space<vmem>>, vector<16xf32>,
    tpu.vector_store %arg16[%swap3A_2453], %select_n3A_2452 {strides = array<i32>} : memref<1024xf32, #tpu.memory_space<vmem>>, vector<16xf32>,
    %add3A_2455 = arith.constant 32 : i32
    %add3A_2456 = arith.addi %mul3A_0, %add3A_2455 : i32
    %add3A_2457 = vector.broadcast %add3A_2456 : i32 to vector<16xi32>
    %add3A_2458 = arith.addi %add3A_2457, %iota3A : vector<16xi32>
    %lt3A_2459 = arith.cmpi slt, %add3A_2458, %broadcast_in_dim3A_353 : vector<16xi32>
    %get3A_2460 = arith.constant 32 : index
    %get3A_2461 = tpu.vector_load %arg13[%get3A_2460] {strides = array<i32>} : memref<1024xf32, #tpu.memory_space<vmem>>, vector<16xf32>,
    %sub3A_2462 = arith.constant 1.000000e+00 : f32
    %sub3A_2463 = vector.broadcast %sub3A_2462 : f32 to vector<16xf32>
    %sub3A_2464 = arith.subf %sub3A_2463, %get3A_2461 : vector<16xf32>
    %select_n3A_2465 = arith.select %lt3A_2459, %sub3A_2464, %broadcast_in_dim3A_2428 : vector<16xi1>, vector<16xf32>
    %swap3A_2466 = arith.constant 32 : index
    %swap3A_2467 = tpu.vector_load %arg16[%swap3A_2466] {strides = array<i32>} : memref<1024xf32, #tpu.memory_space<vmem>>, vector<16xf32>,
    tpu.vector_store %arg16[%swap3A_2466], %select_n3A_2465 {strides = array<i32>} : memref<1024xf32, #tpu.memory_space<vmem>>, vector<16xf32>,
    %add3A_2468 = arith.constant 48 : i32
    %add3A_2469 = arith.addi %mul3A_0, %add3A_2468 : i32
    %add3A_2470 = vector.broadcast %add3A_2469 : i32 to vector<16xi32>
    %add3A_2471 = arith.addi %add3A_2470, %iota3A : vector<16xi32>
    %lt3A_2472 = arith.cmpi slt, %add3A_2471, %broadcast_in_dim3A_353 : vector<16xi32>
    %get3A_2473 = arith.constant 48 : index
    %get3A_2474 = tpu.vector_load %arg13[%get3A_2473] {strides = array<i32>} : memref<1024xf32, #tpu.memory_space<vmem>>, vector<16xf32>,
    %sub3A_2475 = arith.constant 1.000000e+00 : f32
    %sub3A_2476 = vector.broadcast %sub3A_2475 : f32 to vector<16xf32>
    %sub3A_2477 = arith.subf %sub3A_2476, %get3A_2474 : vector<16xf32>
    %select_n3A_2478 = arith.select %lt3A_2472, %sub3A_2477, %broadcast_in_dim3A_2428 : vector<16xi1>, vector<16xf32>
    %swap3A_2479 = arith.constant 48 : index
    %swap3A_2480 = tpu.vector_load %arg16[%swap3A_2479] {strides = array<i32>} : memref<1024xf32, #tpu.memory_space<vmem>>, vector<16xf32>,
    tpu.vector_store %arg16[%swap3A_2479], %select_n3A_2478 {strides = array<i32>} : memref<1024xf32, #tpu.memory_space<vmem>>, vector<16xf32>,
    %add3A_2481 = arith.constant 64 : i32
    %add3A_2482 = arith.addi %mul3A_0, %add3A_2481 : i32
    %add3A_2483 = vector.broadcast %add3A_2482 : i32 to vector<16xi32>
    %add3A_2484 = arith.addi %add3A_2483, %iota3A : vector<16xi32>
    %lt3A_2485 = arith.cmpi slt, %add3A_2484, %broadcast_in_dim3A_353 : vector<16xi32>
    %get3A_2486 = arith.constant 64 : index
    %get3A_2487 = tpu.vector_load %arg13[%get3A_2486] {strides = array<i32>} : memref<1024xf32, #tpu.memory_space<vmem>>, vector<16xf32>,
    %sub3A_2488 = arith.constant 1.000000e+00 : f32
    %sub3A_2489 = vector.broadcast %sub3A_2488 : f32 to vector<16xf32>
    %sub3A_2490 = arith.subf %sub3A_2489, %get3A_2487 : vector<16xf32>
    %select_n3A_2491 = arith.select %lt3A_2485, %sub3A_2490, %broadcast_in_dim3A_2428 : vector<16xi1>, vector<16xf32>
    %swap3A_2492 = arith.constant 64 : index
    %swap3A_2493 = tpu.vector_load %arg16[%swap3A_2492] {strides = array<i32>} : memref<1024xf32, #tpu.memory_space<vmem>>, vector<16xf32>,
    tpu.vector_store %arg16[%swap3A_2492], %select_n3A_2491 {strides = array<i32>} : memref<1024xf32, #tpu.memory_space<vmem>>, vector<16xf32>,
    %add3A_2494 = arith.constant 80 : i32
    %add3A_2495 = arith.addi %mul3A_0, %add3A_2494 : i32
    %add3A_2496 = vector.broadcast %add3A_2495 : i32 to vector<16xi32>
    %add3A_2497 = arith.addi %add3A_2496, %iota3A : vector<16xi32>
    %lt3A_2498 = arith.cmpi slt, %add3A_2497, %broadcast_in_dim3A_353 : vector<16xi32>
    %get3A_2499 = arith.constant 80 : index
    %get3A_2500 = tpu.vector_load %arg13[%get3A_2499] {strides = array<i32>} : memref<1024xf32, #tpu.memory_space<vmem>>, vector<16xf32>,
    %sub3A_2501 = arith.constant 1.000000e+00 : f32
    %sub3A_2502 = vector.broadcast %sub3A_2501 : f32 to vector<16xf32>
    %sub3A_2503 = arith.subf %sub3A_2502, %get3A_2500 : vector<16xf32>
    %select_n3A_2504 = arith.select %lt3A_2498, %sub3A_2503, %broadcast_in_dim3A_2428 : vector<16xi1>, vector<16xf32>
    %swap3A_2505 = arith.constant 80 : index
    %swap3A_2506 = tpu.vector_load %arg16[%swap3A_2505] {strides = array<i32>} : memref<1024xf32, #tpu.memory_space<vmem>>, vector<16xf32>,
    tpu.vector_store %arg16[%swap3A_2505], %select_n3A_2504 {strides = array<i32>} : memref<1024xf32, #tpu.memory_space<vmem>>, vector<16xf32>,
    %add3A_2507 = arith.constant 96 : i32
    %add3A_2508 = arith.addi %mul3A_0, %add3A_2507 : i32
    %add3A_2509 = vector.broadcast %add3A_2508 : i32 to vector<16xi32>
    %add3A_2510 = arith.addi %add3A_2509, %iota3A : vector<16xi32>
    %lt3A_2511 = arith.cmpi slt, %add3A_2510, %broadcast_in_dim3A_353 : vector<16xi32>
    %get3A_2512 = arith.constant 96 : index
    %get3A_2513 = tpu.vector_load %arg13[%get3A_2512] {strides = array<i32>} : memref<1024xf32, #tpu.memory_space<vmem>>, vector<16xf32>,
    %sub3A_2514 = arith.constant 1.000000e+00 : f32
    %sub3A_2515 = vector.broadcast %sub3A_2514 : f32 to vector<16xf32>
    %sub3A_2516 = arith.subf %sub3A_2515, %get3A_2513 : vector<16xf32>
    %select_n3A_2517 = arith.select %lt3A_2511, %sub3A_2516, %broadcast_in_dim3A_2428 : vector<16xi1>, vector<16xf32>
    %swap3A_2518 = arith.constant 96 : index
    %swap3A_2519 = tpu.vector_load %arg16[%swap3A_2518] {strides = array<i32>} : memref<1024xf32, #tpu.memory_space<vmem>>, vector<16xf32>,
    tpu.vector_store %arg16[%swap3A_2518], %select_n3A_2517 {strides = array<i32>} : memref<1024xf32, #tpu.memory_space<vmem>>, vector<16xf32>,
    %add3A_2520 = arith.constant 112 : i32
    %add3A_2521 = arith.addi %mul3A_0, %add3A_2520 : i32
    %add3A_2522 = vector.broadcast %add3A_2521 : i32 to vector<16xi32>
    %add3A_2523 = arith.addi %add3A_2522, %iota3A : vector<16xi32>
    %lt3A_2524 = arith.cmpi slt, %add3A_2523, %broadcast_in_dim3A_353 : vector<16xi32>
    %get3A_2525 = arith.constant 112 : index
    %get3A_2526 = tpu.vector_load %arg13[%get3A_2525] {strides = array<i32>} : memref<1024xf32, #tpu.memory_space<vmem>>, vector<16xf32>,
    %sub3A_2527 = arith.constant 1.000000e+00 : f32
    %sub3A_2528 = vector.broadcast %sub3A_2527 : f32 to vector<16xf32>
    %sub3A_2529 = arith.subf %sub3A_2528, %get3A_2526 : vector<16xf32>
    %select_n3A_2530 = arith.select %lt3A_2524, %sub3A_2529, %broadcast_in_dim3A_2428 : vector<16xi1>, vector<16xf32>
    %swap3A_2531 = arith.constant 112 : index
    %swap3A_2532 = tpu.vector_load %arg16[%swap3A_2531] {strides = array<i32>} : memref<1024xf32, #tpu.memory_space<vmem>>, vector<16xf32>,
    tpu.vector_store %arg16[%swap3A_2531], %select_n3A_2530 {strides = array<i32>} : memref<1024xf32, #tpu.memory_space<vmem>>, vector<16xf32>,
    %add3A_2533 = arith.constant 128 : i32
    %add3A_2534 = arith.addi %mul3A_0, %add3A_2533 : i32
    %add3A_2535 = vector.broadcast %add3A_2534 : i32 to vector<16xi32>
    %add3A_2536 = arith.addi %add3A_2535, %iota3A : vector<16xi32>
    %lt3A_2537 = arith.cmpi slt, %add3A_2536, %broadcast_in_dim3A_353 : vector<16xi32>
    %get3A_2538 = arith.constant 128 : index
    %get3A_2539 = tpu.vector_load %arg13[%get3A_2538] {strides = array<i32>} : memref<1024xf32, #tpu.memory_space<vmem>>, vector<16xf32>,
    %sub3A_2540 = arith.constant 1.000000e+00 : f32
    %sub3A_2541 = vector.broadcast %sub3A_2540 : f32 to vector<16xf32>
    %sub3A_2542 = arith.subf %sub3A_2541, %get3A_2539 : vector<16xf32>
    %select_n3A_2543 = arith.select %lt3A_2537, %sub3A_2542, %broadcast_in_dim3A_2428 : vector<16xi1>, vector<16xf32>
    %swap3A_2544 = arith.constant 128 : index
    %swap3A_2545 = tpu.vector_load %arg16[%swap3A_2544] {strides = array<i32>} : memref<1024xf32, #tpu.memory_space<vmem>>, vector<16xf32>,
    tpu.vector_store %arg16[%swap3A_2544], %select_n3A_2543 {strides = array<i32>} : memref<1024xf32, #tpu.memory_space<vmem>>, vector<16xf32>,
    %add3A_2546 = arith.constant 144 : i32
    %add3A_2547 = arith.addi %mul3A_0, %add3A_2546 : i32
    %add3A_2548 = vector.broadcast %add3A_2547 : i32 to vector<16xi32>
    %add3A_2549 = arith.addi %add3A_2548, %iota3A : vector<16xi32>
    %lt3A_2550 = arith.cmpi slt, %add3A_2549, %broadcast_in_dim3A_353 : vector<16xi32>
    %get3A_2551 = arith.constant 144 : index
    %get3A_2552 = tpu.vector_load %arg13[%get3A_2551] {strides = array<i32>} : memref<1024xf32, #tpu.memory_space<vmem>>, vector<16xf32>,
    %sub3A_2553 = arith.constant 1.000000e+00 : f32
    %sub3A_2554 = vector.broadcast %sub3A_2553 : f32 to vector<16xf32>
    %sub3A_2555 = arith.subf %sub3A_2554, %get3A_2552 : vector<16xf32>
    %select_n3A_2556 = arith.select %lt3A_2550, %sub3A_2555, %broadcast_in_dim3A_2428 : vector<16xi1>, vector<16xf32>
    %swap3A_2557 = arith.constant 144 : index
    %swap3A_2558 = tpu.vector_load %arg16[%swap3A_2557] {strides = array<i32>} : memref<1024xf32, #tpu.memory_space<vmem>>, vector<16xf32>,
    tpu.vector_store %arg16[%swap3A_2557], %select_n3A_2556 {strides = array<i32>} : memref<1024xf32, #tpu.memory_space<vmem>>, vector<16xf32>,
    %add3A_2559 = arith.constant 160 : i32
    %add3A_2560 = arith.addi %mul3A_0, %add3A_2559 : i32
    %add3A_2561 = vector.broadcast %add3A_2560 : i32 to vector<16xi32>
    %add3A_2562 = arith.addi %add3A_2561, %iota3A : vector<16xi32>
    %lt3A_2563 = arith.cmpi slt, %add3A_2562, %broadcast_in_dim3A_353 : vector<16xi32>
    %get3A_2564 = arith.constant 160 : index
    %get3A_2565 = tpu.vector_load %arg13[%get3A_2564] {strides = array<i32>} : memref<1024xf32, #tpu.memory_space<vmem>>, vector<16xf32>,
    %sub3A_2566 = arith.constant 1.000000e+00 : f32
    %sub3A_2567 = vector.broadcast %sub3A_2566 : f32 to vector<16xf32>
    %sub3A_2568 = arith.subf %sub3A_2567, %get3A_2565 : vector<16xf32>
    %select_n3A_2569 = arith.select %lt3A_2563, %sub3A_2568, %broadcast_in_dim3A_2428 : vector<16xi1>, vector<16xf32>
    %swap3A_2570 = arith.constant 160 : index
    %swap3A_2571 = tpu.vector_load %arg16[%swap3A_2570] {strides = array<i32>} : memref<1024xf32, #tpu.memory_space<vmem>>, vector<16xf32>,
    tpu.vector_store %arg16[%swap3A_2570], %select_n3A_2569 {strides = array<i32>} : memref<1024xf32, #tpu.memory_space<vmem>>, vector<16xf32>,
    %add3A_2572 = arith.constant 176 : i32
    %add3A_2573 = arith.addi %mul3A_0, %add3A_2572 : i32
    %add3A_2574 = vector.broadcast %add3A_2573 : i32 to vector<16xi32>
    %add3A_2575 = arith.addi %add3A_2574, %iota3A : vector<16xi32>
    %lt3A_2576 = arith.cmpi slt, %add3A_2575, %broadcast_in_dim3A_353 : vector<16xi32>
    %get3A_2577 = arith.constant 176 : index
    %get3A_2578 = tpu.vector_load %arg13[%get3A_2577] {strides = array<i32>} : memref<1024xf32, #tpu.memory_space<vmem>>, vector<16xf32>,
    %sub3A_2579 = arith.constant 1.000000e+00 : f32
    %sub3A_2580 = vector.broadcast %sub3A_2579 : f32 to vector<16xf32>
    %sub3A_2581 = arith.subf %sub3A_2580, %get3A_2578 : vector<16xf32>
    %select_n3A_2582 = arith.select %lt3A_2576, %sub3A_2581, %broadcast_in_dim3A_2428 : vector<16xi1>, vector<16xf32>
    %swap3A_2583 = arith.constant 176 : index
    %swap3A_2584 = tpu.vector_load %arg16[%swap3A_2583] {strides = array<i32>} : memref<1024xf32, #tpu.memory_space<vmem>>, vector<16xf32>,
    tpu.vector_store %arg16[%swap3A_2583], %select_n3A_2582 {strides = array<i32>} : memref<1024xf32, #tpu.memory_space<vmem>>, vector<16xf32>,
    %add3A_2585 = arith.constant 192 : i32
    %add3A_2586 = arith.addi %mul3A_0, %add3A_2585 : i32
    %add3A_2587 = vector.broadcast %add3A_2586 : i32 to vector<16xi32>
    %add3A_2588 = arith.addi %add3A_2587, %iota3A : vector<16xi32>
    %lt3A_2589 = arith.cmpi slt, %add3A_2588, %broadcast_in_dim3A_353 : vector<16xi32>
    %get3A_2590 = arith.constant 192 : index
    %get3A_2591 = tpu.vector_load %arg13[%get3A_2590] {strides = array<i32>} : memref<1024xf32, #tpu.memory_space<vmem>>, vector<16xf32>,
    %sub3A_2592 = arith.constant 1.000000e+00 : f32
    %sub3A_2593 = vector.broadcast %sub3A_2592 : f32 to vector<16xf32>
    %sub3A_2594 = arith.subf %sub3A_2593, %get3A_2591 : vector<16xf32>
    %select_n3A_2595 = arith.select %lt3A_2589, %sub3A_2594, %broadcast_in_dim3A_2428 : vector<16xi1>, vector<16xf32>
    %swap3A_2596 = arith.constant 192 : index
    %swap3A_2597 = tpu.vector_load %arg16[%swap3A_2596] {strides = array<i32>} : memref<1024xf32, #tpu.memory_space<vmem>>, vector<16xf32>,
    tpu.vector_store %arg16[%swap3A_2596], %select_n3A_2595 {strides = array<i32>} : memref<1024xf32, #tpu.memory_space<vmem>>, vector<16xf32>,
    %add3A_2598 = arith.constant 208 : i32
    %add3A_2599 = arith.addi %mul3A_0, %add3A_2598 : i32
    %add3A_2600 = vector.broadcast %add3A_2599 : i32 to vector<16xi32>
    %add3A_2601 = arith.addi %add3A_2600, %iota3A : vector<16xi32>
    %lt3A_2602 = arith.cmpi slt, %add3A_2601, %broadcast_in_dim3A_353 : vector<16xi32>
    %get3A_2603 = arith.constant 208 : index
    %get3A_2604 = tpu.vector_load %arg13[%get3A_2603] {strides = array<i32>} : memref<1024xf32, #tpu.memory_space<vmem>>, vector<16xf32>,
    %sub3A_2605 = arith.constant 1.000000e+00 : f32
    %sub3A_2606 = vector.broadcast %sub3A_2605 : f32 to vector<16xf32>
    %sub3A_2607 = arith.subf %sub3A_2606, %get3A_2604 : vector<16xf32>
    %select_n3A_2608 = arith.select %lt3A_2602, %sub3A_2607, %broadcast_in_dim3A_2428 : vector<16xi1>, vector<16xf32>
    %swap3A_2609 = arith.constant 208 : index
    %swap3A_2610 = tpu.vector_load %arg16[%swap3A_2609] {strides = array<i32>} : memref<1024xf32, #tpu.memory_space<vmem>>, vector<16xf32>,
    tpu.vector_store %arg16[%swap3A_2609], %select_n3A_2608 {strides = array<i32>} : memref<1024xf32, #tpu.memory_space<vmem>>, vector<16xf32>,
    %add3A_2611 = arith.constant 224 : i32
    %add3A_2612 = arith.addi %mul3A_0, %add3A_2611 : i32
    %add3A_2613 = vector.broadcast %add3A_2612 : i32 to vector<16xi32>
    %add3A_2614 = arith.addi %add3A_2613, %iota3A : vector<16xi32>
    %lt3A_2615 = arith.cmpi slt, %add3A_2614, %broadcast_in_dim3A_353 : vector<16xi32>
    %get3A_2616 = arith.constant 224 : index
    %get3A_2617 = tpu.vector_load %arg13[%get3A_2616] {strides = array<i32>} : memref<1024xf32, #tpu.memory_space<vmem>>, vector<16xf32>,
    %sub3A_2618 = arith.constant 1.000000e+00 : f32
    %sub3A_2619 = vector.broadcast %sub3A_2618 : f32 to vector<16xf32>
    %sub3A_2620 = arith.subf %sub3A_2619, %get3A_2617 : vector<16xf32>
    %select_n3A_2621 = arith.select %lt3A_2615, %sub3A_2620, %broadcast_in_dim3A_2428 : vector<16xi1>, vector<16xf32>
    %swap3A_2622 = arith.constant 224 : index
    %swap3A_2623 = tpu.vector_load %arg16[%swap3A_2622] {strides = array<i32>} : memref<1024xf32, #tpu.memory_space<vmem>>, vector<16xf32>,
    tpu.vector_store %arg16[%swap3A_2622], %select_n3A_2621 {strides = array<i32>} : memref<1024xf32, #tpu.memory_space<vmem>>, vector<16xf32>,
    %add3A_2624 = arith.constant 240 : i32
    %add3A_2625 = arith.addi %mul3A_0, %add3A_2624 : i32
    %add3A_2626 = vector.broadcast %add3A_2625 : i32 to vector<16xi32>
    %add3A_2627 = arith.addi %add3A_2626, %iota3A : vector<16xi32>
    %lt3A_2628 = arith.cmpi slt, %add3A_2627, %broadcast_in_dim3A_353 : vector<16xi32>
    %get3A_2629 = arith.constant 240 : index
    %get3A_2630 = tpu.vector_load %arg13[%get3A_2629] {strides = array<i32>} : memref<1024xf32, #tpu.memory_space<vmem>>, vector<16xf32>,
    %sub3A_2631 = arith.constant 1.000000e+00 : f32
    %sub3A_2632 = vector.broadcast %sub3A_2631 : f32 to vector<16xf32>
    %sub3A_2633 = arith.subf %sub3A_2632, %get3A_2630 : vector<16xf32>
    %select_n3A_2634 = arith.select %lt3A_2628, %sub3A_2633, %broadcast_in_dim3A_2428 : vector<16xi1>, vector<16xf32>
    %swap3A_2635 = arith.constant 240 : index
    %swap3A_2636 = tpu.vector_load %arg16[%swap3A_2635] {strides = array<i32>} : memref<1024xf32, #tpu.memory_space<vmem>>, vector<16xf32>,
    tpu.vector_store %arg16[%swap3A_2635], %select_n3A_2634 {strides = array<i32>} : memref<1024xf32, #tpu.memory_space<vmem>>, vector<16xf32>,
    %add3A_2637 = arith.constant 256 : i32
    %add3A_2638 = arith.addi %mul3A_0, %add3A_2637 : i32
    %add3A_2639 = vector.broadcast %add3A_2638 : i32 to vector<16xi32>
    %add3A_2640 = arith.addi %add3A_2639, %iota3A : vector<16xi32>
    %lt3A_2641 = arith.cmpi slt, %add3A_2640, %broadcast_in_dim3A_353 : vector<16xi32>
    %get3A_2642 = arith.constant 256 : index
    %get3A_2643 = tpu.vector_load %arg13[%get3A_2642] {strides = array<i32>} : memref<1024xf32, #tpu.memory_space<vmem>>, vector<16xf32>,
    %sub3A_2644 = arith.constant 1.000000e+00 : f32
    %sub3A_2645 = vector.broadcast %sub3A_2644 : f32 to vector<16xf32>
    %sub3A_2646 = arith.subf %sub3A_2645, %get3A_2643 : vector<16xf32>
    %select_n3A_2647 = arith.select %lt3A_2641, %sub3A_2646, %broadcast_in_dim3A_2428 : vector<16xi1>, vector<16xf32>
    %swap3A_2648 = arith.constant 256 : index
    %swap3A_2649 = tpu.vector_load %arg16[%swap3A_2648] {strides = array<i32>} : memref<1024xf32, #tpu.memory_space<vmem>>, vector<16xf32>,
    tpu.vector_store %arg16[%swap3A_2648], %select_n3A_2647 {strides = array<i32>} : memref<1024xf32, #tpu.memory_space<vmem>>, vector<16xf32>,
    %add3A_2650 = arith.constant 272 : i32
    %add3A_2651 = arith.addi %mul3A_0, %add3A_2650 : i32
    %add3A_2652 = vector.broadcast %add3A_2651 : i32 to vector<16xi32>
    %add3A_2653 = arith.addi %add3A_2652, %iota3A : vector<16xi32>
    %lt3A_2654 = arith.cmpi slt, %add3A_2653, %broadcast_in_dim3A_353 : vector<16xi32>
    %get3A_2655 = arith.constant 272 : index
    %get3A_2656 = tpu.vector_load %arg13[%get3A_2655] {strides = array<i32>} : memref<1024xf32, #tpu.memory_space<vmem>>, vector<16xf32>,
    %sub3A_2657 = arith.constant 1.000000e+00 : f32
    %sub3A_2658 = vector.broadcast %sub3A_2657 : f32 to vector<16xf32>
    %sub3A_2659 = arith.subf %sub3A_2658, %get3A_2656 : vector<16xf32>
    %select_n3A_2660 = arith.select %lt3A_2654, %sub3A_2659, %broadcast_in_dim3A_2428 : vector<16xi1>, vector<16xf32>
    %swap3A_2661 = arith.constant 272 : index
    %swap3A_2662 = tpu.vector_load %arg16[%swap3A_2661] {strides = array<i32>} : memref<1024xf32, #tpu.memory_space<vmem>>, vector<16xf32>,
    tpu.vector_store %arg16[%swap3A_2661], %select_n3A_2660 {strides = array<i32>} : memref<1024xf32, #tpu.memory_space<vmem>>, vector<16xf32>,
    %add3A_2663 = arith.constant 288 : i32
    %add3A_2664 = arith.addi %mul3A_0, %add3A_2663 : i32
    %add3A_2665 = vector.broadcast %add3A_2664 : i32 to vector<16xi32>
    %add3A_2666 = arith.addi %add3A_2665, %iota3A : vector<16xi32>
    %lt3A_2667 = arith.cmpi slt, %add3A_2666, %broadcast_in_dim3A_353 : vector<16xi32>
    %get3A_2668 = arith.constant 288 : index
    %get3A_2669 = tpu.vector_load %arg13[%get3A_2668] {strides = array<i32>} : memref<1024xf32, #tpu.memory_space<vmem>>, vector<16xf32>,
    %sub3A_2670 = arith.constant 1.000000e+00 : f32
    %sub3A_2671 = vector.broadcast %sub3A_2670 : f32 to vector<16xf32>
    %sub3A_2672 = arith.subf %sub3A_2671, %get3A_2669 : vector<16xf32>
    %select_n3A_2673 = arith.select %lt3A_2667, %sub3A_2672, %broadcast_in_dim3A_2428 : vector<16xi1>, vector<16xf32>
    %swap3A_2674 = arith.constant 288 : index
    %swap3A_2675 = tpu.vector_load %arg16[%swap3A_2674] {strides = array<i32>} : memref<1024xf32, #tpu.memory_space<vmem>>, vector<16xf32>,
    tpu.vector_store %arg16[%swap3A_2674], %select_n3A_2673 {strides = array<i32>} : memref<1024xf32, #tpu.memory_space<vmem>>, vector<16xf32>,
    %add3A_2676 = arith.constant 304 : i32
    %add3A_2677 = arith.addi %mul3A_0, %add3A_2676 : i32
    %add3A_2678 = vector.broadcast %add3A_2677 : i32 to vector<16xi32>
    %add3A_2679 = arith.addi %add3A_2678, %iota3A : vector<16xi32>
    %lt3A_2680 = arith.cmpi slt, %add3A_2679, %broadcast_in_dim3A_353 : vector<16xi32>
    %get3A_2681 = arith.constant 304 : index
    %get3A_2682 = tpu.vector_load %arg13[%get3A_2681] {strides = array<i32>} : memref<1024xf32, #tpu.memory_space<vmem>>, vector<16xf32>,
    %sub3A_2683 = arith.constant 1.000000e+00 : f32
    %sub3A_2684 = vector.broadcast %sub3A_2683 : f32 to vector<16xf32>
    %sub3A_2685 = arith.subf %sub3A_2684, %get3A_2682 : vector<16xf32>
    %select_n3A_2686 = arith.select %lt3A_2680, %sub3A_2685, %broadcast_in_dim3A_2428 : vector<16xi1>, vector<16xf32>
    %swap3A_2687 = arith.constant 304 : index
    %swap3A_2688 = tpu.vector_load %arg16[%swap3A_2687] {strides = array<i32>} : memref<1024xf32, #tpu.memory_space<vmem>>, vector<16xf32>,
    tpu.vector_store %arg16[%swap3A_2687], %select_n3A_2686 {strides = array<i32>} : memref<1024xf32, #tpu.memory_space<vmem>>, vector<16xf32>,
    %add3A_2689 = arith.constant 320 : i32
    %add3A_2690 = arith.addi %mul3A_0, %add3A_2689 : i32
    %add3A_2691 = vector.broadcast %add3A_2690 : i32 to vector<16xi32>
    %add3A_2692 = arith.addi %add3A_2691, %iota3A : vector<16xi32>
    %lt3A_2693 = arith.cmpi slt, %add3A_2692, %broadcast_in_dim3A_353 : vector<16xi32>
    %get3A_2694 = arith.constant 320 : index
    %get3A_2695 = tpu.vector_load %arg13[%get3A_2694] {strides = array<i32>} : memref<1024xf32, #tpu.memory_space<vmem>>, vector<16xf32>,
    %sub3A_2696 = arith.constant 1.000000e+00 : f32
    %sub3A_2697 = vector.broadcast %sub3A_2696 : f32 to vector<16xf32>
    %sub3A_2698 = arith.subf %sub3A_2697, %get3A_2695 : vector<16xf32>
    %select_n3A_2699 = arith.select %lt3A_2693, %sub3A_2698, %broadcast_in_dim3A_2428 : vector<16xi1>, vector<16xf32>
    %swap3A_2700 = arith.constant 320 : index
    %swap3A_2701 = tpu.vector_load %arg16[%swap3A_2700] {strides = array<i32>} : memref<1024xf32, #tpu.memory_space<vmem>>, vector<16xf32>,
    tpu.vector_store %arg16[%swap3A_2700], %select_n3A_2699 {strides = array<i32>} : memref<1024xf32, #tpu.memory_space<vmem>>, vector<16xf32>,
    %add3A_2702 = arith.constant 336 : i32
    %add3A_2703 = arith.addi %mul3A_0, %add3A_2702 : i32
    %add3A_2704 = vector.broadcast %add3A_2703 : i32 to vector<16xi32>
    %add3A_2705 = arith.addi %add3A_2704, %iota3A : vector<16xi32>
    %lt3A_2706 = arith.cmpi slt, %add3A_2705, %broadcast_in_dim3A_353 : vector<16xi32>
    %get3A_2707 = arith.constant 336 : index
    %get3A_2708 = tpu.vector_load %arg13[%get3A_2707] {strides = array<i32>} : memref<1024xf32, #tpu.memory_space<vmem>>, vector<16xf32>,
    %sub3A_2709 = arith.constant 1.000000e+00 : f32
    %sub3A_2710 = vector.broadcast %sub3A_2709 : f32 to vector<16xf32>
    %sub3A_2711 = arith.subf %sub3A_2710, %get3A_2708 : vector<16xf32>
    %select_n3A_2712 = arith.select %lt3A_2706, %sub3A_2711, %broadcast_in_dim3A_2428 : vector<16xi1>, vector<16xf32>
    %swap3A_2713 = arith.constant 336 : index
    %swap3A_2714 = tpu.vector_load %arg16[%swap3A_2713] {strides = array<i32>} : memref<1024xf32, #tpu.memory_space<vmem>>, vector<16xf32>,
    tpu.vector_store %arg16[%swap3A_2713], %select_n3A_2712 {strides = array<i32>} : memref<1024xf32, #tpu.memory_space<vmem>>, vector<16xf32>,
    %add3A_2715 = arith.constant 352 : i32
    %add3A_2716 = arith.addi %mul3A_0, %add3A_2715 : i32
    %add3A_2717 = vector.broadcast %add3A_2716 : i32 to vector<16xi32>
    %add3A_2718 = arith.addi %add3A_2717, %iota3A : vector<16xi32>
    %lt3A_2719 = arith.cmpi slt, %add3A_2718, %broadcast_in_dim3A_353 : vector<16xi32>
    %get3A_2720 = arith.constant 352 : index
    %get3A_2721 = tpu.vector_load %arg13[%get3A_2720] {strides = array<i32>} : memref<1024xf32, #tpu.memory_space<vmem>>, vector<16xf32>,
    %sub3A_2722 = arith.constant 1.000000e+00 : f32
    %sub3A_2723 = vector.broadcast %sub3A_2722 : f32 to vector<16xf32>
    %sub3A_2724 = arith.subf %sub3A_2723, %get3A_2721 : vector<16xf32>
    %select_n3A_2725 = arith.select %lt3A_2719, %sub3A_2724, %broadcast_in_dim3A_2428 : vector<16xi1>, vector<16xf32>
    %swap3A_2726 = arith.constant 352 : index
    %swap3A_2727 = tpu.vector_load %arg16[%swap3A_2726] {strides = array<i32>} : memref<1024xf32, #tpu.memory_space<vmem>>, vector<16xf32>,
    tpu.vector_store %arg16[%swap3A_2726], %select_n3A_2725 {strides = array<i32>} : memref<1024xf32, #tpu.memory_space<vmem>>, vector<16xf32>,
    %add3A_2728 = arith.constant 368 : i32
    %add3A_2729 = arith.addi %mul3A_0, %add3A_2728 : i32
    %add3A_2730 = vector.broadcast %add3A_2729 : i32 to vector<16xi32>
    %add3A_2731 = arith.addi %add3A_2730, %iota3A : vector<16xi32>
    %lt3A_2732 = arith.cmpi slt, %add3A_2731, %broadcast_in_dim3A_353 : vector<16xi32>
    %get3A_2733 = arith.constant 368 : index
    %get3A_2734 = tpu.vector_load %arg13[%get3A_2733] {strides = array<i32>} : memref<1024xf32, #tpu.memory_space<vmem>>, vector<16xf32>,
    %sub3A_2735 = arith.constant 1.000000e+00 : f32
    %sub3A_2736 = vector.broadcast %sub3A_2735 : f32 to vector<16xf32>
    %sub3A_2737 = arith.subf %sub3A_2736, %get3A_2734 : vector<16xf32>
    %select_n3A_2738 = arith.select %lt3A_2732, %sub3A_2737, %broadcast_in_dim3A_2428 : vector<16xi1>, vector<16xf32>
    %swap3A_2739 = arith.constant 368 : index
    %swap3A_2740 = tpu.vector_load %arg16[%swap3A_2739] {strides = array<i32>} : memref<1024xf32, #tpu.memory_space<vmem>>, vector<16xf32>,
    tpu.vector_store %arg16[%swap3A_2739], %select_n3A_2738 {strides = array<i32>} : memref<1024xf32, #tpu.memory_space<vmem>>, vector<16xf32>,
    %add3A_2741 = arith.constant 384 : i32
    %add3A_2742 = arith.addi %mul3A_0, %add3A_2741 : i32
    %add3A_2743 = vector.broadcast %add3A_2742 : i32 to vector<16xi32>
    %add3A_2744 = arith.addi %add3A_2743, %iota3A : vector<16xi32>
    %lt3A_2745 = arith.cmpi slt, %add3A_2744, %broadcast_in_dim3A_353 : vector<16xi32>
    %get3A_2746 = arith.constant 384 : index
    %get3A_2747 = tpu.vector_load %arg13[%get3A_2746] {strides = array<i32>} : memref<1024xf32, #tpu.memory_space<vmem>>, vector<16xf32>,
    %sub3A_2748 = arith.constant 1.000000e+00 : f32
    %sub3A_2749 = vector.broadcast %sub3A_2748 : f32 to vector<16xf32>
    %sub3A_2750 = arith.subf %sub3A_2749, %get3A_2747 : vector<16xf32>
    %select_n3A_2751 = arith.select %lt3A_2745, %sub3A_2750, %broadcast_in_dim3A_2428 : vector<16xi1>, vector<16xf32>
    %swap3A_2752 = arith.constant 384 : index
    %swap3A_2753 = tpu.vector_load %arg16[%swap3A_2752] {strides = array<i32>} : memref<1024xf32, #tpu.memory_space<vmem>>, vector<16xf32>,
    tpu.vector_store %arg16[%swap3A_2752], %select_n3A_2751 {strides = array<i32>} : memref<1024xf32, #tpu.memory_space<vmem>>, vector<16xf32>,
    %add3A_2754 = arith.constant 400 : i32
    %add3A_2755 = arith.addi %mul3A_0, %add3A_2754 : i32
    %add3A_2756 = vector.broadcast %add3A_2755 : i32 to vector<16xi32>
    %add3A_2757 = arith.addi %add3A_2756, %iota3A : vector<16xi32>
    %lt3A_2758 = arith.cmpi slt, %add3A_2757, %broadcast_in_dim3A_353 : vector<16xi32>
    %get3A_2759 = arith.constant 400 : index
    %get3A_2760 = tpu.vector_load %arg13[%get3A_2759] {strides = array<i32>} : memref<1024xf32, #tpu.memory_space<vmem>>, vector<16xf32>,
    %sub3A_2761 = arith.constant 1.000000e+00 : f32
    %sub3A_2762 = vector.broadcast %sub3A_2761 : f32 to vector<16xf32>
    %sub3A_2763 = arith.subf %sub3A_2762, %get3A_2760 : vector<16xf32>
    %select_n3A_2764 = arith.select %lt3A_2758, %sub3A_2763, %broadcast_in_dim3A_2428 : vector<16xi1>, vector<16xf32>
    %swap3A_2765 = arith.constant 400 : index
    %swap3A_2766 = tpu.vector_load %arg16[%swap3A_2765] {strides = array<i32>} : memref<1024xf32, #tpu.memory_space<vmem>>, vector<16xf32>,
    tpu.vector_store %arg16[%swap3A_2765], %select_n3A_2764 {strides = array<i32>} : memref<1024xf32, #tpu.memory_space<vmem>>, vector<16xf32>,
    %add3A_2767 = arith.constant 416 : i32
    %add3A_2768 = arith.addi %mul3A_0, %add3A_2767 : i32
    %add3A_2769 = vector.broadcast %add3A_2768 : i32 to vector<16xi32>
    %add3A_2770 = arith.addi %add3A_2769, %iota3A : vector<16xi32>
    %lt3A_2771 = arith.cmpi slt, %add3A_2770, %broadcast_in_dim3A_353 : vector<16xi32>
    %get3A_2772 = arith.constant 416 : index
    %get3A_2773 = tpu.vector_load %arg13[%get3A_2772] {strides = array<i32>} : memref<1024xf32, #tpu.memory_space<vmem>>, vector<16xf32>,
    %sub3A_2774 = arith.constant 1.000000e+00 : f32
    %sub3A_2775 = vector.broadcast %sub3A_2774 : f32 to vector<16xf32>
    %sub3A_2776 = arith.subf %sub3A_2775, %get3A_2773 : vector<16xf32>
    %select_n3A_2777 = arith.select %lt3A_2771, %sub3A_2776, %broadcast_in_dim3A_2428 : vector<16xi1>, vector<16xf32>
    %swap3A_2778 = arith.constant 416 : index
    %swap3A_2779 = tpu.vector_load %arg16[%swap3A_2778] {strides = array<i32>} : memref<1024xf32, #tpu.memory_space<vmem>>, vector<16xf32>,
    tpu.vector_store %arg16[%swap3A_2778], %select_n3A_2777 {strides = array<i32>} : memref<1024xf32, #tpu.memory_space<vmem>>, vector<16xf32>,
    %add3A_2780 = arith.constant 432 : i32
    %add3A_2781 = arith.addi %mul3A_0, %add3A_2780 : i32
    %add3A_2782 = vector.broadcast %add3A_2781 : i32 to vector<16xi32>
    %add3A_2783 = arith.addi %add3A_2782, %iota3A : vector<16xi32>
    %lt3A_2784 = arith.cmpi slt, %add3A_2783, %broadcast_in_dim3A_353 : vector<16xi32>
    %get3A_2785 = arith.constant 432 : index
    %get3A_2786 = tpu.vector_load %arg13[%get3A_2785] {strides = array<i32>} : memref<1024xf32, #tpu.memory_space<vmem>>, vector<16xf32>,
    %sub3A_2787 = arith.constant 1.000000e+00 : f32
    %sub3A_2788 = vector.broadcast %sub3A_2787 : f32 to vector<16xf32>
    %sub3A_2789 = arith.subf %sub3A_2788, %get3A_2786 : vector<16xf32>
    %select_n3A_2790 = arith.select %lt3A_2784, %sub3A_2789, %broadcast_in_dim3A_2428 : vector<16xi1>, vector<16xf32>
    %swap3A_2791 = arith.constant 432 : index
    %swap3A_2792 = tpu.vector_load %arg16[%swap3A_2791] {strides = array<i32>} : memref<1024xf32, #tpu.memory_space<vmem>>, vector<16xf32>,
    tpu.vector_store %arg16[%swap3A_2791], %select_n3A_2790 {strides = array<i32>} : memref<1024xf32, #tpu.memory_space<vmem>>, vector<16xf32>,
    %add3A_2793 = arith.constant 448 : i32
    %add3A_2794 = arith.addi %mul3A_0, %add3A_2793 : i32
    %add3A_2795 = vector.broadcast %add3A_2794 : i32 to vector<16xi32>
    %add3A_2796 = arith.addi %add3A_2795, %iota3A : vector<16xi32>
    %lt3A_2797 = arith.cmpi slt, %add3A_2796, %broadcast_in_dim3A_353 : vector<16xi32>
    %get3A_2798 = arith.constant 448 : index
    %get3A_2799 = tpu.vector_load %arg13[%get3A_2798] {strides = array<i32>} : memref<1024xf32, #tpu.memory_space<vmem>>, vector<16xf32>,
    %sub3A_2800 = arith.constant 1.000000e+00 : f32
    %sub3A_2801 = vector.broadcast %sub3A_2800 : f32 to vector<16xf32>
    %sub3A_2802 = arith.subf %sub3A_2801, %get3A_2799 : vector<16xf32>
    %select_n3A_2803 = arith.select %lt3A_2797, %sub3A_2802, %broadcast_in_dim3A_2428 : vector<16xi1>, vector<16xf32>
    %swap3A_2804 = arith.constant 448 : index
    %swap3A_2805 = tpu.vector_load %arg16[%swap3A_2804] {strides = array<i32>} : memref<1024xf32, #tpu.memory_space<vmem>>, vector<16xf32>,
    tpu.vector_store %arg16[%swap3A_2804], %select_n3A_2803 {strides = array<i32>} : memref<1024xf32, #tpu.memory_space<vmem>>, vector<16xf32>,
    %add3A_2806 = arith.constant 464 : i32
    %add3A_2807 = arith.addi %mul3A_0, %add3A_2806 : i32
    %add3A_2808 = vector.broadcast %add3A_2807 : i32 to vector<16xi32>
    %add3A_2809 = arith.addi %add3A_2808, %iota3A : vector<16xi32>
    %lt3A_2810 = arith.cmpi slt, %add3A_2809, %broadcast_in_dim3A_353 : vector<16xi32>
    %get3A_2811 = arith.constant 464 : index
    %get3A_2812 = tpu.vector_load %arg13[%get3A_2811] {strides = array<i32>} : memref<1024xf32, #tpu.memory_space<vmem>>, vector<16xf32>,
    %sub3A_2813 = arith.constant 1.000000e+00 : f32
    %sub3A_2814 = vector.broadcast %sub3A_2813 : f32 to vector<16xf32>
    %sub3A_2815 = arith.subf %sub3A_2814, %get3A_2812 : vector<16xf32>
    %select_n3A_2816 = arith.select %lt3A_2810, %sub3A_2815, %broadcast_in_dim3A_2428 : vector<16xi1>, vector<16xf32>
    %swap3A_2817 = arith.constant 464 : index
    %swap3A_2818 = tpu.vector_load %arg16[%swap3A_2817] {strides = array<i32>} : memref<1024xf32, #tpu.memory_space<vmem>>, vector<16xf32>,
    tpu.vector_store %arg16[%swap3A_2817], %select_n3A_2816 {strides = array<i32>} : memref<1024xf32, #tpu.memory_space<vmem>>, vector<16xf32>,
    %add3A_2819 = arith.constant 480 : i32
    %add3A_2820 = arith.addi %mul3A_0, %add3A_2819 : i32
    %add3A_2821 = vector.broadcast %add3A_2820 : i32 to vector<16xi32>
    %add3A_2822 = arith.addi %add3A_2821, %iota3A : vector<16xi32>
    %lt3A_2823 = arith.cmpi slt, %add3A_2822, %broadcast_in_dim3A_353 : vector<16xi32>
    %get3A_2824 = arith.constant 480 : index
    %get3A_2825 = tpu.vector_load %arg13[%get3A_2824] {strides = array<i32>} : memref<1024xf32, #tpu.memory_space<vmem>>, vector<16xf32>,
    %sub3A_2826 = arith.constant 1.000000e+00 : f32
    %sub3A_2827 = vector.broadcast %sub3A_2826 : f32 to vector<16xf32>
    %sub3A_2828 = arith.subf %sub3A_2827, %get3A_2825 : vector<16xf32>
    %select_n3A_2829 = arith.select %lt3A_2823, %sub3A_2828, %broadcast_in_dim3A_2428 : vector<16xi1>, vector<16xf32>
    %swap3A_2830 = arith.constant 480 : index
    %swap3A_2831 = tpu.vector_load %arg16[%swap3A_2830] {strides = array<i32>} : memref<1024xf32, #tpu.memory_space<vmem>>, vector<16xf32>,
    tpu.vector_store %arg16[%swap3A_2830], %select_n3A_2829 {strides = array<i32>} : memref<1024xf32, #tpu.memory_space<vmem>>, vector<16xf32>,
    %add3A_2832 = arith.constant 496 : i32
    %add3A_2833 = arith.addi %mul3A_0, %add3A_2832 : i32
    %add3A_2834 = vector.broadcast %add3A_2833 : i32 to vector<16xi32>
    %add3A_2835 = arith.addi %add3A_2834, %iota3A : vector<16xi32>
    %lt3A_2836 = arith.cmpi slt, %add3A_2835, %broadcast_in_dim3A_353 : vector<16xi32>
    %get3A_2837 = arith.constant 496 : index
    %get3A_2838 = tpu.vector_load %arg13[%get3A_2837] {strides = array<i32>} : memref<1024xf32, #tpu.memory_space<vmem>>, vector<16xf32>,
    %sub3A_2839 = arith.constant 1.000000e+00 : f32
    %sub3A_2840 = vector.broadcast %sub3A_2839 : f32 to vector<16xf32>
    %sub3A_2841 = arith.subf %sub3A_2840, %get3A_2838 : vector<16xf32>
    %select_n3A_2842 = arith.select %lt3A_2836, %sub3A_2841, %broadcast_in_dim3A_2428 : vector<16xi1>, vector<16xf32>
    %swap3A_2843 = arith.constant 496 : index
    %swap3A_2844 = tpu.vector_load %arg16[%swap3A_2843] {strides = array<i32>} : memref<1024xf32, #tpu.memory_space<vmem>>, vector<16xf32>,
    tpu.vector_store %arg16[%swap3A_2843], %select_n3A_2842 {strides = array<i32>} : memref<1024xf32, #tpu.memory_space<vmem>>, vector<16xf32>,
    %add3A_2845 = arith.constant 512 : i32
    %add3A_2846 = arith.addi %mul3A_0, %add3A_2845 : i32
    %add3A_2847 = vector.broadcast %add3A_2846 : i32 to vector<16xi32>
    %add3A_2848 = arith.addi %add3A_2847, %iota3A : vector<16xi32>
    %lt3A_2849 = arith.cmpi slt, %add3A_2848, %broadcast_in_dim3A_353 : vector<16xi32>
    %get3A_2850 = arith.constant 512 : index
    %get3A_2851 = tpu.vector_load %arg13[%get3A_2850] {strides = array<i32>} : memref<1024xf32, #tpu.memory_space<vmem>>, vector<16xf32>,
    %sub3A_2852 = arith.constant 1.000000e+00 : f32
    %sub3A_2853 = vector.broadcast %sub3A_2852 : f32 to vector<16xf32>
    %sub3A_2854 = arith.subf %sub3A_2853, %get3A_2851 : vector<16xf32>
    %select_n3A_2855 = arith.select %lt3A_2849, %sub3A_2854, %broadcast_in_dim3A_2428 : vector<16xi1>, vector<16xf32>
    %swap3A_2856 = arith.constant 512 : index
    %swap3A_2857 = tpu.vector_load %arg16[%swap3A_2856] {strides = array<i32>} : memref<1024xf32, #tpu.memory_space<vmem>>, vector<16xf32>,
    tpu.vector_store %arg16[%swap3A_2856], %select_n3A_2855 {strides = array<i32>} : memref<1024xf32, #tpu.memory_space<vmem>>, vector<16xf32>,
    %add3A_2858 = arith.constant 528 : i32
    %add3A_2859 = arith.addi %mul3A_0, %add3A_2858 : i32
    %add3A_2860 = vector.broadcast %add3A_2859 : i32 to vector<16xi32>
    %add3A_2861 = arith.addi %add3A_2860, %iota3A : vector<16xi32>
    %lt3A_2862 = arith.cmpi slt, %add3A_2861, %broadcast_in_dim3A_353 : vector<16xi32>
    %get3A_2863 = arith.constant 528 : index
    %get3A_2864 = tpu.vector_load %arg13[%get3A_2863] {strides = array<i32>} : memref<1024xf32, #tpu.memory_space<vmem>>, vector<16xf32>,
    %sub3A_2865 = arith.constant 1.000000e+00 : f32
    %sub3A_2866 = vector.broadcast %sub3A_2865 : f32 to vector<16xf32>
    %sub3A_2867 = arith.subf %sub3A_2866, %get3A_2864 : vector<16xf32>
    %select_n3A_2868 = arith.select %lt3A_2862, %sub3A_2867, %broadcast_in_dim3A_2428 : vector<16xi1>, vector<16xf32>
    %swap3A_2869 = arith.constant 528 : index
    %swap3A_2870 = tpu.vector_load %arg16[%swap3A_2869] {strides = array<i32>} : memref<1024xf32, #tpu.memory_space<vmem>>, vector<16xf32>,
    tpu.vector_store %arg16[%swap3A_2869], %select_n3A_2868 {strides = array<i32>} : memref<1024xf32, #tpu.memory_space<vmem>>, vector<16xf32>,
    %add3A_2871 = arith.constant 544 : i32
    %add3A_2872 = arith.addi %mul3A_0, %add3A_2871 : i32
    %add3A_2873 = vector.broadcast %add3A_2872 : i32 to vector<16xi32>
    %add3A_2874 = arith.addi %add3A_2873, %iota3A : vector<16xi32>
    %lt3A_2875 = arith.cmpi slt, %add3A_2874, %broadcast_in_dim3A_353 : vector<16xi32>
    %get3A_2876 = arith.constant 544 : index
    %get3A_2877 = tpu.vector_load %arg13[%get3A_2876] {strides = array<i32>} : memref<1024xf32, #tpu.memory_space<vmem>>, vector<16xf32>,
    %sub3A_2878 = arith.constant 1.000000e+00 : f32
    %sub3A_2879 = vector.broadcast %sub3A_2878 : f32 to vector<16xf32>
    %sub3A_2880 = arith.subf %sub3A_2879, %get3A_2877 : vector<16xf32>
    %select_n3A_2881 = arith.select %lt3A_2875, %sub3A_2880, %broadcast_in_dim3A_2428 : vector<16xi1>, vector<16xf32>
    %swap3A_2882 = arith.constant 544 : index
    %swap3A_2883 = tpu.vector_load %arg16[%swap3A_2882] {strides = array<i32>} : memref<1024xf32, #tpu.memory_space<vmem>>, vector<16xf32>,
    tpu.vector_store %arg16[%swap3A_2882], %select_n3A_2881 {strides = array<i32>} : memref<1024xf32, #tpu.memory_space<vmem>>, vector<16xf32>,
    %add3A_2884 = arith.constant 560 : i32
    %add3A_2885 = arith.addi %mul3A_0, %add3A_2884 : i32
    %add3A_2886 = vector.broadcast %add3A_2885 : i32 to vector<16xi32>
    %add3A_2887 = arith.addi %add3A_2886, %iota3A : vector<16xi32>
    %lt3A_2888 = arith.cmpi slt, %add3A_2887, %broadcast_in_dim3A_353 : vector<16xi32>
    %get3A_2889 = arith.constant 560 : index
    %get3A_2890 = tpu.vector_load %arg13[%get3A_2889] {strides = array<i32>} : memref<1024xf32, #tpu.memory_space<vmem>>, vector<16xf32>,
    %sub3A_2891 = arith.constant 1.000000e+00 : f32
    %sub3A_2892 = vector.broadcast %sub3A_2891 : f32 to vector<16xf32>
    %sub3A_2893 = arith.subf %sub3A_2892, %get3A_2890 : vector<16xf32>
    %select_n3A_2894 = arith.select %lt3A_2888, %sub3A_2893, %broadcast_in_dim3A_2428 : vector<16xi1>, vector<16xf32>
    %swap3A_2895 = arith.constant 560 : index
    %swap3A_2896 = tpu.vector_load %arg16[%swap3A_2895] {strides = array<i32>} : memref<1024xf32, #tpu.memory_space<vmem>>, vector<16xf32>,
    tpu.vector_store %arg16[%swap3A_2895], %select_n3A_2894 {strides = array<i32>} : memref<1024xf32, #tpu.memory_space<vmem>>, vector<16xf32>,
    %add3A_2897 = arith.constant 576 : i32
    %add3A_2898 = arith.addi %mul3A_0, %add3A_2897 : i32
    %add3A_2899 = vector.broadcast %add3A_2898 : i32 to vector<16xi32>
    %add3A_2900 = arith.addi %add3A_2899, %iota3A : vector<16xi32>
    %lt3A_2901 = arith.cmpi slt, %add3A_2900, %broadcast_in_dim3A_353 : vector<16xi32>
    %get3A_2902 = arith.constant 576 : index
    %get3A_2903 = tpu.vector_load %arg13[%get3A_2902] {strides = array<i32>} : memref<1024xf32, #tpu.memory_space<vmem>>, vector<16xf32>,
    %sub3A_2904 = arith.constant 1.000000e+00 : f32
    %sub3A_2905 = vector.broadcast %sub3A_2904 : f32 to vector<16xf32>
    %sub3A_2906 = arith.subf %sub3A_2905, %get3A_2903 : vector<16xf32>
    %select_n3A_2907 = arith.select %lt3A_2901, %sub3A_2906, %broadcast_in_dim3A_2428 : vector<16xi1>, vector<16xf32>
    %swap3A_2908 = arith.constant 576 : index
    %swap3A_2909 = tpu.vector_load %arg16[%swap3A_2908] {strides = array<i32>} : memref<1024xf32, #tpu.memory_space<vmem>>, vector<16xf32>,
    tpu.vector_store %arg16[%swap3A_2908], %select_n3A_2907 {strides = array<i32>} : memref<1024xf32, #tpu.memory_space<vmem>>, vector<16xf32>,
    %add3A_2910 = arith.constant 592 : i32
    %add3A_2911 = arith.addi %mul3A_0, %add3A_2910 : i32
    %add3A_2912 = vector.broadcast %add3A_2911 : i32 to vector<16xi32>
    %add3A_2913 = arith.addi %add3A_2912, %iota3A : vector<16xi32>
    %lt3A_2914 = arith.cmpi slt, %add3A_2913, %broadcast_in_dim3A_353 : vector<16xi32>
    %get3A_2915 = arith.constant 592 : index
    %get3A_2916 = tpu.vector_load %arg13[%get3A_2915] {strides = array<i32>} : memref<1024xf32, #tpu.memory_space<vmem>>, vector<16xf32>,
    %sub3A_2917 = arith.constant 1.000000e+00 : f32
    %sub3A_2918 = vector.broadcast %sub3A_2917 : f32 to vector<16xf32>
    %sub3A_2919 = arith.subf %sub3A_2918, %get3A_2916 : vector<16xf32>
    %select_n3A_2920 = arith.select %lt3A_2914, %sub3A_2919, %broadcast_in_dim3A_2428 : vector<16xi1>, vector<16xf32>
    %swap3A_2921 = arith.constant 592 : index
    %swap3A_2922 = tpu.vector_load %arg16[%swap3A_2921] {strides = array<i32>} : memref<1024xf32, #tpu.memory_space<vmem>>, vector<16xf32>,
    tpu.vector_store %arg16[%swap3A_2921], %select_n3A_2920 {strides = array<i32>} : memref<1024xf32, #tpu.memory_space<vmem>>, vector<16xf32>,
    %add3A_2923 = arith.constant 608 : i32
    %add3A_2924 = arith.addi %mul3A_0, %add3A_2923 : i32
    %add3A_2925 = vector.broadcast %add3A_2924 : i32 to vector<16xi32>
    %add3A_2926 = arith.addi %add3A_2925, %iota3A : vector<16xi32>
    %lt3A_2927 = arith.cmpi slt, %add3A_2926, %broadcast_in_dim3A_353 : vector<16xi32>
    %get3A_2928 = arith.constant 608 : index
    %get3A_2929 = tpu.vector_load %arg13[%get3A_2928] {strides = array<i32>} : memref<1024xf32, #tpu.memory_space<vmem>>, vector<16xf32>,
    %sub3A_2930 = arith.constant 1.000000e+00 : f32
    %sub3A_2931 = vector.broadcast %sub3A_2930 : f32 to vector<16xf32>
    %sub3A_2932 = arith.subf %sub3A_2931, %get3A_2929 : vector<16xf32>
    %select_n3A_2933 = arith.select %lt3A_2927, %sub3A_2932, %broadcast_in_dim3A_2428 : vector<16xi1>, vector<16xf32>
    %swap3A_2934 = arith.constant 608 : index
    %swap3A_2935 = tpu.vector_load %arg16[%swap3A_2934] {strides = array<i32>} : memref<1024xf32, #tpu.memory_space<vmem>>, vector<16xf32>,
    tpu.vector_store %arg16[%swap3A_2934], %select_n3A_2933 {strides = array<i32>} : memref<1024xf32, #tpu.memory_space<vmem>>, vector<16xf32>,
    %add3A_2936 = arith.constant 624 : i32
    %add3A_2937 = arith.addi %mul3A_0, %add3A_2936 : i32
    %add3A_2938 = vector.broadcast %add3A_2937 : i32 to vector<16xi32>
    %add3A_2939 = arith.addi %add3A_2938, %iota3A : vector<16xi32>
    %lt3A_2940 = arith.cmpi slt, %add3A_2939, %broadcast_in_dim3A_353 : vector<16xi32>
    %get3A_2941 = arith.constant 624 : index
    %get3A_2942 = tpu.vector_load %arg13[%get3A_2941] {strides = array<i32>} : memref<1024xf32, #tpu.memory_space<vmem>>, vector<16xf32>,
    %sub3A_2943 = arith.constant 1.000000e+00 : f32
    %sub3A_2944 = vector.broadcast %sub3A_2943 : f32 to vector<16xf32>
    %sub3A_2945 = arith.subf %sub3A_2944, %get3A_2942 : vector<16xf32>
    %select_n3A_2946 = arith.select %lt3A_2940, %sub3A_2945, %broadcast_in_dim3A_2428 : vector<16xi1>, vector<16xf32>
    %swap3A_2947 = arith.constant 624 : index
    %swap3A_2948 = tpu.vector_load %arg16[%swap3A_2947] {strides = array<i32>} : memref<1024xf32, #tpu.memory_space<vmem>>, vector<16xf32>,
    tpu.vector_store %arg16[%swap3A_2947], %select_n3A_2946 {strides = array<i32>} : memref<1024xf32, #tpu.memory_space<vmem>>, vector<16xf32>,
    %add3A_2949 = arith.constant 640 : i32
    %add3A_2950 = arith.addi %mul3A_0, %add3A_2949 : i32
    %add3A_2951 = vector.broadcast %add3A_2950 : i32 to vector<16xi32>
    %add3A_2952 = arith.addi %add3A_2951, %iota3A : vector<16xi32>
    %lt3A_2953 = arith.cmpi slt, %add3A_2952, %broadcast_in_dim3A_353 : vector<16xi32>
    %get3A_2954 = arith.constant 640 : index
    %get3A_2955 = tpu.vector_load %arg13[%get3A_2954] {strides = array<i32>} : memref<1024xf32, #tpu.memory_space<vmem>>, vector<16xf32>,
    %sub3A_2956 = arith.constant 1.000000e+00 : f32
    %sub3A_2957 = vector.broadcast %sub3A_2956 : f32 to vector<16xf32>
    %sub3A_2958 = arith.subf %sub3A_2957, %get3A_2955 : vector<16xf32>
    %select_n3A_2959 = arith.select %lt3A_2953, %sub3A_2958, %broadcast_in_dim3A_2428 : vector<16xi1>, vector<16xf32>
    %swap3A_2960 = arith.constant 640 : index
    %swap3A_2961 = tpu.vector_load %arg16[%swap3A_2960] {strides = array<i32>} : memref<1024xf32, #tpu.memory_space<vmem>>, vector<16xf32>,
    tpu.vector_store %arg16[%swap3A_2960], %select_n3A_2959 {strides = array<i32>} : memref<1024xf32, #tpu.memory_space<vmem>>, vector<16xf32>,
    %add3A_2962 = arith.constant 656 : i32
    %add3A_2963 = arith.addi %mul3A_0, %add3A_2962 : i32
    %add3A_2964 = vector.broadcast %add3A_2963 : i32 to vector<16xi32>
    %add3A_2965 = arith.addi %add3A_2964, %iota3A : vector<16xi32>
    %lt3A_2966 = arith.cmpi slt, %add3A_2965, %broadcast_in_dim3A_353 : vector<16xi32>
    %get3A_2967 = arith.constant 656 : index
    %get3A_2968 = tpu.vector_load %arg13[%get3A_2967] {strides = array<i32>} : memref<1024xf32, #tpu.memory_space<vmem>>, vector<16xf32>,
    %sub3A_2969 = arith.constant 1.000000e+00 : f32
    %sub3A_2970 = vector.broadcast %sub3A_2969 : f32 to vector<16xf32>
    %sub3A_2971 = arith.subf %sub3A_2970, %get3A_2968 : vector<16xf32>
    %select_n3A_2972 = arith.select %lt3A_2966, %sub3A_2971, %broadcast_in_dim3A_2428 : vector<16xi1>, vector<16xf32>
    %swap3A_2973 = arith.constant 656 : index
    %swap3A_2974 = tpu.vector_load %arg16[%swap3A_2973] {strides = array<i32>} : memref<1024xf32, #tpu.memory_space<vmem>>, vector<16xf32>,
    tpu.vector_store %arg16[%swap3A_2973], %select_n3A_2972 {strides = array<i32>} : memref<1024xf32, #tpu.memory_space<vmem>>, vector<16xf32>,
    %add3A_2975 = arith.constant 672 : i32
    %add3A_2976 = arith.addi %mul3A_0, %add3A_2975 : i32
    %add3A_2977 = vector.broadcast %add3A_2976 : i32 to vector<16xi32>
    %add3A_2978 = arith.addi %add3A_2977, %iota3A : vector<16xi32>
    %lt3A_2979 = arith.cmpi slt, %add3A_2978, %broadcast_in_dim3A_353 : vector<16xi32>
    %get3A_2980 = arith.constant 672 : index
    %get3A_2981 = tpu.vector_load %arg13[%get3A_2980] {strides = array<i32>} : memref<1024xf32, #tpu.memory_space<vmem>>, vector<16xf32>,
    %sub3A_2982 = arith.constant 1.000000e+00 : f32
    %sub3A_2983 = vector.broadcast %sub3A_2982 : f32 to vector<16xf32>
    %sub3A_2984 = arith.subf %sub3A_2983, %get3A_2981 : vector<16xf32>
    %select_n3A_2985 = arith.select %lt3A_2979, %sub3A_2984, %broadcast_in_dim3A_2428 : vector<16xi1>, vector<16xf32>
    %swap3A_2986 = arith.constant 672 : index
    %swap3A_2987 = tpu.vector_load %arg16[%swap3A_2986] {strides = array<i32>} : memref<1024xf32, #tpu.memory_space<vmem>>, vector<16xf32>,
    tpu.vector_store %arg16[%swap3A_2986], %select_n3A_2985 {strides = array<i32>} : memref<1024xf32, #tpu.memory_space<vmem>>, vector<16xf32>,
    %add3A_2988 = arith.constant 688 : i32
    %add3A_2989 = arith.addi %mul3A_0, %add3A_2988 : i32
    %add3A_2990 = vector.broadcast %add3A_2989 : i32 to vector<16xi32>
    %add3A_2991 = arith.addi %add3A_2990, %iota3A : vector<16xi32>
    %lt3A_2992 = arith.cmpi slt, %add3A_2991, %broadcast_in_dim3A_353 : vector<16xi32>
    %get3A_2993 = arith.constant 688 : index
    %get3A_2994 = tpu.vector_load %arg13[%get3A_2993] {strides = array<i32>} : memref<1024xf32, #tpu.memory_space<vmem>>, vector<16xf32>,
    %sub3A_2995 = arith.constant 1.000000e+00 : f32
    %sub3A_2996 = vector.broadcast %sub3A_2995 : f32 to vector<16xf32>
    %sub3A_2997 = arith.subf %sub3A_2996, %get3A_2994 : vector<16xf32>
    %select_n3A_2998 = arith.select %lt3A_2992, %sub3A_2997, %broadcast_in_dim3A_2428 : vector<16xi1>, vector<16xf32>
    %swap3A_2999 = arith.constant 688 : index
    %swap3A_3000 = tpu.vector_load %arg16[%swap3A_2999] {strides = array<i32>} : memref<1024xf32, #tpu.memory_space<vmem>>, vector<16xf32>,
    tpu.vector_store %arg16[%swap3A_2999], %select_n3A_2998 {strides = array<i32>} : memref<1024xf32, #tpu.memory_space<vmem>>, vector<16xf32>,
    %add3A_3001 = arith.constant 704 : i32
    %add3A_3002 = arith.addi %mul3A_0, %add3A_3001 : i32
    %add3A_3003 = vector.broadcast %add3A_3002 : i32 to vector<16xi32>
    %add3A_3004 = arith.addi %add3A_3003, %iota3A : vector<16xi32>
    %lt3A_3005 = arith.cmpi slt, %add3A_3004, %broadcast_in_dim3A_353 : vector<16xi32>
    %get3A_3006 = arith.constant 704 : index
    %get3A_3007 = tpu.vector_load %arg13[%get3A_3006] {strides = array<i32>} : memref<1024xf32, #tpu.memory_space<vmem>>, vector<16xf32>,
    %sub3A_3008 = arith.constant 1.000000e+00 : f32
    %sub3A_3009 = vector.broadcast %sub3A_3008 : f32 to vector<16xf32>
    %sub3A_3010 = arith.subf %sub3A_3009, %get3A_3007 : vector<16xf32>
    %select_n3A_3011 = arith.select %lt3A_3005, %sub3A_3010, %broadcast_in_dim3A_2428 : vector<16xi1>, vector<16xf32>
    %swap3A_3012 = arith.constant 704 : index
    %swap3A_3013 = tpu.vector_load %arg16[%swap3A_3012] {strides = array<i32>} : memref<1024xf32, #tpu.memory_space<vmem>>, vector<16xf32>,
    tpu.vector_store %arg16[%swap3A_3012], %select_n3A_3011 {strides = array<i32>} : memref<1024xf32, #tpu.memory_space<vmem>>, vector<16xf32>,
    %add3A_3014 = arith.constant 720 : i32
    %add3A_3015 = arith.addi %mul3A_0, %add3A_3014 : i32
    %add3A_3016 = vector.broadcast %add3A_3015 : i32 to vector<16xi32>
    %add3A_3017 = arith.addi %add3A_3016, %iota3A : vector<16xi32>
    %lt3A_3018 = arith.cmpi slt, %add3A_3017, %broadcast_in_dim3A_353 : vector<16xi32>
    %get3A_3019 = arith.constant 720 : index
    %get3A_3020 = tpu.vector_load %arg13[%get3A_3019] {strides = array<i32>} : memref<1024xf32, #tpu.memory_space<vmem>>, vector<16xf32>,
    %sub3A_3021 = arith.constant 1.000000e+00 : f32
    %sub3A_3022 = vector.broadcast %sub3A_3021 : f32 to vector<16xf32>
    %sub3A_3023 = arith.subf %sub3A_3022, %get3A_3020 : vector<16xf32>
    %select_n3A_3024 = arith.select %lt3A_3018, %sub3A_3023, %broadcast_in_dim3A_2428 : vector<16xi1>, vector<16xf32>
    %swap3A_3025 = arith.constant 720 : index
    %swap3A_3026 = tpu.vector_load %arg16[%swap3A_3025] {strides = array<i32>} : memref<1024xf32, #tpu.memory_space<vmem>>, vector<16xf32>,
    tpu.vector_store %arg16[%swap3A_3025], %select_n3A_3024 {strides = array<i32>} : memref<1024xf32, #tpu.memory_space<vmem>>, vector<16xf32>,
    %add3A_3027 = arith.constant 736 : i32
    %add3A_3028 = arith.addi %mul3A_0, %add3A_3027 : i32
    %add3A_3029 = vector.broadcast %add3A_3028 : i32 to vector<16xi32>
    %add3A_3030 = arith.addi %add3A_3029, %iota3A : vector<16xi32>
    %lt3A_3031 = arith.cmpi slt, %add3A_3030, %broadcast_in_dim3A_353 : vector<16xi32>
    %get3A_3032 = arith.constant 736 : index
    %get3A_3033 = tpu.vector_load %arg13[%get3A_3032] {strides = array<i32>} : memref<1024xf32, #tpu.memory_space<vmem>>, vector<16xf32>,
    %sub3A_3034 = arith.constant 1.000000e+00 : f32
    %sub3A_3035 = vector.broadcast %sub3A_3034 : f32 to vector<16xf32>
    %sub3A_3036 = arith.subf %sub3A_3035, %get3A_3033 : vector<16xf32>
    %select_n3A_3037 = arith.select %lt3A_3031, %sub3A_3036, %broadcast_in_dim3A_2428 : vector<16xi1>, vector<16xf32>
    %swap3A_3038 = arith.constant 736 : index
    %swap3A_3039 = tpu.vector_load %arg16[%swap3A_3038] {strides = array<i32>} : memref<1024xf32, #tpu.memory_space<vmem>>, vector<16xf32>,
    tpu.vector_store %arg16[%swap3A_3038], %select_n3A_3037 {strides = array<i32>} : memref<1024xf32, #tpu.memory_space<vmem>>, vector<16xf32>,
    %add3A_3040 = arith.constant 752 : i32
    %add3A_3041 = arith.addi %mul3A_0, %add3A_3040 : i32
    %add3A_3042 = vector.broadcast %add3A_3041 : i32 to vector<16xi32>
    %add3A_3043 = arith.addi %add3A_3042, %iota3A : vector<16xi32>
    %lt3A_3044 = arith.cmpi slt, %add3A_3043, %broadcast_in_dim3A_353 : vector<16xi32>
    %get3A_3045 = arith.constant 752 : index
    %get3A_3046 = tpu.vector_load %arg13[%get3A_3045] {strides = array<i32>} : memref<1024xf32, #tpu.memory_space<vmem>>, vector<16xf32>,
    %sub3A_3047 = arith.constant 1.000000e+00 : f32
    %sub3A_3048 = vector.broadcast %sub3A_3047 : f32 to vector<16xf32>
    %sub3A_3049 = arith.subf %sub3A_3048, %get3A_3046 : vector<16xf32>
    %select_n3A_3050 = arith.select %lt3A_3044, %sub3A_3049, %broadcast_in_dim3A_2428 : vector<16xi1>, vector<16xf32>
    %swap3A_3051 = arith.constant 752 : index
    %swap3A_3052 = tpu.vector_load %arg16[%swap3A_3051] {strides = array<i32>} : memref<1024xf32, #tpu.memory_space<vmem>>, vector<16xf32>,
    tpu.vector_store %arg16[%swap3A_3051], %select_n3A_3050 {strides = array<i32>} : memref<1024xf32, #tpu.memory_space<vmem>>, vector<16xf32>,
    %add3A_3053 = arith.constant 768 : i32
    %add3A_3054 = arith.addi %mul3A_0, %add3A_3053 : i32
    %add3A_3055 = vector.broadcast %add3A_3054 : i32 to vector<16xi32>
    %add3A_3056 = arith.addi %add3A_3055, %iota3A : vector<16xi32>
    %lt3A_3057 = arith.cmpi slt, %add3A_3056, %broadcast_in_dim3A_353 : vector<16xi32>
    %get3A_3058 = arith.constant 768 : index
    %get3A_3059 = tpu.vector_load %arg13[%get3A_3058] {strides = array<i32>} : memref<1024xf32, #tpu.memory_space<vmem>>, vector<16xf32>,
    %sub3A_3060 = arith.constant 1.000000e+00 : f32
    %sub3A_3061 = vector.broadcast %sub3A_3060 : f32 to vector<16xf32>
    %sub3A_3062 = arith.subf %sub3A_3061, %get3A_3059 : vector<16xf32>
    %select_n3A_3063 = arith.select %lt3A_3057, %sub3A_3062, %broadcast_in_dim3A_2428 : vector<16xi1>, vector<16xf32>
    %swap3A_3064 = arith.constant 768 : index
    %swap3A_3065 = tpu.vector_load %arg16[%swap3A_3064] {strides = array<i32>} : memref<1024xf32, #tpu.memory_space<vmem>>, vector<16xf32>,
    tpu.vector_store %arg16[%swap3A_3064], %select_n3A_3063 {strides = array<i32>} : memref<1024xf32, #tpu.memory_space<vmem>>, vector<16xf32>,
    %add3A_3066 = arith.constant 784 : i32
    %add3A_3067 = arith.addi %mul3A_0, %add3A_3066 : i32
    %add3A_3068 = vector.broadcast %add3A_3067 : i32 to vector<16xi32>
    %add3A_3069 = arith.addi %add3A_3068, %iota3A : vector<16xi32>
    %lt3A_3070 = arith.cmpi slt, %add3A_3069, %broadcast_in_dim3A_353 : vector<16xi32>
    %get3A_3071 = arith.constant 784 : index
    %get3A_3072 = tpu.vector_load %arg13[%get3A_3071] {strides = array<i32>} : memref<1024xf32, #tpu.memory_space<vmem>>, vector<16xf32>,
    %sub3A_3073 = arith.constant 1.000000e+00 : f32
    %sub3A_3074 = vector.broadcast %sub3A_3073 : f32 to vector<16xf32>
    %sub3A_3075 = arith.subf %sub3A_3074, %get3A_3072 : vector<16xf32>
    %select_n3A_3076 = arith.select %lt3A_3070, %sub3A_3075, %broadcast_in_dim3A_2428 : vector<16xi1>, vector<16xf32>
    %swap3A_3077 = arith.constant 784 : index
    %swap3A_3078 = tpu.vector_load %arg16[%swap3A_3077] {strides = array<i32>} : memref<1024xf32, #tpu.memory_space<vmem>>, vector<16xf32>,
    tpu.vector_store %arg16[%swap3A_3077], %select_n3A_3076 {strides = array<i32>} : memref<1024xf32, #tpu.memory_space<vmem>>, vector<16xf32>,
    %add3A_3079 = arith.constant 800 : i32
    %add3A_3080 = arith.addi %mul3A_0, %add3A_3079 : i32
    %add3A_3081 = vector.broadcast %add3A_3080 : i32 to vector<16xi32>
    %add3A_3082 = arith.addi %add3A_3081, %iota3A : vector<16xi32>
    %lt3A_3083 = arith.cmpi slt, %add3A_3082, %broadcast_in_dim3A_353 : vector<16xi32>
    %get3A_3084 = arith.constant 800 : index
    %get3A_3085 = tpu.vector_load %arg13[%get3A_3084] {strides = array<i32>} : memref<1024xf32, #tpu.memory_space<vmem>>, vector<16xf32>,
    %sub3A_3086 = arith.constant 1.000000e+00 : f32
    %sub3A_3087 = vector.broadcast %sub3A_3086 : f32 to vector<16xf32>
    %sub3A_3088 = arith.subf %sub3A_3087, %get3A_3085 : vector<16xf32>
    %select_n3A_3089 = arith.select %lt3A_3083, %sub3A_3088, %broadcast_in_dim3A_2428 : vector<16xi1>, vector<16xf32>
    %swap3A_3090 = arith.constant 800 : index
    %swap3A_3091 = tpu.vector_load %arg16[%swap3A_3090] {strides = array<i32>} : memref<1024xf32, #tpu.memory_space<vmem>>, vector<16xf32>,
    tpu.vector_store %arg16[%swap3A_3090], %select_n3A_3089 {strides = array<i32>} : memref<1024xf32, #tpu.memory_space<vmem>>, vector<16xf32>,
    %add3A_3092 = arith.constant 816 : i32
    %add3A_3093 = arith.addi %mul3A_0, %add3A_3092 : i32
    %add3A_3094 = vector.broadcast %add3A_3093 : i32 to vector<16xi32>
    %add3A_3095 = arith.addi %add3A_3094, %iota3A : vector<16xi32>
    %lt3A_3096 = arith.cmpi slt, %add3A_3095, %broadcast_in_dim3A_353 : vector<16xi32>
    %get3A_3097 = arith.constant 816 : index
    %get3A_3098 = tpu.vector_load %arg13[%get3A_3097] {strides = array<i32>} : memref<1024xf32, #tpu.memory_space<vmem>>, vector<16xf32>,
    %sub3A_3099 = arith.constant 1.000000e+00 : f32
    %sub3A_3100 = vector.broadcast %sub3A_3099 : f32 to vector<16xf32>
    %sub3A_3101 = arith.subf %sub3A_3100, %get3A_3098 : vector<16xf32>
    %select_n3A_3102 = arith.select %lt3A_3096, %sub3A_3101, %broadcast_in_dim3A_2428 : vector<16xi1>, vector<16xf32>
    %swap3A_3103 = arith.constant 816 : index
    %swap3A_3104 = tpu.vector_load %arg16[%swap3A_3103] {strides = array<i32>} : memref<1024xf32, #tpu.memory_space<vmem>>, vector<16xf32>,
    tpu.vector_store %arg16[%swap3A_3103], %select_n3A_3102 {strides = array<i32>} : memref<1024xf32, #tpu.memory_space<vmem>>, vector<16xf32>,
    %add3A_3105 = arith.constant 832 : i32
    %add3A_3106 = arith.addi %mul3A_0, %add3A_3105 : i32
    %add3A_3107 = vector.broadcast %add3A_3106 : i32 to vector<16xi32>
    %add3A_3108 = arith.addi %add3A_3107, %iota3A : vector<16xi32>
    %lt3A_3109 = arith.cmpi slt, %add3A_3108, %broadcast_in_dim3A_353 : vector<16xi32>
    %get3A_3110 = arith.constant 832 : index
    %get3A_3111 = tpu.vector_load %arg13[%get3A_3110] {strides = array<i32>} : memref<1024xf32, #tpu.memory_space<vmem>>, vector<16xf32>,
    %sub3A_3112 = arith.constant 1.000000e+00 : f32
    %sub3A_3113 = vector.broadcast %sub3A_3112 : f32 to vector<16xf32>
    %sub3A_3114 = arith.subf %sub3A_3113, %get3A_3111 : vector<16xf32>
    %select_n3A_3115 = arith.select %lt3A_3109, %sub3A_3114, %broadcast_in_dim3A_2428 : vector<16xi1>, vector<16xf32>
    %swap3A_3116 = arith.constant 832 : index
    %swap3A_3117 = tpu.vector_load %arg16[%swap3A_3116] {strides = array<i32>} : memref<1024xf32, #tpu.memory_space<vmem>>, vector<16xf32>,
    tpu.vector_store %arg16[%swap3A_3116], %select_n3A_3115 {strides = array<i32>} : memref<1024xf32, #tpu.memory_space<vmem>>, vector<16xf32>,
    %add3A_3118 = arith.constant 848 : i32
    %add3A_3119 = arith.addi %mul3A_0, %add3A_3118 : i32
    %add3A_3120 = vector.broadcast %add3A_3119 : i32 to vector<16xi32>
    %add3A_3121 = arith.addi %add3A_3120, %iota3A : vector<16xi32>
    %lt3A_3122 = arith.cmpi slt, %add3A_3121, %broadcast_in_dim3A_353 : vector<16xi32>
    %get3A_3123 = arith.constant 848 : index
    %get3A_3124 = tpu.vector_load %arg13[%get3A_3123] {strides = array<i32>} : memref<1024xf32, #tpu.memory_space<vmem>>, vector<16xf32>,
    %sub3A_3125 = arith.constant 1.000000e+00 : f32
    %sub3A_3126 = vector.broadcast %sub3A_3125 : f32 to vector<16xf32>
    %sub3A_3127 = arith.subf %sub3A_3126, %get3A_3124 : vector<16xf32>
    %select_n3A_3128 = arith.select %lt3A_3122, %sub3A_3127, %broadcast_in_dim3A_2428 : vector<16xi1>, vector<16xf32>
    %swap3A_3129 = arith.constant 848 : index
    %swap3A_3130 = tpu.vector_load %arg16[%swap3A_3129] {strides = array<i32>} : memref<1024xf32, #tpu.memory_space<vmem>>, vector<16xf32>,
    tpu.vector_store %arg16[%swap3A_3129], %select_n3A_3128 {strides = array<i32>} : memref<1024xf32, #tpu.memory_space<vmem>>, vector<16xf32>,
    %add3A_3131 = arith.constant 864 : i32
    %add3A_3132 = arith.addi %mul3A_0, %add3A_3131 : i32
    %add3A_3133 = vector.broadcast %add3A_3132 : i32 to vector<16xi32>
    %add3A_3134 = arith.addi %add3A_3133, %iota3A : vector<16xi32>
    %lt3A_3135 = arith.cmpi slt, %add3A_3134, %broadcast_in_dim3A_353 : vector<16xi32>
    %get3A_3136 = arith.constant 864 : index
    %get3A_3137 = tpu.vector_load %arg13[%get3A_3136] {strides = array<i32>} : memref<1024xf32, #tpu.memory_space<vmem>>, vector<16xf32>,
    %sub3A_3138 = arith.constant 1.000000e+00 : f32
    %sub3A_3139 = vector.broadcast %sub3A_3138 : f32 to vector<16xf32>
    %sub3A_3140 = arith.subf %sub3A_3139, %get3A_3137 : vector<16xf32>
    %select_n3A_3141 = arith.select %lt3A_3135, %sub3A_3140, %broadcast_in_dim3A_2428 : vector<16xi1>, vector<16xf32>
    %swap3A_3142 = arith.constant 864 : index
    %swap3A_3143 = tpu.vector_load %arg16[%swap3A_3142] {strides = array<i32>} : memref<1024xf32, #tpu.memory_space<vmem>>, vector<16xf32>,
    tpu.vector_store %arg16[%swap3A_3142], %select_n3A_3141 {strides = array<i32>} : memref<1024xf32, #tpu.memory_space<vmem>>, vector<16xf32>,
    %add3A_3144 = arith.constant 880 : i32
    %add3A_3145 = arith.addi %mul3A_0, %add3A_3144 : i32
    %add3A_3146 = vector.broadcast %add3A_3145 : i32 to vector<16xi32>
    %add3A_3147 = arith.addi %add3A_3146, %iota3A : vector<16xi32>
    %lt3A_3148 = arith.cmpi slt, %add3A_3147, %broadcast_in_dim3A_353 : vector<16xi32>
    %get3A_3149 = arith.constant 880 : index
    %get3A_3150 = tpu.vector_load %arg13[%get3A_3149] {strides = array<i32>} : memref<1024xf32, #tpu.memory_space<vmem>>, vector<16xf32>,
    %sub3A_3151 = arith.constant 1.000000e+00 : f32
    %sub3A_3152 = vector.broadcast %sub3A_3151 : f32 to vector<16xf32>
    %sub3A_3153 = arith.subf %sub3A_3152, %get3A_3150 : vector<16xf32>
    %select_n3A_3154 = arith.select %lt3A_3148, %sub3A_3153, %broadcast_in_dim3A_2428 : vector<16xi1>, vector<16xf32>
    %swap3A_3155 = arith.constant 880 : index
    %swap3A_3156 = tpu.vector_load %arg16[%swap3A_3155] {strides = array<i32>} : memref<1024xf32, #tpu.memory_space<vmem>>, vector<16xf32>,
    tpu.vector_store %arg16[%swap3A_3155], %select_n3A_3154 {strides = array<i32>} : memref<1024xf32, #tpu.memory_space<vmem>>, vector<16xf32>,
    %add3A_3157 = arith.constant 896 : i32
    %add3A_3158 = arith.addi %mul3A_0, %add3A_3157 : i32
    %add3A_3159 = vector.broadcast %add3A_3158 : i32 to vector<16xi32>
    %add3A_3160 = arith.addi %add3A_3159, %iota3A : vector<16xi32>
    %lt3A_3161 = arith.cmpi slt, %add3A_3160, %broadcast_in_dim3A_353 : vector<16xi32>
    %get3A_3162 = arith.constant 896 : index
    %get3A_3163 = tpu.vector_load %arg13[%get3A_3162] {strides = array<i32>} : memref<1024xf32, #tpu.memory_space<vmem>>, vector<16xf32>,
    %sub3A_3164 = arith.constant 1.000000e+00 : f32
    %sub3A_3165 = vector.broadcast %sub3A_3164 : f32 to vector<16xf32>
    %sub3A_3166 = arith.subf %sub3A_3165, %get3A_3163 : vector<16xf32>
    %select_n3A_3167 = arith.select %lt3A_3161, %sub3A_3166, %broadcast_in_dim3A_2428 : vector<16xi1>, vector<16xf32>
    %swap3A_3168 = arith.constant 896 : index
    %swap3A_3169 = tpu.vector_load %arg16[%swap3A_3168] {strides = array<i32>} : memref<1024xf32, #tpu.memory_space<vmem>>, vector<16xf32>,
    tpu.vector_store %arg16[%swap3A_3168], %select_n3A_3167 {strides = array<i32>} : memref<1024xf32, #tpu.memory_space<vmem>>, vector<16xf32>,
    %add3A_3170 = arith.constant 912 : i32
    %add3A_3171 = arith.addi %mul3A_0, %add3A_3170 : i32
    %add3A_3172 = vector.broadcast %add3A_3171 : i32 to vector<16xi32>
    %add3A_3173 = arith.addi %add3A_3172, %iota3A : vector<16xi32>
    %lt3A_3174 = arith.cmpi slt, %add3A_3173, %broadcast_in_dim3A_353 : vector<16xi32>
    %get3A_3175 = arith.constant 912 : index
    %get3A_3176 = tpu.vector_load %arg13[%get3A_3175] {strides = array<i32>} : memref<1024xf32, #tpu.memory_space<vmem>>, vector<16xf32>,
    %sub3A_3177 = arith.constant 1.000000e+00 : f32
    %sub3A_3178 = vector.broadcast %sub3A_3177 : f32 to vector<16xf32>
    %sub3A_3179 = arith.subf %sub3A_3178, %get3A_3176 : vector<16xf32>
    %select_n3A_3180 = arith.select %lt3A_3174, %sub3A_3179, %broadcast_in_dim3A_2428 : vector<16xi1>, vector<16xf32>
    %swap3A_3181 = arith.constant 912 : index
    %swap3A_3182 = tpu.vector_load %arg16[%swap3A_3181] {strides = array<i32>} : memref<1024xf32, #tpu.memory_space<vmem>>, vector<16xf32>,
    tpu.vector_store %arg16[%swap3A_3181], %select_n3A_3180 {strides = array<i32>} : memref<1024xf32, #tpu.memory_space<vmem>>, vector<16xf32>,
    %add3A_3183 = arith.constant 928 : i32
    %add3A_3184 = arith.addi %mul3A_0, %add3A_3183 : i32
    %add3A_3185 = vector.broadcast %add3A_3184 : i32 to vector<16xi32>
    %add3A_3186 = arith.addi %add3A_3185, %iota3A : vector<16xi32>
    %lt3A_3187 = arith.cmpi slt, %add3A_3186, %broadcast_in_dim3A_353 : vector<16xi32>
    %get3A_3188 = arith.constant 928 : index
    %get3A_3189 = tpu.vector_load %arg13[%get3A_3188] {strides = array<i32>} : memref<1024xf32, #tpu.memory_space<vmem>>, vector<16xf32>,
    %sub3A_3190 = arith.constant 1.000000e+00 : f32
    %sub3A_3191 = vector.broadcast %sub3A_3190 : f32 to vector<16xf32>
    %sub3A_3192 = arith.subf %sub3A_3191, %get3A_3189 : vector<16xf32>
    %select_n3A_3193 = arith.select %lt3A_3187, %sub3A_3192, %broadcast_in_dim3A_2428 : vector<16xi1>, vector<16xf32>
    %swap3A_3194 = arith.constant 928 : index
    %swap3A_3195 = tpu.vector_load %arg16[%swap3A_3194] {strides = array<i32>} : memref<1024xf32, #tpu.memory_space<vmem>>, vector<16xf32>,
    tpu.vector_store %arg16[%swap3A_3194], %select_n3A_3193 {strides = array<i32>} : memref<1024xf32, #tpu.memory_space<vmem>>, vector<16xf32>,
    %add3A_3196 = arith.constant 944 : i32
    %add3A_3197 = arith.addi %mul3A_0, %add3A_3196 : i32
    %add3A_3198 = vector.broadcast %add3A_3197 : i32 to vector<16xi32>
    %add3A_3199 = arith.addi %add3A_3198, %iota3A : vector<16xi32>
    %lt3A_3200 = arith.cmpi slt, %add3A_3199, %broadcast_in_dim3A_353 : vector<16xi32>
    %get3A_3201 = arith.constant 944 : index
    %get3A_3202 = tpu.vector_load %arg13[%get3A_3201] {strides = array<i32>} : memref<1024xf32, #tpu.memory_space<vmem>>, vector<16xf32>,
    %sub3A_3203 = arith.constant 1.000000e+00 : f32
    %sub3A_3204 = vector.broadcast %sub3A_3203 : f32 to vector<16xf32>
    %sub3A_3205 = arith.subf %sub3A_3204, %get3A_3202 : vector<16xf32>
    %select_n3A_3206 = arith.select %lt3A_3200, %sub3A_3205, %broadcast_in_dim3A_2428 : vector<16xi1>, vector<16xf32>
    %swap3A_3207 = arith.constant 944 : index
    %swap3A_3208 = tpu.vector_load %arg16[%swap3A_3207] {strides = array<i32>} : memref<1024xf32, #tpu.memory_space<vmem>>, vector<16xf32>,
    tpu.vector_store %arg16[%swap3A_3207], %select_n3A_3206 {strides = array<i32>} : memref<1024xf32, #tpu.memory_space<vmem>>, vector<16xf32>,
    %add3A_3209 = arith.constant 960 : i32
    %add3A_3210 = arith.addi %mul3A_0, %add3A_3209 : i32
    %add3A_3211 = vector.broadcast %add3A_3210 : i32 to vector<16xi32>
    %add3A_3212 = arith.addi %add3A_3211, %iota3A : vector<16xi32>
    %lt3A_3213 = arith.cmpi slt, %add3A_3212, %broadcast_in_dim3A_353 : vector<16xi32>
    %get3A_3214 = arith.constant 960 : index
    %get3A_3215 = tpu.vector_load %arg13[%get3A_3214] {strides = array<i32>} : memref<1024xf32, #tpu.memory_space<vmem>>, vector<16xf32>,
    %sub3A_3216 = arith.constant 1.000000e+00 : f32
    %sub3A_3217 = vector.broadcast %sub3A_3216 : f32 to vector<16xf32>
    %sub3A_3218 = arith.subf %sub3A_3217, %get3A_3215 : vector<16xf32>
    %select_n3A_3219 = arith.select %lt3A_3213, %sub3A_3218, %broadcast_in_dim3A_2428 : vector<16xi1>, vector<16xf32>
    %swap3A_3220 = arith.constant 960 : index
    %swap3A_3221 = tpu.vector_load %arg16[%swap3A_3220] {strides = array<i32>} : memref<1024xf32, #tpu.memory_space<vmem>>, vector<16xf32>,
    tpu.vector_store %arg16[%swap3A_3220], %select_n3A_3219 {strides = array<i32>} : memref<1024xf32, #tpu.memory_space<vmem>>, vector<16xf32>,
    %add3A_3222 = arith.constant 976 : i32
    %add3A_3223 = arith.addi %mul3A_0, %add3A_3222 : i32
    %add3A_3224 = vector.broadcast %add3A_3223 : i32 to vector<16xi32>
    %add3A_3225 = arith.addi %add3A_3224, %iota3A : vector<16xi32>
    %lt3A_3226 = arith.cmpi slt, %add3A_3225, %broadcast_in_dim3A_353 : vector<16xi32>
    %get3A_3227 = arith.constant 976 : index
    %get3A_3228 = tpu.vector_load %arg13[%get3A_3227] {strides = array<i32>} : memref<1024xf32, #tpu.memory_space<vmem>>, vector<16xf32>,
    %sub3A_3229 = arith.constant 1.000000e+00 : f32
    %sub3A_3230 = vector.broadcast %sub3A_3229 : f32 to vector<16xf32>
    %sub3A_3231 = arith.subf %sub3A_3230, %get3A_3228 : vector<16xf32>
    %select_n3A_3232 = arith.select %lt3A_3226, %sub3A_3231, %broadcast_in_dim3A_2428 : vector<16xi1>, vector<16xf32>
    %swap3A_3233 = arith.constant 976 : index
    %swap3A_3234 = tpu.vector_load %arg16[%swap3A_3233] {strides = array<i32>} : memref<1024xf32, #tpu.memory_space<vmem>>, vector<16xf32>,
    tpu.vector_store %arg16[%swap3A_3233], %select_n3A_3232 {strides = array<i32>} : memref<1024xf32, #tpu.memory_space<vmem>>, vector<16xf32>,
    %add3A_3235 = arith.constant 992 : i32
    %add3A_3236 = arith.addi %mul3A_0, %add3A_3235 : i32
    %add3A_3237 = vector.broadcast %add3A_3236 : i32 to vector<16xi32>
    %add3A_3238 = arith.addi %add3A_3237, %iota3A : vector<16xi32>
    %lt3A_3239 = arith.cmpi slt, %add3A_3238, %broadcast_in_dim3A_353 : vector<16xi32>
    %get3A_3240 = arith.constant 992 : index
    %get3A_3241 = tpu.vector_load %arg13[%get3A_3240] {strides = array<i32>} : memref<1024xf32, #tpu.memory_space<vmem>>, vector<16xf32>,
    %sub3A_3242 = arith.constant 1.000000e+00 : f32
    %sub3A_3243 = vector.broadcast %sub3A_3242 : f32 to vector<16xf32>
    %sub3A_3244 = arith.subf %sub3A_3243, %get3A_3241 : vector<16xf32>
    %select_n3A_3245 = arith.select %lt3A_3239, %sub3A_3244, %broadcast_in_dim3A_2428 : vector<16xi1>, vector<16xf32>
    %swap3A_3246 = arith.constant 992 : index
    %swap3A_3247 = tpu.vector_load %arg16[%swap3A_3246] {strides = array<i32>} : memref<1024xf32, #tpu.memory_space<vmem>>, vector<16xf32>,
    tpu.vector_store %arg16[%swap3A_3246], %select_n3A_3245 {strides = array<i32>} : memref<1024xf32, #tpu.memory_space<vmem>>, vector<16xf32>,
    %add3A_3248 = arith.constant 1008 : i32
    %add3A_3249 = arith.addi %mul3A_0, %add3A_3248 : i32
    %add3A_3250 = vector.broadcast %add3A_3249 : i32 to vector<16xi32>
    %add3A_3251 = arith.addi %add3A_3250, %iota3A : vector<16xi32>
    %lt3A_3252 = arith.cmpi slt, %add3A_3251, %broadcast_in_dim3A_353 : vector<16xi32>
    %get3A_3253 = arith.constant 1008 : index
    %get3A_3254 = tpu.vector_load %arg13[%get3A_3253] {strides = array<i32>} : memref<1024xf32, #tpu.memory_space<vmem>>, vector<16xf32>,
    %sub3A_3255 = arith.constant 1.000000e+00 : f32
    %sub3A_3256 = vector.broadcast %sub3A_3255 : f32 to vector<16xf32>
    %sub3A_3257 = arith.subf %sub3A_3256, %get3A_3254 : vector<16xf32>
    %select_n3A_3258 = arith.select %lt3A_3252, %sub3A_3257, %broadcast_in_dim3A_2428 : vector<16xi1>, vector<16xf32>
    %swap3A_3259 = arith.constant 1008 : index
    %swap3A_3260 = tpu.vector_load %arg16[%swap3A_3259] {strides = array<i32>} : memref<1024xf32, #tpu.memory_space<vmem>>, vector<16xf32>,
    tpu.vector_store %arg16[%swap3A_3259], %select_n3A_3258 {strides = array<i32>} : memref<1024xf32, #tpu.memory_space<vmem>>, vector<16xf32>,
    %dma_wait3A_3261 = arith.constant 16384 : i32
    %dma_wait3A_3262 = tpu.memref_slice %arg9[%dma_wait3A_3261] : memref<32768xf32, #tpu.memory_space<vmem_shared>> -> memref<16384xf32, #tpu.memory_space<vmem_shared>>
    %dma_wait3A_3263 = arith.constant 16384 : i32
    %dma_wait3A_3264 = tpu.memref_slice %arg9[%dma_wait3A_3263] : memref<32768xf32, #tpu.memory_space<vmem_shared>> -> memref<16384xf32, #tpu.memory_space<vmem_shared>>
    tpu.wait_dma2 semaphore(%arg22 : memref<!tpu.dma_semaphore, #tpu.memory_space<semaphore_mem>>) src(%dma_wait3A_3264 : memref<16384xf32, #tpu.memory_space<vmem_shared>>) dst(%arg12 : memref<16384xf32, #tpu.memory_space<vmem>>)
    %broadcast_in_dim3A_3265 = arith.constant 0.000000e+00 : f32
    %broadcast_in_dim3A_3266 = vector.broadcast %broadcast_in_dim3A_3265 : f32 to vector<16xf32>
    %scan3A_3267 = arith.constant 0 : i32
    %scan3A_3268 = arith.constant 320 : i32
    %scan3A_3269 = arith.addi %scan3A_3267, %scan3A_3268 : i32
    %scan3A_3270 = arith.constant 1 : i32
    %scan3A_3271 = scf.for %scan3A_3282 = %scan3A_3267 to %scan3A_3269 step %scan3A_3270 iter_args(%scan3A_3283 = %broadcast_in_dim3A_3266) -> (vector<16xf32>)  : i32 {
      %jit3A_3284 = arith.constant 64 : i32
      %div3A_3285 = arith.divsi %scan3A_3282, %jit3A_3284 : i32
      %sign3A = arith.constant 0 : i32
      %sign3A_3286 = arith.cmpi sgt, %scan3A_3282, %sign3A : i32
      %sign3A_3287 = arith.extui %sign3A_3286 : i1 to i32
      %sign3A_3288 = arith.constant 0 : i32
      %sign3A_3289 = arith.cmpi slt, %scan3A_3282, %sign3A_3288 : i32
      %sign3A_3290 = arith.extui %sign3A_3289 : i1 to i32
      %sign3A_3291 = arith.subi %sign3A_3287, %sign3A_3290 : i32
      %sign3A_3292 = arith.constant 0 : i32
      %sign3A_3293 = arith.cmpi sgt, %jit3A_3284, %sign3A_3292 : i32
      %sign3A_3294 = arith.extui %sign3A_3293 : i1 to i32
      %sign3A_3295 = arith.constant 0 : i32
      %sign3A_3296 = arith.cmpi slt, %jit3A_3284, %sign3A_3295 : i32
      %sign3A_3297 = arith.extui %sign3A_3296 : i1 to i32
      %sign3A_3298 = arith.subi %sign3A_3294, %sign3A_3297 : i32
      %ne3A = arith.cmpi ne, %sign3A_3291, %sign3A_3298 : i32
      %rem3A_3299 = arith.remsi %scan3A_3282, %jit3A_3284 : i32
      %ne3A_3300 = arith.constant 0 : i32
      %ne3A_3301 = arith.cmpi ne, %rem3A_3299, %ne3A_3300 : i32
      %and3A = arith.andi %ne3A, %ne3A_3301 : i1
      %sub3A_3302 = arith.constant 1 : i32
      %sub3A_3303 = arith.subi %div3A_3285, %sub3A_3302 : i32
      %select_n3A_3304 = arith.select %and3A, %sub3A_3303, %div3A_3285 : i32
      %mul3A_3305 = arith.constant 64 : i32
      %mul3A_3306 = arith.muli %select_n3A_3304, %mul3A_3305 : i32
      %sub3A_3307 = arith.subi %scan3A_3282, %mul3A_3306 : i32
      %mul3A_3308 = arith.constant 16 : i32
      %mul3A_3309 = arith.muli %scan3A_3282, %mul3A_3308 : i32
      %get3A_3310 = arith.index_cast %mul3A_3309 : i32 to index
      %get3A_3311 = tpu.vector_load %arg15[%get3A_3310] {strides = array<i32>} : memref<5120xi32, #tpu.memory_space<vmem>>, vector<16xi32>,
      %gather3A = tpu.vector_load_idx %arg12[%get3A_3311] : memref<16384xf32, #tpu.memory_space<vmem>>[vector<16xi32>], vector<16xf32>,
      %mul3A_3312 = arith.constant 16 : i32
      %mul3A_3313 = arith.muli %sub3A_3307, %mul3A_3312 : i32
      %get3A_3314 = arith.index_cast %mul3A_3313 : i32 to index
      %get3A_3315 = tpu.vector_load %arg16[%get3A_3314] {strides = array<i32>} : memref<1024xf32, #tpu.memory_space<vmem>>, vector<16xf32>,
      %add3A_3316 = arith.addf %get3A_3315, %gather3A : vector<16xf32>
      %max3A_3317 = arith.constant 0.000000e+00 : f32
      %max3A_3318 = vector.broadcast %max3A_3317 : f32 to vector<16xf32>
      %max3A_3319 = arith.maximumf %add3A_3316, %max3A_3318 : vector<16xf32>
      %add3A_3320 = arith.addf %scan3A_3283, %max3A_3319 : vector<16xf32>
      scf.yield %add3A_3320 : vector<16xf32>
    }
    %scan3A_3272 = arith.constant 320 : i32
    %swap3A_3273 = arith.constant 0 : index
    %swap3A_3274 = tpu.vector_load %arg20[%swap3A_3273] {strides = array<i32>} : memref<16xf32, #tpu.memory_space<vmem>>, vector<16xf32>,
    tpu.vector_store %arg20[%swap3A_3273], %scan3A_3271 {strides = array<i32>} : memref<16xf32, #tpu.memory_space<vmem>>, vector<16xf32>,
    %mul3A_3275 = arith.constant 16 : i32
    %mul3A_3276 = arith.muli %arg1, %mul3A_3275 : i32
    "tpu.region"() ({
      %run_scoped3A = tpu.sem_alloc : memref<!tpu.dma_semaphore, #tpu.memory_space<semaphore_mem>>
      %dma_start3A_3282 = tpu.memref_slice %arg11[%mul3A_3276] : memref<256xf32, #tpu.memory_space<vmem_shared>> -> memref<16xf32, #tpu.memory_space<vmem_shared>>
      %dma_start3A_3283 = tpu.memref_slice %arg11[%mul3A_3276] : memref<256xf32, #tpu.memory_space<vmem_shared>> -> memref<16xf32, #tpu.memory_space<vmem_shared>>
      tpu.enqueue_dma source(%arg20 : memref<16xf32, #tpu.memory_space<vmem>>) target(%dma_start3A_3283 : memref<16xf32, #tpu.memory_space<vmem_shared>>) target_semaphore(%run_scoped3A : memref<!tpu.dma_semaphore, #tpu.memory_space<semaphore_mem>>)
      %dma_wait3A_3284 = tpu.memref_slice %arg11[%mul3A_3276] : memref<256xf32, #tpu.memory_space<vmem_shared>> -> memref<16xf32, #tpu.memory_space<vmem_shared>>
      %dma_wait3A_3285 = tpu.memref_slice %arg11[%mul3A_3276] : memref<256xf32, #tpu.memory_space<vmem_shared>> -> memref<16xf32, #tpu.memory_space<vmem_shared>>
      tpu.wait_dma2 semaphore(%run_scoped3A : memref<!tpu.dma_semaphore, #tpu.memory_space<semaphore_mem>>) src(%arg20 : memref<16xf32, #tpu.memory_space<vmem>>) dst(%dma_wait3A_3285 : memref<16xf32, #tpu.memory_space<vmem_shared>>)
      tpu.yield
    }) : () -> ()
    %barrier3A_3277 = arith.constant 0 : index
    tpu.barrier barrier_id(%barrier3A_3277)
    %eq3A_3278 = arith.constant 0 : i32
    %eq3A_3279 = arith.cmpi eq, %arg1, %eq3A_3278 : i32
    %convert_element_type3A_3280 = arith.extui %eq3A_3279 : i1 to i32
    %cond3A = arith.constant 0 : i32
    %cond3A_3281 = arith.cmpi ne, %convert_element_type3A_3280, %cond3A : i32
    scf.if %cond3A_3281 {
      "tpu.region"() ({
        %run_scoped3A = tpu.sem_alloc : memref<!tpu.dma_semaphore, #tpu.memory_space<semaphore_mem>>
        tpu.enqueue_dma source(%arg11 : memref<256xf32, #tpu.memory_space<vmem_shared>>) target(%arg17 : memref<256xf32, #tpu.memory_space<vmem>>) target_semaphore(%run_scoped3A : memref<!tpu.dma_semaphore, #tpu.memory_space<semaphore_mem>>)
        tpu.wait_dma2 semaphore(%run_scoped3A : memref<!tpu.dma_semaphore, #tpu.memory_space<semaphore_mem>>) src(%arg11 : memref<256xf32, #tpu.memory_space<vmem_shared>>) dst(%arg17 : memref<256xf32, #tpu.memory_space<vmem>>)
        tpu.yield
      }) : () -> ()
      %broadcast_in_dim3A_3282 = arith.constant 0.000000e+00 : f32
      %broadcast_in_dim3A_3283 = vector.broadcast %broadcast_in_dim3A_3282 : f32 to vector<16xf32>
      %get3A_3284 = arith.constant 0 : index
      %get3A_3285 = tpu.vector_load %arg17[%get3A_3284] {strides = array<i32>} : memref<256xf32, #tpu.memory_space<vmem>>, vector<16xf32>,
      %add3A_3286 = arith.addf %broadcast_in_dim3A_3283, %get3A_3285 : vector<16xf32>
      %get3A_3287 = arith.constant 16 : index
      %get3A_3288 = tpu.vector_load %arg17[%get3A_3287] {strides = array<i32>} : memref<256xf32, #tpu.memory_space<vmem>>, vector<16xf32>,
      %add3A_3289 = arith.addf %add3A_3286, %get3A_3288 : vector<16xf32>
      %get3A_3290 = arith.constant 32 : index
      %get3A_3291 = tpu.vector_load %arg17[%get3A_3290] {strides = array<i32>} : memref<256xf32, #tpu.memory_space<vmem>>, vector<16xf32>,
      %add3A_3292 = arith.addf %add3A_3289, %get3A_3291 : vector<16xf32>
      %get3A_3293 = arith.constant 48 : index
      %get3A_3294 = tpu.vector_load %arg17[%get3A_3293] {strides = array<i32>} : memref<256xf32, #tpu.memory_space<vmem>>, vector<16xf32>,
      %add3A_3295 = arith.addf %add3A_3292, %get3A_3294 : vector<16xf32>
      %get3A_3296 = arith.constant 64 : index
      %get3A_3297 = tpu.vector_load %arg17[%get3A_3296] {strides = array<i32>} : memref<256xf32, #tpu.memory_space<vmem>>, vector<16xf32>,
      %add3A_3298 = arith.addf %add3A_3295, %get3A_3297 : vector<16xf32>
      %get3A_3299 = arith.constant 80 : index
      %get3A_3300 = tpu.vector_load %arg17[%get3A_3299] {strides = array<i32>} : memref<256xf32, #tpu.memory_space<vmem>>, vector<16xf32>,
      %add3A_3301 = arith.addf %add3A_3298, %get3A_3300 : vector<16xf32>
      %get3A_3302 = arith.constant 96 : index
      %get3A_3303 = tpu.vector_load %arg17[%get3A_3302] {strides = array<i32>} : memref<256xf32, #tpu.memory_space<vmem>>, vector<16xf32>,
      %add3A_3304 = arith.addf %add3A_3301, %get3A_3303 : vector<16xf32>
      %get3A_3305 = arith.constant 112 : index
      %get3A_3306 = tpu.vector_load %arg17[%get3A_3305] {strides = array<i32>} : memref<256xf32, #tpu.memory_space<vmem>>, vector<16xf32>,
      %add3A_3307 = arith.addf %add3A_3304, %get3A_3306 : vector<16xf32>
      %get3A_3308 = arith.constant 128 : index
      %get3A_3309 = tpu.vector_load %arg17[%get3A_3308] {strides = array<i32>} : memref<256xf32, #tpu.memory_space<vmem>>, vector<16xf32>,
      %add3A_3310 = arith.addf %add3A_3307, %get3A_3309 : vector<16xf32>
      %get3A_3311 = arith.constant 144 : index
      %get3A_3312 = tpu.vector_load %arg17[%get3A_3311] {strides = array<i32>} : memref<256xf32, #tpu.memory_space<vmem>>, vector<16xf32>,
      %add3A_3313 = arith.addf %add3A_3310, %get3A_3312 : vector<16xf32>
      %get3A_3314 = arith.constant 160 : index
      %get3A_3315 = tpu.vector_load %arg17[%get3A_3314] {strides = array<i32>} : memref<256xf32, #tpu.memory_space<vmem>>, vector<16xf32>,
      %add3A_3316 = arith.addf %add3A_3313, %get3A_3315 : vector<16xf32>
      %get3A_3317 = arith.constant 176 : index
      %get3A_3318 = tpu.vector_load %arg17[%get3A_3317] {strides = array<i32>} : memref<256xf32, #tpu.memory_space<vmem>>, vector<16xf32>,
      %add3A_3319 = arith.addf %add3A_3316, %get3A_3318 : vector<16xf32>
      %get3A_3320 = arith.constant 192 : index
      %get3A_3321 = tpu.vector_load %arg17[%get3A_3320] {strides = array<i32>} : memref<256xf32, #tpu.memory_space<vmem>>, vector<16xf32>,
      %add3A_3322 = arith.addf %add3A_3319, %get3A_3321 : vector<16xf32>
      %get3A_3323 = arith.constant 208 : index
      %get3A_3324 = tpu.vector_load %arg17[%get3A_3323] {strides = array<i32>} : memref<256xf32, #tpu.memory_space<vmem>>, vector<16xf32>,
      %add3A_3325 = arith.addf %add3A_3322, %get3A_3324 : vector<16xf32>
      %get3A_3326 = arith.constant 224 : index
      %get3A_3327 = tpu.vector_load %arg17[%get3A_3326] {strides = array<i32>} : memref<256xf32, #tpu.memory_space<vmem>>, vector<16xf32>,
      %add3A_3328 = arith.addf %add3A_3325, %get3A_3327 : vector<16xf32>
      %get3A_3329 = arith.constant 240 : index
      %get3A_3330 = tpu.vector_load %arg17[%get3A_3329] {strides = array<i32>} : memref<256xf32, #tpu.memory_space<vmem>>, vector<16xf32>,
      %add3A_3331 = arith.addf %add3A_3328, %get3A_3330 : vector<16xf32>
      %reduce_sum3A_3332 = arith.constant true
      %reduce_sum3A_3333 = vector.broadcast %reduce_sum3A_3332 : i1 to vector<16xi1>
      %reduce_sum3A_3334 = tpu.scan <sum>, %add3A_3331 masked %reduce_sum3A_3333 : vector<16xf32>, vector<16xi1> -> vector<16xf32>
      %reduce_sum3A_3335 = vector.extract %reduce_sum3A_3334[15] : f32 from vector<16xf32>
      %broadcast_in_dim3A_3336 = vector.broadcast %reduce_sum3A_3335 : f32 to vector<16xf32>
      %mul3A_3337 = arith.constant 5 : i32
      %mul3A_3338 = vector.broadcast %mul3A_3337 : i32 to vector<16xi32>
      %mul3A_3339 = arith.muli %broadcast_in_dim3A_353, %mul3A_3338 : vector<16xi32>
      %convert_element_type3A_3340 = arith.sitofp %mul3A_3339 : vector<16xi32> to vector<16xf32>
      %div3A_3341 = arith.divf %broadcast_in_dim3A_3336, %convert_element_type3A_3340 : vector<16xf32>
      %swap3A_3342 = arith.constant 0 : index
      %swap3A_3343 = tpu.vector_load %arg19[%swap3A_3342] {strides = array<i32>} : memref<16xf32, #tpu.memory_space<vmem>>, vector<16xf32>,
      tpu.vector_store %arg19[%swap3A_3342], %div3A_3341 {strides = array<i32>} : memref<16xf32, #tpu.memory_space<vmem>>, vector<16xf32>,
      "tpu.region"() ({
        %run_scoped3A = tpu.sem_alloc : memref<!tpu.dma_semaphore, #tpu.memory_space<semaphore_mem>>
        tpu.enqueue_dma source(%arg19 : memref<16xf32, #tpu.memory_space<vmem>>) target(%arg5 : memref<16xf32, #tpu.memory_space<hbm>>) target_semaphore(%run_scoped3A : memref<!tpu.dma_semaphore, #tpu.memory_space<semaphore_mem>>)
        tpu.wait_dma2 semaphore(%run_scoped3A : memref<!tpu.dma_semaphore, #tpu.memory_space<semaphore_mem>>) src(%arg19 : memref<16xf32, #tpu.memory_space<vmem>>) dst(%arg5 : memref<16xf32, #tpu.memory_space<hbm>>)
        tpu.yield
      }) : () -> ()
    } else {
    }
    return
  }
}

</mosaic_0001>

<sc_bundles>
// kernel: kernel.3.cloned.1.call-start
scs
__scs_entry_jumppad:
0x0: {  	(pc) =	sbr.rel $0x88, $3  }
0x1: {  	(tag) =	ssettag $0x0;
	lr =	simm.s32 $0x1  }
0x2: {  	[smem:$0x3F9F] =	sst lr;
	_ =	strace $0xD0000000  }
0x3: {  	_ = 	snop  }
0x4: {  	_ = 	snop  }
0x5: {  	_ = 	snop  }
0x6: {  	_ = 	snop  }
0x7: {  	_ = 	snop  }
__scs_overlays_trampoline_lowered:
0x8: {  	[smem:$0x3FAE] =	sst s0  }
0x9: {  	[smem:$0x3FAF] =	sst s1  }
0xa: {  	[smem:$0x3FB0] =	sst s2  }
0xb: {  	[smem:$0x3FB1] =	sst s3  }
0xc: {  	[smem:$0x3FB2] =	sst s4  }
0xd: {  	[smem:$0x3FB3] =	sst s5  }
0xe: {  	[smem:$0x3FB4] =	sst s6  }
0xf: {  	[smem:$0x3FB5] =	sst s7  }
0x10: {  	[smem:$0x3FB6] =	sst s8  }
0x11: {  	[smem:$0x3FB7] =	sst s9;
	s0 =	simm.s32 @!p0 $0x0  }
0x12: {  	s1 =	sld [smem:$0x3F9D];
	s0 =	simm.s32 @p0 $0x1  }
0x13: {  	[smem:$0x3FB8] =	sst s0;
	s0 =	simm.s32 @!p1 $0x0  }
0x14: {  	s2 =	sld [smem:$0x3F9C];
	s0 =	simm.s32 @p1 $0x1  }
0x15: {  	[smem:$0x3FB9] =	sst s0;
	s0 =	simm.s32 @!p2 $0x0  }
0x16: {  	s3 =	sld [smem:$0x3FDB];
	s0 =	simm.s32 @p2 $0x1  }
0x17: {  	s4 =	simm.s32 $0x1BF5;
	[smem:$0x3FBB] =	sst s0  }
0x18: {  	s0 =	sld [smem:$0x3F9E];
	_ =	swait.ge [sflag:s4], $0x0  }
0x19: {  	s7 =	sld [smem:$0x3F9F]  }
0x1a: {  	s8 =	sadd.s32 $0xFFFFE003, lr  }
0x1b: {  	s9 =	sadd.s32 $0xFFFFFEF7, lr;
	s5 =	simm.s32 $0xFFFFFFFF;
	p2 =	slt.u32 s8, $0xFFFFF086  }
0x1c: {  	p1 =	slt.u32 s9, $0xF7A;
	s5 =	simm.s32 @!p2 $0x0  }
0x1d: {  	s5 =	simm.s32 @p1 $0x1;
	p0 =	seq.s32 s7, s2  }
0x1e: {  	s7 =	smul.u32 @!p0 $0xF7A, s2;
	p2 =	seq.s32 @!p0 s5, $0x0  }
0x1f: {  	s9 =	smul.u32 $0xF7A, s1;
	s8 =	simm.s32 @!p0 $0x1BF5;
	p2 =	por !p2, p0  }
0x20: {  	[sflag:s8] =	ssyncset.s32 @!p0 $0xFFFFF086;
	s6 =	sadd.s32 @!p0 s3, s7;
	s7 =	simm.s32 @!p0 $0x108  }
0x21: {  	s3 =	sadd.s32 s3, s9;
	s6 =	sadd.s32 @!p0 $0x88, s6;
	s7 =	simm.s32 @p2 $0x1082  }
0x22: {  	[simem:s7], [sflag:s8] =	dma.local @!p0 [hbm:s6], $0xF7A  }
0x23: {  	s9 =	sor.u32 $0xD0000000, s2;
	s6 =	simm.s32 $0x108;
	_ =	swait.ge @!p0 [sflag:s8], $0x0  }
0x24: {  	s3 =	sadd.s32 $0x88, s3;
	s6 =	simm.s32 @!p1 $0x1082;
	[sflag:s4] =	ssyncset.s32 $0xFFFFF086  }
0x25: {  	[simem:s6], [sflag:s4] =	dma.local [hbm:s3], $0xF7A  }
0x26: {  	[smem:$0x3F9F] =	sst s1;
	(tag) =	ssettag s2;
	_ =	strace s9  }
0x27: {  	s1 =	sld [smem:$0x3FAF]  }
0x28: {  	s2 =	sld [smem:$0x3FB0]  }
0x29: {  	s4 =	sld [smem:$0x3FB2]  }
0x2a: {  	p0 =	seq.s32 s5, $0x0;
	s5 =	sld [smem:$0x3FB3]  }
0x2b: {  	s6 =	sld [smem:$0x3FB4]  }
0x2c: {  	s7 =	sld [smem:$0x3FB5]  }
0x2d: {  	s3 =	simm.s32 $0x108;
	s8 =	sld [smem:$0x3FB6]  }
0x2e: {  	s3 =	simm.s32 @!p0 $0x1082;
	s9 =	sld [smem:$0x3FB7]  }
0x2f: {  	lr =	sadd.s32 s0, s3;
	s0 =	sld [smem:$0x3FAE]  }
0x30: {  	s3 =	sld [smem:$0x3FB1]  }
0x31: {  	[smem:$0x3FBA] =	sst s10  }
0x32: {  	s10 =	sld [smem:$0x3FB8];
	_ =	sdelay $0x3  }
0x33: {  	p0 =	seq.s32 s10, $0x1;
	s10 =	sld [smem:$0x3FBA];
	_ =	sdelay $0x3  }
0x34: {  	[smem:$0x3FBA] =	sst s10  }
0x35: {  	s10 =	sld [smem:$0x3FB9];
	_ =	sdelay $0x3  }
0x36: {  	p1 =	seq.s32 s10, $0x1;
	s10 =	sld [smem:$0x3FBA];
	_ =	sdelay $0x3  }
0x37: {  	[smem:$0x3FBA] =	sst s10  }
0x38: {  	s10 =	sld [smem:$0x3FBB]  }
0x39: {  	_ = 	snop;
	(pc) =	sbr.ind lr, $3  }
0x3a: {  	_ = 	snop  }
0x3b: {  	_ = 	snop  }
0x3c: {  	p2 =	seq.s32 s10, $0x1;
	s10 =	sld [smem:$0x3FBA]  }
0x3d: {  	_ =	shalt  }
0x3e: {  	_ =	shalt  }
0x3f: {  	_ =	shalt  }
0x40: {  	_ =	shalt  }
0x41: {  	_ =	shalt  }
0x42: {  	_ =	shalt  }
0x43: {  	_ =	shalt  }
0x44: {  	_ =	shalt  }
0x45: {  	_ =	shalt  }
0x46: {  	_ =	shalt  }
0x47: {  	_ =	shalt  }
0x48: {  	_ =	shalt  }
0x49: {  	_ =	shalt  }
0x4a: {  	_ =	shalt  }
0x4b: {  	_ =	shalt  }
0x4c: {  	_ =	shalt  }
0x4d: {  	_ =	shalt  }
0x4e: {  	_ =	shalt  }
0x4f: {  	_ =	shalt  }
0x50: {  	_ =	shalt  }
0x51: {  	_ =	shalt  }
0x52: {  	_ =	shalt  }
0x53: {  	_ =	shalt  }
0x54: {  	_ =	shalt  }
0x55: {  	_ =	shalt  }
0x56: {  	_ =	shalt  }
0x57: {  	_ =	shalt  }
0x58: {  	_ =	shalt  }
0x59: {  	_ =	shalt  }
0x5a: {  	_ =	shalt  }
0x5b: {  	_ =	shalt  }
0x5c: {  	_ =	shalt  }
0x5d: {  	_ =	shalt  }
0x5e: {  	_ =	shalt  }
0x5f: {  	_ =	shalt  }
0x60: {  	_ =	shalt  }
0x61: {  	_ =	shalt  }
0x62: {  	_ =	shalt  }
0x63: {  	_ =	shalt  }
0x64: {  	_ =	shalt  }
0x65: {  	_ =	shalt  }
0x66: {  	_ =	shalt  }
0x67: {  	_ =	shalt  }
0x68: {  	_ =	shalt  }
0x69: {  	_ =	shalt  }
0x6a: {  	_ =	shalt  }
0x6b: {  	_ =	shalt  }
0x6c: {  	_ =	shalt  }
0x6d: {  	_ =	shalt  }
0x6e: {  	_ =	shalt  }
0x6f: {  	_ =	shalt  }
0x70: {  	_ =	shalt  }
0x71: {  	_ =	shalt  }
0x72: {  	_ =	shalt  }
0x73: {  	_ =	shalt  }
0x74: {  	_ =	shalt  }
0x75: {  	_ =	shalt  }
0x76: {  	_ =	shalt  }
0x77: {  	_ =	shalt  }
0x78: {  	_ =	shalt  }
0x79: {  	_ =	shalt  }
0x7a: {  	_ =	shalt  }
0x7b: {  	_ =	shalt  }
0x7c: {  	_ =	shalt  }
0x7d: {  	_ =	shalt  }
0x7e: {  	_ =	shalt  }
0x7f: {  	_ =	shalt  }
0x80: {  	_ =	shalt  }
0x81: {  	_ =	shalt  }
0x82: {  	_ =	shalt  }
0x83: {  	_ =	shalt  }
0x84: {  	_ =	shalt  }
0x85: {  	_ =	shalt  }
0x86: {  	_ =	shalt  }
0x87: {  	_ =	shalt  }
.Lfunc_end0:
.L_simem_size_0:
called_computation_lowered:
.L_overlay_start_0:
0x88: {  	s0 =	sld [smem:$0x3FD9]  }
0x89: {  	s1 =	sld [smem:$0x3FFE];
	_ =	sdelay $0x3  }
0x8a: {  	s0 =	sadd.s32 s1, s0  }
0x8b: {  	[smem:$0x3FC6] =	sst s0  }
0x8c: {  	_ = 	snop  }
0x8d: {  	s0 =	sld [smem:$0x3FC9]  }
0x8e: {  	s16 =	sld [smem:$0x3FC8]  }
0x8f: {  	s2 =	sld [smem:$0x3FD0];
	(tm) =	ssettm $0x1  }
0x90: {  	s3 =	sld [smem:$0x3FFB];
	_ =	sdelay $0x3  }
0x91: {  	_ =	strace s3  }
0x92: {  	s3 =	sld [smem:$0x3FFC];
	_ =	sdelay $0x3  }
0x93: {  	_ =	strace s3  }
0x94: {  	s3 =	sld [smem:$0x3FFD];
	_ =	sdelay $0x3  }
0x95: {  	_ =	strace s3  }
0x96: {  	_ =	strace $0x8FFFFFFF  }
0x97: {  	s17 =	sld [smem:$0x3FDB];
	_ =	sdelay $0x1  }
0x98: {  	s4 =	simm.s32 $_scs_section_size  }
0x99: {  	s5 =	simm.s32 $_size__tile_overlayer_lowered;
	s6 =	simm.s32 $_tile_overlayer_lowered  }
0x9a: {  	s20 =	simm.s32 $0x1BFF;
	s19 =	sshll.u32 s6, $0x1;
	s3 =	sadd.s32 s4, s17  }
0x9b: {  	s7 =	simm.s32 $0x0;
	s18 =	sshll.u32 s5, $0x1;
	s5 =	sadd.s32 s19, s3  }
0x9c: {  	[timem:s7], [sflag:s20] =	dma.local [hbm:s5], s18  }
0x9d: {  	_ =	swait.ge [sflag:s20], s18  }
0x9e: {  	s4 =	ssub.s32 $0x0, s18;
	[sflag:s20] =	ssyncset.done $0x0  }
0x9f: {  	[sflag:s20] =	ssyncadd.s32 s4;
	_ =	sdelay $0x1  }
0xa0: {  	s21 =	simm.s32 $0x1B8B  }
0xa1: {  	_ =	swait.ge [sflag:s21], $0x1  }
0xa2: {  	[sflag:s21] =	ssyncset.done $0x0  }
0xa3: {  	s23 =	simm.s32 $0x1B8E;
	s22 =	sld [smem:$0x3FFE];
	[sflag:s21] =	ssyncadd.s32 $0xFFFFFFFF  }
0xa4: {  	s24 =	simm.s32 $execute0_lowered;
	[smem:$0x3FD2] =	sst s23  }
0xa5: {  	s5 =	sshll.u32 s24, $0x1;
	_ =	strace $0x80000046;
	[dreg:$0x1] =	wrdreg $0xFFFFFFFF  }
0xa6: {  	s25 =	simm.s32 $_size_execute0_lowered;
	s3 =	sadd.s32 s3, s5;
	[dreg:$0x0] =	wrdreg $0x0  }
0xa7: {  	s5 =	sshll.u32 s25, $0x1;
	[dreg:$0x2] =	wrdreg s3  }
0xa8: {  	[dreg:$0x3] =	wrdreg s5  }
0xa9: {  	[dreg:$0x4] =	wrdreg $0xC0  }
0xaa: {  	_ =	task [dreg:s7], $0x5FFFF  }
0xab: {  	[dreg:$0x1] =	wrdreg $0xFFFFFFFF  }
0xac: {  	[dreg:$0x0] =	wrdreg $0x60  }
0xad: {  	[dreg:$0x2] =	wrdreg s0  }
0xae: {  	[dreg:$0x3] =	wrdreg s16  }
0xaf: {  	[dreg:$0x4] =	wrdreg s22  }
0xb0: {  	[dreg:$0x5] =	wrdreg s2  }
0xb1: {  	[dreg:$0x6] =	wrdreg $0x14000  }
0xb2: {  	[dreg:$0x7] =	wrdreg $0xC000  }
0xb3: {  	[dreg:$0x8] =	wrdreg $0x14100  }
0xb4: {  	[dreg:$0x9] =	wrdreg $0x9  }
0xb5: {  	_ =	task.clear_ibuf [dreg:s7], $0xAFFFF;
	_ =	strace $0x90000046  }
0xb6: {  	s26 =	simm.s32 $0x9;
	_ =	strace $0x80000048  }
0xb7: {  	_ =	swait.ge [sflag:s26], $0x1  }
0xb8: {  	[sflag:s26] =	ssyncadd.s32 $0xFFFFFFFF  }
0xb9: {  	_ =	strace $0x90000048  }
0xba: {  	_ =	sfence  }
0xbb: {  	s28 =	sld [smem:$0x0];
	_ =	sdelay $0x1  }
0xbc: {  	s29 =	srdreg.scid  }
0xbd: {  	s30 =	sshll.u32 s29, $0xD;
	s31 =	sshrl.u32 s29, $0x2  }
0xbe: {  	s1 =	sand.u32 $0x1, s29;
	s2 =	sand.u32 $0x4000, s30;
	s0 =	sadd.s32 s31, s28  }
0xbf: {  	s1 =	sor.u32 s2, s1;
	s0 =	sshll.u32 s0, $0x11  }
0xc0: {  	s0 =	sor.u32 s0, s1  }
0xc1: {  	s0 =	sadd.s32 $0x8F2B, s0  }
0xc2: {  	[sflag:s0] =	ssyncadd.remote.s32 $0x1  }
0xc3: {  	_ =	sfence.sel $0xFFFF  }
0xc4: {  	[dreg:$0x0] =	wrdreg $0xFFFFFFFF;
	(pc) =	sbr.abs _section_cstart, $3  }
0xc5: {  	[dreg:$0x1] =	wrdreg $0xFFFFFFFF  }
0xc6: {  	_ =	task.clear_ibuf [dreg:s7], $0x2FFFF;
	_ =	strace $0x9FFFFFFF  }
0xc7: {  	(tm) =	ssettm $0x7FFFFFFF  }
tec
execute0_lowered:
.L_overlay_start_1:
0x0: {  	(tag) =	ssettag $0x1  }
0x1: {  	s1 =	rddreg [dreg:$0x0]  }
0x2: {  	s2 =	rddreg [dreg:$0x1]  }
0x3: {  	s3 =	rddreg [dreg:$0x2]  }
0x4: {  	s0 =	rddreg [dreg:$0x4];
	s7 =	stileid.u32  }
0x5: {  	s9 =	simm.s32 $0x0;
	s6 =	simm.s32 $0x5820;
	s17 =	simm.s32 $0x400  }
0x6: {  	s20 =	simm.s32 $0x480;
	s23 =	simm.s32 $0x500;
	s26 =	simm.s32 $0x580  }
0x7: {  	s29 =	simm.s32 $0x600;
	s4 =	smul.u32 $0x500, s7;
	[smem:$0x7FF] =	sst s9  }
0x8: {  	s12 =	sshll.u32 s7, $0xA;
	s10 =	sshll.u32 s7, $0x7;
	_ =	strace $0x80000047  }
0x9: {  	s2 =	sadd.s32 s2, s10;
	s5 =	sor.u32 $0x80, s12;
	s8 =	sor.u32 $0x100, s12  }
0xa: {  	s14 =	sor.u32 $0x180, s12;
	s19 =	sor.u32 $0x200, s12;
	s3 =	sadd.s32 s4, s3  }
0xb: {  	s22 =	sor.u32 $0x280, s12;
	s28 =	sor.u32 $0x300, s12;
	s3 =	sadd.s32 $0x400, s3  }
0xc: {  	[tilespmem:s6], [sflag:$0x2] =	stream.linear.gather [hbm4b:s3+s9], $0x2800, $0x38;
	[tilespmem:$0x9BA0] =	vst v63  }
0xd: {  	s31 =	sor.u32 $0x380, s12;
	s4 =	sadd.s32 s1, s10;
	[dreg:$0x14] =	wrdreg s5  }
0xe: {  	[tilespmem:s9], [sflag:$0x1] =	stream.linear.gather [hbm4b:s2+s9], $0x400, $0x38;
	[tilespmem:$0x9BA0] =	vst v63  }
0xf: {  	s5 =	sshrl.u32 s5, $0x3;
	[dreg:$0xe] =	wrdreg s8;
	s13 =	sshrl.u32 s8, $0x3  }
0x10: {  	[tilespmem:s17], [sflag:$0x3] =	stream.linear.gather [hbm4b:s4+s9], $0x80, $0x38;
	[tilespmem:$0x9BA0] =	vst v63  }
0x11: {  	[dreg:$0xd] =	wrdreg s14;
	s16 =	sshrl.u32 s14, $0x3;
	s11 =	sadd.s32 s1, s5  }
0x12: {  	[tilespmem:s20], [sflag:$0x3] =	stream.linear.gather [hbm4b:s11+s9], $0x80, $0x38;
	[tilespmem:$0x9BA0] =	vst v63  }
0x13: {  	[dreg:$0xc] =	wrdreg s19;
	s21 =	sshrl.u32 s19, $0x3;
	s15 =	sadd.s32 s1, s13  }
0x14: {  	[tilespmem:s23], [sflag:$0x3] =	stream.linear.gather [hbm4b:s15+s9], $0x80, $0x38;
	[tilespmem:$0x9BA0] =	vst v63  }
0x15: {  	[dreg:$0xb] =	wrdreg s22;
	s25 =	sshrl.u32 s22, $0x3;
	s18 =	sadd.s32 s1, s16  }
0x16: {  	[tilespmem:s26], [sflag:$0x3] =	stream.linear.gather [hbm4b:s18+s9], $0x80, $0x38;
	[tilespmem:$0x9BA0] =	vst v63  }
0x17: {  	[dreg:$0xa] =	wrdreg s28;
	s30 =	sshrl.u32 s28, $0x3;
	s24 =	sadd.s32 s1, s21  }
0x18: {  	[tilespmem:s29], [sflag:$0x3] =	stream.linear.gather [hbm4b:s24+s9], $0x80, $0x38;
	[tilespmem:$0x9BA0] =	vst v63  }
0x19: {  	[dreg:$0x9] =	wrdreg s31;
	s3 =	sadd.s32 s1, s25;
	s6 =	simm.s32 $0x680  }
0x1a: {  	[tilespmem:s6], [sflag:$0x3] =	stream.linear.gather [hbm4b:s3+s9], $0x80, $0x38;
	[tilespmem:$0x9BA0] =	vst v63  }
0x1b: {  	s8 =	sshrl.u32 s31, $0x3;
	s10 =	simm.s32 $0x700;
	s2 =	sadd.s32 s1, s30  }
0x1c: {  	[tilespmem:s10], [sflag:$0x3] =	stream.linear.gather [hbm4b:s2+s9], $0x80, $0x38;
	[tilespmem:$0x9BA0] =	vst v63  }
0x1d: {  	s13 =	simm.s32 $0x1;
	s1 =	sadd.s32 s1, s8;
	s11 =	simm.s32 $0x780  }
0x1e: {  	[tilespmem:s11], [sflag:$0x3] =	stream.linear.gather [hbm4b:s1+s9], $0x80, $0x38;
	[tilespmem:$0x9BA0] =	vst v63  }
0x1f: {  	_ =	swait.ge [sflag:s13], $0x400  }
0x20: {  	[sflag:s13] =	ssyncset.done $0x0  }
0x21: {  	[sflag:s13] =	ssyncadd.s32 $0xFFFFFC00  }
0x22: {  	v0 =	vld [tilespmem:$0x0]  }
0x23: {  	v1 =	vld [tilespmem:$0x10]  }
0x24: {  	v2 =	vld [tilespmem:$0x20]  }
0x25: {  	v3 =	vld [tilespmem:$0x30]  }
0x26: {  	v4 =	vld [tilespmem:$0x40]  }
0x27: {  	v5 =	vld [tilespmem:$0x50]  }
0x28: {  	v0 =	vadd.s32 v0, v1;
	v1 =	vld [tilespmem:$0x60]  }
0x29: {  	v0 =	vadd.s32 v2, v0;
	v2 =	vld [tilespmem:$0x70]  }
0x2a: {  	v0 =	vadd.s32 v3, v0;
	v3 =	vld [tilespmem:$0x80]  }
0x2b: {  	v0 =	vadd.s32 v4, v0;
	v4 =	vld [tilespmem:$0x90]  }
0x2c: {  	v0 =	vadd.s32 v5, v0;
	v5 =	vld [tilespmem:$0xA0]  }
0x2d: {  	v0 =	vadd.s32 v1, v0;
	v1 =	vld [tilespmem:$0xB0]  }
0x2e: {  	v0 =	vadd.s32 v2, v0;
	v2 =	vld [tilespmem:$0xC0]  }
0x2f: {  	v0 =	vadd.s32 v3, v0;
	v3 =	vld [tilespmem:$0xD0]  }
0x30: {  	v0 =	vadd.s32 v4, v0;
	v4 =	vld [tilespmem:$0xE0]  }
0x31: {  	v0 =	vadd.s32 v5, v0;
	v5 =	vld [tilespmem:$0xF0]  }
0x32: {  	v0 =	vadd.s32 v1, v0;
	v1 =	vld [tilespmem:$0x100]  }
0x33: {  	v0 =	vadd.s32 v2, v0;
	v2 =	vld [tilespmem:$0x110]  }
0x34: {  	v0 =	vadd.s32 v3, v0;
	v3 =	vld [tilespmem:$0x120]  }
0x35: {  	v0 =	vadd.s32 v4, v0;
	v4 =	vld [tilespmem:$0x130]  }
0x36: {  	v0 =	vadd.s32 v5, v0;
	v5 =	vld [tilespmem:$0x140]  }
0x37: {  	v0 =	vadd.s32 v1, v0;
	v1 =	vld [tilespmem:$0x150]  }
0x38: {  	v0 =	vadd.s32 v2, v0;
	v2 =	vld [tilespmem:$0x160]  }
0x39: {  	v0 =	vadd.s32 v3, v0;
	v3 =	vld [tilespmem:$0x170]  }
0x3a: {  	v0 =	vadd.s32 v4, v0;
	v4 =	vld [tilespmem:$0x180]  }
0x3b: {  	v0 =	vadd.s32 v5, v0;
	v5 =	vld [tilespmem:$0x190]  }
0x3c: {  	v0 =	vadd.s32 v1, v0;
	v1 =	vld [tilespmem:$0x1A0]  }
0x3d: {  	v0 =	vadd.s32 v2, v0;
	v2 =	vld [tilespmem:$0x1B0]  }
0x3e: {  	v0 =	vadd.s32 v3, v0;
	v3 =	vld [tilespmem:$0x1C0]  }
0x3f: {  	v0 =	vadd.s32 v4, v0;
	v4 =	vld [tilespmem:$0x1D0]  }
0x40: {  	v0 =	vadd.s32 v5, v0;
	v5 =	vld [tilespmem:$0x1E0]  }
0x41: {  	v0 =	vadd.s32 v1, v0;
	v1 =	vld [tilespmem:$0x1F0]  }
0x42: {  	v0 =	vadd.s32 v2, v0;
	v2 =	vld [tilespmem:$0x200]  }
0x43: {  	v0 =	vadd.s32 v3, v0;
	v3 =	vld [tilespmem:$0x210]  }
0x44: {  	v0 =	vadd.s32 v4, v0;
	v4 =	vld [tilespmem:$0x220]  }
0x45: {  	v0 =	vadd.s32 v5, v0;
	v5 =	vld [tilespmem:$0x230]  }
0x46: {  	v0 =	vadd.s32 v1, v0;
	v1 =	vld [tilespmem:$0x240]  }
0x47: {  	v0 =	vadd.s32 v2, v0;
	v2 =	vld [tilespmem:$0x250]  }
0x48: {  	v0 =	vadd.s32 v3, v0;
	v3 =	vld [tilespmem:$0x260]  }
0x49: {  	v0 =	vadd.s32 v4, v0;
	v4 =	vld [tilespmem:$0x270]  }
0x4a: {  	v0 =	vadd.s32 v5, v0;
	v5 =	vld [tilespmem:$0x280]  }
0x4b: {  	v0 =	vadd.s32 v1, v0;
	v1 =	vld [tilespmem:$0x290]  }
0x4c: {  	v0 =	vadd.s32 v2, v0;
	v2 =	vld [tilespmem:$0x2A0]  }
0x4d: {  	v0 =	vadd.s32 v3, v0;
	v3 =	vld [tilespmem:$0x2B0]  }
0x4e: {  	v0 =	vadd.s32 v4, v0;
	v4 =	vld [tilespmem:$0x2C0]  }
0x4f: {  	v0 =	vadd.s32 v5, v0;
	v5 =	vld [tilespmem:$0x2D0]  }
0x50: {  	v0 =	vadd.s32 v1, v0;
	v1 =	vld [tilespmem:$0x2E0]  }
0x51: {  	v0 =	vadd.s32 v2, v0;
	v2 =	vld [tilespmem:$0x2F0]  }
0x52: {  	v0 =	vadd.s32 v3, v0;
	v3 =	vld [tilespmem:$0x300]  }
0x53: {  	v0 =	vadd.s32 v4, v0;
	v4 =	vld [tilespmem:$0x310]  }
0x54: {  	v0 =	vadd.s32 v5, v0;
	v5 =	vld [tilespmem:$0x320]  }
0x55: {  	v0 =	vadd.s32 v1, v0;
	v1 =	vld [tilespmem:$0x330]  }
0x56: {  	v0 =	vadd.s32 v2, v0;
	v2 =	vld [tilespmem:$0x340]  }
0x57: {  	v0 =	vadd.s32 v3, v0;
	v3 =	vld [tilespmem:$0x350]  }
0x58: {  	v0 =	vadd.s32 v4, v0;
	v4 =	vld [tilespmem:$0x360]  }
0x59: {  	v0 =	vadd.s32 v5, v0;
	v5 =	vld [tilespmem:$0x370]  }
0x5a: {  	v0 =	vadd.s32 v1, v0;
	v1 =	vld [tilespmem:$0x380]  }
0x5b: {  	v0 =	vadd.s32 v2, v0;
	v2 =	vld [tilespmem:$0x390]  }
0x5c: {  	v0 =	vadd.s32 v3, v0;
	v3 =	vld [tilespmem:$0x3A0]  }
0x5d: {  	v0 =	vadd.s32 v4, v0;
	v4 =	vld [tilespmem:$0x3B0]  }
0x5e: {  	v0 =	vadd.s32 v5, v0;
	v5 =	vld [tilespmem:$0x3C0]  }
0x5f: {  	v0 =	vadd.s32 v1, v0;
	v1 =	vld [tilespmem:$0x3D0]  }
0x60: {  	v0 =	vadd.s32 v2, v0;
	v2 =	vld [tilespmem:$0x3E0]  }
0x61: {  	v0 =	vadd.s32 v3, v0;
	v3 =	vld [tilespmem:$0x3F0]  }
0x62: {  	v0 =	vadd.s32 v4, v0  }
0x63: {  	v0 =	vadd.s32 v5, v0  }
0x64: {  	v0 =	vadd.s32 v1, v0  }
0x65: {  	v0 =	vadd.s32 v2, v0  }
0x66: {  	v0 =	vadd.s32 v3, v0  }
0x67: {  	(xrf0) =	vadd.scan.msk.s32 $0xffff, v0;
	_ =	sdelay $0x5  }
0x68: {  	v0, _, _ =	vpop (xrf0)  }
0x69: {  	v1 =	vmov s7;
	v2 =	vlaneseq.u32;
	v0 =	vbroadcast v0, $0xF  }
0x6a: {  	vm0 =	veq.s32 v1, v2  }
0x6b: {  	s14 =	sshll.u32 s7, $0x4;
	s16 =	simm.s32 $0x4;
	v0 =	vnsel vm0, $0x0, v0  }
0x6c: {  	s15 =	simm.s32 $0x9B20;
	s1 =	sadd.s32 s14, s0;
	[dreg:$0x8] =	wrdreg s14;
	[tilespmem:$0x9B20] =	vst v0  }
0x6d: {  	[spmem:s1] =	stream.linear.scatter [tilespmem:s15], [sflag:$0x4], $0x10, $0x38;
	[tilespmem:$0x9BA0] =	vst v63  }
0x6e: {  	_ =	swait.ge [sflag:s16], $0x10  }
0x6f: {  	[sflag:s16] =	ssyncset.done $0x0  }
0x70: {  	[sflag:s16] =	ssyncadd.s32 $0xFFFFFFF0  }
0x71: {  	s17 =	simm.s32 $0x9920;
	[bflag:$0x0] =	sbarrier.arrive $0xFFFF  }
0x72: {  	[tilespmem:s17], [sflag:$0x4] =	stream.linear.gather [spmem:s0], $0x100, $0x38;
	[tilespmem:$0x9BA0] =	vst v63  }
0x73: {  	_ =	swait.ge [sflag:s16], $0x100  }
0x74: {  	[sflag:s16] =	ssyncset.done $0x0  }
0x75: {  	[sflag:s16] =	ssyncadd.s32 $0xFFFFFF00  }
0x76: {  	v0 =	vld [tilespmem:$0x9920]  }
0x77: {  	v2 =	vld [tilespmem:$0x9930]  }
0x78: {  	v3 =	vld [tilespmem:$0x9940]  }
0x79: {  	v4 =	vld [tilespmem:$0x9950]  }
0x7a: {  	v5 =	vld [tilespmem:$0x9960]  }
0x7b: {  	v6 =	vld [tilespmem:$0x9970]  }
0x7c: {  	v0 =	vadd.s32 v0, v2;
	v2 =	vld [tilespmem:$0x9980]  }
0x7d: {  	v0 =	vadd.s32 v3, v0;
	v3 =	vld [tilespmem:$0x9990]  }
0x7e: {  	v0 =	vadd.s32 v4, v0;
	v4 =	vld [tilespmem:$0x99A0]  }
0x7f: {  	v0 =	vadd.s32 v5, v0;
	v5 =	vld [tilespmem:$0x99B0]  }
0x80: {  	v0 =	vadd.s32 v6, v0;
	v6 =	vld [tilespmem:$0x99C0]  }
0x81: {  	v0 =	vadd.s32 v2, v0;
	v2 =	vld [tilespmem:$0x99D0]  }
0x82: {  	v0 =	vadd.s32 v3, v0;
	v3 =	vld [tilespmem:$0x99E0]  }
0x83: {  	v0 =	vadd.s32 v4, v0;
	v4 =	vld [tilespmem:$0x99F0]  }
0x84: {  	v0 =	vadd.s32 v5, v0;
	v5 =	vld [tilespmem:$0x9A00]  }
0x85: {  	v0 =	vadd.s32 v6, v0;
	v6 =	vld [tilespmem:$0x9A10]  }
0x86: {  	v0 =	vadd.s32 v2, v0  }
0x87: {  	v0 =	vadd.s32 v3, v0  }
0x88: {  	v0 =	vadd.s32 v4, v0  }
0x89: {  	v7 =	vlaneseq.u32;
	v0 =	vadd.s32 v5, v0  }
0x8a: {  	vm0 =	vgt.u32 v1, v7;
	v0 =	vadd.s32 v6, v0  }
0x8b: {  	v1 =	vnsel vm0, $0x0, v0  }
0x8c: {  	(xrf0) =	vadd.scan.msk.s32 $0xffff, v1  }
0x8d: {  	(xrf0) =	vadd.scan.msk.s32 $0xffff, v0;
	_ =	sdelay $0x4  }
0x8e: {  	v1, _, _ =	vpop (xrf0)  }
0x8f: {  	v0, _, _ =	vpop (xrf0)  }
0x90: {  	v62 =	vbroadcast v0, $0xF;
	_ =	sdelay $0x1  }
0x91: {  	v0 =	vsub.s32 $0x4000, v62  }
0x92: {  	vm0 =	vgt.s32 v0, $0x1  }
0x93: {  	[tilespmem:$0x1F8F0] =	vst v1;
	(v2sf) =	vpush v1, $0xF;
	v1 =	vnsel vm0, $0x1, v0  }
0x94: {  	[tilespmem:$0x1FEC0] =	vst v0;
	v0 =	vimm.s32 $0x10000;
	(v2sf) =	vpush v1, $0x0  }
0x95: {  	(v2sf) =	vpush v0, $0x0  }
0x96: {  	(v2sf) =	vpush v1, $0xF  }
0x97: {  	(v2sf) =	vpush v0, $0xF  }
0x98: {  	(v2sf) =	vpush v1, $0x1  }
0x99: {  	(v2sf) =	vpush v0, $0x1  }
0x9a: {  	(v2sf) =	vpush v1, $0x2  }
0x9b: {  	(v2sf) =	vpush v0, $0x2  }
0x9c: {  	(v2sf) =	vpush v1, $0x3  }
0x9d: {  	(v2sf) =	vpush v0, $0x3;
	_ =	sdelay $0x1  }
0x9e: {  	(v2sf) =	vpush v1, $0x4  }
0x9f: {  	(v2sf) =	vpush v0, $0x4;
	_ =	sdelay $0x1  }
0xa0: {  	s20 =	spop (v2sf)  }
0xa1: {  	s10 =	spop (v2sf)  }
0xa2: {  	s18 =	spop (v2sf)  }
0xa3: {  	s5 =	spop (v2sf)  }
0xa4: {  	s19 =	spop (v2sf);
	(v2sf) =	vpush v1, $0x5  }
0xa5: {  	s4 =	spop (v2sf)  }
0xa6: {  	(drf) =	srem.u32 s18, s10;
	(v2sf) =	vpush v0, $0x5;
	s21 =	spop (v2sf)  }
0xa7: {  	(drf) =	srem.u32 s19, s5;
	(v2sf) =	vpush v1, $0x6;
	s6 =	spop (v2sf)  }
0xa8: {  	(drf) =	srem.u32 s21, s4;
	s22 =	spop (v2sf)  }
0xa9: {  	(v2sf) =	vpush v0, $0x6;
	s8 =	spop (v2sf);
	(drf) =	srem.u32 s22, s6  }
0xaa: {  	(v2sf) =	vpush v1, $0x7;
	s23 =	spop (v2sf)  }
0xab: {  	(v2sf) =	vpush v0, $0x7;
	(drf) =	srem.u32 s23, s8  }
0xac: {  	(v2sf) =	vpush v1, $0x8;
	s11 =	spop (v2sf)  }
0xad: {  	(v2sf) =	vpush v0, $0x8;
	s24 =	spop (v2sf)  }
0xae: {  	(v2sf) =	vpush v1, $0x9;
	(drf) =	srem.u32 s24, s11  }
0xaf: {  	s13 =	spop (drf);
	(v2sf) =	vpush v0, $0x9  }
0xb0: {  	(v2sf) =	vpush v1, $0xA;
	s14 =	spop (drf)  }
0xb1: {  	(v2sf) =	vpush v0, $0xA;
	s15 =	spop (drf)  }
0xb2: {  	(v2sf) =	vpush v1, $0xB;
	s16 =	spop (drf)  }
0xb3: {  	(v2sf) =	vpush v0, $0xB;
	s2 =	spop (v2sf)  }
0xb4: {  	(v2sf) =	vpush v1, $0xC;
	s17 =	spop (drf)  }
0xb5: {  	(v2sf) =	vpush v0, $0xC;
	s19 =	spop (v2sf)  }
0xb6: {  	(v2sf) =	vpush v1, $0xD;
	s7 =	spop (v2sf)  }
0xb7: {  	(v2sf) =	vpush v0, $0xD;
	s18 =	spop (drf)  }
0xb8: {  	(v2sf) =	vpush v1, $0xE;
	s21 =	spop (v2sf)  }
0xb9: {  	(v2sf) =	vpush v0, $0xE;
	s9 =	spop (v2sf)  }
0xba: {  	s22 =	spop (v2sf)  }
0xbb: {  	s1 =	spop (v2sf)  }
0xbc: {  	s23 =	spop (v2sf)  }
0xbd: {  	s0 =	spop (v2sf)  }
0xbe: {  	s24 =	spop (v2sf)  }
0xbf: {  	s3 =	spop (v2sf)  }
0xc0: {  	(drf) =	srem.u32 s19, s2;
	s25 =	spop (v2sf)  }
0xc1: {  	(drf) =	srem.u32 s21, s7;
	s30 =	spop (v2sf)  }
0xc2: {  	(drf) =	srem.u32 s22, s9;
	s26 =	spop (v2sf)  }
0xc3: {  	(drf) =	srem.u32 s23, s1;
	s31 =	spop (v2sf)  }
0xc4: {  	vm14 =	vcmask $0x300;
	v0 =	vmov s14;
	(drf) =	srem.u32 s24, s0;
	s28 =	spop (v2sf)  }
0xc5: {  	vm13 =	vcmask $0x704;
	v0 =	vsel vm14, s13, v0;
	(drf) =	srem.u32 s25, s3;
	s22 =	spop (v2sf)  }
0xc6: {  	vm12 =	vcmask $0xB08;
	v0 =	vsel vm13, s15, v0;
	(drf) =	srem.u32 s26, s30;
	s29 =	spop (v2sf)  }
0xc7: {  	vm11 =	vcmask $0xF0C;
	v0 =	vsel vm12, s16, v0;
	(drf) =	srem.u32 s28, s31;
	s21 =	spop (v2sf)  }
0xc8: {  	vm10 =	vcmask $0x1310;
	v0 =	vsel vm11, s17, v0;
	(drf) =	srem.u32 s29, s22;
	s15 =	spop (v2sf)  }
0xc9: {  	vm9 =	vcmask $0x1714;
	v0 =	vsel vm10, s18, v0;
	s16 =	spop (drf);
	(drf) =	srem.u32 s15, s21  }
0xca: {  	vm8 =	vcmask $0x1B18;
	v0 =	vsel vm9, s16, v0;
	s17 =	spop (drf)  }
0xcb: {  	vm7 =	vcmask $0x1F1C;
	v0 =	vsel vm8, s17, v0;
	s18 =	spop (drf)  }
0xcc: {  	vm6 =	vcmask $0x2320;
	v0 =	vsel vm7, s18, v0;
	s19 =	spop (drf)  }
0xcd: {  	vm5 =	vcmask $0x2724;
	v0 =	vsel vm6, s19, v0;
	s23 =	spop (drf)  }
0xce: {  	vm4 =	vcmask $0x2B28;
	v0 =	vsel vm5, s23, v0;
	s24 =	spop (drf)  }
0xcf: {  	vm3 =	vcmask $0x2F2C;
	v0 =	vsel vm4, s24, v0;
	s25 =	spop (drf)  }
0xd0: {  	vm2 =	vcmask $0x3330;
	v0 =	vsel vm3, s25, v0;
	s26 =	spop (drf)  }
0xd1: {  	vm1 =	vcmask $0x3734;
	v0 =	vsel vm2, s26, v0;
	s28 =	spop (drf)  }
0xd2: {  	vm0 =	vcmask $0x3B38;
	v0 =	vsel vm1, s28, v0;
	s29 =	spop (drf)  }
0xd3: {  	v2 =	vsel vm0, s29, v0  }
0xd4: {  	v0 =	vmul.u32 v2, v2;
	_ =	sdelay $0x1  }
0xd5: {  	(v2sf) =	vpush v0, $0x0  }
0xd6: {  	(v2sf) =	vpush v0, $0xF  }
0xd7: {  	(v2sf) =	vpush v0, $0x1  }
0xd8: {  	(v2sf) =	vpush v0, $0x2  }
0xd9: {  	(v2sf) =	vpush v0, $0x3  }
0xda: {  	(v2sf) =	vpush v0, $0x4  }
0xdb: {  	(v2sf) =	vpush v0, $0x5  }
0xdc: {  	(v2sf) =	vpush v0, $0x6  }
0xdd: {  	(v2sf) =	vpush v0, $0x7  }
0xde: {  	(v2sf) =	vpush v0, $0x8;
	_ =	sdelay $0x1  }
0xdf: {  	(v2sf) =	vpush v0, $0x9;
	_ =	sdelay $0x2  }
0xe0: {  	(v2sf) =	vpush v0, $0xA  }
0xe1: {  	s14 =	spop (v2sf)  }
0xe2: {  	(v2sf) =	vpush v0, $0xB;
	(drf) =	srem.u32 s14, s10;
	s15 =	spop (v2sf)  }
0xe3: {  	s16 =	spop (v2sf)  }
0xe4: {  	(v2sf) =	vpush v0, $0xC;
	(drf) =	srem.u32 s15, s5;
	s17 =	spop (v2sf)  }
0xe5: {  	(drf) =	srem.u32 s16, s4;
	s18 =	spop (v2sf)  }
0xe6: {  	(v2sf) =	vpush v0, $0xD;
	s19 =	spop (v2sf)  }
0xe7: {  	(v2sf) =	vpush v0, $0xE;
	(drf) =	srem.u32 s17, s6;
	s24 =	spop (v2sf)  }
0xe8: {  	s25 =	spop (v2sf)  }
0xe9: {  	(drf) =	srem.u32 s18, s8;
	s26 =	spop (v2sf)  }
0xea: {  	s28 =	spop (v2sf)  }
0xeb: {  	(drf) =	srem.u32 s19, s11;
	s13 =	spop (drf)  }
0xec: {  	s29 =	spop (v2sf)  }
0xed: {  	s23 =	spop (drf)  }
0xee: {  	(drf) =	srem.u32 s24, s2;
	s15 =	spop (drf)  }
0xef: {  	(drf) =	srem.u32 s25, s7;
	v0 =	vmov s23;
	s23 =	spop (v2sf)  }
0xf0: {  	(drf) =	srem.u32 s26, s9;
	s16 =	spop (drf)  }
0xf1: {  	(drf) =	srem.u32 s28, s1;
	s24 =	spop (v2sf)  }
0xf2: {  	(drf) =	srem.u32 s29, s0;
	s17 =	spop (drf)  }
0xf3: {  	v0 =	vsel vm14, s13, v0;
	(drf) =	srem.u32 s23, s3;
	s25 =	spop (v2sf)  }
0xf4: {  	v0 =	vsel vm13, s15, v0;
	(drf) =	srem.u32 s24, s30;
	s18 =	spop (drf)  }
0xf5: {  	v0 =	vsel vm12, s16, v0;
	(drf) =	srem.u32 s25, s31;
	s26 =	spop (v2sf)  }
0xf6: {  	v0 =	vsel vm11, s17, v0;
	(drf) =	srem.u32 s26, s22;
	s28 =	spop (v2sf)  }
0xf7: {  	s29 =	spop (drf);
	v0 =	vsel vm10, s18, v0;
	(drf) =	srem.u32 s28, s21  }
0xf8: {  	s14 =	spop (drf);
	v0 =	vsel vm9, s29, v0  }
0xf9: {  	s15 =	spop (drf);
	v0 =	vsel vm8, s14, v0  }
0xfa: {  	s16 =	spop (drf);
	v0 =	vsel vm7, s15, v0  }
0xfb: {  	s17 =	spop (drf);
	v0 =	vsel vm6, s16, v0  }
0xfc: {  	v0 =	vsel vm5, s17, v0;
	s18 =	spop (drf)  }
0xfd: {  	v0 =	vsel vm4, s18, v0;
	s19 =	spop (drf)  }
0xfe: {  	[smem:$0x7A3] =	sst s21;
	v0 =	vsel vm3, s19, v0;
	s21 =	spop (drf)  }
0xff: {  	v0 =	vsel vm2, s21, v0;
	s23 =	spop (drf)  }
0x100: {  	v0 =	vsel vm1, s23, v0;
	s24 =	spop (drf)  }
0x101: {  	v3 =	vsel vm0, s24, v0  }
0x102: {  	v0 =	vmul.u32 v2, v3;
	_ =	sdelay $0x1  }
0x103: {  	(v2sf) =	vpush v0, $0x0;
	_ =	sdelay $0x2  }
0x104: {  	(v2sf) =	vpush v0, $0xF  }
0x105: {  	(v2sf) =	vpush v0, $0x1  }
0x106: {  	(v2sf) =	vpush v0, $0x2  }
0x107: {  	(v2sf) =	vpush v0, $0x3;
	_ =	sdelay $0x3  }
0x108: {  	(v2sf) =	vpush v0, $0x4;
	_ =	sdelay $0x4  }
0x109: {  	[dreg:$0x1f] =	wrdreg s22;
	s25 =	spop (v2sf)  }
0x10a: {  	(drf) =	srem.u32 s25, s10  }
0x10b: {  	(v2sf) =	vpush v0, $0x5  }
0x10c: {  	s13 =	spop (v2sf);
	(v2sf) =	vpush v0, $0x6  }
0x10d: {  	(drf) =	srem.u32 s13, s5;
	s26 =	spop (v2sf);
	(v2sf) =	vpush v0, $0x7  }
0x10e: {  	(drf) =	srem.u32 s26, s4;
	s28 =	spop (v2sf)  }
0x10f: {  	(drf) =	srem.u32 s28, s6;
	(v2sf) =	vpush v0, $0x8;
	s29 =	spop (v2sf)  }
0x110: {  	(drf) =	srem.u32 s29, s8;
	(v2sf) =	vpush v0, $0x9  }
0x111: {  	(v2sf) =	vpush v0, $0xA  }
0x112: {  	(v2sf) =	vpush v0, $0xB  }
0x113: {  	s19 =	spop (v2sf);
	(v2sf) =	vpush v0, $0xC  }
0x114: {  	(drf) =	srem.u32 s19, s11;
	(v2sf) =	vpush v0, $0xD  }
0x115: {  	s14 =	spop (drf)  }
0x116: {  	s15 =	spop (drf)  }
0x117: {  	s16 =	spop (drf)  }
0x118: {  	(v2sf) =	vpush v0, $0xE;
	s17 =	spop (drf)  }
0x119: {  	v0 =	vadd.s32 $0x3FF, v1;
	s18 =	spop (drf)  }
0x11a: {  	(v2sf) =	vpush v0, $0x0;
	[dreg:$0x12] =	wrdreg s16;
	s21 =	spop (v2sf)  }
0x11b: {  	(drf) =	srem.u32 s21, s2;
	s23 =	spop (v2sf)  }
0x11c: {  	(v2sf) =	vpush v0, $0xF;
	(drf) =	srem.u32 s23, s7;
	s24 =	spop (v2sf)  }
0x11d: {  	s16 =	spop (drf);
	(drf) =	srem.u32 s24, s9  }
0x11e: {  	[dreg:$0x11] =	wrdreg s14;
	(v2sf) =	vpush v0, $0x1;
	s25 =	spop (v2sf)  }
0x11f: {  	(drf) =	srem.u32 s25, s1;
	s26 =	spop (v2sf)  }
0x120: {  	[dreg:$0x17] =	wrdreg s15;
	(v2sf) =	vpush v0, $0x2;
	s28 =	spop (v2sf)  }
0x121: {  	v9 =	vld [tilespmem:$0x0];
	(drf) =	srem.u32 s26, s0;
	s29 =	spop (v2sf)  }
0x122: {  	v31 =	vld [tilespmem:$0x10];
	[dreg:$0xf] =	wrdreg s17;
	(v2sf) =	vpush v0, $0x3;
	s14 =	spop (v2sf)  }
0x123: {  	v55 =	vld [tilespmem:$0x20];
	(drf) =	srem.u32 s28, s3;
	s15 =	spop (v2sf)  }
0x124: {  	v54 =	vld [tilespmem:$0x30];
	[dreg:$0x10] =	wrdreg s18;
	(v2sf) =	vpush v0, $0x4;
	s17 =	spop (drf)  }
0x125: {  	v40 =	vld [tilespmem:$0x40];
	(v2sf) =	vpush v0, $0x5;
	(drf) =	srem.u32 s29, s30;
	s18 =	spop (drf)  }
0x126: {  	v50 =	vld [tilespmem:$0x50];
	(xrf0) =	vadd.scan.msk.s32 $0xffff, v9;
	(v2sf) =	vpush v0, $0x6;
	(drf) =	srem.u32 s14, s31;
	s19 =	spop (drf)  }
0x127: {  	v43 =	vld [tilespmem:$0x60];
	(xrf0) =	vadd.scan.msk.s32 $0xffff, v31;
	(v2sf) =	vpush v0, $0x7;
	[dreg:$0x1c] =	wrdreg s18;
	s18 =	spop (v2sf)  }
0x128: {  	v39 =	vld [tilespmem:$0x70];
	(xrf0) =	vadd.scan.msk.s32 $0xffff, v55;
	(v2sf) =	vpush v0, $0x8;
	(drf) =	srem.u32 s15, s22;
	s21 =	spop (drf)  }
0x129: {  	v53 =	vld [tilespmem:$0x80];
	(xrf0) =	vadd.scan.msk.s32 $0xffff, v54;
	(v2sf) =	vpush v0, $0x9;
	[dreg:$0x1e] =	wrdreg s17;
	s17 =	spop (v2sf)  }
0x12a: {  	v46 =	vld [tilespmem:$0x90];
	(xrf0) =	vadd.scan.msk.s32 $0xffff, v40;
	(v2sf) =	vpush v0, $0xA;
	s22 =	spop (drf)  }
0x12b: {  	v38 =	vld [tilespmem:$0xA0];
	(xrf0) =	vadd.scan.msk.s32 $0xffff, v50;
	[dreg:$0x1d] =	wrdreg s16;
	(v2sf) =	vpush v0, $0xB;
	s16 =	spop (v2sf)  }
0x12c: {  	v51 =	vld [tilespmem:$0xB0];
	v10, _, _ =	vpop (xrf0);
	(xrf0) =	vadd.scan.msk.s32 $0xffff, v43;
	(v2sf) =	vpush v0, $0xC;
	s23 =	spop (drf)  }
0x12d: {  	v45 =	vld [tilespmem:$0xC0];
	v12, _, _ =	vpop (xrf0);
	(xrf0) =	vadd.scan.msk.s32 $0xffff, v39;
	(v2sf) =	vpush v0, $0xD;
	s15 =	spop (v2sf)  }
0x12e: {  	v44 =	vld [tilespmem:$0xD0];
	v16, _, _ =	vpop (xrf0);
	(xrf0) =	vadd.scan.msk.s32 $0xffff, v53;
	(v2sf) =	vpush v0, $0xE;
	s24 =	spop (drf)  }
0x12f: {  	v52 =	vld [tilespmem:$0xE0];
	v25, _, _ =	vpop (xrf0);
	(xrf0) =	vadd.scan.msk.s32 $0xffff, v46;
	(v2sf) =	vpush v10, $0xF;
	s14 =	spop (v2sf)  }
0x130: {  	v56 =	vld [tilespmem:$0xF0];
	v23, _, _ =	vpop (xrf0);
	(xrf0) =	vadd.scan.msk.s32 $0xffff, v38;
	(v2sf) =	vpush v12, $0xF;
	s25 =	spop (drf)  }
0x131: {  	v47 =	vld [tilespmem:$0x100];
	v8, _, _ =	vpop (xrf0);
	(xrf0) =	vadd.scan.msk.s32 $0xffff, v51;
	[dreg:$0x1b] =	wrdreg s19;
	(v2sf) =	vpush v16, $0xF;
	s19 =	spop (v2sf)  }
0x132: {  	v49 =	vld [tilespmem:$0x110];
	[tilespmem:$0x1F900] =	vst v9;
	v7, _, _ =	vpop (xrf0);
	(xrf0) =	vadd.scan.msk.s32 $0xffff, v45;
	(v2sf) =	vpush v25, $0xF;
	s26 =	spop (drf)  }
0x133: {  	v41 =	vld [tilespmem:$0x120];
	[tilespmem:$0x1F940] =	vst v31;
	v22, _, _ =	vpop (xrf0);
	(xrf0) =	vadd.scan.msk.s32 $0xffff, v44;
	(v2sf) =	vpush v23, $0xF;
	s13 =	spop (v2sf)  }
0x134: {  	v36 =	vld [tilespmem:$0x130];
	[tilespmem:$0x1F950] =	vst v55;
	v21, _, _ =	vpop (xrf0);
	(xrf0) =	vadd.scan.msk.s32 $0xffff, v52;
	[dreg:$0x1a] =	wrdreg s21;
	(v2sf) =	vpush v8, $0xF;
	s28 =	spop (v2sf)  }
0x135: {  	v37 =	vld [tilespmem:$0x140];
	[tilespmem:$0x1F960] =	vst v54;
	v20, _, _ =	vpop (xrf0);
	(xrf0) =	vadd.scan.msk.s32 $0xffff, v56;
	[dreg:$0x19] =	wrdreg s22;
	(v2sf) =	vpush v7, $0xF;
	s29 =	spop (v2sf)  }
0x136: {  	v35 =	vld [tilespmem:$0x150];
	[tilespmem:$0x1F9A0] =	vst v40;
	v13, _, _ =	vpop (xrf0);
	(xrf0) =	vadd.scan.msk.s32 $0xffff, v47;
	[dreg:$0x18] =	wrdreg s23;
	(v2sf) =	vpush v22, $0xF;
	s22 =	spop (v2sf)  }
0x137: {  	v33 =	vld [tilespmem:$0x160];
	[tilespmem:$0x1F9B0] =	vst v50;
	v0, _, _ =	vpop (xrf0);
	(xrf0) =	vadd.scan.msk.s32 $0xffff, v49;
	[dreg:$0x15] =	wrdreg s24;
	(v2sf) =	vpush v21, $0xF;
	s23 =	spop (v2sf)  }
0x138: {  	v34 =	vld [tilespmem:$0x170];
	[tilespmem:$0x1F9C0] =	vst v43;
	v17, _, _ =	vpop (xrf0);
	(xrf0) =	vadd.scan.msk.s32 $0xffff, v41;
	[dreg:$0x16] =	wrdreg s25;
	(v2sf) =	vpush v20, $0xF;
	s24 =	spop (v2sf)  }
0x139: {  	v4 =	vcvt.s32.f32 v1;
	v11 =	vld [tilespmem:$0x180];
	[tilespmem:$0x1F910] =	vst v10;
	v10, _, _ =	vpop (xrf0);
	(xrf0) =	vadd.scan.msk.s32 $0xffff, v36;
	[dreg:$0x13] =	wrdreg s26;
	(v2sf) =	vpush v13, $0xF;
	s25 =	spop (v2sf)  }
0x13a: {  	v14 =	vld [tilespmem:$0x190];
	[tilespmem:$0x1FA00] =	vst v39;
	v6, _, _ =	vpop (xrf0);
	(xrf0) =	vadd.scan.msk.s32 $0xffff, v37;
	[smem:$0x7A4] =	sst s28;
	s26 =	spop (v2sf)  }
0x13b: {  	v18 =	vld [tilespmem:$0x1A0];
	[tilespmem:$0x1FA10] =	vst v53;
	v15, _, _ =	vpop (xrf0);
	(xrf0) =	vadd.scan.msk.s32 $0xffff, v35;
	[smem:$0x7A5] =	sst s29;
	(v2sf) =	vpush v0, $0xF;
	s28 =	spop (v2sf)  }
0x13c: {  	v28 =	vld [tilespmem:$0x1B0];
	[tilespmem:$0x1FA20] =	vst v46;
	v9, _, _ =	vpop (xrf0);
	(xrf0) =	vadd.scan.msk.s32 $0xffff, v33;
	[smem:$0x7A6] =	sst s22;
	s29 =	spop (v2sf)  }
0x13d: {  	(erf) = vrcp.f32 v4;
	v26 =	vld [tilespmem:$0x1C0];
	[tilespmem:$0x1FA60] =	vst v38;
	v4, _, _ =	vpop (xrf0);
	(xrf0) =	vadd.scan.msk.s32 $0xffff, v34;
	[smem:$0x7A7] =	sst s23;
	(v2sf) =	vpush v17, $0xF;
	s22 =	spop (v2sf)  }
0x13e: {  	v27 =	vld [tilespmem:$0x1D0];
	[tilespmem:$0x1FA70] =	vst v51;
	v19, _, _ =	vpop (xrf0);
	(xrf0) =	vadd.scan.msk.s32 $0xffff, v11;
	[smem:$0x7A8] =	sst s24;
	s23 =	spop (v2sf)  }
0x13f: {  	v30 =	vld [tilespmem:$0x1E0];
	[tilespmem:$0x1FBF0] =	vst v11;
	v11, _, _ =	vpop (xrf0);
	(xrf0) =	vadd.scan.msk.s32 $0xffff, v14;
	[smem:$0x7A9] =	sst s25;
	(v2sf) =	vpush v10, $0xF;
	s20 =	sadd.s32 s20, s23;
	s24 =	spop (v2sf)  }
0x140: {  	[tilespmem:$0x1FA80] =	vst v45;
	v29, _, _ =	vpop (xrf0);
	(xrf0) =	vadd.scan.msk.s32 $0xffff, v18;
	[smem:$0x7AA] =	sst s26;
	s21 =	sadd.s32 s24, s20;
	s25 =	spop (v2sf)  }
0x141: {  	[tilespmem:$0x1FC20] =	vst v14;
	v14, _, _ =	vpop (xrf0);
	(xrf0) =	vadd.scan.msk.s32 $0xffff, v28;
	(v2sf) =	vpush v6, $0xF;
	[smem:$0x7AD] =	sst s22;
	s22 =	sadd.s32 s25, s21;
	s26 =	spop (v2sf)  }
0x142: {  	[tilespmem:$0x1FAC0] =	vst v44;
	v12 =	vsub.s32 v12, v31;
	v31 =	vld [tilespmem:$0x230];
	v48, _, _ =	vpop (xrf0);
	(xrf0) =	vadd.scan.msk.s32 $0xffff, v26;
	[smem:$0x7AB] =	sst s28;
	s23 =	sadd.s32 s26, s22;
	s28 =	spop (v2sf)  }
0x143: {  	[tilespmem:$0x1FC40] =	vst v28;
	v28 =	vld [tilespmem:$0x210];
	(xrf0) =	vadd.scan.msk.s32 $0xffff, v27;
	(v2sf) =	vpush v15, $0xF;
	s24 =	sadd.s32 s28, s23;
	s25 =	spop (v2sf)  }
0x144: {  	[tilespmem:$0x1FC90] =	vst v30;
	v42, _, _ =	vpop (xrf0);
	(xrf0) =	vadd.scan.msk.s32 $0xffff, v30;
	v30 =	vld [tilespmem:$0x240];
	s25 =	sadd.s32 s25, s24;
	s26 =	spop (v2sf)  }
0x145: {  	[tilespmem:$0x1FC30] =	vst v18;
	(v2sf) =	vpush v9, $0xF;
	s26 =	sadd.s32 s26, s25;
	s28 =	spop (v2sf)  }
0x146: {  	[tilespmem:$0x1FC70] =	vst v26;
	[smem:$0x7AC] =	sst s29;
	s28 =	sadd.s32 s28, s26;
	s29 =	spop (v2sf)  }
0x147: {  	v16 =	vsub.s32 v16, v55;
	[tilespmem:$0x1FD30] =	vst v31;
	(v2sf) =	vpush v4, $0xF;
	v12 =	vadd.s32 s20, v12;
	s20 =	sadd.s32 s29, s28;
	s29 =	spop (v2sf)  }
0x148: {  	v25 =	vsub.s32 v25, v54;
	[tilespmem:$0x1FCF0] =	vst v28;
	v16 =	vadd.s32 s21, v16;
	s21 =	sadd.s32 s29, s20;
	s29 =	spop (v2sf)  }
0x149: {  	v18 =	vld [tilespmem:$0x1F0];
	v0 =	vsub.s32 v0, v51;
	[tilespmem:$0x1FD40] =	vst v30;
	(v2sf) =	vpush v19, $0xF;
	v25 =	vadd.s32 s22, v25;
	s22 =	sadd.s32 s29, s21  }
0x14a: {  	v32 =	vld [tilespmem:$0x200];
	[tilespmem:$0x1F970] =	vst v25;
	v25 =	vsub.s32 v23, v40;
	s29 =	spop (v2sf);
	v0 =	vadd.s32 s22, v0  }
0x14b: {  	(v2sf) =	vpush v11, $0xF;
	v23 =	vadd.s32 s23, v25;
	s23 =	sadd.s32 s29, s22;
	[tilespmem:$0x1FA50] =	vst v0;
	v0 =	vsub.s32 v17, v45  }
0x14c: {  	v8 =	vsub.s32 v8, v50;
	v7 =	vsub.s32 v7, v43;
	[tilespmem:$0x1F920] =	vst v12;
	s29 =	spop (v2sf);
	v0 =	vadd.s32 s23, v0  }
0x14d: {  	(v2sf) =	vpush v29, $0xF;
	v8 =	vadd.s32 s24, v8;
	s24 =	sadd.s32 s29, s23;
	[tilespmem:$0x1FA90] =	vst v0;
	v0 =	vsub.s32 v10, v44  }
0x14e: {  	v24 =	vld [tilespmem:$0x220];
	v26, _, _ =	vpop (xrf0);
	(xrf0) =	vadd.scan.msk.s32 $0xffff, v18;
	[tilespmem:$0x1F930] =	vst v16;
	(v2sf) =	vpush v14, $0xF;
	s29 =	spop (v2sf);
	v0 =	vadd.s32 s24, v0  }
0x14f: {  	v12, _, _ =	vpop (xrf0);
	(xrf0) =	vadd.scan.msk.s32 $0xffff, v32;
	v7 =	vadd.s32 s25, v7;
	s25 =	sadd.s32 s29, s24;
	[tilespmem:$0x1FAA0] =	vst v0;
	v0 =	vsub.s32 v6, v52  }
0x150: {  	(v2sf) =	vpush v48, $0xF;
	[tilespmem:$0x1F9D0] =	vst v7;
	v7 =	vsub.s32 v22, v39;
	s29 =	spop (v2sf);
	v0 =	vadd.s32 s25, v0  }
0x151: {  	v61 =	vld [tilespmem:$0x250];
	v16, _, _ =	vpop (xrf0);
	(xrf0) =	vadd.scan.msk.s32 $0xffff, v28;
	v7 =	vadd.s32 s26, v7;
	s26 =	sadd.s32 s29, s25;
	[tilespmem:$0x1FAB0] =	vst v0;
	v0 =	vsub.s32 v15, v56  }
0x152: {  	v28 =	vld [tilespmem:$0x260];
	(v2sf) =	vpush v42, $0xF;
	[tilespmem:$0x1F9E0] =	vst v7;
	v7 =	vsub.s32 v21, v53;
	s29 =	spop (v2sf);
	v0 =	vadd.s32 s26, v0  }
0x153: {  	v60 =	vld [tilespmem:$0x270];
	v54, _, _ =	vpop (xrf0);
	(xrf0) =	vadd.scan.msk.s32 $0xffff, v24;
	v7 =	vadd.s32 s28, v7;
	s28 =	sadd.s32 s29, s26;
	[tilespmem:$0x1FAF0] =	vst v0;
	v0 =	vsub.s32 v9, v47  }
0x154: {  	v59 =	vld [tilespmem:$0x280];
	v40, _, _ =	vpop (xrf0);
	(xrf0) =	vadd.scan.msk.s32 $0xffff, v31;
	[tilespmem:$0x1F9F0] =	vst v7;
	v7 =	vsub.s32 v20, v46;
	s29 =	spop (v2sf);
	v0 =	vadd.s32 s28, v0  }
0x155: {  	v58 =	vld [tilespmem:$0x290];
	v63, _, _ =	vpop (xrf0);
	(xrf0) =	vadd.scan.msk.s32 $0xffff, v30;
	v7 =	vadd.s32 s20, v7;
	s20 =	sadd.s32 s29, s28;
	[tilespmem:$0x1FB00] =	vst v0;
	v0 =	vsub.s32 v4, v49  }
0x156: {  	v55 =	vld [tilespmem:$0x2A0];
	v25, _, _ =	vpop (xrf0);
	(xrf0) =	vadd.scan.msk.s32 $0xffff, v61;
	[tilespmem:$0x1FA30] =	vst v7;
	v7 =	vsub.s32 v13, v38;
	s29 =	spop (v2sf);
	v0 =	vadd.s32 s20, v0  }
0x157: {  	v53 =	vld [tilespmem:$0x2B0];
	v30, _, _ =	vpop (xrf0);
	(xrf0) =	vadd.scan.msk.s32 $0xffff, v28;
	v7 =	vadd.s32 s21, v7;
	s21 =	sadd.s32 s29, s20;
	[tilespmem:$0x1FB10] =	vst v0;
	v0 =	vsub.s32 v19, v41  }
0x158: {  	[tilespmem:$0x1FCD0] =	vst v18;
	v18 =	vld [tilespmem:$0x2C0];
	v39, _, _ =	vpop (xrf0);
	(xrf0) =	vadd.scan.msk.s32 $0xffff, v60;
	s29 =	spop (v2sf);
	v0 =	vadd.s32 s21, v0  }
0x159: {  	v51 =	vld [tilespmem:$0x2D0];
	v31, _, _ =	vpop (xrf0);
	(xrf0) =	vadd.scan.msk.s32 $0xffff, v59;
	s22 =	sadd.s32 s29, s21;
	[tilespmem:$0x1FB50] =	vst v0;
	v0 =	vsub.s32 v11, v36  }
0x15a: {  	v38, _, _ =	vpop (xrf0);
	(xrf0) =	vadd.scan.msk.s32 $0xffff, v58;
	v13 =	vld [tilespmem:$0x2E0];
	[tilespmem:$0x1FA40] =	vst v7;
	s29 =	spop (v2sf);
	v0 =	vadd.s32 s22, v0  }
0x15b: {  	v43, _, _ =	vpop (xrf0);
	(xrf0) =	vadd.scan.msk.s32 $0xffff, v55;
	v7 =	vld [tilespmem:$0x2F0];
	s23 =	sadd.s32 s29, s22;
	[tilespmem:$0x1FB60] =	vst v0;
	v0 =	vsub.s32 v29, v37  }
0x15c: {  	[tilespmem:$0x1F990] =	vst v8;
	v44, _, _ =	vpop (xrf0);
	(xrf0) =	vadd.scan.msk.s32 $0xffff, v53;
	s29 =	spop (v2sf);
	v0 =	vadd.s32 s23, v0  }
0x15d: {  	v8 =	vld [tilespmem:$0x320];
	v45, _, _ =	vpop (xrf0);
	(xrf0) =	vadd.scan.msk.s32 $0xffff, v18;
	s24 =	sadd.s32 s29, s23;
	[tilespmem:$0x1FB70] =	vst v0;
	v0 =	vsub.s32 v14, v35  }
0x15e: {  	[tilespmem:$0x1FAE0] =	vst v56;
	(v2sf) =	vpush v26, $0xF;
	v6 =	vld [tilespmem:$0x300];
	v46, _, _ =	vpop (xrf0);
	(xrf0) =	vadd.scan.msk.s32 $0xffff, v51;
	s29 =	spop (v2sf);
	v0 =	vadd.s32 s24, v0  }
0x15f: {  	v10 =	vld [tilespmem:$0x310];
	v50, _, _ =	vpop (xrf0);
	(xrf0) =	vadd.scan.msk.s32 $0xffff, v13;
	s25 =	sadd.s32 s29, s24;
	[tilespmem:$0x1FBB0] =	vst v0;
	v0 =	vsub.s32 v48, v33  }
0x160: {  	[tilespmem:$0x1FB20] =	vst v47;
	v56, _, _ =	vpop (xrf0);
	(xrf0) =	vadd.scan.msk.s32 $0xffff, v7;
	v47 =	vmov v7;
	v7 =	vld [tilespmem:$0x340];
	s29 =	spop (v2sf);
	v0 =	vadd.s32 s25, v0  }
0x161: {  	s26 =	sadd.s32 s29, s25;
	v4 =	vld [tilespmem:$0x330];
	[tilespmem:$0x1FBC0] =	vst v0;
	v0 =	vsub.s32 v42, v34  }
0x162: {  	v42 =	vadd.s32 s26, v0;
	v0 =	vld [tilespmem:$0x1FBF0]  }
0x163: {  	v57, _, _ =	vpop (xrf0);
	v9 =	vld [tilespmem:$0x350];
	(xrf0) =	vadd.scan.msk.s32 $0xffff, v6  }
0x164: {  	[tilespmem:$0x1FC80] =	vst v27;
	v27, _, _ =	vpop (xrf0);
	(xrf0) =	vadd.scan.msk.s32 $0xffff, v10  }
0x165: {  	[tilespmem:$0x1F980] =	vst v23;
	v23, _, _ =	vpop (xrf0);
	(xrf0) =	vadd.scan.msk.s32 $0xffff, v8  }
0x166: {  	s29 =	spop (v2sf);
	v22, _, _ =	vpop (xrf0);
	(xrf0) =	vadd.scan.msk.s32 $0xffff, v4  }
0x167: {  	[tilespmem:$0x1FBD0] =	vst v33;
	s28 =	sadd.s32 s29, s26;
	v21, _, _ =	vpop (xrf0);
	(xrf0) =	vadd.scan.msk.s32 $0xffff, v7;
	v26 =	vsub.s32 v26, v0  }
0x168: {  	[tilespmem:$0x1F8E0] =	vst v28;
	v28, _, _ =	vpop (xrf0);
	(xrf0) =	vadd.scan.msk.s32 $0xffff, v9;
	v33 =	vmov v9;
	v9 =	vadd.s32 s28, v26  }
0x169: {  	(v2sf) =	vpush v12, $0xF;
	[tilespmem:$0x1FC00] =	vst v9;
	v9 =	vld [tilespmem:$0x1FC20]  }
0x16a: {  	(v2sf) =	vpush v16, $0xF;
	_ =	sdelay $0x2  }
0x16b: {  	s29 =	spop (v2sf)  }
0x16c: {  	s20 =	sadd.s32 s29, s28;
	v12 =	vsub.s32 v12, v9  }
0x16d: {  	v9 =	vadd.s32 s20, v12  }
0x16e: {  	[tilespmem:$0x1FC10] =	vst v9;
	v9 =	vld [tilespmem:$0x1FC30];
	_ =	sdelay $0x3  }
0x16f: {  	(v2sf) =	vpush v54, $0xF  }
0x170: {  	(v2sf) =	vpush v40, $0xF;
	v12 =	vsub.s32 v16, v9;
	v9 =	vld [tilespmem:$0x1FC40]  }
0x171: {  	(v2sf) =	vpush v63, $0xF  }
0x172: {  	[tilespmem:$0x1FCE0] =	vst v32;
	v32 =	vld [tilespmem:$0x360]  }
0x173: {  	[tilespmem:$0x1FB80] =	vst v36;
	v20 =	vld [tilespmem:$0x390];
	s29 =	spop (v2sf)  }
0x174: {  	[tilespmem:$0x1FBA0] =	vst v35;
	s21 =	sadd.s32 s29, s20;
	s29 =	spop (v2sf);
	v36 =	vmov v8;
	v8 =	vld [tilespmem:$0x370]  }
0x175: {  	s22 =	sadd.s32 s29, s21;
	[tilespmem:$0x1FDD0] =	vst v4;
	v35 =	vmov v4;
	v4 =	vld [tilespmem:$0x380];
	v16 =	vsub.s32 v54, v9  }
0x176: {  	v0 =	vld [tilespmem:$0x3A0];
	v9 =	vadd.s32 s22, v16  }
0x177: {  	[tilespmem:$0x1FC50] =	vst v9;
	v9 =	vld [tilespmem:$0x1FC70]  }
0x178: {  	(v2sf) =	vpush v25, $0xF;
	v19, _, _ =	vpop (xrf0);
	(xrf0) =	vadd.scan.msk.s32 $0xffff, v32  }
0x179: {  	[tilespmem:$0x1FAD0] =	vst v52;
	v52 =	vmov v18;
	v18, _, _ =	vpop (xrf0);
	(xrf0) =	vadd.scan.msk.s32 $0xffff, v8  }
0x17a: {  	v17, _, _ =	vpop (xrf0);
	(xrf0) =	vadd.scan.msk.s32 $0xffff, v4  }
0x17b: {  	v15, _, _ =	vpop (xrf0);
	(xrf0) =	vadd.scan.msk.s32 $0xffff, v20  }
0x17c: {  	v14, _, _ =	vpop (xrf0);
	(xrf0) =	vadd.scan.msk.s32 $0xffff, v0;
	[tilespmem:$0x1FE60] =	vst v0;
	v16 =	vsub.s32 v40, v9;
	v40 =	vmov v0;
	v0 =	vld [tilespmem:$0x1FC90];
	_ =	sdelay $0x1  }
0x17d: {  	s29 =	spop (v2sf)  }
0x17e: {  	(v2sf) =	vpush v30, $0xF;
	s23 =	sadd.s32 s29, s22;
	s29 =	spop (v2sf)  }
0x17f: {  	s24 =	sadd.s32 s29, s23;
	s29 =	spop (v2sf)  }
0x180: {  	s25 =	sadd.s32 s29, s24;
	v25 =	vsub.s32 v25, v0  }
0x181: {  	v0 =	vadd.s32 s25, v25  }
0x182: {  	[tilespmem:$0x1FCA0] =	vst v0;
	v0 =	vld [tilespmem:$0x1FCD0];
	_ =	sdelay $0x2  }
0x183: {  	(v2sf) =	vpush v39, $0xF  }
0x184: {  	(v2sf) =	vpush v31, $0xF;
	s29 =	spop (v2sf)  }
0x185: {  	s26 =	sadd.s32 s29, s25;
	v25 =	vsub.s32 v30, v0  }
0x186: {  	(v2sf) =	vpush v38, $0xF;
	v0 =	vadd.s32 s26, v25  }
0x187: {  	(v2sf) =	vpush v43, $0xF;
	[tilespmem:$0x1FCB0] =	vst v0;
	v0 =	vld [tilespmem:$0x1FCE0]  }
0x188: {  	[tilespmem:$0x1FB30] =	vst v49;
	(v2sf) =	vpush v44, $0xF  }
0x189: {  	[tilespmem:$0x1FB40] =	vst v41;
	(v2sf) =	vpush v45, $0xF  }
0x18a: {  	[tilespmem:$0x1FB90] =	vst v37;
	(v2sf) =	vpush v46, $0xF  }
0x18b: {  	[tilespmem:$0x1FBE0] =	vst v34;
	(v2sf) =	vpush v50, $0xF;
	s29 =	spop (v2sf)  }
0x18c: {  	[tilespmem:$0x1FD20] =	vst v24;
	(v2sf) =	vpush v56, $0xF;
	s28 =	sadd.s32 s29, s26;
	v25 =	vsub.s32 v39, v0  }
0x18d: {  	[tilespmem:$0x1FD60] =	vst v61;
	(v2sf) =	vpush v57, $0xF;
	v0 =	vadd.s32 s28, v25  }
0x18e: {  	(v2sf) =	vpush v27, $0xF;
	[tilespmem:$0x1FCC0] =	vst v0;
	v0 =	vld [tilespmem:$0x1FCF0]  }
0x18f: {  	[tilespmem:$0x1FD70] =	vst v51;
	(v2sf) =	vpush v23, $0xF  }
0x190: {  	[tilespmem:$0x1FE00] =	vst v32;
	(v2sf) =	vpush v22, $0xF  }
0x191: {  	[tilespmem:$0x1FE40] =	vst v20;
	(v2sf) =	vpush v21, $0xF  }
0x192: {  	[tilespmem:$0x1FD90] =	vst v13;
	(v2sf) =	vpush v28, $0xF;
	s29 =	spop (v2sf)  }
0x193: {  	[tilespmem:$0x1FDF0] =	vst v7;
	v29 =	vld [tilespmem:$0x3B0];
	(v2sf) =	vpush v19, $0xF;
	s20 =	sadd.s32 s29, s28;
	s29 =	spop (v2sf);
	v9 =	vadd.s32 s23, v16;
	v31 =	vsub.s32 v31, v0  }
0x194: {  	v48 =	vadd.s32 s21, v12;
	s21 =	sadd.s32 s29, s20;
	[tilespmem:$0x1FC60] =	vst v9;
	v9 =	vld [tilespmem:$0x1FC80];
	v0 =	vadd.s32 s20, v31;
	v31 =	vsub.s32 v38, v24  }
0x195: {  	(v2sf) =	vpush v18, $0xF;
	[tilespmem:$0x1FD00] =	vst v0;
	v0 =	vadd.s32 s21, v31  }
0x196: {  	(v2sf) =	vpush v17, $0xF;
	[tilespmem:$0x1FD10] =	vst v0;
	v0 =	vld [tilespmem:$0x1FD30]  }
0x197: {  	v5 =	vpop (erf);
	[tilespmem:$0x1FE20] =	vst v8;
	v26 =	vmov v8;
	v8 =	vld [tilespmem:$0x3C0];
	s29 =	spop (v2sf);
	(v2sf) =	vpush v15, $0xF  }
0x198: {  	v49 =	vmov v13;
	v13, _, _ =	vpop (xrf0);
	[tilespmem:$0x1FE30] =	vst v4;
	v54 =	vmov v4;
	v4 =	vld [tilespmem:$0x3D0];
	s22 =	sadd.s32 s29, s21;
	s29 =	spop (v2sf);
	(v2sf) =	vpush v14, $0xF  }
0x199: {  	v34 =	vmov v7;
	v7 =	vld [tilespmem:$0x3E0];
	(xrf0) =	vadd.scan.msk.s32 $0xffff, v29;
	v12, _, _ =	vpop (xrf0);
	s23 =	sadd.s32 s29, s22;
	s29 =	spop (v2sf);
	(v2sf) =	vpush v13, $0xF;
	v16 =	vsub.s32 v63, v9  }
0x19a: {  	[tilespmem:$0x1FDC0] =	vst v10;
	v11, _, _ =	vpop (xrf0);
	v63 =	vadd.s32 s24, v16;
	s24 =	sadd.s32 s29, s23;
	s29 =	spop (v2sf);
	(v2sf) =	vpush v12, $0xF  }
0x19b: {  	[tilespmem:$0x1FDA0] =	vst v6;
	v37 =	vmov v10;
	v10, _, _ =	vpop (xrf0);
	s25 =	sadd.s32 s29, s24;
	s29 =	spop (v2sf);
	(v2sf) =	vpush v11, $0xF;
	v31 =	vsub.s32 v43, v0;
	v0 =	vld [tilespmem:$0x1FD40]  }
0x19c: {  	[tilespmem:$0x1FE70] =	vst v29;
	(xrf0) =	vadd.scan.msk.s32 $0xffff, v8;
	v9, _, _ =	vpop (xrf0);
	s26 =	sadd.s32 s29, s25;
	s29 =	spop (v2sf);
	(v2sf) =	vpush v10, $0xF  }
0x19d: {  	[tilespmem:$0x1FE80] =	vst v8;
	(xrf0) =	vadd.scan.msk.s32 $0xffff, v4;
	v30 =	vmov v8;
	v8, _, _ =	vpop (xrf0);
	s28 =	sadd.s32 s29, s26;
	s29 =	spop (v2sf);
	(v2sf) =	vpush v9, $0xF  }
0x19e: {  	[tilespmem:$0x1FEA0] =	vst v7;
	(xrf0) =	vadd.scan.msk.s32 $0xffff, v7;
	v16 =	vmov v7;
	v7, _, _ =	vpop (xrf0);
	s20 =	sadd.s32 s29, s28;
	s29 =	spop (v2sf);
	(v2sf) =	vpush v8, $0xF  }
0x19f: {  	v41 =	vmov v6;
	[tilespmem:$0x1FE90] =	vst v4;
	v6, _, _ =	vpop (xrf0);
	s21 =	sadd.s32 s29, s20;
	s29 =	spop (v2sf);
	(v2sf) =	vpush v7, $0xF  }
0x1a0: {  	v31 =	vadd.s32 s22, v31;
	s22 =	sadd.s32 s29, s21;
	s29 =	spop (v2sf);
	v44 =	vsub.s32 v44, v0  }
0x1a1: {  	v0 =	vadd.s32 s23, v44;
	v44 =	vld [tilespmem:$0x1F8E0];
	_ =	sdelay $0x3  }
0x1a2: {  	v61 =	vsub.s32 v45, v61;
	v39 =	vmov v4;
	(v2sf) =	vpush v6, $0xF;
	v4, _, _ =	vpop (xrf0);
	s23 =	sadd.s32 s29, s22;
	s29 =	spop (v2sf)  }
0x1a3: {  	v45 =	vadd.s32 s24, v61;
	(v2sf) =	vpush v4, $0xF;
	s24 =	sadd.s32 s29, s23;
	s29 =	spop (v2sf);
	v43 =	vsub.s32 v46, v44;
	v46, _, _ =	vpop (xrf0)  }
0x1a4: {  	v50 =	vsub.s32 v50, v60;
	v38 =	vadd.s32 s25, v43;
	s25 =	sadd.s32 s29, s24;
	(v2sf) =	vpush v46, $0xF;
	s29 =	spop (v2sf)  }
0x1a5: {  	v56 =	vsub.s32 v56, v59;
	v61 =	vmov v60;
	v60 =	vadd.s32 s26, v50;
	s26 =	sadd.s32 s29, s25;
	s29 =	spop (v2sf)  }
0x1a6: {  	v57 =	vsub.s32 v57, v58;
	v43 =	vadd.s32 s28, v56;
	s28 =	sadd.s32 s29, s26;
	s29 =	spop (v2sf)  }
0x1a7: {  	v27 =	vsub.s32 v27, v55;
	v21 =	vsub.s32 v21, v51;
	v57 =	vadd.s32 s20, v57;
	s20 =	sadd.s32 s29, s28;
	s29 =	spop (v2sf)  }
0x1a8: {  	v23 =	vsub.s32 v23, v53;
	v50 =	vadd.s32 s21, v27;
	v21 =	vadd.s32 s24, v21;
	s21 =	sadd.s32 s29, s20;
	s29 =	spop (v2sf)  }
0x1a9: {  	v22 =	vsub.s32 v22, v52;
	[tilespmem:$0x1FD80] =	vst v21;
	v21 =	vsub.s32 v28, v49;
	v56 =	vadd.s32 s22, v23;
	s22 =	sadd.s32 s29, s21;
	s24 =	spop (v2sf)  }
0x1aa: {  	v18 =	vsub.s32 v18, v41;
	v51 =	vadd.s32 s23, v22;
	v28 =	vadd.s32 s25, v21;
	s23 =	sadd.s32 s24, s22;
	s25 =	spop (v2sf)  }
0x1ab: {  	v17 =	vsub.s32 v17, v37;
	v18 =	vadd.s32 s28, v18;
	s24 =	sadd.s32 s25, s23;
	s28 =	spop (v2sf)  }
0x1ac: {  	v19 =	vsub.s32 v19, v47;
	v37 =	vadd.s32 s20, v17;
	s20 =	sadd.s32 s28, s24;
	s29 =	spop (v2sf)  }
0x1ad: {  	v14 =	vsub.s32 v14, v35;
	v41 =	vadd.s32 s26, v19;
	s26 =	sadd.s32 s29, s20;
	s28 =	spop (v2sf)  }
0x1ae: {  	v13 =	vsub.s32 v13, v34;
	v12 =	vsub.s32 v12, v33;
	v14 =	vadd.s32 s22, v14;
	s22 =	sadd.s32 s28, s26;
	s29 =	spop (v2sf)  }
0x1af: {  	v11 =	vsub.s32 v11, v32;
	v10 =	vsub.s32 v10, v26;
	[tilespmem:$0x1FD50] =	vst v0;
	v0, _, _ =	vpop (xrf0);
	v32 =	vadd.s32 s24, v12;
	s24 =	sadd.s32 s29, s22;
	s25 =	spop (v2sf)  }
0x1b0: {  	v9 =	vsub.s32 v9, v54;
	(v2sf) =	vpush v0, $0xF;
	v26 =	vadd.s32 s26, v10;
	s26 =	sadd.s32 s25, s24;
	s28 =	spop (v2sf)  }
0x1b1: {  	v8 =	vsub.s32 v8, v20;
	v7 =	vsub.s32 v7, v40;
	v49 =	vld [tilespmem:$0x3F0];
	v34 =	vadd.s32 s23, v13;
	s29 =	sadd.s32 s28, s26;
	s23 =	spop (v2sf)  }
0x1b2: {  	v4 =	vsub.s32 v4, v30;
	v54 =	vadd.s32 s22, v9;
	v9 =	vld [tilespmem:$0x1F940];
	v8 =	vadd.s32 s24, v8;
	s24 =	sadd.s32 s23, s29;
	s25 =	spop (v2sf)  }
0x1b3: {  	v40 =	vadd.s32 s26, v7;
	v7 =	vld [tilespmem:$0x1F900];
	v30 =	vadd.s32 s24, v4;
	s26 =	sadd.s32 s25, s24;
	v4 =	vsub.s32 v46, v39;
	s28 =	spop (v2sf)  }
0x1b4: {  	v0 =	vsub.s32 v0, v16;
	v11 =	vadd.s32 s20, v11;
	v46 =	vadd.s32 s26, v4;
	s20 =	sadd.s32 s28, s26;
	v4 =	vld [tilespmem:$0x1F8F0]  }
0x1b5: {  	v39 =	vadd.s32 s20, v0;
	v0 =	vld [tilespmem:$0x1F910];
	_ =	sdelay $0x2  }
0x1b6: {  	[tilespmem:$0x1FE10] =	vst v11;
	v11 =	vld [tilespmem:$0x1F930]  }
0x1b7: {  	(xrf0) =	vadd.scan.msk.s32 $0xffff, v49;
	vm0 =	veq.s32 v9, $0x1;
	v9 =	vld [tilespmem:$0x1F950];
	v4 =	vbroadcast v4, $0xF  }
0x1b8: {  	v0 =	vsub.s32 v0, v7  }
0x1b9: {  	v4 =	vadd.s32 v4, v0;
	v0 =	vlaneseq.u32  }
0x1ba: {  	v6 =	vsub.s32 v6, v29;
	[tilespmem:$0x1FDE0] =	vst v14;
	v12 =	vld [tilespmem:$0x1F9A0];
	s23 =	sor.u32 $0x20, s12;
	v0 =	vor.u32 $0x4000, v0  }
0x1bb: {  	v14 =	vld [tilespmem:$0x1F990];
	[tilespmem:$0x1FE50] =	vst v8;
	v8 =	vor.u32 s23, v0  }
0x1bc: {  	v10 =	vld [tilespmem:$0x1F920];
	vm1 =	veq.s32 v9, $0x1;
	v8 =	vsub.s32 v8, v11  }
0x1bd: {  	v29 =	vadd.s32 s29, v6;
	v6, _, _ =	vpop (xrf0);
	s29 =	spop (v2sf);
	v25 =	vsel vm1, v11, v8;
	v8 =	vld [tilespmem:$0x1F960]  }
0x1be: {  	v6 =	vsub.s32 v6, v49;
	s20 =	sadd.s32 s29, s20;
	v11 =	vld [tilespmem:$0x1F970]  }
0x1bf: {  	s22 =	sor.u32 $0x10, s12;
	v6 =	vadd.s32 s20, v6;
	vm1 =	veq.s32 v12, $0x1;
	v12 =	vld [tilespmem:$0x1F9B0]  }
0x1c0: {  	vm15 =	veq.s32 v7, $0x1;
	[tilespmem:$0x1FEB0] =	vst v6;
	v6 =	vor.u32 s12, v0;
	v7 =	vor.u32 s22, v0  }
0x1c1: {  	s24 =	sor.u32 $0x30, s12;
	v6 =	vsub.s32 v6, v4;
	v7 =	vsub.s32 v7, v10  }
0x1c2: {  	v16 =	vld [tilespmem:$0x1F9E0];
	s26 =	sor.u32 $0x50, s12;
	v7 =	vsel vm0, v10, v7;
	vm0 =	veq.s32 v8, $0x1;
	v8 =	vor.u32 s24, v0  }
0x1c3: {  	v13 =	vld [tilespmem:$0x1F980];
	v6 =	vsel vm15, v4, v6;
	v10 =	vor.u32 s26, v0;
	v8 =	vsub.s32 v8, v11  }
0x1c4: {  	v10 =	vsub.s32 v10, v14;
	vm15 =	veq.s32 v12, $0x1;
	v8 =	vsel vm0, v11, v8;
	v11 =	vld [tilespmem:$0x1F9C0]  }
0x1c5: {  	v15 =	vsub.s32 v15, v36;
	v10 =	vsel vm15, v14, v10;
	v14 =	vld [tilespmem:$0x1F9D0]  }
0x1c6: {  	v35 =	vadd.s32 s21, v15;
	v15 =	vld [tilespmem:$0x1FA00]  }
0x1c7: {  	s25 =	sor.u32 $0x40, s12  }
0x1c8: {  	s28 =	sor.u32 $0x60, s12;
	v9 =	vor.u32 s25, v0  }
0x1c9: {  	s29 =	sor.u32 $0x70, s12;
	v9 =	vsub.s32 v9, v13;
	vm0 =	veq.s32 v11, $0x1;
	v11 =	vor.u32 s28, v0  }
0x1ca: {  	[tilespmem:$0x1FDB0] =	vst v18;
	v18 =	vld [tilespmem:$0x1FA60];
	v9 =	vsel vm1, v13, v9;
	v12 =	vor.u32 s29, v0;
	v11 =	vsub.s32 v11, v14  }
0x1cb: {  	vm1 =	veq.s32 v15, $0x1;
	v12 =	vsub.s32 v12, v16;
	v11 =	vsel vm0, v14, v11;
	v14 =	vld [tilespmem:$0x1FA20]  }
0x1cc: {  	v12 =	vsel vm1, v16, v12;
	v16 =	vld [tilespmem:$0x1FA30];
	_ =	sdelay $0x1  }
0x1cd: {  	v21 =	vld [tilespmem:$0x1FA50]  }
0x1ce: {  	v17 =	vld [tilespmem:$0x1F9F0];
	[smem:$0x7C6] =	sst s22;
	s22 =	sor.u32 $0x90, s12  }
0x1cf: {  	v15 =	vld [tilespmem:$0x1FA10];
	vm0 =	veq.s32 v14, $0x1;
	v14 =	vor.u32 s22, v0  }
0x1d0: {  	vm1 =	veq.s32 v18, $0x1;
	v18 =	vld [tilespmem:$0x1FA70];
	v14 =	vsub.s32 v14, v16  }
0x1d1: {  	v14 =	vsel vm0, v16, v14;
	v16 =	vld [tilespmem:$0x1FA80]  }
0x1d2: {  	s21 =	rddreg [dreg:$0x14];
	v4 =	vld [tilespmem:$0x1FAD0]  }
0x1d3: {  	v19 =	vld [tilespmem:$0x1FA40];
	v13 =	vor.u32 s21, v0  }
0x1d4: {  	v20 =	vld [tilespmem:$0x1FAA0];
	[smem:$0x7C8] =	sst s24;
	v13 =	vsub.s32 v13, v17;
	s24 =	sor.u32 $0xB0, s12;
	vm15 =	veq.s32 v15, $0x1  }
0x1d5: {  	v22 =	vld [tilespmem:$0x1FAC0];
	v13 =	vsel vm15, v17, v13;
	v17 =	vor.u32 s24, v0  }
0x1d6: {  	[smem:$0x7C7] =	sst s23;
	s23 =	sor.u32 $0xA0, s12;
	v17 =	vsub.s32 v17, v21;
	vm15 =	veq.s32 v18, $0x1;
	vm0 =	veq.s32 v16, $0x1;
	v16 =	vld [tilespmem:$0x1FA90]  }
0x1d7: {  	v15 =	vor.u32 s23, v0;
	v17 =	vsel vm15, v21, v17;
	vm15 =	veq.s32 v4, $0x1;
	v4 =	vld [tilespmem:$0x1FAE0]  }
0x1d8: {  	[smem:$0x7CA] =	sst s26;
	s26 =	sor.u32 $0xD0, s12;
	v15 =	vsub.s32 v15, v19  }
0x1d9: {  	[smem:$0x7C9] =	sst s25;
	s25 =	sor.u32 $0xC0, s12;
	v15 =	vsel vm1, v19, v15;
	v19 =	vor.u32 s26, v0  }
0x1da: {  	v23 =	vld [tilespmem:$0x1FAB0];
	vm1 =	veq.s32 v22, $0x1;
	v19 =	vsub.s32 v19, v20;
	v18 =	vor.u32 s25, v0  }
0x1db: {  	v19 =	vsel vm1, v20, v19;
	v20 =	vld [tilespmem:$0x1FB20];
	v18 =	vsub.s32 v18, v16  }
0x1dc: {  	v18 =	vsel vm0, v16, v18;
	vm0 =	veq.s32 v4, $0x1;
	v4 =	vld [tilespmem:$0x1FB00]  }
0x1dd: {  	[smem:$0x7CB] =	sst s28;
	s28 =	sor.u32 $0xE0, s12  }
0x1de: {  	v21 =	vor.u32 s28, v0  }
0x1df: {  	v24 =	vld [tilespmem:$0x1FB10];
	s21 =	rddreg [dreg:$0xe];
	v21 =	vsub.s32 v21, v23  }
0x1e0: {  	v21 =	vsel vm15, v23, v21;
	v23 =	vor.u32 s21, v0;
	vm1 =	veq.s32 v20, $0x1;
	v20 =	vld [tilespmem:$0x1FB30]  }
0x1e1: {  	v16 =	vld [tilespmem:$0x1FAF0];
	v23 =	vsub.s32 v23, v4  }
0x1e2: {  	v23 =	vsel vm1, v4, v23;
	v4 =	vld [tilespmem:$0x1FB40];
	_ =	sdelay $0x1  }
0x1e3: {  	[smem:$0x7CC] =	sst s29;
	s29 =	sor.u32 $0xF0, s12  }
0x1e4: {  	[smem:$0x7CD] =	sst s22;
	v22 =	vor.u32 s29, v0;
	s22 =	sor.u32 $0x110, s12  }
0x1e5: {  	v27 =	vor.u32 s22, v0;
	vm15 =	veq.s32 v20, $0x1;
	v22 =	vsub.s32 v22, v16  }
0x1e6: {  	v27 =	vsub.s32 v27, v24;
	v22 =	vsel vm0, v16, v22;
	vm0 =	veq.s32 v4, $0x1;
	v4 =	vld [tilespmem:$0x1FB60]  }
0x1e7: {  	v20 =	vsel vm15, v24, v27;
	v24 =	vld [tilespmem:$0x1FB70]  }
0x1e8: {  	[smem:$0x7CF] =	sst s24;
	s24 =	sshra.s32 s17, $0x1F  }
0x1e9: {  	[smem:$0x7D1] =	sst s26;
	s17 =	sxor.u32 s24, s17;
	s26 =	sor.u32 $0x130, s12  }
0x1ea: {  	[smem:$0x7B1] =	sst s24;
	s17 =	ssub.s32 s17, s24;
	s24 =	sor.u32 $0x140, s12;
	v27 =	vor.u32 s26, v0  }
0x1eb: {  	[tilespmem:$0x810] =	vst v7;
	v16 =	vld [tilespmem:$0x1FB50];
	v7 =	vsub.s32 v27, v4;
	v27 =	vor.u32 s24, v0  }
0x1ec: {  	[tilespmem:$0x830] =	vst v8;
	v8 =	vsub.s32 v27, v24;
	v27 =	vld [tilespmem:$0x1FB80];
	_ =	sdelay $0x1  }
0x1ed: {  	[smem:$0x7D0] =	sst s25;
	s25 =	sor.u32 $0x120, s12  }
0x1ee: {  	s20 =	sld [smem:$0x7A3];
	[tilespmem:$0x800] =	vst v6;
	v6 =	vor.u32 s25, v0  }
0x1ef: {  	[tilespmem:$0x870] =	vst v12;
	v12 =	vld [tilespmem:$0x1FBD0];
	v6 =	vsub.s32 v6, v16  }
0x1f0: {  	v6 =	vsel vm0, v16, v6;
	v16 =	vld [tilespmem:$0x1FBB0];
	vm1 =	veq.s32 v27, $0x1  }
0x1f1: {  	(drf) =	srem.u32 s18, s20;
	s18 =	sor.u32 $0x1D0, s12;
	v7 =	vsel vm1, v4, v7;
	v4 =	vld [tilespmem:$0x1FBA0]  }
0x1f2: {  	[smem:$0x7DF] =	sst s18  }
0x1f3: {  	[smem:$0x7CE] =	sst s23  }
0x1f4: {  	[smem:$0x7D6] =	sst s26;
	s26 =	sor.u32 $0x150, s12  }
0x1f5: {  	[tilespmem:$0x840] =	vst v9;
	[smem:$0x7D3] =	sst s29;
	v9 =	vor.u32 s26, v0;
	v27 =	vld [tilespmem:$0x1FBC0]  }
0x1f6: {  	s23 =	sshra.s32 s10, $0x1F;
	[smem:$0x7D2] =	sst s28;
	s28 =	sshra.s32 s5, $0x1F;
	v9 =	vsub.s32 v9, v16;
	vm1 =	veq.s32 v12, $0x1;
	v12 =	vld [tilespmem:$0x1FBF0];
	vm0 =	veq.s32 v4, $0x1  }
0x1f7: {  	[smem:$0x7B0] =	sst s23;
	s5 =	sxor.u32 s28, s5;
	v9 =	vsel vm0, v16, v9;
	v16 =	vld [tilespmem:$0x1FC00]  }
0x1f8: {  	[smem:$0x7AE] =	sst s28;
	s5 =	ssub.s32 s5, s28;
	s28 =	sor.u32 $0x160, s12  }
0x1f9: {  	[smem:$0x7D9] =	sst s28  }
0x1fa: {  	s10 =	sxor.u32 s23, s10;
	[tilespmem:$0x850] =	vst v10;
	s29 =	sshra.s32 s16, $0x1F;
	v10 =	vor.u32 s28, v0;
	s28 =	rddreg [dreg:$0xd]  }
0x1fb: {  	s10 =	ssub.s32 s10, s23;
	[smem:$0x7AF] =	sst s29;
	[tilespmem:$0x8A0] =	vst v15;
	v15 =	vld [tilespmem:$0x1FC20];
	v10 =	vsub.s32 v10, v27;
	vm0 =	veq.s32 v12, $0x1;
	v12 =	vor.u32 s28, v0  }
0x1fc: {  	[smem:$0x7D7] =	sst s24;
	(drf) =	sdiv.u32 s17, s10;
	s10 =	sshra.s32 s19, $0x1F;
	v10 =	vsel vm1, v27, v10;
	v27 =	vld [tilespmem:$0x1FC10];
	v12 =	vsub.s32 v12, v16  }
0x1fd: {  	[smem:$0x7BA] =	sst s10;
	v12 =	vsel vm0, v16, v12;
	v16 =	vld [tilespmem:$0x1FC70]  }
0x1fe: {  	s16 =	sxor.u32 s29, s16;
	[smem:$0x7D5] =	sst s25;
	[tilespmem:$0x8E0] =	vst v21;
	v21 =	vld [tilespmem:$0x1FC60]  }
0x1ff: {  	[tilespmem:$0x820] =	vst v25;
	v25 =	vld [tilespmem:$0x1FB90];
	s25 =	ssub.s32 s16, s29;
	s29 =	sshra.s32 s4, $0x1F;
	s24 =	sor.u32 $0x190, s12  }
0x200: {  	[tilespmem:$0x880] =	vst v13;
	s17 =	sor.u32 $0x1C0, s12;
	[smem:$0x7B3] =	sst s29;
	s4 =	sxor.u32 s29, s4;
	v13 =	vor.u32 s24, v0;
	v4 =	vld [tilespmem:$0x1FBE0]  }
0x201: {  	[tilespmem:$0x8B0] =	vst v17;
	v17 =	vor.u32 s17, v0;
	s21 =	sor.u32 $0x170, s12;
	(drf) =	sdiv.u32 s25, s5;
	s5 =	sshra.s32 s15, $0x1F;
	vm1 =	veq.s32 v15, $0x1;
	v15 =	vld [tilespmem:$0x1FC30];
	v13 =	vsub.s32 v13, v27  }
0x202: {  	[tilespmem:$0x860] =	vst v11;
	s4 =	ssub.s32 s4, s29;
	v11 =	vor.u32 s21, v0;
	s25 =	sshra.s32 s14, $0x1F;
	[smem:$0x7B4] =	sst s5;
	v13 =	vsel vm1, v27, v13;
	vm1 =	veq.s32 v16, $0x1;
	v16 =	vld [tilespmem:$0x1FC80]  }
0x203: {  	s29 =	sor.u32 $0x1A0, s12;
	s15 =	sxor.u32 s5, s15;
	v11 =	vsub.s32 v11, v42;
	[smem:$0x7B8] =	sst s25;
	v17 =	vsub.s32 v17, v21  }
0x204: {  	s5 =	ssub.s32 s15, s5;
	[smem:$0x7D4] =	sst s22;
	s22 =	sshra.s32 s6, $0x1F;
	vm15 =	veq.s32 v25, $0x1;
	[tilespmem:$0x890] =	vst v14;
	v14 =	vor.u32 s29, v0;
	v17 =	vsel vm1, v21, v17;
	v21 =	vld [tilespmem:$0x1FCB0]  }
0x205: {  	s15 =	sxor.u32 s10, s19;
	s19 =	sshra.s32 s11, $0x1F;
	[smem:$0x7B7] =	sst s22;
	v14 =	vsub.s32 v14, v48;
	[tilespmem:$0x910] =	vst v20;
	v20 =	vld [tilespmem:$0x1FCC0];
	v8 =	vsel vm15, v24, v8;
	vm15 =	veq.s32 v4, $0x1  }
0x206: {  	(drf) =	sdiv.u32 s5, s4;
	[smem:$0x7D8] =	sst s26;
	s26 =	sxor.u32 s25, s14;
	[tilespmem:$0x8C0] =	vst v18;
	v18 =	vor.u32 s18, v0;
	v11 =	vsel vm15, v42, v11;
	vm15 =	veq.s32 v15, $0x1;
	v15 =	vld [tilespmem:$0x1FC40]  }
0x207: {  	[tilespmem:$0x8D0] =	vst v19;
	v19 =	vld [tilespmem:$0x1FC50];
	s23 =	sxor.u32 s22, s6;
	s5 =	ssub.s32 s26, s25;
	s25 =	sor.u32 $0x1F0, s12;
	v18 =	vsub.s32 v18, v63;
	v14 =	vsel vm15, v48, v14;
	vm15 =	veq.s32 v16, $0x1  }
0x208: {  	s4 =	ssub.s32 s23, s22;
	s22 =	sxor.u32 s19, s11;
	s11 =	rddreg [dreg:$0xc];
	v16 =	vsel vm15, v63, v18;
	v18 =	vor.u32 s25, v0  }
0x209: {  	[smem:$0x7DE] =	sst s17;
	s16 =	sor.u32 $0x1B0, s12;
	[tilespmem:$0x920] =	vst v6;
	v6 =	vsub.s32 v18, v21;
	v18 =	vor.u32 s11, v0  }
0x20a: {  	[smem:$0x7DD] =	sst s16;
	[tilespmem:$0x930] =	vst v7;
	v7 =	vsub.s32 v18, v20;
	v18 =	vld [tilespmem:$0x1FCD0]  }
0x20b: {  	[smem:$0x7DA] =	sst s21;
	[tilespmem:$0x970] =	vst v11;
	v11 =	vld [tilespmem:$0x1FD20];
	vm0 =	veq.s32 v15, $0x1;
	v15 =	vor.u32 s16, v0  }
0x20c: {  	[smem:$0x7DC] =	sst s29;
	s21 =	sshra.s32 s13, $0x1F;
	v4 =	vld [tilespmem:$0x1FC90];
	v15 =	vsub.s32 v15, v19  }
0x20d: {  	[smem:$0x7BD] =	sst s21;
	v15 =	vsel vm0, v19, v15;
	v19 =	vld [tilespmem:$0x1FCA0]  }
0x20e: {  	s17 =	sor.u32 $0x220, s12;
	[smem:$0x7BC] =	sst s19;
	s6 =	sshra.s32 s8, $0x1F  }
0x20f: {  	[smem:$0x7B9] =	sst s6;
	s8 =	sxor.u32 s6, s8;
	s23 =	sxor.u32 s21, s13;
	vm1 =	veq.s32 v18, $0x1;
	v18 =	vld [tilespmem:$0x1FCE0]  }
0x210: {  	s13 =	sshra.s32 s7, $0x1F;
	[smem:$0x7DB] =	sst s24;
	s24 =	sor.u32 $0x1E0, s12;
	v6 =	vsel vm1, v21, v6;
	vm1 =	veq.s32 v11, $0x1;
	v11 =	vld [tilespmem:$0x1FD30]  }
0x211: {  	s14 =	ssub.s32 s8, s6;
	s26 =	sshra.s32 s2, $0x1F;
	(drf) =	sdiv.u32 s5, s4;
	vm0 =	veq.s32 v4, $0x1;
	v4 =	vor.u32 s24, v0  }
0x212: {  	s5 =	ssub.s32 s15, s10;
	s4 =	ssub.s32 s22, s19;
	[smem:$0x7E1] =	sst s25;
	[tilespmem:$0x940] =	vst v8;
	v8 =	vld [tilespmem:$0x1FCF0];
	v4 =	vsub.s32 v4, v19  }
0x213: {  	[smem:$0x7BF] =	sst s26;
	s2 =	sxor.u32 s26, s2;
	s15 =	smov.u32 s13;
	v4 =	vsel vm0, v19, v4;
	v19 =	vld [tilespmem:$0x1FD10]  }
0x214: {  	s22 =	sshra.s32 s9, $0x1F;
	s10 =	sor.u32 $0x270, s12;
	s28 =	sld [smem:$0x7A4];
	vm15 =	veq.s32 v18, $0x1;
	v18 =	vld [tilespmem:$0x1FD00]  }
0x215: {  	(drf) =	sdiv.u32 s5, s14;
	s5 =	ssub.s32 s23, s21;
	s2 =	ssub.s32 s2, s26;
	[tilespmem:$0x960] =	vst v10;
	v7 =	vsel vm15, v20, v7;
	vm15 =	veq.s32 v11, $0x1;
	v11 =	vld [tilespmem:$0x1FD40]  }
0x216: {  	s14 =	sxor.u32 s13, s7;
	s21 =	sor.u32 $0x230, s12;
	[smem:$0x7C3] =	sst s22;
	[tilespmem:$0x9A0] =	vst v14;
	v14 =	vld [tilespmem:$0x1FD50]  }
0x217: {  	s26 =	sor.u32 $0x250, s12;
	v10 =	vor.u32 s21, v0;
	[tilespmem:$0x950] =	vst v9;
	v9 =	vor.u32 s17, v0;
	s29 =	sshra.s32 s28, $0x1F;
	s16 =	sor.u32 $0x210, s12  }
0x218: {  	(drf) =	sdiv.u32 s5, s4;
	[smem:$0x7E4] =	sst s21;
	v10 =	vsub.s32 v10, v31;
	s6 =	sxor.u32 s29, s28;
	vm0 =	veq.s32 v8, $0x1;
	v8 =	vor.u32 s16, v0  }
0x219: {  	s18 =	sld [smem:$0x7A5];
	s4 =	ssub.s32 s6, s29;
	[tilespmem:$0x980] =	vst v12;
	v12 =	vor.u32 s26, v0;
	s25 =	sor.u32 $0x240, s12;
	v9 =	vsub.s32 v9, v19;
	v8 =	vsub.s32 v8, v18  }
0x21a: {  	(drf) =	sdiv.u32 s4, s2;
	s2 =	ssub.s32 s14, s15;
	s15 =	sor.u32 $0x290, s12;
	[tilespmem:$0x9B0] =	vst v15;
	v8 =	vsel vm0, v18, v8;
	vm0 =	veq.s32 v11, $0x1;
	v11 =	vor.u32 s25, v0  }
0x21b: {  	s23 =	smov.u32 s22;
	s5 =	sxor.u32 s22, s9;
	s28 =	sld [smem:$0x7A6];
	v9 =	vsel vm1, v19, v9;
	[tilespmem:$0x9F0] =	vst v6;
	v6 =	vor.u32 s15, v0;
	v11 =	vsub.s32 v11, v14  }
0x21c: {  	[smem:$0x7E6] =	sst s26;
	s22 =	sor.u32 $0x2C0, s12;
	s19 =	sshra.s32 s18, $0x1F;
	v15 =	vld [tilespmem:$0x1FD60];
	[tilespmem:$0x9D0] =	vst v16;
	v6 =	vsub.s32 v6, v57;
	v11 =	vsel vm0, v14, v11;
	v14 =	vor.u32 s10, v0  }
0x21d: {  	[smem:$0x7E0] =	sst s24;
	s4 =	sxor.u32 s19, s18;
	s18 =	sor.u32 $0x2A0, s12;
	[tilespmem:$0x9E0] =	vst v4;
	v10 =	vsel vm15, v31, v10;
	vm0 =	veq.s32 v61, $0x1;
	v4 =	vsub.s32 v14, v60  }
0x21e: {  	[smem:$0x7C0] =	sst s29;
	s4 =	ssub.s32 s4, s19;
	s29 =	sshra.s32 s28, $0x1F;
	[tilespmem:$0xA00] =	vst v7;
	v7 =	vor.u32 s18, v0;
	v4 =	vsel vm0, v60, v4;
	vm0 =	veq.s32 v58, $0x1  }
0x21f: {  	s26 =	sor.u32 $0x2F0, s12;
	(drf) =	sdiv.u32 s4, s2;
	s4 =	sxor.u32 s29, s28;
	v19 =	vld [tilespmem:$0x1FD70];
	[tilespmem:$0xA20] =	vst v9;
	v7 =	vsub.s32 v7, v50;
	v6 =	vsel vm0, v57, v6;
	vm0 =	veq.s32 v55, $0x1  }
0x220: {  	s4 =	ssub.s32 s4, s29;
	s24 =	ssub.s32 s5, s23;
	s11 =	rddreg [dreg:$0xb];
	v16 =	vor.u32 s26, v0;
	[tilespmem:$0xA30] =	vst v10;
	v60 =	vld [tilespmem:$0x1FD80];
	v7 =	vsel vm0, v50, v7  }
0x221: {  	s21 =	sor.u32 $0x2B0, s12;
	(drf) =	sdiv.u32 s4, s24;
	s24 =	sor.u32 $0x2D0, s12;
	vm1 =	veq.s32 v15, $0x1;
	v15 =	vor.u32 s11, v0;
	v9 =	vor.u32 s22, v0;
	[tilespmem:$0xAA0] =	vst v7;
	v7 =	vld [tilespmem:$0x1FD90]  }
0x222: {  	v9 =	vsub.s32 v9, v51;
	v10 =	vor.u32 s24, v0;
	[tilespmem:$0xA10] =	vst v8;
	v8 =	vor.u32 s21, v0  }
0x223: {  	[smem:$0x7E5] =	sst s25;
	s25 =	sor.u32 $0x2E0, s12;
	v8 =	vsub.s32 v8, v56;
	v14 =	vsub.s32 v15, v43;
	vm0 =	veq.s32 v53, $0x1  }
0x224: {  	s8 =	sld [smem:$0x7A7];
	v15 =	vor.u32 s25, v0;
	v8 =	vsel vm0, v56, v8;
	vm0 =	veq.s32 v52, $0x1  }
0x225: {  	[smem:$0x7E3] =	sst s17;
	v9 =	vsel vm0, v51, v9;
	vm0 =	veq.s32 v19, $0x1;
	v10 =	vsub.s32 v10, v60  }
0x226: {  	[smem:$0x7C1] =	sst s13;
	v10 =	vsel vm0, v60, v10;
	vm0 =	veq.s32 v7, $0x1;
	v7 =	vsub.s32 v15, v28  }
0x227: {  	s13 =	sld [smem:$0x7A8];
	s17 =	sshra.s32 s8, $0x1F;
	v61 =	vld [tilespmem:$0x1FDB0];
	[tilespmem:$0xAD0] =	vst v10;
	v10 =	vsub.s32 v16, v41;
	v7 =	vsel vm0, v28, v7;
	vm0 =	veq.s32 v47, $0x1  }
0x228: {  	[smem:$0x7C2] =	sst s19;
	s9 =	sxor.u32 s17, s8;
	[tilespmem:$0xAE0] =	vst v7;
	v7 =	vsel vm0, v41, v10;
	v10 =	vld [tilespmem:$0x1FDA0]  }
0x229: {  	s6 =	sor.u32 $0x260, s12;
	[smem:$0x7C4] =	sst s29;
	s28 =	sshra.s32 s1, $0x1F  }
0x22a: {  	s14 =	sshra.s32 s13, $0x1F;
	s1 =	sxor.u32 s28, s1;
	s29 =	rddreg [dreg:$0xa]  }
0x22b: {  	s2 =	ssub.s32 s9, s17;
	s1 =	ssub.s32 s1, s28;
	s23 =	sld [smem:$0x7A9]  }
0x22c: {  	[smem:$0x7E2] =	sst s16;
	(drf) =	sdiv.u32 s2, s1;
	s16 =	sshra.s32 s0, $0x1F;
	[tilespmem:$0xA40] =	vst v11;
	v11 =	vor.u32 s29, v0  }
0x22d: {  	s1 =	sxor.u32 s14, s13;
	s13 =	sshra.s32 s3, $0x1F;
	s0 =	sxor.u32 s16, s0;
	vm0 =	veq.s32 v10, $0x1;
	v10 =	vsub.s32 v11, v61  }
0x22e: {  	s1 =	ssub.s32 s1, s14;
	s0 =	ssub.s32 s0, s16;
	s11 =	sshra.s32 s23, $0x1F;
	[tilespmem:$0xAF0] =	vst v7;
	v7 =	vsel vm0, v61, v10;
	v10 =	vld [tilespmem:$0x1FDC0]  }
0x22f: {  	s19 =	sxor.u32 s13, s3;
	(drf) =	sdiv.u32 s1, s0;
	s1 =	sxor.u32 s11, s23  }
0x230: {  	[tilespmem:$0x990] =	vst v13;
	v13 =	vor.u32 s6, v0;
	v12 =	vsub.s32 v12, v45;
	s0 =	ssub.s32 s19, s13;
	s1 =	ssub.s32 s1, s11  }
0x231: {  	v13 =	vsub.s32 v13, v38;
	v12 =	vsel vm1, v45, v12;
	(drf) =	sdiv.u32 s1, s0;
	s1 =	sor.u32 $0x310, s12;
	vm15 =	veq.s32 v44, $0x1  }
0x232: {  	s3 =	sor.u32 $0x320, s12;
	[tilespmem:$0xA50] =	vst v12;
	v12 =	vor.u32 s1, v0;
	v13 =	vsel vm15, v38, v13  }
0x233: {  	[tilespmem:$0xA60] =	vst v13;
	v13 =	vor.u32 s3, v0;
	vm0 =	veq.s32 v10, $0x1;
	v10 =	vsub.s32 v12, v37  }
0x234: {  	v28 =	vld [tilespmem:$0x1FDE0];
	[tilespmem:$0xB00] =	vst v7;
	v7 =	vsel vm0, v37, v10;
	vm0 =	veq.s32 v36, $0x1;
	v10 =	vsub.s32 v13, v35  }
0x235: {  	[tilespmem:$0xB10] =	vst v7;
	v7 =	vsel vm0, v35, v10;
	v10 =	vld [tilespmem:$0x1FDD0];
	_ =	sdelay $0x2  }
0x236: {  	s4 =	sor.u32 $0x330, s12  }
0x237: {  	[tilespmem:$0x9C0] =	vst v17;
	v17 =	vor.u32 s4, v0  }
0x238: {  	vm0 =	veq.s32 v10, $0x1;
	v10 =	vsub.s32 v17, v28  }
0x239: {  	[tilespmem:$0xB20] =	vst v7;
	v7 =	vsel vm0, v28, v10;
	v10 =	vld [tilespmem:$0x1FDF0];
	_ =	sdelay $0x2  }
0x23a: {  	s5 =	sor.u32 $0x340, s12  }
0x23b: {  	v18 =	vor.u32 s5, v0  }
0x23c: {  	vm0 =	veq.s32 v10, $0x1;
	v10 =	vsub.s32 v18, v34  }
0x23d: {  	v28 =	vld [tilespmem:$0x1FE10];
	[tilespmem:$0xB30] =	vst v7;
	v7 =	vsel vm0, v34, v10  }
0x23e: {  	[tilespmem:$0xB40] =	vst v7;
	v7 =	vld [tilespmem:$0x1FE00];
	_ =	sdelay $0x1  }
0x23f: {  	[smem:$0x7E7] =	sst s6;
	s6 =	sor.u32 $0x350, s12;
	vm1 =	veq.s32 v59, $0x1  }
0x240: {  	s8 =	sor.u32 $0x360, s12;
	v14 =	vsel vm1, v43, v14;
	[tilespmem:$0xA70] =	vst v4;
	v4 =	vor.u32 s6, v0  }
0x241: {  	[tilespmem:$0xA80] =	vst v14;
	v14 =	vor.u32 s8, v0;
	v4 =	vsub.s32 v4, v32;
	vm0 =	veq.s32 v33, $0x1  }
0x242: {  	v4 =	vsel vm0, v32, v4;
	vm0 =	veq.s32 v7, $0x1;
	v7 =	vsub.s32 v14, v28  }
0x243: {  	[tilespmem:$0xB50] =	vst v4;
	v4 =	vsel vm0, v28, v7;
	v7 =	vld [tilespmem:$0x1FE20];
	_ =	sdelay $0x2  }
0x244: {  	[smem:$0x7EA] =	sst s18;
	s18 =	sor.u32 $0x370, s12  }
0x245: {  	v19 =	vor.u32 s18, v0  }
0x246: {  	[smem:$0x7E8] =	sst s10;
	vm0 =	veq.s32 v7, $0x1;
	v7 =	vsub.s32 v19, v26  }
0x247: {  	[smem:$0x7EC] =	sst s22;
	[tilespmem:$0xB60] =	vst v4;
	v4 =	vsel vm0, v26, v7;
	v7 =	vld [tilespmem:$0x1FE30]  }
0x248: {  	[smem:$0x7EB] =	sst s21  }
0x249: {  	[smem:$0x7F5] =	sst s8  }
0x24a: {  	s19 =	rddreg [dreg:$0x9]  }
0x24b: {  	[smem:$0x7E9] =	sst s15;
	v21 =	vor.u32 s19, v0  }
0x24c: {  	[smem:$0x7F4] =	sst s6;
	v20 =	vld [tilespmem:$0x1FE50];
	vm0 =	veq.s32 v7, $0x1;
	v7 =	vsub.s32 v21, v54  }
0x24d: {  	[smem:$0x7EF] =	sst s26;
	[tilespmem:$0xB70] =	vst v4;
	v4 =	vsel vm0, v54, v7;
	v7 =	vld [tilespmem:$0x1FE40]  }
0x24e: {  	[smem:$0x7F3] =	sst s5  }
0x24f: {  	[smem:$0x7ED] =	sst s24  }
0x250: {  	[smem:$0x7F2] =	sst s4;
	s21 =	sor.u32 $0x390, s12  }
0x251: {  	[smem:$0x7F1] =	sst s3;
	s26 =	sor.u32 $0x3E0, s12;
	[tilespmem:$0xA90] =	vst v6;
	v6 =	vor.u32 s21, v0  }
0x252: {  	[smem:$0x7FC] =	sst s26;
	v6 =	vsub.s32 v6, v20;
	vm0 =	veq.s32 v7, $0x1  }
0x253: {  	s15 =	sld [smem:$0x7AA];
	s22 =	sor.u32 $0x3A0, s12;
	[tilespmem:$0xB80] =	vst v4;
	v4 =	vsel vm0, v20, v6;
	v6 =	vld [tilespmem:$0x1FE60]  }
0x254: {  	s23 =	sor.u32 $0x3B0, s12;
	[smem:$0x7F8] =	sst s22  }
0x255: {  	[smem:$0x7F9] =	sst s23  }
0x256: {  	s9 =	sshra.s32 s15, $0x1F;
	[smem:$0x7F0] =	sst s1  }
0x257: {  	s1 =	sxor.u32 s9, s15;
	s15 =	rddreg [dreg:$0x1f];
	v15 =	vor.u32 s22, v0  }
0x258: {  	[smem:$0x7F6] =	sst s18;
	s24 =	sor.u32 $0x3C0, s12;
	vm0 =	veq.s32 v6, $0x1;
	v6 =	vsub.s32 v15, v40  }
0x259: {  	[smem:$0x7FA] =	sst s24;
	[tilespmem:$0xB90] =	vst v4;
	v4 =	vsel vm0, v40, v6;
	v6 =	vld [tilespmem:$0x1FE70]  }
0x25a: {  	[smem:$0x7EE] =	sst s25  }
0x25b: {  	[smem:$0x7F7] =	sst s21  }
0x25c: {  	s10 =	sshra.s32 s30, $0x1F;
	s25 =	sor.u32 $0x3D0, s12;
	s29 =	sld [smem:$0x7AB]  }
0x25d: {  	s1 =	ssub.s32 s1, s9;
	s7 =	sxor.u32 s10, s30;
	[smem:$0x7FB] =	sst s25;
	[tilespmem:$0xAB0] =	vst v8;
	v8 =	vor.u32 s23, v0  }
0x25e: {  	[tilespmem:$0x900] =	vst v23;
	s0 =	ssub.s32 s7, s10;
	v23 =	vor.u32 s25, v0;
	s25 =	sld [smem:$0x7AD];
	s8 =	sshra.s32 s31, $0x1F;
	vm0 =	veq.s32 v6, $0x1;
	v6 =	vsub.s32 v8, v29  }
0x25f: {  	(drf) =	sdiv.u32 s1, s0;
	s6 =	spop (drf);
	s7 =	sshra.s32 s29, $0x1F;
	[tilespmem:$0xBA0] =	vst v4;
	v4 =	vsel vm0, v29, v6;
	v6 =	vld [tilespmem:$0x1FE80]  }
0x260: {  	s30 =	sxor.u32 s8, s31;
	[smem:$0x7B2] =	sst s6;
	s6 =	sshra.s32 s15, $0x1F  }
0x261: {  	s21 =	spop (drf);
	s3 =	sxor.u32 s7, s29;
	s18 =	sld [smem:$0x7AC]  }
0x262: {  	[tilespmem:$0x8F0] =	vst v22;
	v22 =	vor.u32 s24, v0;
	s4 =	ssub.s32 s30, s8;
	s19 =	sxor.u32 s6, s15;
	s24 =	spop (drf)  }
0x263: {  	s5 =	ssub.s32 s3, s7;
	s0 =	ssub.s32 s19, s6;
	s3 =	sshra.s32 s25, $0x1F  }
0x264: {  	(drf) =	sdiv.u32 s5, s4;
	s4 =	sshra.s32 s20, $0x1F;
	s5 =	sshra.s32 s18, $0x1F;
	vm0 =	veq.s32 v6, $0x1;
	v6 =	vsub.s32 v22, v30  }
0x265: {  	s29 =	sxor.u32 s3, s25;
	s1 =	sxor.u32 s5, s18;
	s22 =	spop (drf);
	[tilespmem:$0xBB0] =	vst v4;
	v4 =	vsel vm0, v30, v6;
	v6 =	vld [tilespmem:$0x1FE90]  }
0x266: {  	[tilespmem:$0xAC0] =	vst v9;
	v9 =	vor.u32 s26, v0;
	s26 =	sxor.u32 s4, s20;
	s1 =	ssub.s32 s1, s5;
	s23 =	spop (drf)  }
0x267: {  	s15 =	ssub.s32 s29, s3;
	(drf) =	sdiv.u32 s1, s0;
	s30 =	spop (drf)  }
0x268: {  	s0 =	ssub.s32 s26, s4;
	[smem:$0x7BE] =	sst s30;
	s30 =	spop (drf)  }
0x269: {  	(drf) =	sdiv.u32 s15, s0;
	s25 =	spop (drf)  }
0x26a: {  	s26 =	spop (drf);
	vm0 =	veq.s32 v6, $0x1;
	v6 =	vsub.s32 v23, v46  }
0x26b: {  	[smem:$0x7B6] =	sst s22;
	s22 =	spop (drf);
	[tilespmem:$0xBC0] =	vst v4;
	v4 =	vsel vm0, v46, v6;
	v6 =	vld [tilespmem:$0x1FEA0]  }
0x26c: {  	v63 =	vld [tilespmem:$0x1FEB0];
	s19 =	spop (drf)  }
0x26d: {  	s15 =	spop (drf)  }
0x26e: {  	s20 =	spop (drf)  }
0x26f: {  	s31 =	sor.u32 $0x3F0, s12;
	[smem:$0x7B5] =	sst s21;
	s21 =	spop (drf)  }
0x270: {  	v0 =	vor.u32 s31, v0;
	s18 =	spop (drf);
	vm0 =	veq.s32 v6, $0x1;
	v6 =	vsub.s32 v9, v39  }
0x271: {  	v0 =	vsub.s32 v0, v63;
	[smem:$0x7BB] =	sst s23;
	s23 =	spop (drf);
	[tilespmem:$0xBD0] =	vst v4;
	v4 =	vsel vm0, v39, v6;
	vm0 =	veq.s32 v49, $0x1  }
0x272: {  	[smem:$0x7FD] =	sst s31;
	s0 =	spop (drf);
	v0 =	vsel vm0, v63, v0;
	[tilespmem:$0xBE0] =	vst v4  }
0x273: {  	[smem:$0x7C5] =	sst s0;
	s0 =	simm.s32 $0x3;
	[tilespmem:$0xBF0] =	vst v0  }
0x274: {  	_ =	swait.ge [sflag:s0], $0x80  }
0x275: {  	[sflag:s0] =	ssyncset.done $0x0  }
0x276: {  	[sflag:s0] =	ssyncadd.s32 $0xFFFFFF80  }
0x277: {  	_ =	swait.ge [sflag:s0], $0x80  }
0x278: {  	[sflag:s0] =	ssyncset.done $0x0  }
0x279: {  	[sflag:s0] =	ssyncadd.s32 $0xFFFFFF80  }
0x27a: {  	_ =	swait.ge [sflag:s0], $0x80  }
0x27b: {  	[sflag:s0] =	ssyncset.done $0x0  }
0x27c: {  	[sflag:s0] =	ssyncadd.s32 $0xFFFFFF80  }
0x27d: {  	_ =	swait.ge [sflag:s0], $0x80  }
0x27e: {  	[sflag:s0] =	ssyncset.done $0x0  }
0x27f: {  	[sflag:s0] =	ssyncadd.s32 $0xFFFFFF80  }
0x280: {  	_ =	swait.ge [sflag:s0], $0x80  }
0x281: {  	[sflag:s0] =	ssyncset.done $0x0  }
0x282: {  	[sflag:s0] =	ssyncadd.s32 $0xFFFFFF80  }
0x283: {  	_ =	swait.ge [sflag:s0], $0x80  }
0x284: {  	[sflag:s0] =	ssyncset.done $0x0  }
0x285: {  	[sflag:s0] =	ssyncadd.s32 $0xFFFFFF80  }
0x286: {  	_ =	swait.ge [sflag:s0], $0x80  }
0x287: {  	[sflag:s0] =	ssyncset.done $0x0  }
0x288: {  	[sflag:s0] =	ssyncadd.s32 $0xFFFFFF80  }
0x289: {  	_ =	swait.ge [sflag:s0], $0x80  }
0x28a: {  	[sflag:s0] =	ssyncset.done $0x0  }
0x28b: {  	s29 =	simm.s32 $0x400;
	[sflag:s0] =	ssyncadd.s32 $0xFFFFFF80  }
0x28c: {  	s31 =	simm.s32 $0x800;
	s1 =	simm.s32 $0x80;
	s2 =	rddreg [dreg:$0x5]  }
0x28d: {  	[spmem:s2] =	stream.indirect.scatter [tilespmem:s29], [sflag:$0x3], $0x1, s31, s1, $0xb8;
	[tilespmem:$0x9BA0] =	vst v63  }
0x28e: {  	s31 =	simm.s32 $0x880;
	s29 =	simm.s32 $0x480  }
0x28f: {  	[spmem:s2] =	stream.indirect.scatter [tilespmem:s29], [sflag:$0x3], $0x1, s31, s1, $0xb8;
	[tilespmem:$0x9BA0] =	vst v63  }
0x290: {  	s31 =	simm.s32 $0x900;
	s29 =	simm.s32 $0x500  }
0x291: {  	[spmem:s2] =	stream.indirect.scatter [tilespmem:s29], [sflag:$0x3], $0x1, s31, s1, $0xb8;
	[tilespmem:$0x9BA0] =	vst v63  }
0x292: {  	s31 =	simm.s32 $0x980;
	s29 =	simm.s32 $0x580  }
0x293: {  	[spmem:s2] =	stream.indirect.scatter [tilespmem:s29], [sflag:$0x3], $0x1, s31, s1, $0xb8;
	[tilespmem:$0x9BA0] =	vst v63  }
0x294: {  	s31 =	simm.s32 $0xA00;
	s29 =	simm.s32 $0x600  }
0x295: {  	[spmem:s2] =	stream.indirect.scatter [tilespmem:s29], [sflag:$0x3], $0x1, s31, s1, $0xb8;
	[tilespmem:$0x9BA0] =	vst v63  }
0x296: {  	s31 =	simm.s32 $0xA80;
	s29 =	simm.s32 $0x680  }
0x297: {  	[spmem:s2] =	stream.indirect.scatter [tilespmem:s29], [sflag:$0x3], $0x1, s31, s1, $0xb8;
	[tilespmem:$0x9BA0] =	vst v63  }
0x298: {  	s31 =	simm.s32 $0xB00;
	s29 =	simm.s32 $0x700  }
0x299: {  	[spmem:s2] =	stream.indirect.scatter [tilespmem:s29], [sflag:$0x3], $0x1, s31, s1, $0xb8;
	[tilespmem:$0x9BA0] =	vst v63  }
0x29a: {  	s31 =	simm.s32 $0xB80;
	s29 =	simm.s32 $0x780  }
0x29b: {  	[spmem:s2] =	stream.indirect.scatter [tilespmem:s29], [sflag:$0x3], $0x1, s31, s1, $0xb8;
	[tilespmem:$0x9BA0] =	vst v63  }
0x29c: {  	_ =	swait.ge [sflag:s0], $0x80  }
0x29d: {  	[sflag:s0] =	ssyncset.done $0x0  }
0x29e: {  	[sflag:s0] =	ssyncadd.s32 $0xFFFFFF80  }
0x29f: {  	_ =	swait.ge [sflag:s0], $0x80  }
0x2a0: {  	[sflag:s0] =	ssyncset.done $0x0  }
0x2a1: {  	[sflag:s0] =	ssyncadd.s32 $0xFFFFFF80  }
0x2a2: {  	_ =	swait.ge [sflag:s0], $0x80  }
0x2a3: {  	[sflag:s0] =	ssyncset.done $0x0  }
0x2a4: {  	[sflag:s0] =	ssyncadd.s32 $0xFFFFFF80  }
0x2a5: {  	_ =	swait.ge [sflag:s0], $0x80  }
0x2a6: {  	[sflag:s0] =	ssyncset.done $0x0  }
0x2a7: {  	[sflag:s0] =	ssyncadd.s32 $0xFFFFFF80  }
0x2a8: {  	_ =	swait.ge [sflag:s0], $0x80  }
0x2a9: {  	[sflag:s0] =	ssyncset.done $0x0  }
0x2aa: {  	[sflag:s0] =	ssyncadd.s32 $0xFFFFFF80  }
0x2ab: {  	_ =	swait.ge [sflag:s0], $0x80  }
0x2ac: {  	[sflag:s0] =	ssyncset.done $0x0  }
0x2ad: {  	[sflag:s0] =	ssyncadd.s32 $0xFFFFFF80  }
0x2ae: {  	_ =	swait.ge [sflag:s0], $0x80  }
0x2af: {  	[sflag:s0] =	ssyncset.done $0x0  }
0x2b0: {  	[sflag:s0] =	ssyncadd.s32 $0xFFFFFF80  }
0x2b1: {  	_ =	swait.ge [sflag:s0], $0x80  }
0x2b2: {  	s31 =	rddreg [dreg:$0x17];
	[sflag:s0] =	ssyncset.done $0x0  }
0x2b3: {  	s1 =	sadd.s32 $0x4000, s2;
	s29 =	rddreg [dreg:$0x11];
	v0 =	vmov s31;
	[sflag:s0] =	ssyncadd.s32 $0xFFFFFF80  }
0x2b4: {  	s31 =	rddreg [dreg:$0x12];
	v0 =	vsel vm14, s29, v0;
	[bflag:$0x0] =	sbarrier.arrive $0xFFFF;
	s29 =	simm.s32 $0x1420  }
0x2b5: {  	[tilespmem:s29], [sflag:$0x1] =	stream.linear.gather [spmem:s1], $0x4000, $0x38;
	[tilespmem:$0x9BA0] =	vst v63  }
0x2b6: {  	v0 =	vsel vm13, s31, v0;
	s31 =	rddreg [dreg:$0xf]  }
0x2b7: {  	s1 =	rddreg [dreg:$0x10]  }
0x2b8: {  	s2 =	sadd.s32 s12, s2;
	s29 =	simm.s32 $0x5420;
	v0 =	vsel vm12, s31, v0;
	s31 =	rddreg [dreg:$0x1d]  }
0x2b9: {  	v0 =	vsel vm11, s1, v0;
	[tilespmem:s29], [sflag:$0x3] =	stream.linear.gather [spmem:s2], $0x400, $0x38;
	[tilespmem:$0x9BA0] =	vst v63  }
0x2ba: {  	s1 =	rddreg [dreg:$0x1e];
	s2 =	simm.s32 $0x0;
	v0 =	vsel vm10, s31, v0  }
0x2bb: {  	s29 =	rddreg [dreg:$0x1c];
	s0 =	sand.u32 $0xFFFFFC00, s2;
	s2 =	simm.s32 $0x2;
	v0 =	vsel vm9, s1, v0  }
0x2bc: {  	s31 =	rddreg [dreg:$0x1b];
	_ =	swait.ge [sflag:s2], $0x2800;
	s0 =	sadd.s32 $0x0, s0;
	v0 =	vsel vm8, s29, v0  }
0x2bd: {  	s29 =	rddreg [dreg:$0x1a];
	s1 =	sand.u32 $0xFFFFFF80, s0;
	v0 =	vsel vm7, s31, v0  }
0x2be: {  	s0 =	sadd.s32 $0x400, s0;
	s31 =	simm.s32 $0x0;
	v0 =	vsel vm6, s29, v0;
	s29 =	rddreg [dreg:$0x19]  }
0x2bf: {  	s0 =	sand.u32 $0xFFFFFF80, s0;
	s31 =	sand.u32 $0x70, s31;
	v0 =	vsel vm5, s29, v0;
	s29 =	rddreg [dreg:$0x18]  }
0x2c0: {  	s1 =	sor.u32 s31, s1;
	s0 =	sor.u32 s31, s0;
	s31 =	sld [smem:$0x7AF]  }
0x2c1: {  	v0 =	vsel vm4, s29, v0;
	s29 =	rddreg [dreg:$0x15]  }
0x2c2: {  	v0 =	vsel vm3, s29, v0;
	s29 =	sld [smem:$0x7AE]  }
0x2c3: {  	[sflag:s2] =	ssyncset.done $0x0  }
0x2c4: {  	[sflag:s2] =	ssyncadd.s32 $0xFFFFD800  }
0x2c5: {  	v4 =	vld [tilespmem:s1+$0x5820];
	s1 =	sxor.u32 s29, s31;
	s29 =	sld [smem:$0x7B0]  }
0x2c6: {  	s31 =	sld [smem:$0x7B1];
	_ =	sdelay $0x1  }
0x2c7: {  	s2 =	rddreg [dreg:$0x16]  }
0x2c8: {  	v6 =	vld [tilespmem:s0+$0x5820];
	s0 =	sxor.u32 s29, s31;
	s31 =	sld [smem:$0x7B2]  }
0x2c9: {  	vm1 =	vcmask $0x3734;
	v0 =	vsel vm2, s2, v0;
	s2 =	rddreg [dreg:$0x13];
	s29 =	sxor.u32 s1, s24  }
0x2ca: {  	vm15 =	vcmask $0x3B38;
	v0 =	vsel vm1, s2, v0;
	s1 =	ssub.s32 s29, s1;
	s29 =	sld [smem:$0x7B3]  }
0x2cb: {  	v0 =	vsel vm15, s31, v0;
	s31 =	sld [smem:$0x7B4];
	_ =	sdelay $0x2  }
0x2cc: {  	s2 =	sxor.u32 s29, s31;
	s29 =	sld [smem:$0x7B5]  }
0x2cd: {  	s31 =	sld [smem:$0x7B6];
	_ =	sdelay $0x1  }
0x2ce: {  	s24 =	sxor.u32 s0, s29;
	s29 =	sld [smem:$0x7B7]  }
0x2cf: {  	v7 =	vmov s1;
	s1 =	sxor.u32 s2, s31;
	s31 =	sld [smem:$0x7B8];
	s0 =	ssub.s32 s24, s0  }
0x2d0: {  	s24 =	ssub.s32 s1, s2;
	v7 =	vsel vm14, s0, v7  }
0x2d1: {  	v7 =	vsel vm13, s24, v7;
	s24 =	sld [smem:$0x7B9]  }
0x2d2: {  	s1 =	sxor.u32 s29, s31;
	s29 =	sld [smem:$0x7BA];
	_ =	sdelay $0x1  }
0x2d3: {  	s31 =	sld [smem:$0x7BB]  }
0x2d4: {  	s0 =	sxor.u32 s24, s29;
	s24 =	sld [smem:$0x7BC]  }
0x2d5: {  	s29 =	sld [smem:$0x7BD]  }
0x2d6: {  	s2 =	sxor.u32 s1, s31;
	s31 =	sld [smem:$0x7BE];
	_ =	sdelay $0x1  }
0x2d7: {  	s1 =	ssub.s32 s2, s1  }
0x2d8: {  	s2 =	sxor.u32 s24, s29;
	s24 =	sxor.u32 s0, s31;
	s29 =	sld [smem:$0x7C0]  }
0x2d9: {  	s0 =	ssub.s32 s24, s0;
	s24 =	sld [smem:$0x7BF];
	_ =	sdelay $0x2  }
0x2da: {  	v7 =	vsel vm12, s1, v7;
	s1 =	sxor.u32 s24, s29;
	s24 =	sld [smem:$0x7C1]  }
0x2db: {  	v8 =	vshrl.u32 v4, $0x10;
	v4 =	vand.u32 $0xFFFF, v4;
	s29 =	sld [smem:$0x7C2]  }
0x2dc: {  	v4 =	vmul.u32 v3, v4;
	v8 =	vmul.u32 v0, v8;
	s30 =	sxor.u32 s2, s30  }
0x2dd: {  	v9 =	vshrl.u32 v6, $0x10;
	s31 =	ssub.s32 s30, s2;
	s30 =	sxor.u32 s1, s25;
	s25 =	sld [smem:$0x7C4]  }
0x2de: {  	v6 =	vand.u32 $0xFFFF, v6;
	v4 =	vadd.s32 v4, v8;
	v8 =	vmul.u32 v2, v9;
	s2 =	sxor.u32 s24, s29;
	s24 =	sld [smem:$0x7C3]  }
0x2df: {  	v4 =	vadd.s32 v6, v4;
	v6 =	vsel vm11, s0, v7  }
0x2e0: {  	s8 =	sxor.u32 s8, s7;
	v7 =	vadd.s32 v8, v4;
	v4 =	vsel vm10, s31, v6;
	s31 =	ssub.s32 s30, s1  }
0x2e1: {  	v6 =	vcvt.s32.f32 v7;
	s30 =	sxor.u32 s28, s17;
	s26 =	sxor.u32 s2, s26;
	s1 =	sxor.u32 s24, s25  }
0x2e2: {  	v4 =	vsel vm9, s31, v4;
	s29 =	ssub.s32 s26, s2;
	s26 =	sxor.u32 s13, s11;
	s31 =	sxor.u32 s1, s22  }
0x2e3: {  	v8 =	vadd.f32 $4.294967300e+09, v6;
	v4 =	vsel vm8, s29, v4;
	s24 =	sxor.u32 s30, s19;
	s22 =	sxor.u32 s16, s14;
	s17 =	ssub.s32 s31, s1  }
0x2e4: {  	vm0 =	vlt.s32 v7, $0x0;
	s13 =	sxor.u32 s8, s18;
	s25 =	ssub.s32 s24, s30;
	s28 =	sxor.u32 s22, s15;
	v4 =	vsel vm7, s17, v4  }
0x2e5: {  	v6 =	vsel vm0, v8, v6;
	s30 =	sxor.u32 s10, s9;
	s31 =	sxor.u32 s26, s20;
	s29 =	ssub.s32 s28, s22;
	v4 =	vsel vm6, s25, v4  }
0x2e6: {  	v6 =	vmul.f32 v6, v5;
	s18 =	sld [smem:$0x7C5];
	s9 =	sxor.u32 s30, s21;
	s2 =	ssub.s32 s31, s26;
	v4 =	vsel vm5, s29, v4  }
0x2e7: {  	s11 =	sxor.u32 s6, s5;
	s10 =	ssub.s32 s9, s30;
	v4 =	vsel vm4, s2, v4  }
0x2e8: {  	v6 =	vmin.f32 v6, $2.000000000e+09;
	s14 =	ssub.s32 s13, s8;
	s16 =	sxor.u32 s11, s23;
	s15 =	sxor.u32 s4, s3;
	v4 =	vsel vm3, s10, v4  }
0x2e9: {  	s7 =	sld [smem:$0x7D0];
	v6 =	vtrunc.f32 v6;
	s17 =	ssub.s32 s16, s11;
	s1 =	sxor.u32 s15, s18;
	v4 =	vsel vm2, s14, v4  }
0x2ea: {  	v12 =	vmov s12;
	s12 =	sld [smem:$0x7D4];
	v6 =	vcvt.f32.s32 v6;
	s19 =	ssub.s32 s1, s15;
	v4 =	vsel vm1, s17, v4  }
0x2eb: {  	s5 =	sld [smem:$0x7CE];
	v4 =	vsel vm15, s19, v4  }
0x2ec: {  	s6 =	sld [smem:$0x7CF];
	v6 =	vmul.u32 v6, v1;
	v4 =	vadd.s32 $0x2, v4  }
0x2ed: {  	s24 =	sld [smem:$0x7C6];
	v4 =	vmul.u32 v4, v1  }
0x2ee: {  	s8 =	sld [smem:$0x7D1];
	v6 =	vsub.s32 v7, v6  }
0x2ef: {  	s13 =	sld [smem:$0x7D5];
	v6 =	vadd.s32 v4, v6  }
0x2f0: {  	s4 =	sld [smem:$0x7CD];
	v7 =	vcvt.s32.f32 v6  }
0x2f1: {  	v61 =	vmov s5;
	s5 =	sld [smem:$0x7E7]  }
0x2f2: {  	s26 =	sld [smem:$0x7C8];
	v7 =	vmul.f32 v7, v5  }
0x2f3: {  	s28 =	sld [smem:$0x7C9]  }
0x2f4: {  	s30 =	sld [smem:$0x7CB];
	v7 =	vtrunc.f32 v7  }
0x2f5: {  	s31 =	sld [smem:$0x7CC];
	v7 =	vcvt.f32.s32 v7  }
0x2f6: {  	s9 =	sld [smem:$0x7D2]  }
0x2f7: {  	s11 =	rddreg [dreg:$0xe];
	v7 =	vmul.u32 v7, v1  }
0x2f8: {  	s16 =	sld [smem:$0x7D8]  }
0x2f9: {  	s20 =	simm.s32 $0x10;
	s18 =	sld [smem:$0x7DA];
	v6 =	vsub.s32 v6, v7  }
0x2fa: {  	v8 =	vld [tilespmem:$0x1FEC0];
	s0 =	sand.u32 $0xFFFFFC00, s20;
	s20 =	sld [smem:$0x7DB];
	v7 =	vshra.s32 v6, $0x1F  }
0x2fb: {  	s25 =	sld [smem:$0x7C7];
	v7 =	vand.u32 v1, v7  }
0x2fc: {  	s15 =	sld [smem:$0x7D7];
	v6 =	vadd.s32 v6, v7  }
0x2fd: {  	v23 =	vmov s24;
	s24 =	sld [smem:$0x7DF];
	vm0 =	vlt.s32 v6, v1  }
0x2fe: {  	s21 =	sadd.s32 $0x10, s0;
	v19 =	vmov s8;
	s8 =	sld [smem:$0x7E9];
	v7 =	vsel vm0, $0x0, v1  }
0x2ff: {  	s1 =	simm.s32 $0x10;
	s0 =	simm.s32 $0x8020;
	v18 =	vmov s11;
	s11 =	sld [smem:$0x7EC];
	vm0 =	vlt.s32 v8, $0x2;
	v6 =	vsub.s32 v6, v7  }
0x300: {  	s22 =	sand.u32 $0xFFFFFF80, s21;
	s23 =	sand.u32 $0x70, s1;
	s29 =	sld [smem:$0x7CA];
	v6 =	vsel vm0, $0x0, v6  }
0x301: {  	v59 =	vmov s4;
	s4 =	sld [smem:$0x7E6];
	s3 =	sor.u32 s23, s22;
	s2 =	sadd.s32 $0x400, s21;
	[tilespmem:s0+$0x0] =	vst v6  }
0x302: {  	s21 =	sld [smem:$0x7DC];
	s2 =	sand.u32 $0xFFFFFF80, s2;
	v6 =	vld [tilespmem:s3+$0x5820]  }
0x303: {  	s22 =	sld [smem:$0x7DD];
	s2 =	sor.u32 s23, s2  }
0x304: {  	v35 =	vmov s26;
	s26 =	sld [smem:$0x7E1];
	v7 =	vld [tilespmem:s2+$0x5820]  }
0x305: {  	v36 =	vmov s28;
	s28 =	rddreg [dreg:$0xc]  }
0x306: {  	v41 =	vmov s30;
	s30 =	sld [smem:$0x7E3]  }
0x307: {  	v42 =	vmov s31;
	s31 =	sld [smem:$0x7E4];
	v8 =	vshrl.u32 v6, $0x10;
	v6 =	vand.u32 $0xFFFF, v6  }
0x308: {  	v20 =	vmov s9;
	s9 =	sld [smem:$0x7EA];
	v8 =	vmul.u32 v0, v8;
	v6 =	vmul.u32 v3, v6  }
0x309: {  	v28 =	vmov s16;
	s16 =	sld [smem:$0x7F0];
	v9 =	vshrl.u32 v7, $0x10  }
0x30a: {  	s10 =	sld [smem:$0x7D3];
	v7 =	vand.u32 $0xFFFF, v7;
	v6 =	vadd.s32 v6, v8;
	v8 =	vmul.u32 v2, v9  }
0x30b: {  	v25 =	vmov s25;
	s25 =	sld [smem:$0x7E0];
	v6 =	vadd.s32 v7, v6  }
0x30c: {  	v27 =	vmov s15;
	s15 =	rddreg [dreg:$0xa];
	v6 =	vadd.s32 v8, v6  }
0x30d: {  	v26 =	vmov s24;
	s24 =	sld [smem:$0x7F7];
	v7 =	vcvt.s32.f32 v6  }
0x30e: {  	v48 =	vmov s28;
	s28 =	sld [smem:$0x7FA]  }
0x30f: {  	s14 =	sld [smem:$0x7D6];
	v8 =	vadd.f32 $4.294967300e+09, v7  }
0x310: {  	s23 =	sld [smem:$0x7DE];
	vm1 =	vlt.s32 v6, $0x0  }
0x311: {  	v37 =	vmov s29;
	s29 =	sld [smem:$0x7E2];
	v7 =	vsel vm1, v8, v7  }
0x312: {  	s17 =	sld [smem:$0x7D9];
	v7 =	vmul.f32 v7, v5  }
0x313: {  	v45 =	vmov s21;
	s21 =	sld [smem:$0x7F5]  }
0x314: {  	v46 =	vmov s22;
	s22 =	sld [smem:$0x7F6];
	v7 =	vmin.f32 v7, $2.000000000e+09  }
0x315: {  	v47 =	vmov s26;
	s26 =	sld [smem:$0x7F9];
	v8 =	vmov s6;
	v7 =	vtrunc.f32 v7  }
0x316: {  	v49 =	vmov s30;
	s30 =	sld [smem:$0x7FC];
	[tilespmem:$0x1FED0] =	vst v8;
	v8 =	vmov s7;
	v7 =	vcvt.f32.s32 v7  }
0x317: {  	v50 =	vmov s31;
	s31 =	sld [smem:$0x7FD];
	[tilespmem:$0x1FEE0] =	vst v8;
	v8 =	vmov s12  }
0x318: {  	s19 =	rddreg [dreg:$0xd];
	[tilespmem:$0x1FEF0] =	vst v8;
	v8 =	vmov s13;
	v7 =	vmul.u32 v7, v1  }
0x319: {  	v17 =	vmov s10;
	s10 =	sld [smem:$0x7EB];
	[tilespmem:$0x1FF00] =	vst v8;
	v8 =	vmov s14  }
0x31a: {  	v32 =	vmov s25;
	s25 =	sld [smem:$0x7F8];
	[tilespmem:$0x1FF10] =	vst v8;
	v8 =	vmov s18;
	v6 =	vsub.s32 v6, v7  }
0x31b: {  	v63 =	vmov s23;
	s23 =	rddreg [dreg:$0x9];
	[tilespmem:$0x1FF20] =	vst v8;
	v8 =	vmov s20;
	v9 =	vadd.s32 v4, v6  }
0x31c: {  	v52 =	vmov s5;
	v33 =	vmov s29;
	s29 =	sld [smem:$0x7FB];
	[tilespmem:$0x1FF30] =	vst v8;
	v8 =	vcvt.s32.f32 v9  }
0x31d: {  	v55 =	vmov s8;
	v56 =	vmov s9;
	s13 =	sld [smem:$0x7EE];
	v6 =	vmov s4  }
0x31e: {  	v43 =	vmov s24;
	s14 =	sld [smem:$0x7EF];
	[tilespmem:$0x1FF40] =	vst v6;
	v6 =	vmov s10;
	v10 =	vmul.f32 v8, v5  }
0x31f: {  	v24 =	vmov s28;
	v29 =	vmov s17;
	s17 =	sld [smem:$0x7F1];
	[tilespmem:$0x1FF50] =	vst v6;
	v6 =	vmov s11  }
0x320: {  	v58 =	vmov s21;
	s3 =	rddreg [dreg:$0x14];
	[tilespmem:$0x1FF60] =	vst v6;
	v6 =	vmov s13;
	v10 =	vtrunc.f32 v10  }
0x321: {  	v44 =	vmov s3;
	s3 =	sld [smem:$0x7E5];
	[tilespmem:$0x1FF70] =	vst v6;
	v6 =	vmov s14;
	v10 =	vcvt.f32.s32 v10  }
0x322: {  	v34 =	vmov s22;
	v40 =	vmov s23;
	s18 =	sld [smem:$0x7F2];
	[tilespmem:$0x1FF80] =	vst v6;
	v6 =	vmov s15  }
0x323: {  	v7 =	vmov s19;
	s19 =	sld [smem:$0x7F3];
	[tilespmem:$0x1FF90] =	vst v6;
	v6 =	vmov s16;
	v10 =	vmul.u32 v10, v1  }
0x324: {  	v38 =	vmov s26;
	v39 =	vmov s30;
	s20 =	sld [smem:$0x7F4];
	[tilespmem:$0x1FFA0] =	vst v6;
	v6 =	vmov s17  }
0x325: {  	v60 =	vmov s25;
	s6 =	sld [smem:$0x7E8];
	[tilespmem:$0x1FFB0] =	vst v6;
	v6 =	vmov s18;
	v9 =	vsub.s32 v9, v10  }
0x326: {  	v11 =	vmov s29;
	s12 =	sld [smem:$0x7ED];
	[tilespmem:$0x1FFC0] =	vst v6;
	v6 =	vmov s19;
	v10 =	vshra.s32 v9, $0x1F  }
0x327: {  	v51 =	vmov s3;
	s7 =	rddreg [dreg:$0xb];
	[tilespmem:$0x1FFD0] =	vst v6;
	v6 =	vmov s20;
	v10 =	vand.u32 v1, v10  }
0x328: {  	v54 =	vmov s7;
	[tilespmem:$0x1FFE0] =	vst v6;
	v6 =	vmov s31;
	v13 =	vadd.s32 v9, v10  }
0x329: {  	s2 =	simm.s32 $0x3;
	s3 =	simm.s32 $0x20;
	v53 =	vmov s6;
	v57 =	vmov s12;
	[tilespmem:$0x1FFF0] =	vst v6;
	vm1 =	vlt.s32 v13, v1  }
.LBB2_1:
0x32a: {  	p0 =	sne.s32 s2, $0x13F;
	s3 =	sand.u32 $0xFFFFFC00, s3;
	v14 =	vsel vm1, $0x0, v1;
	s1 =	sadd.s32 $0x10, s1  }
0x32b: {  	s3 =	sadd.s32 s3, s1;
	v13 =	vsub.s32 v13, v14  }
0x32c: {  	s0 =	sadd.s32 $0x10, s0;
	s5 =	sand.u32 $0x70, s1;
	s4 =	sand.u32 $0xFFFFFF80, s3;
	v13 =	vsel vm0, $0x0, v13  }
0x32d: {  	s3 =	sadd.s32 $0x400, s3;
	s4 =	sor.u32 s5, s4;
	[tilespmem:s0+$0x0] =	vst v13  }
0x32e: {  	s3 =	sand.u32 $0xFFFFFF80, s3;
	v13 =	vld [tilespmem:s4+$0x5820]  }
0x32f: {  	s3 =	sor.u32 s5, s3  }
0x330: {  	v14 =	vld [tilespmem:s3+$0x5820];
	_ =	sdelay $0x2  }
0x331: {  	v15 =	vshrl.u32 v13, $0x10;
	v13 =	vand.u32 $0xFFFF, v13  }
0x332: {  	v15 =	vmul.u32 v0, v15;
	v13 =	vmul.u32 v3, v13  }
0x333: {  	v16 =	vshrl.u32 v14, $0x10  }
0x334: {  	v14 =	vand.u32 $0xFFFF, v14;
	v13 =	vadd.s32 v13, v15;
	v15 =	vmul.u32 v2, v16  }
0x335: {  	v13 =	vadd.s32 v14, v13  }
0x336: {  	v13 =	vadd.s32 v15, v13  }
0x337: {  	v14 =	vcvt.s32.f32 v13;
	_ =	sdelay $0x1  }
0x338: {  	v15 =	vadd.f32 $4.294967300e+09, v14  }
0x339: {  	vm1 =	vlt.s32 v13, $0x0  }
0x33a: {  	v14 =	vsel vm1, v15, v14  }
0x33b: {  	v14 =	vmul.f32 v14, v5;
	_ =	sdelay $0x1  }
0x33c: {  	v14 =	vmin.f32 v14, $2.000000000e+09  }
0x33d: {  	v14 =	vtrunc.f32 v14  }
0x33e: {  	v14 =	vcvt.f32.s32 v14;
	_ =	sdelay $0x1  }
0x33f: {  	v14 =	vmul.u32 v14, v1;
	_ =	sdelay $0x1  }
0x340: {  	v13 =	vsub.s32 v13, v14  }
0x341: {  	v13 =	vadd.s32 v4, v13  }
0x342: {  	v14 =	vcvt.s32.f32 v13;
	_ =	sdelay $0x1  }
0x343: {  	v14 =	vmul.f32 v14, v5;
	_ =	sdelay $0x1  }
0x344: {  	v14 =	vtrunc.f32 v14  }
0x345: {  	v14 =	vcvt.f32.s32 v14;
	_ =	sdelay $0x1  }
0x346: {  	v14 =	vmul.u32 v14, v1;
	_ =	sdelay $0x1  }
.Ltmp0:
0x347: {  	v13 =	vsub.s32 v13, v14;
	(pc) =	sbr.rel @p0 .LBB2_1-.Ltmp0, $4  }
0x348: {  	v14 =	vshra.s32 v13, $0x1F  }
0x349: {  	v14 =	vand.u32 v1, v14  }
0x34a: {  	v13 =	vadd.s32 v13, v14  }
0x34b: {  	s3 =	sshll.u32 s2, $0x4;
	s2 =	sadd.s32 $0x1, s2;
	vm1 =	vlt.s32 v13, v1  }
0x34c: {  	s2 =	sand.u32 $0xFFFFFC00, s3;
	s1 =	sadd.s32 $0x10, s1;
	v14 =	vsel vm1, $0x0, v1  }
0x34d: {  	v13 =	vsub.s32 v13, v14;
	s2 =	sadd.s32 s2, s1  }
0x34e: {  	s0 =	sadd.s32 $0x10, s0;
	s1 =	sand.u32 $0x70, s1;
	s25 =	sand.u32 $0xFFFFFF80, s2;
	v13 =	vsel vm0, $0x0, v13  }
0x34f: {  	s2 =	sadd.s32 $0x400, s2;
	[tilespmem:s0+$0x0] =	vst v13;
	s3 =	sor.u32 s1, s25  }
0x350: {  	s2 =	sand.u32 $0xFFFFFF80, s2;
	v13 =	vld [tilespmem:s3+$0x5820]  }
0x351: {  	s1 =	sor.u32 s1, s2  }
0x352: {  	v30 =	vld [tilespmem:s1+$0x5820];
	_ =	sdelay $0x2  }
0x353: {  	v15 =	vshrl.u32 v13, $0x10;
	v13 =	vand.u32 $0xFFFF, v13  }
0x354: {  	v0 =	vmul.u32 v0, v15;
	v3 =	vmul.u32 v3, v13  }
0x355: {  	v31 =	vshrl.u32 v30, $0x10  }
0x356: {  	v2 =	vmul.u32 v2, v31;
	v0 =	vadd.s32 v3, v0;
	v3 =	vand.u32 $0xFFFF, v30  }
0x357: {  	v0 =	vadd.s32 v3, v0  }
0x358: {  	v0 =	vadd.s32 v2, v0  }
0x359: {  	v2 =	vcvt.s32.f32 v0;
	_ =	sdelay $0x1  }
0x35a: {  	v3 =	vadd.f32 $4.294967300e+09, v2  }
0x35b: {  	vm10 =	vlt.s32 v0, $0x0  }
0x35c: {  	v2 =	vsel vm10, v3, v2  }
0x35d: {  	v2 =	vmul.f32 v2, v5;
	_ =	sdelay $0x1  }
0x35e: {  	v2 =	vmin.f32 v2, $2.000000000e+09  }
0x35f: {  	v2 =	vtrunc.f32 v2  }
0x360: {  	v2 =	vcvt.f32.s32 v2;
	_ =	sdelay $0x1  }
0x361: {  	v2 =	vmul.u32 v2, v1;
	_ =	sdelay $0x1  }
0x362: {  	v0 =	vsub.s32 v0, v2  }
0x363: {  	v0 =	vadd.s32 v4, v0  }
0x364: {  	v2 =	vcvt.s32.f32 v0;
	_ =	sdelay $0x1  }
0x365: {  	v2 =	vmul.f32 v2, v5;
	_ =	sdelay $0x1  }
0x366: {  	v2 =	vtrunc.f32 v2  }
0x367: {  	v2 =	vcvt.f32.s32 v2;
	_ =	sdelay $0x1  }
0x368: {  	v2 =	vmul.u32 v2, v1;
	_ =	sdelay $0x1  }
0x369: {  	v0 =	vsub.s32 v0, v2  }
0x36a: {  	v2 =	vshra.s32 v0, $0x1F  }
0x36b: {  	v2 =	vand.u32 v1, v2  }
0x36c: {  	v0 =	vadd.s32 v0, v2  }
0x36d: {  	vm11 =	vlt.s32 v0, v1  }
0x36e: {  	v1 =	vsel vm11, $0x0, v1  }
0x36f: {  	v0 =	vsub.s32 v0, v1  }
0x370: {  	v22 =	vsel vm0, $0x0, v0;
	v0 =	vld [tilespmem:$0x1FED0];
	_ =	sdelay $0x2  }
0x371: {  	v21 =	vlaneseq.u32  }
0x372: {  	v31 =	vor.u32 v21, v23  }
0x373: {  	v23 =	vor.u32 v21, v36;
	v36 =	vor.u32 v21, v37;
	v37 =	vor.u32 v21, v0;
	v0 =	vld [tilespmem:$0x1FEE0];
	_ =	sdelay $0x4  }
0x374: {  	v30 =	vor.u32 v21, v12;
	v12 =	vor.u32 v21, v0;
	v0 =	vld [tilespmem:$0x1FEF0];
	_ =	sdelay $0x4  }
0x375: {  	v4 =	vor.u32 v21, v19;
	v19 =	vor.u32 v21, v17;
	v17 =	vor.u32 v21, v0;
	v0 =	vld [tilespmem:$0x1FF00];
	_ =	sdelay $0x4  }
0x376: {  	v16 =	vor.u32 v21, v0;
	v0 =	vld [tilespmem:$0x1FF10];
	_ =	sdelay $0x4  }
0x377: {  	v15 =	vor.u32 v21, v0;
	v0 =	vld [tilespmem:$0x1FF20];
	_ =	sdelay $0x4  }
0x378: {  	v13 =	vor.u32 v21, v28;
	v28 =	vor.u32 v21, v0;
	v0 =	vld [tilespmem:$0x1FF30];
	_ =	sdelay $0x4  }
0x379: {  	v5 =	vor.u32 v21, v0;
	v0 =	vld [tilespmem:$0x1FF40];
	_ =	sdelay $0x1  }
0x37a: {  	s0 =	sadd.s32 $0x10, s0  }
0x37b: {  	s26 =	simm.s32 $0x3;
	[tilespmem:s0+$0x0] =	vst v22  }
0x37c: {  	_ =	swait.ge [sflag:s26], $0x400  }
0x37d: {  	v10 =	vor.u32 v21, v32;
	v32 =	vor.u32 v21, v0;
	v0 =	vld [tilespmem:$0x1FF50];
	_ =	sdelay $0x3  }
0x37e: {  	v6 =	vor.u32 v21, v45  }
0x37f: {  	v45 =	vor.u32 v21, v50;
	v50 =	vor.u32 v21, v55;
	v55 =	vor.u32 v21, v0;
	v0 =	vld [tilespmem:$0x1FF60];
	_ =	sdelay $0x1  }
0x380: {  	v1 =	vld [tilespmem:$0x1FFA0];
	_ =	sdelay $0x1  }
0x381: {  	v14 =	vor.u32 v21, v27;
	v27 =	vor.u32 v21, v7;
	v7 =	vor.u32 v21, v46  }
0x382: {  	v46 =	vor.u32 v21, v49;
	v49 =	vor.u32 v21, v54;
	v54 =	vor.u32 v21, v0;
	v0 =	vld [tilespmem:$0x1FF70];
	_ =	sdelay $0x1  }
0x383: {  	v1 =	vor.u32 v21, v1  }
0x384: {  	[tilespmem:$0x1F860] =	vst v1;
	v1 =	vld [tilespmem:$0x1FFB0]  }
0x385: {  	v2 =	vld [tilespmem:$0x1FFD0]  }
0x386: {  	v9 =	vor.u32 v21, v26;
	v26 =	vor.u32 v21, v52;
	v52 =	vor.u32 v21, v0;
	v0 =	vld [tilespmem:$0x1FF80];
	_ =	sdelay $0x2  }
0x387: {  	v1 =	vor.u32 v21, v1  }
0x388: {  	v8 =	vor.u32 v21, v63;
	v63 =	vor.u32 v21, v47;
	v47 =	vor.u32 v21, v33;
	[tilespmem:$0x1F870] =	vst v1;
	v1 =	vld [tilespmem:$0x1FFC0]  }
0x389: {  	v33 =	vor.u32 v21, v51;
	v2 =	vor.u32 v21, v2;
	v51 =	vor.u32 v21, v0;
	v0 =	vld [tilespmem:$0x1FF90]  }
0x38a: {  	[tilespmem:$0x1F890] =	vst v2;
	v2 =	vld [tilespmem:$0x1FFE0]  }
0x38b: {  	v25 =	vor.u32 v21, v25;
	v35 =	vor.u32 v21, v35;
	v41 =	vor.u32 v21, v41  }
0x38c: {  	v42 =	vor.u32 v21, v42;
	v44 =	vor.u32 v21, v44;
	v39 =	vor.u32 v21, v39;
	[sflag:s26] =	ssyncset.done $0x0  }
0x38d: {  	v59 =	vor.u32 v21, v59;
	v61 =	vor.u32 v21, v61;
	v22 =	vor.u32 v21, v53;
	[tilespmem:$0x1F8D0] =	vst v39;
	v39 =	vld [tilespmem:$0x1FFF0];
	[sflag:s26] =	ssyncadd.s32 $0xFFFFFC00  }
0x38e: {  	v53 =	vor.u32 v21, v57;
	v1 =	vor.u32 v21, v1;
	v57 =	vor.u32 v21, v0;
	v0 =	vld [tilespmem:$0x5420]  }
0x38f: {  	v20 =	vor.u32 v21, v20;
	v18 =	vor.u32 v21, v18;
	v2 =	vor.u32 v21, v2;
	[tilespmem:$0x1F880] =	vst v1;
	v1 =	vld [tilespmem:$0x5430]  }
0x390: {  	v29 =	vor.u32 v21, v29;
	v48 =	vor.u32 v21, v48;
	v3 =	vor.u32 v21, v40;
	[tilespmem:$0x1F8A0] =	vst v2;
	v2 =	vld [tilespmem:$0x5440]  }
0x391: {  	v56 =	vor.u32 v21, v56;
	v58 =	vor.u32 v21, v58;
	[tilespmem:$0x1F8B0] =	vst v3;
	v3 =	vor.u32 v21, v43;
	v40 =	vld [tilespmem:$0x5450]  }
0x392: {  	v34 =	vor.u32 v21, v34;
	v60 =	vor.u32 v21, v60;
	v38 =	vor.u32 v21, v38;
	[tilespmem:$0x1F8C0] =	vst v3;
	v3 =	vld [tilespmem:$0x5460]  }
0x393: {  	v24 =	vor.u32 v21, v24;
	v11 =	vor.u32 v21, v11;
	v43 =	vld [tilespmem:$0x5470];
	v0 =	vsub.f32 $1.000000000e+00, v0  }
0x394: {  	vm14 =	vlt.s32 v25, v62;
	vm12 =	vlt.s32 v30, v62;
	v30 =	vld [tilespmem:$0x5480];
	v1 =	vsub.f32 $1.000000000e+00, v1  }
0x395: {  	vm13 =	vlt.s32 v31, v62;
	v31 =	vld [tilespmem:$0x5490];
	v2 =	vsub.f32 $1.000000000e+00, v2;
	v0 =	vnsel vm12, $0xFF61B1E6, v0  }
0x396: {  	vm15 =	vlt.s32 v35, v62;
	v25 =	vld [tilespmem:$0x54A0];
	[tilespmem:$0x9420] =	vst v0;
	v0 =	vnsel vm13, $0xFF61B1E6, v1;
	v1 =	vsub.f32 $1.000000000e+00, v40  }
0x397: {  	vm4 =	vlt.s32 v23, v62;
	[tilespmem:$0x9430] =	vst v0;
	v0 =	vnsel vm14, $0xFF61B1E6, v2;
	v2 =	vsub.f32 $1.000000000e+00, v3;
	v3 =	vld [tilespmem:$0x54B0]  }
0x398: {  	v21 =	vor.u32 v21, v39;
	v39 =	vld [tilespmem:$0x54C0];
	[tilespmem:$0x9440] =	vst v0;
	v0 =	vnsel vm15, $0xFF61B1E6, v1;
	v1 =	vsub.f32 $1.000000000e+00, v43  }
0x399: {  	vm5 =	vlt.s32 v36, v62;
	v40 =	vld [tilespmem:$0x54D0];
	[tilespmem:$0x9450] =	vst v0;
	v0 =	vnsel vm4, $0xFF61B1E6, v2;
	v2 =	vsub.f32 $1.000000000e+00, v30  }
0x39a: {  	vm6 =	vlt.s32 v41, v62;
	v41 =	vld [tilespmem:$0x54E0];
	[tilespmem:$0x9460] =	vst v0;
	v0 =	vnsel vm5, $0xFF61B1E6, v1;
	v1 =	vsub.f32 $1.000000000e+00, v31  }
0x39b: {  	vm7 =	vlt.s32 v42, v62;
	v43 =	vld [tilespmem:$0x54F0];
	[tilespmem:$0x9470] =	vst v0;
	v0 =	vnsel vm6, $0xFF61B1E6, v2;
	v2 =	vsub.f32 $1.000000000e+00, v25  }
0x39c: {  	vm8 =	vlt.s32 v44, v62;
	[tilespmem:$0x9480] =	vst v0;
	v0 =	vnsel vm7, $0xFF61B1E6, v1;
	v1 =	vsub.f32 $1.000000000e+00, v3;
	v3 =	vld [tilespmem:$0x5500]  }
0x39d: {  	vm9 =	vlt.s32 v59, v62;
	v44 =	vld [tilespmem:$0x5510];
	[tilespmem:$0x9490] =	vst v0;
	v0 =	vnsel vm8, $0xFF61B1E6, v2;
	v2 =	vsub.f32 $1.000000000e+00, v39  }
0x39e: {  	vm10 =	vlt.s32 v61, v62;
	v59 =	vld [tilespmem:$0x5520];
	[tilespmem:$0x94A0] =	vst v0;
	v0 =	vnsel vm9, $0xFF61B1E6, v1;
	v1 =	vsub.f32 $1.000000000e+00, v40  }
0x39f: {  	vm11 =	vlt.s32 v37, v62;
	v61 =	vld [tilespmem:$0x5530];
	[tilespmem:$0x94B0] =	vst v0;
	v0 =	vnsel vm10, $0xFF61B1E6, v2;
	v2 =	vsub.f32 $1.000000000e+00, v41  }
0x3a0: {  	vm12 =	vlt.s32 v12, v62;
	v25 =	vld [tilespmem:$0x5540];
	[tilespmem:$0x94C0] =	vst v0;
	v0 =	vnsel vm11, $0xFF61B1E6, v1;
	v1 =	vsub.f32 $1.000000000e+00, v43  }
0x3a1: {  	vm13 =	vlt.s32 v4, v62;
	[tilespmem:$0x94D0] =	vst v0;
	v0 =	vnsel vm12, $0xFF61B1E6, v2;
	v2 =	vsub.f32 $1.000000000e+00, v3;
	v3 =	vld [tilespmem:$0x5550]  }
0x3a2: {  	v4 =	vld [tilespmem:$0x5560];
	vm14 =	vlt.s32 v20, v62;
	[tilespmem:$0x94E0] =	vst v0;
	v0 =	vnsel vm13, $0xFF61B1E6, v1;
	v1 =	vsub.f32 $1.000000000e+00, v44  }
0x3a3: {  	vm15 =	vlt.s32 v19, v62;
	v30 =	vld [tilespmem:$0x5570];
	[tilespmem:$0x94F0] =	vst v0;
	v0 =	vnsel vm14, $0xFF61B1E6, v2;
	v2 =	vsub.f32 $1.000000000e+00, v59  }
0x3a4: {  	v35 =	vld [tilespmem:$0x5580];
	vm4 =	vlt.s32 v18, v62;
	[tilespmem:$0x9500] =	vst v0;
	v0 =	vnsel vm15, $0xFF61B1E6, v1;
	v1 =	vsub.f32 $1.000000000e+00, v61  }
0x3a5: {  	v36 =	vld [tilespmem:$0x5590];
	vm5 =	vlt.s32 v17, v62;
	[tilespmem:$0x9510] =	vst v0;
	v0 =	vnsel vm4, $0xFF61B1E6, v2;
	v2 =	vsub.f32 $1.000000000e+00, v25  }
0x3a6: {  	vm6 =	vlt.s32 v16, v62;
	[tilespmem:$0x9520] =	vst v0;
	v0 =	vnsel vm5, $0xFF61B1E6, v1;
	v1 =	vsub.f32 $1.000000000e+00, v3;
	v3 =	vld [tilespmem:$0x55A0]  }
0x3a7: {  	vm7 =	vlt.s32 v15, v62;
	[tilespmem:$0x9530] =	vst v0;
	v0 =	vnsel vm6, $0xFF61B1E6, v2;
	v2 =	vsub.f32 $1.000000000e+00, v4;
	v4 =	vld [tilespmem:$0x55B0]  }
0x3a8: {  	v37 =	vld [tilespmem:$0x55C0];
	vm8 =	vlt.s32 v14, v62;
	[tilespmem:$0x9540] =	vst v0;
	v0 =	vnsel vm7, $0xFF61B1E6, v1;
	v1 =	vsub.f32 $1.000000000e+00, v30  }
0x3a9: {  	v39 =	vld [tilespmem:$0x55D0];
	vm9 =	vlt.s32 v13, v62;
	[tilespmem:$0x9550] =	vst v0;
	v0 =	vnsel vm8, $0xFF61B1E6, v2;
	v2 =	vsub.f32 $1.000000000e+00, v35  }
0x3aa: {  	v40 =	vld [tilespmem:$0x55E0];
	vm10 =	vlt.s32 v29, v62;
	[tilespmem:$0x9560] =	vst v0;
	v0 =	vnsel vm9, $0xFF61B1E6, v1;
	v1 =	vsub.f32 $1.000000000e+00, v36  }
0x3ab: {  	vm11 =	vlt.s32 v28, v62;
	[tilespmem:$0x9570] =	vst v0;
	v0 =	vnsel vm10, $0xFF61B1E6, v2;
	v2 =	vsub.f32 $1.000000000e+00, v3;
	v3 =	vld [tilespmem:$0x55F0]  }
0x3ac: {  	vm12 =	vlt.s32 v27, v62;
	[tilespmem:$0x9580] =	vst v0;
	v0 =	vnsel vm11, $0xFF61B1E6, v1;
	v1 =	vsub.f32 $1.000000000e+00, v4;
	v4 =	vld [tilespmem:$0x5600]  }
0x3ad: {  	vm13 =	vlt.s32 v5, v62;
	v5 =	vld [tilespmem:$0x5610];
	[tilespmem:$0x9590] =	vst v0;
	v0 =	vnsel vm12, $0xFF61B1E6, v2;
	v2 =	vsub.f32 $1.000000000e+00, v37  }
0x3ae: {  	v41 =	vld [tilespmem:$0x5620];
	vm14 =	vlt.s32 v6, v62;
	[tilespmem:$0x95A0] =	vst v0;
	v0 =	vnsel vm13, $0xFF61B1E6, v1;
	v1 =	vsub.f32 $1.000000000e+00, v39  }
0x3af: {  	v42 =	vld [tilespmem:$0x5630];
	vm15 =	vlt.s32 v7, v62;
	[tilespmem:$0x95B0] =	vst v0;
	v0 =	vnsel vm14, $0xFF61B1E6, v2;
	v2 =	vsub.f32 $1.000000000e+00, v40  }
0x3b0: {  	vm4 =	vlt.s32 v8, v62;
	[tilespmem:$0x95C0] =	vst v0;
	v0 =	vnsel vm15, $0xFF61B1E6, v1;
	v1 =	vsub.f32 $1.000000000e+00, v3;
	v3 =	vld [tilespmem:$0x5640]  }
0x3b1: {  	vm5 =	vlt.s32 v9, v62;
	[tilespmem:$0x95D0] =	vst v0;
	v0 =	vnsel vm4, $0xFF61B1E6, v2;
	v2 =	vsub.f32 $1.000000000e+00, v4;
	v4 =	vld [tilespmem:$0x5650]  }
0x3b2: {  	vm6 =	vlt.s32 v10, v62;
	[tilespmem:$0x95E0] =	vst v0;
	v0 =	vnsel vm5, $0xFF61B1E6, v1;
	v1 =	vsub.f32 $1.000000000e+00, v5;
	v5 =	vld [tilespmem:$0x5660]  }
0x3b3: {  	v43 =	vld [tilespmem:$0x5670];
	vm7 =	vlt.s32 v63, v62;
	[tilespmem:$0x95F0] =	vst v0;
	v0 =	vnsel vm6, $0xFF61B1E6, v2;
	v2 =	vsub.f32 $1.000000000e+00, v41  }
0x3b4: {  	v44 =	vld [tilespmem:$0x5680];
	vm8 =	vlt.s32 v48, v62;
	[tilespmem:$0x9600] =	vst v0;
	v0 =	vnsel vm7, $0xFF61B1E6, v1;
	v1 =	vsub.f32 $1.000000000e+00, v42  }
0x3b5: {  	vm9 =	vlt.s32 v47, v62;
	[tilespmem:$0x9610] =	vst v0;
	v0 =	vnsel vm8, $0xFF61B1E6, v2;
	v2 =	vsub.f32 $1.000000000e+00, v3;
	v3 =	vld [tilespmem:$0x5690]  }
0x3b6: {  	vm10 =	vlt.s32 v46, v62;
	[tilespmem:$0x9620] =	vst v0;
	v0 =	vnsel vm9, $0xFF61B1E6, v1;
	v1 =	vsub.f32 $1.000000000e+00, v4;
	v4 =	vld [tilespmem:$0x56A0]  }
0x3b7: {  	vm11 =	vlt.s32 v45, v62;
	[tilespmem:$0x9630] =	vst v0;
	v0 =	vnsel vm10, $0xFF61B1E6, v2;
	v2 =	vsub.f32 $1.000000000e+00, v5;
	v5 =	vld [tilespmem:$0x56B0]  }
0x3b8: {  	v47 =	vld [tilespmem:$0x56C0];
	vm12 =	vlt.s32 v33, v62;
	[tilespmem:$0x9640] =	vst v0;
	v0 =	vnsel vm11, $0xFF61B1E6, v1;
	v1 =	vsub.f32 $1.000000000e+00, v43  }
0x3b9: {  	v48 =	vld [tilespmem:$0x56D0];
	vm13 =	vlt.s32 v32, v62;
	[tilespmem:$0x9650] =	vst v0;
	v0 =	vnsel vm12, $0xFF61B1E6, v2;
	v2 =	vsub.f32 $1.000000000e+00, v44  }
0x3ba: {  	vm14 =	vlt.s32 v26, v62;
	[tilespmem:$0x9660] =	vst v0;
	v0 =	vnsel vm13, $0xFF61B1E6, v1;
	v1 =	vsub.f32 $1.000000000e+00, v3;
	v3 =	vld [tilespmem:$0x56E0]  }
0x3bb: {  	vm15 =	vlt.s32 v22, v62;
	[tilespmem:$0x9670] =	vst v0;
	v0 =	vnsel vm14, $0xFF61B1E6, v2;
	v2 =	vsub.f32 $1.000000000e+00, v4;
	v4 =	vld [tilespmem:$0x56F0]  }
0x3bc: {  	vm4 =	vlt.s32 v49, v62;
	[tilespmem:$0x9680] =	vst v0;
	v0 =	vnsel vm15, $0xFF61B1E6, v1;
	v1 =	vsub.f32 $1.000000000e+00, v5;
	v5 =	vld [tilespmem:$0x5700]  }
0x3bd: {  	v49 =	vld [tilespmem:$0x5710];
	vm5 =	vlt.s32 v50, v62;
	[tilespmem:$0x9690] =	vst v0;
	v0 =	vnsel vm4, $0xFF61B1E6, v2;
	v2 =	vsub.f32 $1.000000000e+00, v47  }
0x3be: {  	v50 =	vld [tilespmem:$0x5720];
	vm6 =	vlt.s32 v56, v62;
	[tilespmem:$0x96A0] =	vst v0;
	v0 =	vnsel vm5, $0xFF61B1E6, v1;
	v1 =	vsub.f32 $1.000000000e+00, v48  }
0x3bf: {  	vm7 =	vlt.s32 v55, v62;
	[tilespmem:$0x96B0] =	vst v0;
	v0 =	vnsel vm6, $0xFF61B1E6, v2;
	v2 =	vsub.f32 $1.000000000e+00, v3  }
0x3c0: {  	vm8 =	vlt.s32 v54, v62;
	[tilespmem:$0x96C0] =	vst v0;
	v0 =	vnsel vm7, $0xFF61B1E6, v1;
	v1 =	vsub.f32 $1.000000000e+00, v4  }
0x3c1: {  	vm9 =	vlt.s32 v53, v62;
	[tilespmem:$0x96D0] =	vst v0;
	v0 =	vnsel vm8, $0xFF61B1E6, v2;
	v2 =	vsub.f32 $1.000000000e+00, v5  }
0x3c2: {  	vm10 =	vlt.s32 v52, v62;
	[tilespmem:$0x96E0] =	vst v0;
	v0 =	vnsel vm9, $0xFF61B1E6, v1;
	v1 =	vsub.f32 $1.000000000e+00, v49  }
0x3c3: {  	vm11 =	vlt.s32 v51, v62;
	[tilespmem:$0x96F0] =	vst v0;
	v0 =	vnsel vm10, $0xFF61B1E6, v2;
	v2 =	vsub.f32 $1.000000000e+00, v50  }
0x3c4: {  	vm12 =	vlt.s32 v57, v62;
	v3 =	vld [tilespmem:$0x5730];
	[tilespmem:$0x9700] =	vst v0;
	v0 =	vnsel vm11, $0xFF61B1E6, v1  }
0x3c5: {  	[tilespmem:$0x9710] =	vst v0;
	v0 =	vnsel vm12, $0xFF61B1E6, v2;
	v2 =	vld [tilespmem:$0x1F860];
	_ =	sdelay $0x3  }
0x3c6: {  	v1 =	vsub.f32 $1.000000000e+00, v3  }
0x3c7: {  	v4 =	vld [tilespmem:$0x5740];
	vm13 =	vlt.s32 v2, v62  }
0x3c8: {  	[tilespmem:$0x9720] =	vst v0;
	v0 =	vnsel vm13, $0xFF61B1E6, v1;
	v1 =	vld [tilespmem:$0x1F870];
	_ =	sdelay $0x3  }
0x3c9: {  	v2 =	vsub.f32 $1.000000000e+00, v4  }
0x3ca: {  	v5 =	vld [tilespmem:$0x5750];
	vm14 =	vlt.s32 v1, v62  }
0x3cb: {  	[tilespmem:$0x9730] =	vst v0;
	v0 =	vnsel vm14, $0xFF61B1E6, v2;
	v2 =	vld [tilespmem:$0x1F880];
	_ =	sdelay $0x3  }
0x3cc: {  	v1 =	vsub.f32 $1.000000000e+00, v5  }
0x3cd: {  	v55 =	vld [tilespmem:$0x5760];
	vm15 =	vlt.s32 v2, v62  }
0x3ce: {  	[tilespmem:$0x9740] =	vst v0;
	v0 =	vnsel vm15, $0xFF61B1E6, v1;
	v1 =	vld [tilespmem:$0x1F890];
	_ =	sdelay $0x3  }
0x3cf: {  	v56 =	vld [tilespmem:$0x5770];
	v2 =	vsub.f32 $1.000000000e+00, v55  }
0x3d0: {  	v3 =	vld [tilespmem:$0x5780];
	vm4 =	vlt.s32 v1, v62  }
0x3d1: {  	[tilespmem:$0x9750] =	vst v0;
	v0 =	vnsel vm4, $0xFF61B1E6, v2;
	v2 =	vld [tilespmem:$0x1F8A0]  }
0x3d2: {  	v4 =	vld [tilespmem:$0x5790];
	_ =	sdelay $0x2  }
0x3d3: {  	v1 =	vsub.f32 $1.000000000e+00, v56  }
0x3d4: {  	vm5 =	vlt.s32 v2, v62;
	v2 =	vsub.f32 $1.000000000e+00, v3  }
0x3d5: {  	vm6 =	vlt.s32 v58, v62;
	[tilespmem:$0x9760] =	vst v0;
	v0 =	vnsel vm5, $0xFF61B1E6, v1;
	v1 =	vsub.f32 $1.000000000e+00, v4  }
0x3d6: {  	vm7 =	vlt.s32 v34, v62;
	v5 =	vld [tilespmem:$0x57A0];
	[tilespmem:$0x9770] =	vst v0;
	v0 =	vnsel vm6, $0xFF61B1E6, v2  }
0x3d7: {  	[tilespmem:$0x9780] =	vst v0;
	v0 =	vnsel vm7, $0xFF61B1E6, v1;
	v1 =	vld [tilespmem:$0x1F8B0];
	_ =	sdelay $0x3  }
0x3d8: {  	v59 =	vld [tilespmem:$0x57C0];
	v2 =	vsub.f32 $1.000000000e+00, v5  }
0x3d9: {  	v57 =	vld [tilespmem:$0x57B0];
	vm8 =	vlt.s32 v1, v62  }
0x3da: {  	[tilespmem:$0x9790] =	vst v0;
	v0 =	vnsel vm8, $0xFF61B1E6, v2;
	v2 =	vld [tilespmem:$0x1F8C0]  }
0x3db: {  	v3 =	vld [tilespmem:$0x57D0]  }
0x3dc: {  	v4 =	vld [tilespmem:$0x57E0];
	_ =	sdelay $0x1  }
0x3dd: {  	v1 =	vsub.f32 $1.000000000e+00, v57  }
0x3de: {  	vm9 =	vlt.s32 v2, v62;
	v2 =	vsub.f32 $1.000000000e+00, v59  }
0x3df: {  	vm10 =	vlt.s32 v60, v62;
	[tilespmem:$0x97A0] =	vst v0;
	v0 =	vnsel vm9, $0xFF61B1E6, v1;
	v1 =	vsub.f32 $1.000000000e+00, v3  }
0x3e0: {  	v61 =	vld [tilespmem:$0x5800];
	vm11 =	vlt.s32 v38, v62;
	[tilespmem:$0x97B0] =	vst v0;
	v0 =	vnsel vm10, $0xFF61B1E6, v2;
	v2 =	vsub.f32 $1.000000000e+00, v4  }
0x3e1: {  	vm12 =	vlt.s32 v24, v62;
	v5 =	vld [tilespmem:$0x57F0];
	[tilespmem:$0x97C0] =	vst v0;
	v0 =	vnsel vm11, $0xFF61B1E6, v1  }
0x3e2: {  	v63 =	vld [tilespmem:$0x5810];
	[tilespmem:$0x97D0] =	vst v0;
	v0 =	vnsel vm12, $0xFF61B1E6, v2  }
0x3e3: {  	[tilespmem:$0x97E0] =	vst v0;
	v0 =	vld [tilespmem:$0x1F8D0];
	_ =	sdelay $0x2  }
0x3e4: {  	v1 =	vsub.f32 $1.000000000e+00, v5  }
0x3e5: {  	vm13 =	vlt.s32 v11, v62;
	v2 =	vsub.f32 $1.000000000e+00, v61  }
0x3e6: {  	vm14 =	vlt.s32 v0, v62;
	v0 =	vnsel vm13, $0xFF61B1E6, v1;
	v1 =	vsub.f32 $1.000000000e+00, v63  }
0x3e7: {  	vm15 =	vlt.s32 v21, v62;
	[tilespmem:$0x97F0] =	vst v0;
	v0 =	vnsel vm14, $0xFF61B1E6, v2  }
0x3e8: {  	[tilespmem:$0x9800] =	vst v0;
	v0 =	vnsel vm15, $0xFF61B1E6, v1  }
0x3e9: {  	s28 =	simm.s32 $0x1;
	[tilespmem:$0x9810] =	vst v0  }
0x3ea: {  	_ =	swait.ge [sflag:s28], $0x4000  }
0x3eb: {  	[sflag:s28] =	ssyncset.done $0x0  }
0x3ec: {  	s29 =	simm.s32 $0x8020;
	[sflag:s28] =	ssyncadd.s32 $0xFFFFC000  }
0x3ed: {  	v0 =	vld [tilespmem:s29+$0x0];
	_ =	sdelay $0x3  }
0x3ee: {  	s30 =	simm.s32 $0x0  }
0x3ef: {  	s31 =	sand.u32 $0x3F0, s30  }
0x3f0: {  	s1 =	simm.s32 $0x8030;
	v1 =	vld [tilespmem:s31+$0x9420]  }
0x3f1: {  	s0 =	simm.s32 $0x1420;
	v3 =	vld [tilespmem:s1+$0x0]  }
0x3f2: {  	s2 =	simm.s32 $0x10;
	s3 =	simm.s32 $0x20;
	v2 =	vld.idx.msk [tilespmem:v0+s0+$0x0], $0xffff;
	v0 =	vimm.f32 $0.0e+00  }
.LBB2_3:
0x3f3: {  	p0 =	sne.s32 s3, $0x13F0;
	_ =	sdelay $0x3  }
.Ltmp1:
0x3f4: {  	v2 =	vadd.f32 v1, v2;
	(pc) =	sbr.rel @p0 .LBB2_3-.Ltmp1, $4  }
0x3f5: {  	s4 =	sand.u32 $0x3F0, s2;
	s2 =	smov.u32 s3  }
0x3f6: {  	v4 =	vmax.f32 v2, $0.0e+00;
	v1 =	vld [tilespmem:s4+$0x9420]  }
0x3f7: {  	s1 =	sadd.s32 $0x10, s1;
	v0 =	vadd.f32 v4, v0;
	v2 =	vld.idx.msk [tilespmem:v3+s0+$0x0], $0xffff  }
0x3f8: {  	s3 =	sadd.s32 $0x10, s3;
	v3 =	vld [tilespmem:s1+$0x0]  }
0x3f9: {  	_ =	sdelay $0x5  }
0x3fa: {  	s1 =	sand.u32 $0x3F0, s2  }
0x3fb: {  	v4 =	vld [tilespmem:s1+$0x9420]  }
0x3fc: {  	v3 =	vld.idx.msk [tilespmem:v3+s0+$0x0], $0xffff;
	_ =	sdelay $0x2  }
0x3fd: {  	v1 =	vadd.f32 v1, v2;
	_ =	sdelay $0x1  }
0x3fe: {  	v1 =	vmax.f32 v1, $0.0e+00;
	v61 =	vadd.f32 v4, v3  }
0x3ff: {  	v0 =	vadd.f32 v1, v0  }
0x400: {  	v63 =	vmax.f32 v61, $0.0e+00  }
0x401: {  	s2 =	rddreg [dreg:$0x6];
	v0 =	vadd.f32 v63, v0  }
0x402: {  	s28 =	rddreg [dreg:$0x8]  }
0x403: {  	s29 =	simm.s32 $0x9AA0;
	s30 =	simm.s32 $0x4;
	s0 =	sadd.s32 s28, s2;
	[tilespmem:$0x9AA0] =	vst v0  }
0x404: {  	[spmem:s0] =	stream.linear.scatter [tilespmem:s29], [sflag:$0x4], $0x10, $0x38;
	[tilespmem:$0x9BA0] =	vst v63  }
0x405: {  	_ =	swait.ge [sflag:s30], $0x10  }
0x406: {  	[sflag:s30] =	ssyncset.done $0x0  }
0x407: {  	s31 =	stileid.u32;
	[sflag:s30] =	ssyncadd.s32 $0xFFFFFFF0  }
0x408: {  	p0 =	sne.s32 s31, $0x0;
	[bflag:$0x0] =	sbarrier.arrive $0xFFFF  }
0x409: {  	_ =	sfence.sel @p0 $0x180000  }
0x40a: {  	[bflag:$0x0] =	sbarrier.arrive @p0 $0xFFFF  }
0x40b: {  	_ =	strace @p0 $0x90000047  }
0x40c: {  	s0 =	simm.s32 @!p0 $0x9820;
	[bflag:$0x2] =	sbarrier.arrive @p0 $0xFFFF  }
0x40d: {  	[tilespmem:s0], [sflag:$0x4] =	stream.linear.gather @!p0 [spmem:s2], $0x100, $0x38;
	[tilespmem:$0x9BA0] =	vst v63  }
0x40e: {  	s0 =	simm.s32 @!p0 $0x4  }
0x40f: {  	_ =	swait.ge @!p0 [sflag:s0], $0x100  }
0x410: {  	[sflag:s0] =	ssyncset.done @!p0 $0x0  }
0x411: {  	[sflag:s0] =	ssyncadd.s32 @!p0 $0xFFFFFF00  }
0x412: {  	v0 =	vld @!p0 [tilespmem:$0x9820];
	_ =	sdelay $0x1  }
0x413: {  	v1 =	vld @!p0 [tilespmem:$0x9830];
	_ =	sdelay $0x1  }
0x414: {  	v2 =	vld @!p0 [tilespmem:$0x9840]  }
0x415: {  	v0 =	vadd.f32 @!p0 $0.0e+00, v0  }
0x416: {  	v3 =	vld @!p0 [tilespmem:$0x9850]  }
0x417: {  	v0 =	vadd.f32 @!p0 v1, v0  }
0x418: {  	v1 =	vld @!p0 [tilespmem:$0x9860]  }
0x419: {  	v0 =	vadd.f32 @!p0 v2, v0  }
0x41a: {  	v2 =	vld @!p0 [tilespmem:$0x9870]  }
0x41b: {  	v0 =	vadd.f32 @!p0 v3, v0  }
0x41c: {  	v3 =	vld @!p0 [tilespmem:$0x9880]  }
0x41d: {  	v0 =	vadd.f32 @!p0 v1, v0  }
0x41e: {  	v1 =	vld @!p0 [tilespmem:$0x9890]  }
0x41f: {  	v0 =	vadd.f32 @!p0 v2, v0  }
0x420: {  	v2 =	vld @!p0 [tilespmem:$0x98A0]  }
0x421: {  	v0 =	vadd.f32 @!p0 v3, v0  }
0x422: {  	v3 =	vld @!p0 [tilespmem:$0x98B0]  }
0x423: {  	v0 =	vadd.f32 @!p0 v1, v0  }
0x424: {  	v1 =	vld @!p0 [tilespmem:$0x98C0]  }
0x425: {  	v0 =	vadd.f32 @!p0 v2, v0  }
0x426: {  	v2 =	vld @!p0 [tilespmem:$0x98D0]  }
0x427: {  	v0 =	vadd.f32 @!p0 v3, v0  }
0x428: {  	v3 =	vld @!p0 [tilespmem:$0x98E0]  }
0x429: {  	v0 =	vadd.f32 @!p0 v1, v0  }
0x42a: {  	v1 =	vld @!p0 [tilespmem:$0x98F0]  }
0x42b: {  	v0 =	vadd.f32 @!p0 v2, v0  }
0x42c: {  	v2 =	vld @!p0 [tilespmem:$0x9900]  }
0x42d: {  	v0 =	vadd.f32 @!p0 v3, v0  }
0x42e: {  	v3 =	vld @!p0 [tilespmem:$0x9910]  }
0x42f: {  	v0 =	vadd.f32 @!p0 v1, v0;
	_ =	sdelay $0x1  }
0x430: {  	v0 =	vadd.f32 @!p0 v2, v0;
	_ =	sdelay $0x1  }
0x431: {  	v0 =	vadd.f32 @!p0 v3, v0  }
0x432: {  	v1 =	vmul.u32 @!p0 $0x5, v62  }
0x433: {  	(xrf2) =	vadd.scan.msk.f32 @!p0 $0xffff, v0  }
0x434: {  	v0 =	vcvt.s32.f32 @!p0 v1;
	_ =	sdelay $0x1  }
0x435: {  	(erf) = vrcp.f32 @!p0 v0;
	_ =	sdelay $0x6  }
0x436: {  	v0, _, _ =	vpop @!p0 (xrf2)  }
0x437: {  	v0 =	vbroadcast @!p0 v0, $0xF  }
0x438: {  	v1 =	vpop @!p0 (erf)  }
0x439: {  	v0 =	vmul.f32 @!p0 v0, v1;
	_ =	sdelay $0x1  }
0x43a: {  	s1 =	simm.s32 @!p0 $0x0;
	s2 =	simm.s32 @!p0 $0x9A20;
	s3 =	rddreg [dreg:$0x3];
	[tilespmem:$0x9A20] =	vst @!p0 v0  }
0x43b: {  	[hbm4b:s3+s1] =	stream.linear.scatter @!p0 [tilespmem:s2], [sflag:$0x4], $0x80, $0x38;
	[tilespmem:$0x9BA0] =	vst v63  }
0x43c: {  	_ =	swait.ge @!p0 [sflag:s0], $0x80  }
0x43d: {  	[sflag:s0] =	ssyncset.done @!p0 $0x0  }
0x43e: {  	[sflag:s0] =	ssyncadd.s32 @!p0 $0xFFFFFF80  }
0x43f: {  	_ =	sfence.sel @!p0 $0x180000  }
0x440: {  	[bflag:$0x0] =	sbarrier.arrive @!p0 $0xFFFF  }
0x441: {  	_ =	strace @!p0 $0x90000047  }
0x442: {  	[bflag:$0x2] =	sbarrier.arrive @!p0 $0xFFFF  }
0x443: {  	s0 =	rddreg [dreg:$0x7]  }
0x444: {  	s0 =	sadd.s32 @!p0 $0x100000, s0  }
0x445: {  	[sflag:s0] =	ssyncadd.tile.s32 @!p0 $0x1;
	_ =	shalt  }
.Lfunc_end2:
_tile_overlayer_lowered:
.L_overlay_start_2:
0x446: {  	(tag) =	ssettag $0x2  }
0x447: {  	s0 =	rddreg [dreg:$0x0];
	s2 =	stileid.u32  }
0x448: {  	s1 =	rddreg [dreg:$0x1];
	p0 =	sne.s32 s2, $0x0  }
0x449: {  	s3 =	rddreg [dreg:$0x2];
	[bflag:$0x3] =	sbarrier.arrive $0xFFFF;
	s2 =	simm.s32 @!p0 $0x1C04  }
0x44a: {  	[timem:s3], [sflag:s2] =	dma.local @!p0 [hbm:s0], s1  }
0x44b: {  	s0 =	simm.s32 @!p0 $0x4  }
0x44c: {  	_ =	swait.ge @!p0 [sflag:s0], s1  }
0x44d: {  	s1 =	ssub.s32 @!p0 $0x0, s1;
	[sflag:s0] =	ssyncset.done @!p0 $0x0  }
0x44e: {  	[sflag:s0] =	ssyncadd.s32 @!p0 s1  }
0x44f: {  	[bflag:$0x3] =	sbarrier.arrive $0xFFFF  }
0x450: {  	_ =	shalt  }

</sc_bundles>
